<compile_context>
chip_gen: v7x
topology: tpu7x:2x2x1
jax: 0.10.2.dev20260603
libtpu: 0.0.44.dev20260713+nightly
codegen_flags: <defaults>
</compile_context>

<pallas_src>
import functools

import jax
import jax.numpy as jnp
from jax import lax
from jax.experimental import pallas as pl
from jax.experimental.pallas import tpu as pltpu
from jax.experimental.pallas import tpu_sc as plsc

NC, NS, L = 2, 16, 16
NW = NC * NS
TB = 128
NBK = 48
NP = NBK * TB
RPW = NP // NW
GC = 48
NBUF = 7
NOUT = 6
CH = 32
SQRT1_2 = 0.7071067811865476


def _route_body(ctx_ref, x_ref, W1_ref, b1_ref, W2_ref, b2_ref, WgT_ref,
                bg_ref, e1_ref, e2_ref, r1_ref, r2_ref, w1_ref, w2_ref,
                base_ref, be_ref, carry_ref):
    i = pl.program_id(0)
    nb = pl.num_programs(0)
    ts, m = e1_ref.shape
    h = jnp.dot(ctx_ref[...], W1_ref[...],
                preferred_element_type=jnp.float32) + b1_ref[...]
    h = 0.5 * h * (1.0 + lax.erf(h * SQRT1_2))
    logits = jnp.dot(h, W2_ref[...],
                     preferred_element_type=jnp.float32) + b2_ref[...]
    mx = jnp.max(logits, axis=-1, keepdims=True)
    ex = jnp.exp(logits - mx)
    p = ex / jnp.sum(ex, axis=-1, keepdims=True)
    col = lax.broadcasted_iota(jnp.int32, p.shape, 1)
    big = jnp.int32(0x7FFFFFFF)
    m1 = jnp.max(p, axis=-1, keepdims=True)
    a1 = jnp.min(jnp.where(p == m1, col, big), axis=-1, keepdims=True)
    pm = jnp.where(col == a1, -1.0, p)
    m2 = jnp.max(pm, axis=-1, keepdims=True)
    a2 = jnp.min(jnp.where(pm == m2, col, big), axis=-1, keepdims=True)
    mask = (col == a1) | (col == a2)
    s = jnp.where(mask, p, 0.0)
    s = s / jnp.sum(s, axis=-1, keepdims=True)
    timing = jax.nn.sigmoid(
        jnp.dot(x_ref[...], WgT_ref[...],
                preferred_element_type=jnp.float32) + bg_ref[...])
    w = s * timing

    @pl.when(i == 0)
    def _init():
        carry_ref[...] = jnp.zeros_like(carry_ref)

    maskf = mask.astype(jnp.float32)
    rt = lax.broadcasted_iota(jnp.int32, (ts, ts), 0)
    ct = lax.broadcasted_iota(jnp.int32, (ts, ts), 1)
    strict_l = (rt > ct).astype(jnp.float32)
    rank = carry_ref[...] + jnp.dot(strict_l, maskf,
                                    preferred_element_type=jnp.float32)
    carry_ref[...] += jnp.sum(maskf, axis=0, keepdims=True)
    ranki = rank.astype(jnp.int32)

    e1_ref[...] = jnp.broadcast_to(a1, (ts, m))
    e2_ref[...] = jnp.broadcast_to(a2, (ts, m))
    r1_ref[...] = jnp.broadcast_to(
        jnp.sum(jnp.where(col == a1, ranki, 0), axis=-1, keepdims=True),
        (ts, m))
    r2_ref[...] = jnp.broadcast_to(
        jnp.sum(jnp.where(col == a2, ranki, 0), axis=-1, keepdims=True),
        (ts, m))
    w1_ref[...] = jnp.broadcast_to(
        jnp.sum(jnp.where(col == a1, w, 0.0), axis=-1, keepdims=True),
        (ts, m))
    w2_ref[...] = jnp.broadcast_to(
        jnp.sum(jnp.where(col == a2, w, 0.0), axis=-1, keepdims=True),
        (ts, m))

    @pl.when(i == nb - 1)
    def _fin():
        cnt = carry_ref[...]
        pb = jnp.ceil(cnt / TB)
        mi = lax.broadcasted_iota(jnp.int32, (m, m), 0)
        mj = lax.broadcasted_iota(jnp.int32, (m, m), 1)
        sl16 = (mi < mj).astype(jnp.float32)
        bb = jnp.dot(pb, sl16, preferred_element_type=jnp.float32)
        base_ref[...] = (bb * TB).astype(jnp.int32)
        eye = mi == mj
        bbc = jnp.sum(jnp.where(eye, jnp.broadcast_to(bb, (m, m)), 0.0),
                      axis=1, keepdims=True)
        nbw = be_ref.shape[1]
        bidx = lax.broadcasted_iota(jnp.int32, (m, nbw), 1)
        bbci = bbc.astype(jnp.int32)
        geq = (jnp.broadcast_to(bbci, (m, nbw)) <= bidx).astype(jnp.int32)
        be_ref[...] = jnp.sum(geq, axis=0, keepdims=True) - 1


def _sc_build_gather(x_hbm, e1_hbm, e2_hbm, r1_hbm, r2_hbm, w1_hbm, w2_hbm,
                     base_hbm, xg_hbm, roww_hbm, e1v, e2v, r1v, r2v, w1v, w2v,
                     basev, loc_tok, loc_w, *ring):
    rowsv = ring[:NBUF]
    sem = ring[NBUF:2 * NBUF]
    wsem = ring[2 * NBUF:3 * NBUF]
    s = e1v.shape[0]
    wid = lax.axis_index("s") * NC + lax.axis_index("c")
    rb = wid * RPW
    pltpu.sync_copy(e1_hbm, e1v)
    pltpu.sync_copy(e2_hbm, e2v)
    pltpu.sync_copy(r1_hbm, r1v)
    pltpu.sync_copy(r2_hbm, r2v)
    pltpu.sync_copy(w1_hbm, w1v)
    pltpu.sync_copy(w2_hbm, w2v)
    pltpu.sync_copy(base_hbm, basev)
    for t in range(RPW // L):
        spread = jnp.bitwise_and(rb + t * L + lax.iota(jnp.int32, L),
                                 s - 1)
        loc_tok[pl.ds(t * L, L)] = spread
        loc_w[pl.ds(t * L, L)] = jnp.zeros((L,), jnp.float32)

    def scan_body(j, _):
        tok = j * L + lax.iota(jnp.int32, L)
        for ev, rv, wv in ((e1v, r1v, w1v), (e2v, r2v, w2v)):
            e = ev[pl.ds(j * L, L)]
            r = rv[pl.ds(j * L, L)]
            wgt = wv[pl.ds(j * L, L)]
            pos = plsc.load_gather(basev, [e]) + r
            msk = (pos >= rb) & (pos < rb + RPW)
            il = jnp.clip(pos - rb, 0, RPW - 1)
            plsc.store_scatter(loc_tok, [il], tok, mask=msk)
            plsc.store_scatter(loc_w, [il], wgt, mask=msk)
        return 0

    lax.fori_loop(0, s // L, scan_body, 0)
    pltpu.sync_copy(loc_w, roww_hbm.at[pl.ds(rb, RPW)])
    nsub = RPW // L
    gcp = [None] * nsub
    wcp = [None] * nsub
    for j in range(nsub):
        if j >= NOUT:
            k = j - NOUT
            gcp[k].wait()
            wcp[k] = pltpu.async_copy(
                rowsv[k % NBUF], xg_hbm.at[pl.ds(rb + k * L, L)],
                wsem[k % NBUF])
        if j >= NBUF:
            wcp[j - NBUF].wait()
        idxvec = loc_tok[pl.ds(j * L, L)]
        gcp[j] = pltpu.async_copy(x_hbm.at[idxvec], rowsv[j % NBUF],
                                  sem[j % NBUF])
    for k in range(nsub - NOUT, nsub):
        gcp[k].wait()
        wcp[k] = pltpu.async_copy(
            rowsv[k % NBUF], xg_hbm.at[pl.ds(rb + k * L, L)],
            wsem[k % NBUF])
    for k in range(nsub):
        if wcp[k] is not None and k >= nsub - NBUF:
            wcp[k].wait()


def _group_mm_body(be_ref, xg_ref, Wt_ref, bt_ref, ch_ref, w_ref, y_ref):
    y = jnp.dot(xg_ref[...].astype(jnp.bfloat16), Wt_ref[0],
                preferred_element_type=jnp.float32)
    y_ref[...] = (y + bt_ref[0] + ch_ref[0]) * w_ref[...]


def _sc_combine(y_hbm, e1_hbm, e2_hbm, r1_hbm, r2_hbm, base_hbm, sel_hbm,
                e1v, e2v, r1v, r2v, basev, p1v, p2v, p1c, p2c,
                buf_a, buf_b, sem):
    tpw = p1v.shape[0]
    d = buf_a.shape[1]
    wid = lax.axis_index("s") * NC + lax.axis_index("c")
    tb = wid * tpw
    pltpu.sync_copy(e1_hbm.at[pl.ds(tb, tpw)], e1v)
    pltpu.sync_copy(e2_hbm.at[pl.ds(tb, tpw)], e2v)
    pltpu.sync_copy(r1_hbm.at[pl.ds(tb, tpw)], r1v)
    pltpu.sync_copy(r2_hbm.at[pl.ds(tb, tpw)], r2v)
    pltpu.sync_copy(base_hbm, basev)
    for t in range(tpw // L):
        sl = pl.ds(t * L, L)
        p1v[sl] = plsc.load_gather(basev, [e1v[sl]]) + r1v[sl]
        p2v[sl] = plsc.load_gather(basev, [e2v[sl]]) + r2v[sl]
    for cchunk in range(tpw // CH):
        for t in range(CH // L):
            p1c[pl.ds(t * L, L)] = p1v[pl.ds(cchunk * CH + t * L, L)]
            p2c[pl.ds(t * L, L)] = p2v[pl.ds(cchunk * CH + t * L, L)]
        pltpu.async_copy(y_hbm.at[p1c], buf_a, sem).wait()
        pltpu.async_copy(y_hbm.at[p2c], buf_b, sem).wait()

        def add_row(rr, _):
            for cc in range(d // L):
                sl = pl.ds(cc * L, L)
                buf_a[rr, sl] = buf_a[rr, sl] + buf_b[rr, sl]
            return 0

        lax.fori_loop(0, CH, add_row, 0)
        pltpu.sync_copy(buf_a, sel_hbm.at[pl.ds(tb + cchunk * CH, CH)])


def _sc_mesh():
    return plsc.VectorSubcoreMesh(core_axis_name="c", subcore_axis_name="s",
                                  num_cores=NC, num_subcores=NS)


def _run_build_gather(xs, e1, e2, r1, r2, w1, w2, base16):
    S, D = xs.shape
    M = base16.shape[0]
    build = functools.partial(
        pl.kernel,
        out_type=[
            jax.ShapeDtypeStruct((NP, D), jnp.float32),
            jax.ShapeDtypeStruct((NP,), jnp.float32),
        ],
        mesh=_sc_mesh(),
        compiler_params=pltpu.CompilerParams(needs_layout_passes=False),
        scratch_types=[
            pltpu.VMEM((S,), jnp.int32),
            pltpu.VMEM((S,), jnp.int32),
            pltpu.VMEM((S,), jnp.int32),
            pltpu.VMEM((S,), jnp.int32),
            pltpu.VMEM((S,), jnp.float32),
            pltpu.VMEM((S,), jnp.float32),
            pltpu.VMEM((M,), jnp.int32),
            pltpu.VMEM((RPW,), jnp.int32),
            pltpu.VMEM((RPW,), jnp.float32),
        ] + [pltpu.VMEM((L, D), jnp.float32)] * NBUF
          + [pltpu.SemaphoreType.DMA] * (2 * NBUF),
    )(_sc_build_gather)
    return build(xs, e1, e2, r1, r2, w1, w2, base16)


def _run_combine(y, e1, e2, r1, r2, base16):
    S = e1.shape[0]
    D = y.shape[1]
    M = base16.shape[0]
    tpw = S // NW
    combine = functools.partial(
        pl.kernel,
        out_type=jax.ShapeDtypeStruct((S, D), jnp.float32),
        mesh=_sc_mesh(),
        compiler_params=pltpu.CompilerParams(needs_layout_passes=False),
        scratch_types=[
            pltpu.VMEM((tpw,), jnp.int32),
            pltpu.VMEM((tpw,), jnp.int32),
            pltpu.VMEM((tpw,), jnp.int32),
            pltpu.VMEM((tpw,), jnp.int32),
            pltpu.VMEM((M,), jnp.int32),
            pltpu.VMEM((tpw,), jnp.int32),
            pltpu.VMEM((tpw,), jnp.int32),
            pltpu.VMEM((CH,), jnp.int32),
            pltpu.VMEM((CH,), jnp.int32),
            pltpu.VMEM((CH, D), jnp.float32),
            pltpu.VMEM((CH, D), jnp.float32),
            pltpu.SemaphoreType.DMA,
        ],
    )(_sc_combine)
    return combine(y, e1, e2, r1, r2, base16)


def _integrate_body(x_ref, sel_ref, Wi_ref, bi_ref, out_ref):
    d = x_ref.shape[-1]
    out_ref[...] = (
        jnp.dot(x_ref[...], Wi_ref[:d, :], preferred_element_type=jnp.float32)
        + jnp.dot(sel_ref[...], Wi_ref[d:, :],
                  preferred_element_type=jnp.float32)
        + bi_ref[...])


def kernel(x, context, Wt, bt, Wg, bg, ch, W1, b1, W2, b2, Wi, bi):
    B, S, D = x.shape
    M = Wt.shape[0]
    H = W1.shape[1]
    xs = x.reshape(S, D)
    cs = context.reshape(S, D)
    TS = 256
    n_blk = S // TS

    outs = pl.pallas_call(
        _route_body,
        grid=(n_blk,),
        in_specs=[
            pl.BlockSpec((TS, D), lambda i: (i, 0)),
            pl.BlockSpec((TS, D), lambda i: (i, 0)),
            pl.BlockSpec((D, H), lambda i: (0, 0)),
            pl.BlockSpec((1, H), lambda i: (0, 0)),
            pl.BlockSpec((H, M), lambda i: (0, 0)),
            pl.BlockSpec((1, M), lambda i: (0, 0)),
            pl.BlockSpec((D, M), lambda i: (0, 0)),
            pl.BlockSpec((1, M), lambda i: (0, 0)),
        ],
        out_specs=[
            pl.BlockSpec((TS, M), lambda i: (i, 0)),
            pl.BlockSpec((TS, M), lambda i: (i, 0)),
            pl.BlockSpec((TS, M), lambda i: (i, 0)),
            pl.BlockSpec((TS, M), lambda i: (i, 0)),
            pl.BlockSpec((TS, M), lambda i: (i, 0)),
            pl.BlockSpec((TS, M), lambda i: (i, 0)),
            pl.BlockSpec((1, M), lambda i: (0, 0)),
            pl.BlockSpec((1, 64), lambda i: (0, 0)),
        ],
        out_shape=[
            jax.ShapeDtypeStruct((S, M), jnp.int32),
            jax.ShapeDtypeStruct((S, M), jnp.int32),
            jax.ShapeDtypeStruct((S, M), jnp.int32),
            jax.ShapeDtypeStruct((S, M), jnp.int32),
            jax.ShapeDtypeStruct((S, M), jnp.float32),
            jax.ShapeDtypeStruct((S, M), jnp.float32),
            jax.ShapeDtypeStruct((1, M), jnp.int32),
            jax.ShapeDtypeStruct((1, 64), jnp.int32),
        ],
        scratch_shapes=[pltpu.VMEM((1, M), jnp.float32)],
        compiler_params=pltpu.CompilerParams(
            dimension_semantics=("arbitrary",)),
    )(cs, xs, W1, b1.reshape(1, H), W2, b2.reshape(1, M), Wg.T,
      bg.reshape(1, M))
    e1b, e2b, r1b, r2b, w1b, w2b, base, beb = outs
    e1, e2, r1, r2 = e1b[:, 0], e2b[:, 0], r1b[:, 0], r2b[:, 0]
    w1, w2 = w1b[:, 0], w2b[:, 0]
    base16 = base.reshape(M)
    be = beb.reshape(64)[:NBK]

    xg, roww = _run_build_gather(xs, e1, e2, r1, r2, w1, w2, base16)
    y = pl.pallas_call(
        _group_mm_body,
        grid_spec=pltpu.PrefetchScalarGridSpec(
            num_scalar_prefetch=1,
            grid=(NBK,),
            in_specs=[
                pl.BlockSpec((TB, D), lambda i, be: (i, 0)),
                pl.BlockSpec((1, D, D), lambda i, be: (be[i], 0, 0)),
                pl.BlockSpec((1, 1, D), lambda i, be: (be[i], 0, 0)),
                pl.BlockSpec((1, 1, D), lambda i, be: (be[i], 0, 0)),
                pl.BlockSpec((TB, 1), lambda i, be: (i, 0)),
            ],
            out_specs=pl.BlockSpec((TB, D), lambda i, be: (i, 0)),
        ),
        out_shape=jax.ShapeDtypeStruct((NP, D), jnp.float32),
        compiler_params=pltpu.CompilerParams(
            dimension_semantics=("arbitrary",)),
    )(be, xg, Wt.astype(jnp.bfloat16), bt.reshape(M, 1, D), ch.reshape(M, 1, D), roww.reshape(NP, 1))

    sel = _run_combine(y, e1, e2, r1, r2, base16)

    out = pl.pallas_call(
        _integrate_body,
        grid=(n_blk,),
        in_specs=[
            pl.BlockSpec((TS, D), lambda i: (i, 0)),
            pl.BlockSpec((TS, D), lambda i: (i, 0)),
            pl.BlockSpec((2 * D, D), lambda i: (0, 0)),
            pl.BlockSpec((1, D), lambda i: (0, 0)),
        ],
        out_specs=pl.BlockSpec((TS, D), lambda i: (i, 0)),
        out_shape=jax.ShapeDtypeStruct((S, D), jnp.float32),
    )(xs, sel, Wi, bi.reshape(1, D))

    return out.reshape(B, S, D)

# --- scband reference (transcript-rebuilt; emitter-appended) ---
"""Pipeline reference for scband-mechanism-grabber-top-k-28887950033382 (READ-ONLY COPY).

The authoritative reference and input builder live on the scoring server;
editing this copy changes nothing except your own understanding.
"""

import jax, jax.numpy as jnp
import numpy as np

B, S, D, M, K = 1, 2048, 1024, 16, 2


def setup_inputs(seed: int = 0) -> dict:
    key = jax.random.key(seed)
    ks = jax.random.split(key, 12)
    inp = {
        "x": jax.random.normal(ks[0], (B, S, D), dtype=jnp.float32),
        "context": jax.random.normal(ks[1], (B, S, D), dtype=jnp.float32),
        # per-mechanism params stacked over M mechanisms
        "Wt": jax.random.normal(ks[2], (M, D, D), dtype=jnp.float32) * 0.02,
        "bt": jnp.zeros((M, D), dtype=jnp.float32),
        "Wg": jax.random.normal(ks[3], (M, D), dtype=jnp.float32) * 0.02,
        "bg": jnp.zeros((M,), dtype=jnp.float32),
        "ch": jax.random.normal(ks[4], (M, D), dtype=jnp.float32),
        # selector MLP: Linear(d, 2d) -> GELU -> Linear(2d, M)
        "W1": jax.random.normal(ks[5], (D, 2 * D), dtype=jnp.float32) * 0.02,
        "b1": jnp.zeros((2 * D,), dtype=jnp.float32),
        "W2": jax.random.normal(ks[6], (2 * D, M), dtype=jnp.float32) * 0.02,
        "b2": jnp.zeros((M,), dtype=jnp.float32),
        # integrate: Linear(2d, d)
        "Wi": jax.random.normal(ks[7], (2 * D, D), dtype=jnp.float32) * 0.02,
        "bi": jnp.zeros((D,), dtype=jnp.float32),
    }
    return inp


def reference(x, context, Wt, bt, Wg, bg, ch, W1, b1, W2, b2, Wi, bi):
    # selector
    h = jax.nn.gelu(context @ W1 + b1, approximate=False)
    logits = h @ W2 + b2
    selection_scores = jax.nn.softmax(logits, axis=-1)  # [B,S,M]
    # top-k masking + renormalization
    top_vals, top_idx = jax.lax.top_k(selection_scores, K)
    mask = jnp.sum(jax.nn.one_hot(top_idx, M, dtype=selection_scores.dtype), axis=-2)  # [B,S,M]
    s = selection_scores * mask
    s = s / jnp.sum(s, axis=-1, keepdims=True)
    # all mechanism nodes (dense compute; sparse weights zero out non-selected)
    transformed = jnp.einsum('bsd,mde->bsme', x, Wt) + bt[None, None, :, :] + ch[None, None, :, :]
    timing = jax.nn.sigmoid(jnp.einsum('bsd,md->bsm', x, Wg) + bg[None, None, :])  # [B,S,M]
    mech_out = transformed * timing[..., None]  # [B,S,M,D]
    selected = jnp.sum(mech_out * s[..., None], axis=2)  # [B,S,D]
    integrated = jnp.concatenate([x, selected], axis=-1) @ Wi + bi
    return integrated

if __name__ == "__main__":
    import jax
    _d = setup_inputs()
    print(jax.jit(kernel)(*tuple(_d.values())))

</pallas_src>

<mosaic_0001>
#map = affine_map<(d0, d1) -> (0, 0)>
#map1 = affine_map<(d0, d1) -> (0)>
module attributes {stable_mosaic.version = 14 : i64} {
  func.func @_sc_combine(%arg0: i32, %arg1: i32, %arg2: memref<6144x1024xf32, #tpu.memory_space<hbm>>, %arg3: memref<2048xi32, #tpu.memory_space<hbm>>, %arg4: memref<2048xi32, #tpu.memory_space<hbm>>, %arg5: memref<2048xi32, #tpu.memory_space<hbm>>, %arg6: memref<2048xi32, #tpu.memory_space<hbm>>, %arg7: memref<16xi32, #tpu.memory_space<hbm>>, %arg8: memref<2048x1024xf32, #tpu.memory_space<hbm>>, %arg9: memref<64xi32, #tpu.memory_space<vmem>>, %arg10: memref<64xi32, #tpu.memory_space<vmem>>, %arg11: memref<64xi32, #tpu.memory_space<vmem>>, %arg12: memref<64xi32, #tpu.memory_space<vmem>>, %arg13: memref<16xi32, #tpu.memory_space<vmem>>, %arg14: memref<64xi32, #tpu.memory_space<vmem>>, %arg15: memref<64xi32, #tpu.memory_space<vmem>>, %arg16: memref<32xi32, #tpu.memory_space<vmem>>, %arg17: memref<32xi32, #tpu.memory_space<vmem>>, %arg18: memref<32x1024xf32, #tpu.memory_space<vmem>>, %arg19: memref<32x1024xf32, #tpu.memory_space<vmem>>, %arg20: memref<!tpu.dma_semaphore, #tpu.memory_space<semaphore_mem>>) attributes {dimension_semantics = [#tpu.dimension_semantics<core_parallel>, #tpu.dimension_semantics<subcore_parallel>], iteration_bounds = array<i64: 2, 16>, scalar_prefetch = 0 : i64, scratch_operands = 12 : i64, tpu.core_type = #tpu.core_type<sc_vector_subcore>, window_params = [{transform_indices = #map}, {transform_indices = #map1}, {transform_indices = #map1}, {transform_indices = #map1}, {transform_indices = #map1}, {transform_indices = #map1}, {transform_indices = #map}]} {
    %mul3A = arith.constant 2 : i32
    %mul3A_0 = arith.muli %arg1, %mul3A : i32
    %add3A = arith.addi %mul3A_0, %arg0 : i32
    %mul3A_1 = arith.constant 64 : i32
    %mul3A_2 = arith.muli %add3A, %mul3A_1 : i32
    "tpu.region"() ({
      %run_scoped3A = tpu.sem_alloc : memref<!tpu.dma_semaphore, #tpu.memory_space<semaphore_mem>>
      %dma_start3A_135 = tpu.memref_slice %arg3[%mul3A_2] : memref<2048xi32, #tpu.memory_space<hbm>> -> memref<64xi32, #tpu.memory_space<hbm>>
      %dma_start3A_136 = tpu.memref_slice %arg3[%mul3A_2] : memref<2048xi32, #tpu.memory_space<hbm>> -> memref<64xi32, #tpu.memory_space<hbm>>
      tpu.enqueue_dma source(%dma_start3A_136 : memref<64xi32, #tpu.memory_space<hbm>>) target(%arg9 : memref<64xi32, #tpu.memory_space<vmem>>) target_semaphore(%run_scoped3A : memref<!tpu.dma_semaphore, #tpu.memory_space<semaphore_mem>>)
      %dma_wait3A_137 = tpu.memref_slice %arg3[%mul3A_2] : memref<2048xi32, #tpu.memory_space<hbm>> -> memref<64xi32, #tpu.memory_space<hbm>>
      %dma_wait3A_138 = tpu.memref_slice %arg3[%mul3A_2] : memref<2048xi32, #tpu.memory_space<hbm>> -> memref<64xi32, #tpu.memory_space<hbm>>
      tpu.wait_dma2 semaphore(%run_scoped3A : memref<!tpu.dma_semaphore, #tpu.memory_space<semaphore_mem>>) src(%dma_wait3A_138 : memref<64xi32, #tpu.memory_space<hbm>>) dst(%arg9 : memref<64xi32, #tpu.memory_space<vmem>>)
      tpu.yield
    }) : () -> ()
    "tpu.region"() ({
      %run_scoped3A = tpu.sem_alloc : memref<!tpu.dma_semaphore, #tpu.memory_space<semaphore_mem>>
      %dma_start3A_135 = tpu.memref_slice %arg4[%mul3A_2] : memref<2048xi32, #tpu.memory_space<hbm>> -> memref<64xi32, #tpu.memory_space<hbm>>
      %dma_start3A_136 = tpu.memref_slice %arg4[%mul3A_2] : memref<2048xi32, #tpu.memory_space<hbm>> -> memref<64xi32, #tpu.memory_space<hbm>>
      tpu.enqueue_dma source(%dma_start3A_136 : memref<64xi32, #tpu.memory_space<hbm>>) target(%arg10 : memref<64xi32, #tpu.memory_space<vmem>>) target_semaphore(%run_scoped3A : memref<!tpu.dma_semaphore, #tpu.memory_space<semaphore_mem>>)
      %dma_wait3A_137 = tpu.memref_slice %arg4[%mul3A_2] : memref<2048xi32, #tpu.memory_space<hbm>> -> memref<64xi32, #tpu.memory_space<hbm>>
      %dma_wait3A_138 = tpu.memref_slice %arg4[%mul3A_2] : memref<2048xi32, #tpu.memory_space<hbm>> -> memref<64xi32, #tpu.memory_space<hbm>>
      tpu.wait_dma2 semaphore(%run_scoped3A : memref<!tpu.dma_semaphore, #tpu.memory_space<semaphore_mem>>) src(%dma_wait3A_138 : memref<64xi32, #tpu.memory_space<hbm>>) dst(%arg10 : memref<64xi32, #tpu.memory_space<vmem>>)
      tpu.yield
    }) : () -> ()
    "tpu.region"() ({
      %run_scoped3A = tpu.sem_alloc : memref<!tpu.dma_semaphore, #tpu.memory_space<semaphore_mem>>
      %dma_start3A_135 = tpu.memref_slice %arg5[%mul3A_2] : memref<2048xi32, #tpu.memory_space<hbm>> -> memref<64xi32, #tpu.memory_space<hbm>>
      %dma_start3A_136 = tpu.memref_slice %arg5[%mul3A_2] : memref<2048xi32, #tpu.memory_space<hbm>> -> memref<64xi32, #tpu.memory_space<hbm>>
      tpu.enqueue_dma source(%dma_start3A_136 : memref<64xi32, #tpu.memory_space<hbm>>) target(%arg11 : memref<64xi32, #tpu.memory_space<vmem>>) target_semaphore(%run_scoped3A : memref<!tpu.dma_semaphore, #tpu.memory_space<semaphore_mem>>)
      %dma_wait3A_137 = tpu.memref_slice %arg5[%mul3A_2] : memref<2048xi32, #tpu.memory_space<hbm>> -> memref<64xi32, #tpu.memory_space<hbm>>
      %dma_wait3A_138 = tpu.memref_slice %arg5[%mul3A_2] : memref<2048xi32, #tpu.memory_space<hbm>> -> memref<64xi32, #tpu.memory_space<hbm>>
      tpu.wait_dma2 semaphore(%run_scoped3A : memref<!tpu.dma_semaphore, #tpu.memory_space<semaphore_mem>>) src(%dma_wait3A_138 : memref<64xi32, #tpu.memory_space<hbm>>) dst(%arg11 : memref<64xi32, #tpu.memory_space<vmem>>)
      tpu.yield
    }) : () -> ()
    "tpu.region"() ({
      %run_scoped3A = tpu.sem_alloc : memref<!tpu.dma_semaphore, #tpu.memory_space<semaphore_mem>>
      %dma_start3A_135 = tpu.memref_slice %arg6[%mul3A_2] : memref<2048xi32, #tpu.memory_space<hbm>> -> memref<64xi32, #tpu.memory_space<hbm>>
      %dma_start3A_136 = tpu.memref_slice %arg6[%mul3A_2] : memref<2048xi32, #tpu.memory_space<hbm>> -> memref<64xi32, #tpu.memory_space<hbm>>
      tpu.enqueue_dma source(%dma_start3A_136 : memref<64xi32, #tpu.memory_space<hbm>>) target(%arg12 : memref<64xi32, #tpu.memory_space<vmem>>) target_semaphore(%run_scoped3A : memref<!tpu.dma_semaphore, #tpu.memory_space<semaphore_mem>>)
      %dma_wait3A_137 = tpu.memref_slice %arg6[%mul3A_2] : memref<2048xi32, #tpu.memory_space<hbm>> -> memref<64xi32, #tpu.memory_space<hbm>>
      %dma_wait3A_138 = tpu.memref_slice %arg6[%mul3A_2] : memref<2048xi32, #tpu.memory_space<hbm>> -> memref<64xi32, #tpu.memory_space<hbm>>
      tpu.wait_dma2 semaphore(%run_scoped3A : memref<!tpu.dma_semaphore, #tpu.memory_space<semaphore_mem>>) src(%dma_wait3A_138 : memref<64xi32, #tpu.memory_space<hbm>>) dst(%arg12 : memref<64xi32, #tpu.memory_space<vmem>>)
      tpu.yield
    }) : () -> ()
    "tpu.region"() ({
      %run_scoped3A = tpu.sem_alloc : memref<!tpu.dma_semaphore, #tpu.memory_space<semaphore_mem>>
      tpu.enqueue_dma source(%arg7 : memref<16xi32, #tpu.memory_space<hbm>>) target(%arg13 : memref<16xi32, #tpu.memory_space<vmem>>) target_semaphore(%run_scoped3A : memref<!tpu.dma_semaphore, #tpu.memory_space<semaphore_mem>>)
      tpu.wait_dma2 semaphore(%run_scoped3A : memref<!tpu.dma_semaphore, #tpu.memory_space<semaphore_mem>>) src(%arg7 : memref<16xi32, #tpu.memory_space<hbm>>) dst(%arg13 : memref<16xi32, #tpu.memory_space<vmem>>)
      tpu.yield
    }) : () -> ()
    %get3A = arith.constant 0 : index
    %get3A_3 = tpu.vector_load %arg9[%get3A] {strides = array<i32>} : memref<64xi32, #tpu.memory_space<vmem>>, vector<16xi32>,
    %gather3A = tpu.vector_load_idx %arg13[%get3A_3] : memref<16xi32, #tpu.memory_space<vmem>>[vector<16xi32>], vector<16xi32>,
    %get3A_4 = arith.constant 0 : index
    %get3A_5 = tpu.vector_load %arg11[%get3A_4] {strides = array<i32>} : memref<64xi32, #tpu.memory_space<vmem>>, vector<16xi32>,
    %add3A_6 = arith.addi %gather3A, %get3A_5 : vector<16xi32>
    %swap3A = arith.constant 0 : index
    %swap3A_7 = tpu.vector_load %arg14[%swap3A] {strides = array<i32>} : memref<64xi32, #tpu.memory_space<vmem>>, vector<16xi32>,
    tpu.vector_store %arg14[%swap3A], %add3A_6 {strides = array<i32>} : memref<64xi32, #tpu.memory_space<vmem>>, vector<16xi32>,
    %get3A_8 = arith.constant 0 : index
    %get3A_9 = tpu.vector_load %arg10[%get3A_8] {strides = array<i32>} : memref<64xi32, #tpu.memory_space<vmem>>, vector<16xi32>,
    %gather3A_10 = tpu.vector_load_idx %arg13[%get3A_9] : memref<16xi32, #tpu.memory_space<vmem>>[vector<16xi32>], vector<16xi32>,
    %get3A_11 = arith.constant 0 : index
    %get3A_12 = tpu.vector_load %arg12[%get3A_11] {strides = array<i32>} : memref<64xi32, #tpu.memory_space<vmem>>, vector<16xi32>,
    %add3A_13 = arith.addi %gather3A_10, %get3A_12 : vector<16xi32>
    %swap3A_14 = arith.constant 0 : index
    %swap3A_15 = tpu.vector_load %arg15[%swap3A_14] {strides = array<i32>} : memref<64xi32, #tpu.memory_space<vmem>>, vector<16xi32>,
    tpu.vector_store %arg15[%swap3A_14], %add3A_13 {strides = array<i32>} : memref<64xi32, #tpu.memory_space<vmem>>, vector<16xi32>,
    %get3A_16 = arith.constant 16 : index
    %get3A_17 = tpu.vector_load %arg9[%get3A_16] {strides = array<i32>} : memref<64xi32, #tpu.memory_space<vmem>>, vector<16xi32>,
    %gather3A_18 = tpu.vector_load_idx %arg13[%get3A_17] : memref<16xi32, #tpu.memory_space<vmem>>[vector<16xi32>], vector<16xi32>,
    %get3A_19 = arith.constant 16 : index
    %get3A_20 = tpu.vector_load %arg11[%get3A_19] {strides = array<i32>} : memref<64xi32, #tpu.memory_space<vmem>>, vector<16xi32>,
    %add3A_21 = arith.addi %gather3A_18, %get3A_20 : vector<16xi32>
    %swap3A_22 = arith.constant 16 : index
    %swap3A_23 = tpu.vector_load %arg14[%swap3A_22] {strides = array<i32>} : memref<64xi32, #tpu.memory_space<vmem>>, vector<16xi32>,
    tpu.vector_store %arg14[%swap3A_22], %add3A_21 {strides = array<i32>} : memref<64xi32, #tpu.memory_space<vmem>>, vector<16xi32>,
    %get3A_24 = arith.constant 16 : index
    %get3A_25 = tpu.vector_load %arg10[%get3A_24] {strides = array<i32>} : memref<64xi32, #tpu.memory_space<vmem>>, vector<16xi32>,
    %gather3A_26 = tpu.vector_load_idx %arg13[%get3A_25] : memref<16xi32, #tpu.memory_space<vmem>>[vector<16xi32>], vector<16xi32>,
    %get3A_27 = arith.constant 16 : index
    %get3A_28 = tpu.vector_load %arg12[%get3A_27] {strides = array<i32>} : memref<64xi32, #tpu.memory_space<vmem>>, vector<16xi32>,
    %add3A_29 = arith.addi %gather3A_26, %get3A_28 : vector<16xi32>
    %swap3A_30 = arith.constant 16 : index
    %swap3A_31 = tpu.vector_load %arg15[%swap3A_30] {strides = array<i32>} : memref<64xi32, #tpu.memory_space<vmem>>, vector<16xi32>,
    tpu.vector_store %arg15[%swap3A_30], %add3A_29 {strides = array<i32>} : memref<64xi32, #tpu.memory_space<vmem>>, vector<16xi32>,
    %get3A_32 = arith.constant 32 : index
    %get3A_33 = tpu.vector_load %arg9[%get3A_32] {strides = array<i32>} : memref<64xi32, #tpu.memory_space<vmem>>, vector<16xi32>,
    %gather3A_34 = tpu.vector_load_idx %arg13[%get3A_33] : memref<16xi32, #tpu.memory_space<vmem>>[vector<16xi32>], vector<16xi32>,
    %get3A_35 = arith.constant 32 : index
    %get3A_36 = tpu.vector_load %arg11[%get3A_35] {strides = array<i32>} : memref<64xi32, #tpu.memory_space<vmem>>, vector<16xi32>,
    %add3A_37 = arith.addi %gather3A_34, %get3A_36 : vector<16xi32>
    %swap3A_38 = arith.constant 32 : index
    %swap3A_39 = tpu.vector_load %arg14[%swap3A_38] {strides = array<i32>} : memref<64xi32, #tpu.memory_space<vmem>>, vector<16xi32>,
    tpu.vector_store %arg14[%swap3A_38], %add3A_37 {strides = array<i32>} : memref<64xi32, #tpu.memory_space<vmem>>, vector<16xi32>,
    %get3A_40 = arith.constant 32 : index
    %get3A_41 = tpu.vector_load %arg10[%get3A_40] {strides = array<i32>} : memref<64xi32, #tpu.memory_space<vmem>>, vector<16xi32>,
    %gather3A_42 = tpu.vector_load_idx %arg13[%get3A_41] : memref<16xi32, #tpu.memory_space<vmem>>[vector<16xi32>], vector<16xi32>,
    %get3A_43 = arith.constant 32 : index
    %get3A_44 = tpu.vector_load %arg12[%get3A_43] {strides = array<i32>} : memref<64xi32, #tpu.memory_space<vmem>>, vector<16xi32>,
    %add3A_45 = arith.addi %gather3A_42, %get3A_44 : vector<16xi32>
    %swap3A_46 = arith.constant 32 : index
    %swap3A_47 = tpu.vector_load %arg15[%swap3A_46] {strides = array<i32>} : memref<64xi32, #tpu.memory_space<vmem>>, vector<16xi32>,
    tpu.vector_store %arg15[%swap3A_46], %add3A_45 {strides = array<i32>} : memref<64xi32, #tpu.memory_space<vmem>>, vector<16xi32>,
    %get3A_48 = arith.constant 48 : index
    %get3A_49 = tpu.vector_load %arg9[%get3A_48] {strides = array<i32>} : memref<64xi32, #tpu.memory_space<vmem>>, vector<16xi32>,
    %gather3A_50 = tpu.vector_load_idx %arg13[%get3A_49] : memref<16xi32, #tpu.memory_space<vmem>>[vector<16xi32>], vector<16xi32>,
    %get3A_51 = arith.constant 48 : index
    %get3A_52 = tpu.vector_load %arg11[%get3A_51] {strides = array<i32>} : memref<64xi32, #tpu.memory_space<vmem>>, vector<16xi32>,
    %add3A_53 = arith.addi %gather3A_50, %get3A_52 : vector<16xi32>
    %swap3A_54 = arith.constant 48 : index
    %swap3A_55 = tpu.vector_load %arg14[%swap3A_54] {strides = array<i32>} : memref<64xi32, #tpu.memory_space<vmem>>, vector<16xi32>,
    tpu.vector_store %arg14[%swap3A_54], %add3A_53 {strides = array<i32>} : memref<64xi32, #tpu.memory_space<vmem>>, vector<16xi32>,
    %get3A_56 = arith.constant 48 : index
    %get3A_57 = tpu.vector_load %arg10[%get3A_56] {strides = array<i32>} : memref<64xi32, #tpu.memory_space<vmem>>, vector<16xi32>,
    %gather3A_58 = tpu.vector_load_idx %arg13[%get3A_57] : memref<16xi32, #tpu.memory_space<vmem>>[vector<16xi32>], vector<16xi32>,
    %get3A_59 = arith.constant 48 : index
    %get3A_60 = tpu.vector_load %arg12[%get3A_59] {strides = array<i32>} : memref<64xi32, #tpu.memory_space<vmem>>, vector<16xi32>,
    %add3A_61 = arith.addi %gather3A_58, %get3A_60 : vector<16xi32>
    %swap3A_62 = arith.constant 48 : index
    %swap3A_63 = tpu.vector_load %arg15[%swap3A_62] {strides = array<i32>} : memref<64xi32, #tpu.memory_space<vmem>>, vector<16xi32>,
    tpu.vector_store %arg15[%swap3A_62], %add3A_61 {strides = array<i32>} : memref<64xi32, #tpu.memory_space<vmem>>, vector<16xi32>,
    %get3A_64 = arith.constant 0 : index
    %get3A_65 = tpu.vector_load %arg14[%get3A_64] {strides = array<i32>} : memref<64xi32, #tpu.memory_space<vmem>>, vector<16xi32>,
    %swap3A_66 = arith.constant 0 : index
    %swap3A_67 = tpu.vector_load %arg16[%swap3A_66] {strides = array<i32>} : memref<32xi32, #tpu.memory_space<vmem>>, vector<16xi32>,
    tpu.vector_store %arg16[%swap3A_66], %get3A_65 {strides = array<i32>} : memref<32xi32, #tpu.memory_space<vmem>>, vector<16xi32>,
    %get3A_68 = arith.constant 0 : index
    %get3A_69 = tpu.vector_load %arg15[%get3A_68] {strides = array<i32>} : memref<64xi32, #tpu.memory_space<vmem>>, vector<16xi32>,
    %swap3A_70 = arith.constant 0 : index
    %swap3A_71 = tpu.vector_load %arg17[%swap3A_70] {strides = array<i32>} : memref<32xi32, #tpu.memory_space<vmem>>, vector<16xi32>,
    tpu.vector_store %arg17[%swap3A_70], %get3A_69 {strides = array<i32>} : memref<32xi32, #tpu.memory_space<vmem>>, vector<16xi32>,
    %get3A_72 = arith.constant 16 : index
    %get3A_73 = tpu.vector_load %arg14[%get3A_72] {strides = array<i32>} : memref<64xi32, #tpu.memory_space<vmem>>, vector<16xi32>,
    %swap3A_74 = arith.constant 16 : index
    %swap3A_75 = tpu.vector_load %arg16[%swap3A_74] {strides = array<i32>} : memref<32xi32, #tpu.memory_space<vmem>>, vector<16xi32>,
    tpu.vector_store %arg16[%swap3A_74], %get3A_73 {strides = array<i32>} : memref<32xi32, #tpu.memory_space<vmem>>, vector<16xi32>,
    %get3A_76 = arith.constant 16 : index
    %get3A_77 = tpu.vector_load %arg15[%get3A_76] {strides = array<i32>} : memref<64xi32, #tpu.memory_space<vmem>>, vector<16xi32>,
    %swap3A_78 = arith.constant 16 : index
    %swap3A_79 = tpu.vector_load %arg17[%swap3A_78] {strides = array<i32>} : memref<32xi32, #tpu.memory_space<vmem>>, vector<16xi32>,
    tpu.vector_store %arg17[%swap3A_78], %get3A_77 {strides = array<i32>} : memref<32xi32, #tpu.memory_space<vmem>>, vector<16xi32>,
    %dma_start3A = arith.constant 0 : i32
    %dma_start3A_80 = arith.constant 0 : i32
    %dma_start3A_81 = tpu.memref_slice %arg2[%dma_start3A, %dma_start3A_80] : memref<6144x1024xf32, #tpu.memory_space<hbm>> -> memref<6144x1024xf32, #tpu.memory_space<hbm>>
    tpu.enqueue_indirect_dma source(%dma_start3A_81 : memref<6144x1024xf32, #tpu.memory_space<hbm>>) target(%arg18 : memref<32x1024xf32, #tpu.memory_space<vmem>>) offsets(%arg16 : memref<32xi32, #tpu.memory_space<vmem>>) semaphore(%arg20 : memref<!tpu.dma_semaphore, #tpu.memory_space<semaphore_mem>>)
    %dma_wait3A = arith.constant 0 : i32
    %dma_wait3A_82 = arith.constant 0 : i32
    %dma_wait3A_83 = tpu.memref_slice %arg2[%dma_wait3A, %dma_wait3A_82] : memref<6144x1024xf32, #tpu.memory_space<hbm>> -> memref<6144x1024xf32, #tpu.memory_space<hbm>>
    tpu.wait_indirect_dma semaphore(%arg20 : memref<!tpu.dma_semaphore, #tpu.memory_space<semaphore_mem>>) src(%dma_wait3A_83 : memref<6144x1024xf32, #tpu.memory_space<hbm>>) dst(%arg18 : memref<32x1024xf32, #tpu.memory_space<vmem>>)
    %dma_start3A_84 = arith.constant 0 : i32
    %dma_start3A_85 = arith.constant 0 : i32
    %dma_start3A_86 = tpu.memref_slice %arg2[%dma_start3A_84, %dma_start3A_85] : memref<6144x1024xf32, #tpu.memory_space<hbm>> -> memref<6144x1024xf32, #tpu.memory_space<hbm>>
    tpu.enqueue_indirect_dma source(%dma_start3A_86 : memref<6144x1024xf32, #tpu.memory_space<hbm>>) target(%arg19 : memref<32x1024xf32, #tpu.memory_space<vmem>>) offsets(%arg17 : memref<32xi32, #tpu.memory_space<vmem>>) semaphore(%arg20 : memref<!tpu.dma_semaphore, #tpu.memory_space<semaphore_mem>>)
    %dma_wait3A_87 = arith.constant 0 : i32
    %dma_wait3A_88 = arith.constant 0 : i32
    %dma_wait3A_89 = tpu.memref_slice %arg2[%dma_wait3A_87, %dma_wait3A_88] : memref<6144x1024xf32, #tpu.memory_space<hbm>> -> memref<6144x1024xf32, #tpu.memory_space<hbm>>
    tpu.wait_indirect_dma semaphore(%arg20 : memref<!tpu.dma_semaphore, #tpu.memory_space<semaphore_mem>>) src(%dma_wait3A_89 : memref<6144x1024xf32, #tpu.memory_space<hbm>>) dst(%arg19 : memref<32x1024xf32, #tpu.memory_space<vmem>>)
    %scan3A = arith.constant 0 : i32
    %scan3A_90 = arith.constant 0 : i32
    %scan3A_91 = arith.constant 32 : i32
    %scan3A_92 = arith.addi %scan3A_90, %scan3A_91 : i32
    %scan3A_93 = arith.constant 1 : i32
    %scan3A_94 = scf.for %scan3A_135 = %scan3A_90 to %scan3A_92 step %scan3A_93 iter_args(%scan3A_136 = %scan3A) -> (i32)  : i32 {
      %get3A_137 = arith.index_cast %scan3A_135 : i32 to index
      %get3A_138 = arith.constant 0 : index
      %get3A_139 = tpu.vector_load %arg18[%get3A_137, %get3A_138] {strides = array<i32>} : memref<32x1024xf32, #tpu.memory_space<vmem>>, vector<16xf32>,
      %get3A_140 = arith.index_cast %scan3A_135 : i32 to index
      %get3A_141 = arith.constant 0 : index
      %get3A_142 = tpu.vector_load %arg19[%get3A_140, %get3A_141] {strides = array<i32>} : memref<32x1024xf32, #tpu.memory_space<vmem>>, vector<16xf32>,
      %add3A_143 = arith.addf %get3A_139, %get3A_142 : vector<16xf32>
      %swap3A_144 = arith.index_cast %scan3A_135 : i32 to index
      %swap3A_145 = arith.constant 0 : index
      %swap3A_146 = tpu.vector_load %arg18[%swap3A_144, %swap3A_145] {strides = array<i32>} : memref<32x1024xf32, #tpu.memory_space<vmem>>, vector<16xf32>,
      tpu.vector_store %arg18[%swap3A_144, %swap3A_145], %add3A_143 {strides = array<i32>} : memref<32x1024xf32, #tpu.memory_space<vmem>>, vector<16xf32>,
      %get3A_147 = arith.index_cast %scan3A_135 : i32 to index
      %get3A_148 = arith.constant 16 : index
      %get3A_149 = tpu.vector_load %arg18[%get3A_147, %get3A_148] {strides = array<i32>} : memref<32x1024xf32, #tpu.memory_space<vmem>>, vector<16xf32>,
      %get3A_150 = arith.index_cast %scan3A_135 : i32 to index
      %get3A_151 = arith.constant 16 : index
      %get3A_152 = tpu.vector_load %arg19[%get3A_150, %get3A_151] {strides = array<i32>} : memref<32x1024xf32, #tpu.memory_space<vmem>>, vector<16xf32>,
      %add3A_153 = arith.addf %get3A_149, %get3A_152 : vector<16xf32>
      %swap3A_154 = arith.index_cast %scan3A_135 : i32 to index
      %swap3A_155 = arith.constant 16 : index
      %swap3A_156 = tpu.vector_load %arg18[%swap3A_154, %swap3A_155] {strides = array<i32>} : memref<32x1024xf32, #tpu.memory_space<vmem>>, vector<16xf32>,
      tpu.vector_store %arg18[%swap3A_154, %swap3A_155], %add3A_153 {strides = array<i32>} : memref<32x1024xf32, #tpu.memory_space<vmem>>, vector<16xf32>,
      %get3A_157 = arith.index_cast %scan3A_135 : i32 to index
      %get3A_158 = arith.constant 32 : index
      %get3A_159 = tpu.vector_load %arg18[%get3A_157, %get3A_158] {strides = array<i32>} : memref<32x1024xf32, #tpu.memory_space<vmem>>, vector<16xf32>,
      %get3A_160 = arith.index_cast %scan3A_135 : i32 to index
      %get3A_161 = arith.constant 32 : index
      %get3A_162 = tpu.vector_load %arg19[%get3A_160, %get3A_161] {strides = array<i32>} : memref<32x1024xf32, #tpu.memory_space<vmem>>, vector<16xf32>,
      %add3A_163 = arith.addf %get3A_159, %get3A_162 : vector<16xf32>
      %swap3A_164 = arith.index_cast %scan3A_135 : i32 to index
      %swap3A_165 = arith.constant 32 : index
      %swap3A_166 = tpu.vector_load %arg18[%swap3A_164, %swap3A_165] {strides = array<i32>} : memref<32x1024xf32, #tpu.memory_space<vmem>>, vector<16xf32>,
      tpu.vector_store %arg18[%swap3A_164, %swap3A_165], %add3A_163 {strides = array<i32>} : memref<32x1024xf32, #tpu.memory_space<vmem>>, vector<16xf32>,
      %get3A_167 = arith.index_cast %scan3A_135 : i32 to index
      %get3A_168 = arith.constant 48 : index
      %get3A_169 = tpu.vector_load %arg18[%get3A_167, %get3A_168] {strides = array<i32>} : memref<32x1024xf32, #tpu.memory_space<vmem>>, vector<16xf32>,
      %get3A_170 = arith.index_cast %scan3A_135 : i32 to index
      %get3A_171 = arith.constant 48 : index
      %get3A_172 = tpu.vector_load %arg19[%get3A_170, %get3A_171] {strides = array<i32>} : memref<32x1024xf32, #tpu.memory_space<vmem>>, vector<16xf32>,
      %add3A_173 = arith.addf %get3A_169, %get3A_172 : vector<16xf32>
      %swap3A_174 = arith.index_cast %scan3A_135 : i32 to index
      %swap3A_175 = arith.constant 48 : index
      %swap3A_176 = tpu.vector_load %arg18[%swap3A_174, %swap3A_175] {strides = array<i32>} : memref<32x1024xf32, #tpu.memory_space<vmem>>, vector<16xf32>,
      tpu.vector_store %arg18[%swap3A_174, %swap3A_175], %add3A_173 {strides = array<i32>} : memref<32x1024xf32, #tpu.memory_space<vmem>>, vector<16xf32>,
      %get3A_177 = arith.index_cast %scan3A_135 : i32 to index
      %get3A_178 = arith.constant 64 : index
      %get3A_179 = tpu.vector_load %arg18[%get3A_177, %get3A_178] {strides = array<i32>} : memref<32x1024xf32, #tpu.memory_space<vmem>>, vector<16xf32>,
      %get3A_180 = arith.index_cast %scan3A_135 : i32 to index
      %get3A_181 = arith.constant 64 : index
      %get3A_182 = tpu.vector_load %arg19[%get3A_180, %get3A_181] {strides = array<i32>} : memref<32x1024xf32, #tpu.memory_space<vmem>>, vector<16xf32>,
      %add3A_183 = arith.addf %get3A_179, %get3A_182 : vector<16xf32>
      %swap3A_184 = arith.index_cast %scan3A_135 : i32 to index
      %swap3A_185 = arith.constant 64 : index
      %swap3A_186 = tpu.vector_load %arg18[%swap3A_184, %swap3A_185] {strides = array<i32>} : memref<32x1024xf32, #tpu.memory_space<vmem>>, vector<16xf32>,
      tpu.vector_store %arg18[%swap3A_184, %swap3A_185], %add3A_183 {strides = array<i32>} : memref<32x1024xf32, #tpu.memory_space<vmem>>, vector<16xf32>,
      %get3A_187 = arith.index_cast %scan3A_135 : i32 to index
      %get3A_188 = arith.constant 80 : index
      %get3A_189 = tpu.vector_load %arg18[%get3A_187, %get3A_188] {strides = array<i32>} : memref<32x1024xf32, #tpu.memory_space<vmem>>, vector<16xf32>,
      %get3A_190 = arith.index_cast %scan3A_135 : i32 to index
      %get3A_191 = arith.constant 80 : index
      %get3A_192 = tpu.vector_load %arg19[%get3A_190, %get3A_191] {strides = array<i32>} : memref<32x1024xf32, #tpu.memory_space<vmem>>, vector<16xf32>,
      %add3A_193 = arith.addf %get3A_189, %get3A_192 : vector<16xf32>
      %swap3A_194 = arith.index_cast %scan3A_135 : i32 to index
      %swap3A_195 = arith.constant 80 : index
      %swap3A_196 = tpu.vector_load %arg18[%swap3A_194, %swap3A_195] {strides = array<i32>} : memref<32x1024xf32, #tpu.memory_space<vmem>>, vector<16xf32>,
      tpu.vector_store %arg18[%swap3A_194, %swap3A_195], %add3A_193 {strides = array<i32>} : memref<32x1024xf32, #tpu.memory_space<vmem>>, vector<16xf32>,
      %get3A_197 = arith.index_cast %scan3A_135 : i32 to index
      %get3A_198 = arith.constant 96 : index
      %get3A_199 = tpu.vector_load %arg18[%get3A_197, %get3A_198] {strides = array<i32>} : memref<32x1024xf32, #tpu.memory_space<vmem>>, vector<16xf32>,
      %get3A_200 = arith.index_cast %scan3A_135 : i32 to index
      %get3A_201 = arith.constant 96 : index
      %get3A_202 = tpu.vector_load %arg19[%get3A_200, %get3A_201] {strides = array<i32>} : memref<32x1024xf32, #tpu.memory_space<vmem>>, vector<16xf32>,
      %add3A_203 = arith.addf %get3A_199, %get3A_202 : vector<16xf32>
      %swap3A_204 = arith.index_cast %scan3A_135 : i32 to index
      %swap3A_205 = arith.constant 96 : index
      %swap3A_206 = tpu.vector_load %arg18[%swap3A_204, %swap3A_205] {strides = array<i32>} : memref<32x1024xf32, #tpu.memory_space<vmem>>, vector<16xf32>,
      tpu.vector_store %arg18[%swap3A_204, %swap3A_205], %add3A_203 {strides = array<i32>} : memref<32x1024xf32, #tpu.memory_space<vmem>>, vector<16xf32>,
      %get3A_207 = arith.index_cast %scan3A_135 : i32 to index
      %get3A_208 = arith.constant 112 : index
      %get3A_209 = tpu.vector_load %arg18[%get3A_207, %get3A_208] {strides = array<i32>} : memref<32x1024xf32, #tpu.memory_space<vmem>>, vector<16xf32>,
      %get3A_210 = arith.index_cast %scan3A_135 : i32 to index
      %get3A_211 = arith.constant 112 : index
      %get3A_212 = tpu.vector_load %arg19[%get3A_210, %get3A_211] {strides = array<i32>} : memref<32x1024xf32, #tpu.memory_space<vmem>>, vector<16xf32>,
      %add3A_213 = arith.addf %get3A_209, %get3A_212 : vector<16xf32>
      %swap3A_214 = arith.index_cast %scan3A_135 : i32 to index
      %swap3A_215 = arith.constant 112 : index
      %swap3A_216 = tpu.vector_load %arg18[%swap3A_214, %swap3A_215] {strides = array<i32>} : memref<32x1024xf32, #tpu.memory_space<vmem>>, vector<16xf32>,
      tpu.vector_store %arg18[%swap3A_214, %swap3A_215], %add3A_213 {strides = array<i32>} : memref<32x1024xf32, #tpu.memory_space<vmem>>, vector<16xf32>,
      %get3A_217 = arith.index_cast %scan3A_135 : i32 to index
      %get3A_218 = arith.constant 128 : index
      %get3A_219 = tpu.vector_load %arg18[%get3A_217, %get3A_218] {strides = array<i32>} : memref<32x1024xf32, #tpu.memory_space<vmem>>, vector<16xf32>,
      %get3A_220 = arith.index_cast %scan3A_135 : i32 to index
      %get3A_221 = arith.constant 128 : index
      %get3A_222 = tpu.vector_load %arg19[%get3A_220, %get3A_221] {strides = array<i32>} : memref<32x1024xf32, #tpu.memory_space<vmem>>, vector<16xf32>,
      %add3A_223 = arith.addf %get3A_219, %get3A_222 : vector<16xf32>
      %swap3A_224 = arith.index_cast %scan3A_135 : i32 to index
      %swap3A_225 = arith.constant 128 : index
      %swap3A_226 = tpu.vector_load %arg18[%swap3A_224, %swap3A_225] {strides = array<i32>} : memref<32x1024xf32, #tpu.memory_space<vmem>>, vector<16xf32>,
      tpu.vector_store %arg18[%swap3A_224, %swap3A_225], %add3A_223 {strides = array<i32>} : memref<32x1024xf32, #tpu.memory_space<vmem>>, vector<16xf32>,
      %get3A_227 = arith.index_cast %scan3A_135 : i32 to index
      %get3A_228 = arith.constant 144 : index
      %get3A_229 = tpu.vector_load %arg18[%get3A_227, %get3A_228] {strides = array<i32>} : memref<32x1024xf32, #tpu.memory_space<vmem>>, vector<16xf32>,
      %get3A_230 = arith.index_cast %scan3A_135 : i32 to index
      %get3A_231 = arith.constant 144 : index
      %get3A_232 = tpu.vector_load %arg19[%get3A_230, %get3A_231] {strides = array<i32>} : memref<32x1024xf32, #tpu.memory_space<vmem>>, vector<16xf32>,
      %add3A_233 = arith.addf %get3A_229, %get3A_232 : vector<16xf32>
      %swap3A_234 = arith.index_cast %scan3A_135 : i32 to index
      %swap3A_235 = arith.constant 144 : index
      %swap3A_236 = tpu.vector_load %arg18[%swap3A_234, %swap3A_235] {strides = array<i32>} : memref<32x1024xf32, #tpu.memory_space<vmem>>, vector<16xf32>,
      tpu.vector_store %arg18[%swap3A_234, %swap3A_235], %add3A_233 {strides = array<i32>} : memref<32x1024xf32, #tpu.memory_space<vmem>>, vector<16xf32>,
      %get3A_237 = arith.index_cast %scan3A_135 : i32 to index
      %get3A_238 = arith.constant 160 : index
      %get3A_239 = tpu.vector_load %arg18[%get3A_237, %get3A_238] {strides = array<i32>} : memref<32x1024xf32, #tpu.memory_space<vmem>>, vector<16xf32>,
      %get3A_240 = arith.index_cast %scan3A_135 : i32 to index
      %get3A_241 = arith.constant 160 : index
      %get3A_242 = tpu.vector_load %arg19[%get3A_240, %get3A_241] {strides = array<i32>} : memref<32x1024xf32, #tpu.memory_space<vmem>>, vector<16xf32>,
      %add3A_243 = arith.addf %get3A_239, %get3A_242 : vector<16xf32>
      %swap3A_244 = arith.index_cast %scan3A_135 : i32 to index
      %swap3A_245 = arith.constant 160 : index
      %swap3A_246 = tpu.vector_load %arg18[%swap3A_244, %swap3A_245] {strides = array<i32>} : memref<32x1024xf32, #tpu.memory_space<vmem>>, vector<16xf32>,
      tpu.vector_store %arg18[%swap3A_244, %swap3A_245], %add3A_243 {strides = array<i32>} : memref<32x1024xf32, #tpu.memory_space<vmem>>, vector<16xf32>,
      %get3A_247 = arith.index_cast %scan3A_135 : i32 to index
      %get3A_248 = arith.constant 176 : index
      %get3A_249 = tpu.vector_load %arg18[%get3A_247, %get3A_248] {strides = array<i32>} : memref<32x1024xf32, #tpu.memory_space<vmem>>, vector<16xf32>,
      %get3A_250 = arith.index_cast %scan3A_135 : i32 to index
      %get3A_251 = arith.constant 176 : index
      %get3A_252 = tpu.vector_load %arg19[%get3A_250, %get3A_251] {strides = array<i32>} : memref<32x1024xf32, #tpu.memory_space<vmem>>, vector<16xf32>,
      %add3A_253 = arith.addf %get3A_249, %get3A_252 : vector<16xf32>
      %swap3A_254 = arith.index_cast %scan3A_135 : i32 to index
      %swap3A_255 = arith.constant 176 : index
      %swap3A_256 = tpu.vector_load %arg18[%swap3A_254, %swap3A_255] {strides = array<i32>} : memref<32x1024xf32, #tpu.memory_space<vmem>>, vector<16xf32>,
      tpu.vector_store %arg18[%swap3A_254, %swap3A_255], %add3A_253 {strides = array<i32>} : memref<32x1024xf32, #tpu.memory_space<vmem>>, vector<16xf32>,
      %get3A_257 = arith.index_cast %scan3A_135 : i32 to index
      %get3A_258 = arith.constant 192 : index
      %get3A_259 = tpu.vector_load %arg18[%get3A_257, %get3A_258] {strides = array<i32>} : memref<32x1024xf32, #tpu.memory_space<vmem>>, vector<16xf32>,
      %get3A_260 = arith.index_cast %scan3A_135 : i32 to index
      %get3A_261 = arith.constant 192 : index
      %get3A_262 = tpu.vector_load %arg19[%get3A_260, %get3A_261] {strides = array<i32>} : memref<32x1024xf32, #tpu.memory_space<vmem>>, vector<16xf32>,
      %add3A_263 = arith.addf %get3A_259, %get3A_262 : vector<16xf32>
      %swap3A_264 = arith.index_cast %scan3A_135 : i32 to index
      %swap3A_265 = arith.constant 192 : index
      %swap3A_266 = tpu.vector_load %arg18[%swap3A_264, %swap3A_265] {strides = array<i32>} : memref<32x1024xf32, #tpu.memory_space<vmem>>, vector<16xf32>,
      tpu.vector_store %arg18[%swap3A_264, %swap3A_265], %add3A_263 {strides = array<i32>} : memref<32x1024xf32, #tpu.memory_space<vmem>>, vector<16xf32>,
      %get3A_267 = arith.index_cast %scan3A_135 : i32 to index
      %get3A_268 = arith.constant 208 : index
      %get3A_269 = tpu.vector_load %arg18[%get3A_267, %get3A_268] {strides = array<i32>} : memref<32x1024xf32, #tpu.memory_space<vmem>>, vector<16xf32>,
      %get3A_270 = arith.index_cast %scan3A_135 : i32 to index
      %get3A_271 = arith.constant 208 : index
      %get3A_272 = tpu.vector_load %arg19[%get3A_270, %get3A_271] {strides = array<i32>} : memref<32x1024xf32, #tpu.memory_space<vmem>>, vector<16xf32>,
      %add3A_273 = arith.addf %get3A_269, %get3A_272 : vector<16xf32>
      %swap3A_274 = arith.index_cast %scan3A_135 : i32 to index
      %swap3A_275 = arith.constant 208 : index
      %swap3A_276 = tpu.vector_load %arg18[%swap3A_274, %swap3A_275] {strides = array<i32>} : memref<32x1024xf32, #tpu.memory_space<vmem>>, vector<16xf32>,
      tpu.vector_store %arg18[%swap3A_274, %swap3A_275], %add3A_273 {strides = array<i32>} : memref<32x1024xf32, #tpu.memory_space<vmem>>, vector<16xf32>,
      %get3A_277 = arith.index_cast %scan3A_135 : i32 to index
      %get3A_278 = arith.constant 224 : index
      %get3A_279 = tpu.vector_load %arg18[%get3A_277, %get3A_278] {strides = array<i32>} : memref<32x1024xf32, #tpu.memory_space<vmem>>, vector<16xf32>,
      %get3A_280 = arith.index_cast %scan3A_135 : i32 to index
      %get3A_281 = arith.constant 224 : index
      %get3A_282 = tpu.vector_load %arg19[%get3A_280, %get3A_281] {strides = array<i32>} : memref<32x1024xf32, #tpu.memory_space<vmem>>, vector<16xf32>,
      %add3A_283 = arith.addf %get3A_279, %get3A_282 : vector<16xf32>
      %swap3A_284 = arith.index_cast %scan3A_135 : i32 to index
      %swap3A_285 = arith.constant 224 : index
      %swap3A_286 = tpu.vector_load %arg18[%swap3A_284, %swap3A_285] {strides = array<i32>} : memref<32x1024xf32, #tpu.memory_space<vmem>>, vector<16xf32>,
      tpu.vector_store %arg18[%swap3A_284, %swap3A_285], %add3A_283 {strides = array<i32>} : memref<32x1024xf32, #tpu.memory_space<vmem>>, vector<16xf32>,
      %get3A_287 = arith.index_cast %scan3A_135 : i32 to index
      %get3A_288 = arith.constant 240 : index
      %get3A_289 = tpu.vector_load %arg18[%get3A_287, %get3A_288] {strides = array<i32>} : memref<32x1024xf32, #tpu.memory_space<vmem>>, vector<16xf32>,
      %get3A_290 = arith.index_cast %scan3A_135 : i32 to index
      %get3A_291 = arith.constant 240 : index
      %get3A_292 = tpu.vector_load %arg19[%get3A_290, %get3A_291] {strides = array<i32>} : memref<32x1024xf32, #tpu.memory_space<vmem>>, vector<16xf32>,
      %add3A_293 = arith.addf %get3A_289, %get3A_292 : vector<16xf32>
      %swap3A_294 = arith.index_cast %scan3A_135 : i32 to index
      %swap3A_295 = arith.constant 240 : index
      %swap3A_296 = tpu.vector_load %arg18[%swap3A_294, %swap3A_295] {strides = array<i32>} : memref<32x1024xf32, #tpu.memory_space<vmem>>, vector<16xf32>,
      tpu.vector_store %arg18[%swap3A_294, %swap3A_295], %add3A_293 {strides = array<i32>} : memref<32x1024xf32, #tpu.memory_space<vmem>>, vector<16xf32>,
      %get3A_297 = arith.index_cast %scan3A_135 : i32 to index
      %get3A_298 = arith.constant 256 : index
      %get3A_299 = tpu.vector_load %arg18[%get3A_297, %get3A_298] {strides = array<i32>} : memref<32x1024xf32, #tpu.memory_space<vmem>>, vector<16xf32>,
      %get3A_300 = arith.index_cast %scan3A_135 : i32 to index
      %get3A_301 = arith.constant 256 : index
      %get3A_302 = tpu.vector_load %arg19[%get3A_300, %get3A_301] {strides = array<i32>} : memref<32x1024xf32, #tpu.memory_space<vmem>>, vector<16xf32>,
      %add3A_303 = arith.addf %get3A_299, %get3A_302 : vector<16xf32>
      %swap3A_304 = arith.index_cast %scan3A_135 : i32 to index
      %swap3A_305 = arith.constant 256 : index
      %swap3A_306 = tpu.vector_load %arg18[%swap3A_304, %swap3A_305] {strides = array<i32>} : memref<32x1024xf32, #tpu.memory_space<vmem>>, vector<16xf32>,
      tpu.vector_store %arg18[%swap3A_304, %swap3A_305], %add3A_303 {strides = array<i32>} : memref<32x1024xf32, #tpu.memory_space<vmem>>, vector<16xf32>,
      %get3A_307 = arith.index_cast %scan3A_135 : i32 to index
      %get3A_308 = arith.constant 272 : index
      %get3A_309 = tpu.vector_load %arg18[%get3A_307, %get3A_308] {strides = array<i32>} : memref<32x1024xf32, #tpu.memory_space<vmem>>, vector<16xf32>,
      %get3A_310 = arith.index_cast %scan3A_135 : i32 to index
      %get3A_311 = arith.constant 272 : index
      %get3A_312 = tpu.vector_load %arg19[%get3A_310, %get3A_311] {strides = array<i32>} : memref<32x1024xf32, #tpu.memory_space<vmem>>, vector<16xf32>,
      %add3A_313 = arith.addf %get3A_309, %get3A_312 : vector<16xf32>
      %swap3A_314 = arith.index_cast %scan3A_135 : i32 to index
      %swap3A_315 = arith.constant 272 : index
      %swap3A_316 = tpu.vector_load %arg18[%swap3A_314, %swap3A_315] {strides = array<i32>} : memref<32x1024xf32, #tpu.memory_space<vmem>>, vector<16xf32>,
      tpu.vector_store %arg18[%swap3A_314, %swap3A_315], %add3A_313 {strides = array<i32>} : memref<32x1024xf32, #tpu.memory_space<vmem>>, vector<16xf32>,
      %get3A_317 = arith.index_cast %scan3A_135 : i32 to index
      %get3A_318 = arith.constant 288 : index
      %get3A_319 = tpu.vector_load %arg18[%get3A_317, %get3A_318] {strides = array<i32>} : memref<32x1024xf32, #tpu.memory_space<vmem>>, vector<16xf32>,
      %get3A_320 = arith.index_cast %scan3A_135 : i32 to index
      %get3A_321 = arith.constant 288 : index
      %get3A_322 = tpu.vector_load %arg19[%get3A_320, %get3A_321] {strides = array<i32>} : memref<32x1024xf32, #tpu.memory_space<vmem>>, vector<16xf32>,
      %add3A_323 = arith.addf %get3A_319, %get3A_322 : vector<16xf32>
      %swap3A_324 = arith.index_cast %scan3A_135 : i32 to index
      %swap3A_325 = arith.constant 288 : index
      %swap3A_326 = tpu.vector_load %arg18[%swap3A_324, %swap3A_325] {strides = array<i32>} : memref<32x1024xf32, #tpu.memory_space<vmem>>, vector<16xf32>,
      tpu.vector_store %arg18[%swap3A_324, %swap3A_325], %add3A_323 {strides = array<i32>} : memref<32x1024xf32, #tpu.memory_space<vmem>>, vector<16xf32>,
      %get3A_327 = arith.index_cast %scan3A_135 : i32 to index
      %get3A_328 = arith.constant 304 : index
      %get3A_329 = tpu.vector_load %arg18[%get3A_327, %get3A_328] {strides = array<i32>} : memref<32x1024xf32, #tpu.memory_space<vmem>>, vector<16xf32>,
      %get3A_330 = arith.index_cast %scan3A_135 : i32 to index
      %get3A_331 = arith.constant 304 : index
      %get3A_332 = tpu.vector_load %arg19[%get3A_330, %get3A_331] {strides = array<i32>} : memref<32x1024xf32, #tpu.memory_space<vmem>>, vector<16xf32>,
      %add3A_333 = arith.addf %get3A_329, %get3A_332 : vector<16xf32>
      %swap3A_334 = arith.index_cast %scan3A_135 : i32 to index
      %swap3A_335 = arith.constant 304 : index
      %swap3A_336 = tpu.vector_load %arg18[%swap3A_334, %swap3A_335] {strides = array<i32>} : memref<32x1024xf32, #tpu.memory_space<vmem>>, vector<16xf32>,
      tpu.vector_store %arg18[%swap3A_334, %swap3A_335], %add3A_333 {strides = array<i32>} : memref<32x1024xf32, #tpu.memory_space<vmem>>, vector<16xf32>,
      %get3A_337 = arith.index_cast %scan3A_135 : i32 to index
      %get3A_338 = arith.constant 320 : index
      %get3A_339 = tpu.vector_load %arg18[%get3A_337, %get3A_338] {strides = array<i32>} : memref<32x1024xf32, #tpu.memory_space<vmem>>, vector<16xf32>,
      %get3A_340 = arith.index_cast %scan3A_135 : i32 to index
      %get3A_341 = arith.constant 320 : index
      %get3A_342 = tpu.vector_load %arg19[%get3A_340, %get3A_341] {strides = array<i32>} : memref<32x1024xf32, #tpu.memory_space<vmem>>, vector<16xf32>,
      %add3A_343 = arith.addf %get3A_339, %get3A_342 : vector<16xf32>
      %swap3A_344 = arith.index_cast %scan3A_135 : i32 to index
      %swap3A_345 = arith.constant 320 : index
      %swap3A_346 = tpu.vector_load %arg18[%swap3A_344, %swap3A_345] {strides = array<i32>} : memref<32x1024xf32, #tpu.memory_space<vmem>>, vector<16xf32>,
      tpu.vector_store %arg18[%swap3A_344, %swap3A_345], %add3A_343 {strides = array<i32>} : memref<32x1024xf32, #tpu.memory_space<vmem>>, vector<16xf32>,
      %get3A_347 = arith.index_cast %scan3A_135 : i32 to index
      %get3A_348 = arith.constant 336 : index
      %get3A_349 = tpu.vector_load %arg18[%get3A_347, %get3A_348] {strides = array<i32>} : memref<32x1024xf32, #tpu.memory_space<vmem>>, vector<16xf32>,
      %get3A_350 = arith.index_cast %scan3A_135 : i32 to index
      %get3A_351 = arith.constant 336 : index
      %get3A_352 = tpu.vector_load %arg19[%get3A_350, %get3A_351] {strides = array<i32>} : memref<32x1024xf32, #tpu.memory_space<vmem>>, vector<16xf32>,
      %add3A_353 = arith.addf %get3A_349, %get3A_352 : vector<16xf32>
      %swap3A_354 = arith.index_cast %scan3A_135 : i32 to index
      %swap3A_355 = arith.constant 336 : index
      %swap3A_356 = tpu.vector_load %arg18[%swap3A_354, %swap3A_355] {strides = array<i32>} : memref<32x1024xf32, #tpu.memory_space<vmem>>, vector<16xf32>,
      tpu.vector_store %arg18[%swap3A_354, %swap3A_355], %add3A_353 {strides = array<i32>} : memref<32x1024xf32, #tpu.memory_space<vmem>>, vector<16xf32>,
      %get3A_357 = arith.index_cast %scan3A_135 : i32 to index
      %get3A_358 = arith.constant 352 : index
      %get3A_359 = tpu.vector_load %arg18[%get3A_357, %get3A_358] {strides = array<i32>} : memref<32x1024xf32, #tpu.memory_space<vmem>>, vector<16xf32>,
      %get3A_360 = arith.index_cast %scan3A_135 : i32 to index
      %get3A_361 = arith.constant 352 : index
      %get3A_362 = tpu.vector_load %arg19[%get3A_360, %get3A_361] {strides = array<i32>} : memref<32x1024xf32, #tpu.memory_space<vmem>>, vector<16xf32>,
      %add3A_363 = arith.addf %get3A_359, %get3A_362 : vector<16xf32>
      %swap3A_364 = arith.index_cast %scan3A_135 : i32 to index
      %swap3A_365 = arith.constant 352 : index
      %swap3A_366 = tpu.vector_load %arg18[%swap3A_364, %swap3A_365] {strides = array<i32>} : memref<32x1024xf32, #tpu.memory_space<vmem>>, vector<16xf32>,
      tpu.vector_store %arg18[%swap3A_364, %swap3A_365], %add3A_363 {strides = array<i32>} : memref<32x1024xf32, #tpu.memory_space<vmem>>, vector<16xf32>,
      %get3A_367 = arith.index_cast %scan3A_135 : i32 to index
      %get3A_368 = arith.constant 368 : index
      %get3A_369 = tpu.vector_load %arg18[%get3A_367, %get3A_368] {strides = array<i32>} : memref<32x1024xf32, #tpu.memory_space<vmem>>, vector<16xf32>,
      %get3A_370 = arith.index_cast %scan3A_135 : i32 to index
      %get3A_371 = arith.constant 368 : index
      %get3A_372 = tpu.vector_load %arg19[%get3A_370, %get3A_371] {strides = array<i32>} : memref<32x1024xf32, #tpu.memory_space<vmem>>, vector<16xf32>,
      %add3A_373 = arith.addf %get3A_369, %get3A_372 : vector<16xf32>
      %swap3A_374 = arith.index_cast %scan3A_135 : i32 to index
      %swap3A_375 = arith.constant 368 : index
      %swap3A_376 = tpu.vector_load %arg18[%swap3A_374, %swap3A_375] {strides = array<i32>} : memref<32x1024xf32, #tpu.memory_space<vmem>>, vector<16xf32>,
      tpu.vector_store %arg18[%swap3A_374, %swap3A_375], %add3A_373 {strides = array<i32>} : memref<32x1024xf32, #tpu.memory_space<vmem>>, vector<16xf32>,
      %get3A_377 = arith.index_cast %scan3A_135 : i32 to index
      %get3A_378 = arith.constant 384 : index
      %get3A_379 = tpu.vector_load %arg18[%get3A_377, %get3A_378] {strides = array<i32>} : memref<32x1024xf32, #tpu.memory_space<vmem>>, vector<16xf32>,
      %get3A_380 = arith.index_cast %scan3A_135 : i32 to index
      %get3A_381 = arith.constant 384 : index
      %get3A_382 = tpu.vector_load %arg19[%get3A_380, %get3A_381] {strides = array<i32>} : memref<32x1024xf32, #tpu.memory_space<vmem>>, vector<16xf32>,
      %add3A_383 = arith.addf %get3A_379, %get3A_382 : vector<16xf32>
      %swap3A_384 = arith.index_cast %scan3A_135 : i32 to index
      %swap3A_385 = arith.constant 384 : index
      %swap3A_386 = tpu.vector_load %arg18[%swap3A_384, %swap3A_385] {strides = array<i32>} : memref<32x1024xf32, #tpu.memory_space<vmem>>, vector<16xf32>,
      tpu.vector_store %arg18[%swap3A_384, %swap3A_385], %add3A_383 {strides = array<i32>} : memref<32x1024xf32, #tpu.memory_space<vmem>>, vector<16xf32>,
      %get3A_387 = arith.index_cast %scan3A_135 : i32 to index
      %get3A_388 = arith.constant 400 : index
      %get3A_389 = tpu.vector_load %arg18[%get3A_387, %get3A_388] {strides = array<i32>} : memref<32x1024xf32, #tpu.memory_space<vmem>>, vector<16xf32>,
      %get3A_390 = arith.index_cast %scan3A_135 : i32 to index
      %get3A_391 = arith.constant 400 : index
      %get3A_392 = tpu.vector_load %arg19[%get3A_390, %get3A_391] {strides = array<i32>} : memref<32x1024xf32, #tpu.memory_space<vmem>>, vector<16xf32>,
      %add3A_393 = arith.addf %get3A_389, %get3A_392 : vector<16xf32>
      %swap3A_394 = arith.index_cast %scan3A_135 : i32 to index
      %swap3A_395 = arith.constant 400 : index
      %swap3A_396 = tpu.vector_load %arg18[%swap3A_394, %swap3A_395] {strides = array<i32>} : memref<32x1024xf32, #tpu.memory_space<vmem>>, vector<16xf32>,
      tpu.vector_store %arg18[%swap3A_394, %swap3A_395], %add3A_393 {strides = array<i32>} : memref<32x1024xf32, #tpu.memory_space<vmem>>, vector<16xf32>,
      %get3A_397 = arith.index_cast %scan3A_135 : i32 to index
      %get3A_398 = arith.constant 416 : index
      %get3A_399 = tpu.vector_load %arg18[%get3A_397, %get3A_398] {strides = array<i32>} : memref<32x1024xf32, #tpu.memory_space<vmem>>, vector<16xf32>,
      %get3A_400 = arith.index_cast %scan3A_135 : i32 to index
      %get3A_401 = arith.constant 416 : index
      %get3A_402 = tpu.vector_load %arg19[%get3A_400, %get3A_401] {strides = array<i32>} : memref<32x1024xf32, #tpu.memory_space<vmem>>, vector<16xf32>,
      %add3A_403 = arith.addf %get3A_399, %get3A_402 : vector<16xf32>
      %swap3A_404 = arith.index_cast %scan3A_135 : i32 to index
      %swap3A_405 = arith.constant 416 : index
      %swap3A_406 = tpu.vector_load %arg18[%swap3A_404, %swap3A_405] {strides = array<i32>} : memref<32x1024xf32, #tpu.memory_space<vmem>>, vector<16xf32>,
      tpu.vector_store %arg18[%swap3A_404, %swap3A_405], %add3A_403 {strides = array<i32>} : memref<32x1024xf32, #tpu.memory_space<vmem>>, vector<16xf32>,
      %get3A_407 = arith.index_cast %scan3A_135 : i32 to index
      %get3A_408 = arith.constant 432 : index
      %get3A_409 = tpu.vector_load %arg18[%get3A_407, %get3A_408] {strides = array<i32>} : memref<32x1024xf32, #tpu.memory_space<vmem>>, vector<16xf32>,
      %get3A_410 = arith.index_cast %scan3A_135 : i32 to index
      %get3A_411 = arith.constant 432 : index
      %get3A_412 = tpu.vector_load %arg19[%get3A_410, %get3A_411] {strides = array<i32>} : memref<32x1024xf32, #tpu.memory_space<vmem>>, vector<16xf32>,
      %add3A_413 = arith.addf %get3A_409, %get3A_412 : vector<16xf32>
      %swap3A_414 = arith.index_cast %scan3A_135 : i32 to index
      %swap3A_415 = arith.constant 432 : index
      %swap3A_416 = tpu.vector_load %arg18[%swap3A_414, %swap3A_415] {strides = array<i32>} : memref<32x1024xf32, #tpu.memory_space<vmem>>, vector<16xf32>,
      tpu.vector_store %arg18[%swap3A_414, %swap3A_415], %add3A_413 {strides = array<i32>} : memref<32x1024xf32, #tpu.memory_space<vmem>>, vector<16xf32>,
      %get3A_417 = arith.index_cast %scan3A_135 : i32 to index
      %get3A_418 = arith.constant 448 : index
      %get3A_419 = tpu.vector_load %arg18[%get3A_417, %get3A_418] {strides = array<i32>} : memref<32x1024xf32, #tpu.memory_space<vmem>>, vector<16xf32>,
      %get3A_420 = arith.index_cast %scan3A_135 : i32 to index
      %get3A_421 = arith.constant 448 : index
      %get3A_422 = tpu.vector_load %arg19[%get3A_420, %get3A_421] {strides = array<i32>} : memref<32x1024xf32, #tpu.memory_space<vmem>>, vector<16xf32>,
      %add3A_423 = arith.addf %get3A_419, %get3A_422 : vector<16xf32>
      %swap3A_424 = arith.index_cast %scan3A_135 : i32 to index
      %swap3A_425 = arith.constant 448 : index
      %swap3A_426 = tpu.vector_load %arg18[%swap3A_424, %swap3A_425] {strides = array<i32>} : memref<32x1024xf32, #tpu.memory_space<vmem>>, vector<16xf32>,
      tpu.vector_store %arg18[%swap3A_424, %swap3A_425], %add3A_423 {strides = array<i32>} : memref<32x1024xf32, #tpu.memory_space<vmem>>, vector<16xf32>,
      %get3A_427 = arith.index_cast %scan3A_135 : i32 to index
      %get3A_428 = arith.constant 464 : index
      %get3A_429 = tpu.vector_load %arg18[%get3A_427, %get3A_428] {strides = array<i32>} : memref<32x1024xf32, #tpu.memory_space<vmem>>, vector<16xf32>,
      %get3A_430 = arith.index_cast %scan3A_135 : i32 to index
      %get3A_431 = arith.constant 464 : index
      %get3A_432 = tpu.vector_load %arg19[%get3A_430, %get3A_431] {strides = array<i32>} : memref<32x1024xf32, #tpu.memory_space<vmem>>, vector<16xf32>,
      %add3A_433 = arith.addf %get3A_429, %get3A_432 : vector<16xf32>
      %swap3A_434 = arith.index_cast %scan3A_135 : i32 to index
      %swap3A_435 = arith.constant 464 : index
      %swap3A_436 = tpu.vector_load %arg18[%swap3A_434, %swap3A_435] {strides = array<i32>} : memref<32x1024xf32, #tpu.memory_space<vmem>>, vector<16xf32>,
      tpu.vector_store %arg18[%swap3A_434, %swap3A_435], %add3A_433 {strides = array<i32>} : memref<32x1024xf32, #tpu.memory_space<vmem>>, vector<16xf32>,
      %get3A_437 = arith.index_cast %scan3A_135 : i32 to index
      %get3A_438 = arith.constant 480 : index
      %get3A_439 = tpu.vector_load %arg18[%get3A_437, %get3A_438] {strides = array<i32>} : memref<32x1024xf32, #tpu.memory_space<vmem>>, vector<16xf32>,
      %get3A_440 = arith.index_cast %scan3A_135 : i32 to index
      %get3A_441 = arith.constant 480 : index
      %get3A_442 = tpu.vector_load %arg19[%get3A_440, %get3A_441] {strides = array<i32>} : memref<32x1024xf32, #tpu.memory_space<vmem>>, vector<16xf32>,
      %add3A_443 = arith.addf %get3A_439, %get3A_442 : vector<16xf32>
      %swap3A_444 = arith.index_cast %scan3A_135 : i32 to index
      %swap3A_445 = arith.constant 480 : index
      %swap3A_446 = tpu.vector_load %arg18[%swap3A_444, %swap3A_445] {strides = array<i32>} : memref<32x1024xf32, #tpu.memory_space<vmem>>, vector<16xf32>,
      tpu.vector_store %arg18[%swap3A_444, %swap3A_445], %add3A_443 {strides = array<i32>} : memref<32x1024xf32, #tpu.memory_space<vmem>>, vector<16xf32>,
      %get3A_447 = arith.index_cast %scan3A_135 : i32 to index
      %get3A_448 = arith.constant 496 : index
      %get3A_449 = tpu.vector_load %arg18[%get3A_447, %get3A_448] {strides = array<i32>} : memref<32x1024xf32, #tpu.memory_space<vmem>>, vector<16xf32>,
      %get3A_450 = arith.index_cast %scan3A_135 : i32 to index
      %get3A_451 = arith.constant 496 : index
      %get3A_452 = tpu.vector_load %arg19[%get3A_450, %get3A_451] {strides = array<i32>} : memref<32x1024xf32, #tpu.memory_space<vmem>>, vector<16xf32>,
      %add3A_453 = arith.addf %get3A_449, %get3A_452 : vector<16xf32>
      %swap3A_454 = arith.index_cast %scan3A_135 : i32 to index
      %swap3A_455 = arith.constant 496 : index
      %swap3A_456 = tpu.vector_load %arg18[%swap3A_454, %swap3A_455] {strides = array<i32>} : memref<32x1024xf32, #tpu.memory_space<vmem>>, vector<16xf32>,
      tpu.vector_store %arg18[%swap3A_454, %swap3A_455], %add3A_453 {strides = array<i32>} : memref<32x1024xf32, #tpu.memory_space<vmem>>, vector<16xf32>,
      %get3A_457 = arith.index_cast %scan3A_135 : i32 to index
      %get3A_458 = arith.constant 512 : index
      %get3A_459 = tpu.vector_load %arg18[%get3A_457, %get3A_458] {strides = array<i32>} : memref<32x1024xf32, #tpu.memory_space<vmem>>, vector<16xf32>,
      %get3A_460 = arith.index_cast %scan3A_135 : i32 to index
      %get3A_461 = arith.constant 512 : index
      %get3A_462 = tpu.vector_load %arg19[%get3A_460, %get3A_461] {strides = array<i32>} : memref<32x1024xf32, #tpu.memory_space<vmem>>, vector<16xf32>,
      %add3A_463 = arith.addf %get3A_459, %get3A_462 : vector<16xf32>
      %swap3A_464 = arith.index_cast %scan3A_135 : i32 to index
      %swap3A_465 = arith.constant 512 : index
      %swap3A_466 = tpu.vector_load %arg18[%swap3A_464, %swap3A_465] {strides = array<i32>} : memref<32x1024xf32, #tpu.memory_space<vmem>>, vector<16xf32>,
      tpu.vector_store %arg18[%swap3A_464, %swap3A_465], %add3A_463 {strides = array<i32>} : memref<32x1024xf32, #tpu.memory_space<vmem>>, vector<16xf32>,
      %get3A_467 = arith.index_cast %scan3A_135 : i32 to index
      %get3A_468 = arith.constant 528 : index
      %get3A_469 = tpu.vector_load %arg18[%get3A_467, %get3A_468] {strides = array<i32>} : memref<32x1024xf32, #tpu.memory_space<vmem>>, vector<16xf32>,
      %get3A_470 = arith.index_cast %scan3A_135 : i32 to index
      %get3A_471 = arith.constant 528 : index
      %get3A_472 = tpu.vector_load %arg19[%get3A_470, %get3A_471] {strides = array<i32>} : memref<32x1024xf32, #tpu.memory_space<vmem>>, vector<16xf32>,
      %add3A_473 = arith.addf %get3A_469, %get3A_472 : vector<16xf32>
      %swap3A_474 = arith.index_cast %scan3A_135 : i32 to index
      %swap3A_475 = arith.constant 528 : index
      %swap3A_476 = tpu.vector_load %arg18[%swap3A_474, %swap3A_475] {strides = array<i32>} : memref<32x1024xf32, #tpu.memory_space<vmem>>, vector<16xf32>,
      tpu.vector_store %arg18[%swap3A_474, %swap3A_475], %add3A_473 {strides = array<i32>} : memref<32x1024xf32, #tpu.memory_space<vmem>>, vector<16xf32>,
      %get3A_477 = arith.index_cast %scan3A_135 : i32 to index
      %get3A_478 = arith.constant 544 : index
      %get3A_479 = tpu.vector_load %arg18[%get3A_477, %get3A_478] {strides = array<i32>} : memref<32x1024xf32, #tpu.memory_space<vmem>>, vector<16xf32>,
      %get3A_480 = arith.index_cast %scan3A_135 : i32 to index
      %get3A_481 = arith.constant 544 : index
      %get3A_482 = tpu.vector_load %arg19[%get3A_480, %get3A_481] {strides = array<i32>} : memref<32x1024xf32, #tpu.memory_space<vmem>>, vector<16xf32>,
      %add3A_483 = arith.addf %get3A_479, %get3A_482 : vector<16xf32>
      %swap3A_484 = arith.index_cast %scan3A_135 : i32 to index
      %swap3A_485 = arith.constant 544 : index
      %swap3A_486 = tpu.vector_load %arg18[%swap3A_484, %swap3A_485] {strides = array<i32>} : memref<32x1024xf32, #tpu.memory_space<vmem>>, vector<16xf32>,
      tpu.vector_store %arg18[%swap3A_484, %swap3A_485], %add3A_483 {strides = array<i32>} : memref<32x1024xf32, #tpu.memory_space<vmem>>, vector<16xf32>,
      %get3A_487 = arith.index_cast %scan3A_135 : i32 to index
      %get3A_488 = arith.constant 560 : index
      %get3A_489 = tpu.vector_load %arg18[%get3A_487, %get3A_488] {strides = array<i32>} : memref<32x1024xf32, #tpu.memory_space<vmem>>, vector<16xf32>,
      %get3A_490 = arith.index_cast %scan3A_135 : i32 to index
      %get3A_491 = arith.constant 560 : index
      %get3A_492 = tpu.vector_load %arg19[%get3A_490, %get3A_491] {strides = array<i32>} : memref<32x1024xf32, #tpu.memory_space<vmem>>, vector<16xf32>,
      %add3A_493 = arith.addf %get3A_489, %get3A_492 : vector<16xf32>
      %swap3A_494 = arith.index_cast %scan3A_135 : i32 to index
      %swap3A_495 = arith.constant 560 : index
      %swap3A_496 = tpu.vector_load %arg18[%swap3A_494, %swap3A_495] {strides = array<i32>} : memref<32x1024xf32, #tpu.memory_space<vmem>>, vector<16xf32>,
      tpu.vector_store %arg18[%swap3A_494, %swap3A_495], %add3A_493 {strides = array<i32>} : memref<32x1024xf32, #tpu.memory_space<vmem>>, vector<16xf32>,
      %get3A_497 = arith.index_cast %scan3A_135 : i32 to index
      %get3A_498 = arith.constant 576 : index
      %get3A_499 = tpu.vector_load %arg18[%get3A_497, %get3A_498] {strides = array<i32>} : memref<32x1024xf32, #tpu.memory_space<vmem>>, vector<16xf32>,
      %get3A_500 = arith.index_cast %scan3A_135 : i32 to index
      %get3A_501 = arith.constant 576 : index
      %get3A_502 = tpu.vector_load %arg19[%get3A_500, %get3A_501] {strides = array<i32>} : memref<32x1024xf32, #tpu.memory_space<vmem>>, vector<16xf32>,
      %add3A_503 = arith.addf %get3A_499, %get3A_502 : vector<16xf32>
      %swap3A_504 = arith.index_cast %scan3A_135 : i32 to index
      %swap3A_505 = arith.constant 576 : index
      %swap3A_506 = tpu.vector_load %arg18[%swap3A_504, %swap3A_505] {strides = array<i32>} : memref<32x1024xf32, #tpu.memory_space<vmem>>, vector<16xf32>,
      tpu.vector_store %arg18[%swap3A_504, %swap3A_505], %add3A_503 {strides = array<i32>} : memref<32x1024xf32, #tpu.memory_space<vmem>>, vector<16xf32>,
      %get3A_507 = arith.index_cast %scan3A_135 : i32 to index
      %get3A_508 = arith.constant 592 : index
      %get3A_509 = tpu.vector_load %arg18[%get3A_507, %get3A_508] {strides = array<i32>} : memref<32x1024xf32, #tpu.memory_space<vmem>>, vector<16xf32>,
      %get3A_510 = arith.index_cast %scan3A_135 : i32 to index
      %get3A_511 = arith.constant 592 : index
      %get3A_512 = tpu.vector_load %arg19[%get3A_510, %get3A_511] {strides = array<i32>} : memref<32x1024xf32, #tpu.memory_space<vmem>>, vector<16xf32>,
      %add3A_513 = arith.addf %get3A_509, %get3A_512 : vector<16xf32>
      %swap3A_514 = arith.index_cast %scan3A_135 : i32 to index
      %swap3A_515 = arith.constant 592 : index
      %swap3A_516 = tpu.vector_load %arg18[%swap3A_514, %swap3A_515] {strides = array<i32>} : memref<32x1024xf32, #tpu.memory_space<vmem>>, vector<16xf32>,
      tpu.vector_store %arg18[%swap3A_514, %swap3A_515], %add3A_513 {strides = array<i32>} : memref<32x1024xf32, #tpu.memory_space<vmem>>, vector<16xf32>,
      %get3A_517 = arith.index_cast %scan3A_135 : i32 to index
      %get3A_518 = arith.constant 608 : index
      %get3A_519 = tpu.vector_load %arg18[%get3A_517, %get3A_518] {strides = array<i32>} : memref<32x1024xf32, #tpu.memory_space<vmem>>, vector<16xf32>,
      %get3A_520 = arith.index_cast %scan3A_135 : i32 to index
      %get3A_521 = arith.constant 608 : index
      %get3A_522 = tpu.vector_load %arg19[%get3A_520, %get3A_521] {strides = array<i32>} : memref<32x1024xf32, #tpu.memory_space<vmem>>, vector<16xf32>,
      %add3A_523 = arith.addf %get3A_519, %get3A_522 : vector<16xf32>
      %swap3A_524 = arith.index_cast %scan3A_135 : i32 to index
      %swap3A_525 = arith.constant 608 : index
      %swap3A_526 = tpu.vector_load %arg18[%swap3A_524, %swap3A_525] {strides = array<i32>} : memref<32x1024xf32, #tpu.memory_space<vmem>>, vector<16xf32>,
      tpu.vector_store %arg18[%swap3A_524, %swap3A_525], %add3A_523 {strides = array<i32>} : memref<32x1024xf32, #tpu.memory_space<vmem>>, vector<16xf32>,
      %get3A_527 = arith.index_cast %scan3A_135 : i32 to index
      %get3A_528 = arith.constant 624 : index
      %get3A_529 = tpu.vector_load %arg18[%get3A_527, %get3A_528] {strides = array<i32>} : memref<32x1024xf32, #tpu.memory_space<vmem>>, vector<16xf32>,
      %get3A_530 = arith.index_cast %scan3A_135 : i32 to index
      %get3A_531 = arith.constant 624 : index
      %get3A_532 = tpu.vector_load %arg19[%get3A_530, %get3A_531] {strides = array<i32>} : memref<32x1024xf32, #tpu.memory_space<vmem>>, vector<16xf32>,
      %add3A_533 = arith.addf %get3A_529, %get3A_532 : vector<16xf32>
      %swap3A_534 = arith.index_cast %scan3A_135 : i32 to index
      %swap3A_535 = arith.constant 624 : index
      %swap3A_536 = tpu.vector_load %arg18[%swap3A_534, %swap3A_535] {strides = array<i32>} : memref<32x1024xf32, #tpu.memory_space<vmem>>, vector<16xf32>,
      tpu.vector_store %arg18[%swap3A_534, %swap3A_535], %add3A_533 {strides = array<i32>} : memref<32x1024xf32, #tpu.memory_space<vmem>>, vector<16xf32>,
      %get3A_537 = arith.index_cast %scan3A_135 : i32 to index
      %get3A_538 = arith.constant 640 : index
      %get3A_539 = tpu.vector_load %arg18[%get3A_537, %get3A_538] {strides = array<i32>} : memref<32x1024xf32, #tpu.memory_space<vmem>>, vector<16xf32>,
      %get3A_540 = arith.index_cast %scan3A_135 : i32 to index
      %get3A_541 = arith.constant 640 : index
      %get3A_542 = tpu.vector_load %arg19[%get3A_540, %get3A_541] {strides = array<i32>} : memref<32x1024xf32, #tpu.memory_space<vmem>>, vector<16xf32>,
      %add3A_543 = arith.addf %get3A_539, %get3A_542 : vector<16xf32>
      %swap3A_544 = arith.index_cast %scan3A_135 : i32 to index
      %swap3A_545 = arith.constant 640 : index
      %swap3A_546 = tpu.vector_load %arg18[%swap3A_544, %swap3A_545] {strides = array<i32>} : memref<32x1024xf32, #tpu.memory_space<vmem>>, vector<16xf32>,
      tpu.vector_store %arg18[%swap3A_544, %swap3A_545], %add3A_543 {strides = array<i32>} : memref<32x1024xf32, #tpu.memory_space<vmem>>, vector<16xf32>,
      %get3A_547 = arith.index_cast %scan3A_135 : i32 to index
      %get3A_548 = arith.constant 656 : index
      %get3A_549 = tpu.vector_load %arg18[%get3A_547, %get3A_548] {strides = array<i32>} : memref<32x1024xf32, #tpu.memory_space<vmem>>, vector<16xf32>,
      %get3A_550 = arith.index_cast %scan3A_135 : i32 to index
      %get3A_551 = arith.constant 656 : index
      %get3A_552 = tpu.vector_load %arg19[%get3A_550, %get3A_551] {strides = array<i32>} : memref<32x1024xf32, #tpu.memory_space<vmem>>, vector<16xf32>,
      %add3A_553 = arith.addf %get3A_549, %get3A_552 : vector<16xf32>
      %swap3A_554 = arith.index_cast %scan3A_135 : i32 to index
      %swap3A_555 = arith.constant 656 : index
      %swap3A_556 = tpu.vector_load %arg18[%swap3A_554, %swap3A_555] {strides = array<i32>} : memref<32x1024xf32, #tpu.memory_space<vmem>>, vector<16xf32>,
      tpu.vector_store %arg18[%swap3A_554, %swap3A_555], %add3A_553 {strides = array<i32>} : memref<32x1024xf32, #tpu.memory_space<vmem>>, vector<16xf32>,
      %get3A_557 = arith.index_cast %scan3A_135 : i32 to index
      %get3A_558 = arith.constant 672 : index
      %get3A_559 = tpu.vector_load %arg18[%get3A_557, %get3A_558] {strides = array<i32>} : memref<32x1024xf32, #tpu.memory_space<vmem>>, vector<16xf32>,
      %get3A_560 = arith.index_cast %scan3A_135 : i32 to index
      %get3A_561 = arith.constant 672 : index
      %get3A_562 = tpu.vector_load %arg19[%get3A_560, %get3A_561] {strides = array<i32>} : memref<32x1024xf32, #tpu.memory_space<vmem>>, vector<16xf32>,
      %add3A_563 = arith.addf %get3A_559, %get3A_562 : vector<16xf32>
      %swap3A_564 = arith.index_cast %scan3A_135 : i32 to index
      %swap3A_565 = arith.constant 672 : index
      %swap3A_566 = tpu.vector_load %arg18[%swap3A_564, %swap3A_565] {strides = array<i32>} : memref<32x1024xf32, #tpu.memory_space<vmem>>, vector<16xf32>,
      tpu.vector_store %arg18[%swap3A_564, %swap3A_565], %add3A_563 {strides = array<i32>} : memref<32x1024xf32, #tpu.memory_space<vmem>>, vector<16xf32>,
      %get3A_567 = arith.index_cast %scan3A_135 : i32 to index
      %get3A_568 = arith.constant 688 : index
      %get3A_569 = tpu.vector_load %arg18[%get3A_567, %get3A_568] {strides = array<i32>} : memref<32x1024xf32, #tpu.memory_space<vmem>>, vector<16xf32>,
      %get3A_570 = arith.index_cast %scan3A_135 : i32 to index
      %get3A_571 = arith.constant 688 : index
      %get3A_572 = tpu.vector_load %arg19[%get3A_570, %get3A_571] {strides = array<i32>} : memref<32x1024xf32, #tpu.memory_space<vmem>>, vector<16xf32>,
      %add3A_573 = arith.addf %get3A_569, %get3A_572 : vector<16xf32>
      %swap3A_574 = arith.index_cast %scan3A_135 : i32 to index
      %swap3A_575 = arith.constant 688 : index
      %swap3A_576 = tpu.vector_load %arg18[%swap3A_574, %swap3A_575] {strides = array<i32>} : memref<32x1024xf32, #tpu.memory_space<vmem>>, vector<16xf32>,
      tpu.vector_store %arg18[%swap3A_574, %swap3A_575], %add3A_573 {strides = array<i32>} : memref<32x1024xf32, #tpu.memory_space<vmem>>, vector<16xf32>,
      %get3A_577 = arith.index_cast %scan3A_135 : i32 to index
      %get3A_578 = arith.constant 704 : index
      %get3A_579 = tpu.vector_load %arg18[%get3A_577, %get3A_578] {strides = array<i32>} : memref<32x1024xf32, #tpu.memory_space<vmem>>, vector<16xf32>,
      %get3A_580 = arith.index_cast %scan3A_135 : i32 to index
      %get3A_581 = arith.constant 704 : index
      %get3A_582 = tpu.vector_load %arg19[%get3A_580, %get3A_581] {strides = array<i32>} : memref<32x1024xf32, #tpu.memory_space<vmem>>, vector<16xf32>,
      %add3A_583 = arith.addf %get3A_579, %get3A_582 : vector<16xf32>
      %swap3A_584 = arith.index_cast %scan3A_135 : i32 to index
      %swap3A_585 = arith.constant 704 : index
      %swap3A_586 = tpu.vector_load %arg18[%swap3A_584, %swap3A_585] {strides = array<i32>} : memref<32x1024xf32, #tpu.memory_space<vmem>>, vector<16xf32>,
      tpu.vector_store %arg18[%swap3A_584, %swap3A_585], %add3A_583 {strides = array<i32>} : memref<32x1024xf32, #tpu.memory_space<vmem>>, vector<16xf32>,
      %get3A_587 = arith.index_cast %scan3A_135 : i32 to index
      %get3A_588 = arith.constant 720 : index
      %get3A_589 = tpu.vector_load %arg18[%get3A_587, %get3A_588] {strides = array<i32>} : memref<32x1024xf32, #tpu.memory_space<vmem>>, vector<16xf32>,
      %get3A_590 = arith.index_cast %scan3A_135 : i32 to index
      %get3A_591 = arith.constant 720 : index
      %get3A_592 = tpu.vector_load %arg19[%get3A_590, %get3A_591] {strides = array<i32>} : memref<32x1024xf32, #tpu.memory_space<vmem>>, vector<16xf32>,
      %add3A_593 = arith.addf %get3A_589, %get3A_592 : vector<16xf32>
      %swap3A_594 = arith.index_cast %scan3A_135 : i32 to index
      %swap3A_595 = arith.constant 720 : index
      %swap3A_596 = tpu.vector_load %arg18[%swap3A_594, %swap3A_595] {strides = array<i32>} : memref<32x1024xf32, #tpu.memory_space<vmem>>, vector<16xf32>,
      tpu.vector_store %arg18[%swap3A_594, %swap3A_595], %add3A_593 {strides = array<i32>} : memref<32x1024xf32, #tpu.memory_space<vmem>>, vector<16xf32>,
      %get3A_597 = arith.index_cast %scan3A_135 : i32 to index
      %get3A_598 = arith.constant 736 : index
      %get3A_599 = tpu.vector_load %arg18[%get3A_597, %get3A_598] {strides = array<i32>} : memref<32x1024xf32, #tpu.memory_space<vmem>>, vector<16xf32>,
      %get3A_600 = arith.index_cast %scan3A_135 : i32 to index
      %get3A_601 = arith.constant 736 : index
      %get3A_602 = tpu.vector_load %arg19[%get3A_600, %get3A_601] {strides = array<i32>} : memref<32x1024xf32, #tpu.memory_space<vmem>>, vector<16xf32>,
      %add3A_603 = arith.addf %get3A_599, %get3A_602 : vector<16xf32>
      %swap3A_604 = arith.index_cast %scan3A_135 : i32 to index
      %swap3A_605 = arith.constant 736 : index
      %swap3A_606 = tpu.vector_load %arg18[%swap3A_604, %swap3A_605] {strides = array<i32>} : memref<32x1024xf32, #tpu.memory_space<vmem>>, vector<16xf32>,
      tpu.vector_store %arg18[%swap3A_604, %swap3A_605], %add3A_603 {strides = array<i32>} : memref<32x1024xf32, #tpu.memory_space<vmem>>, vector<16xf32>,
      %get3A_607 = arith.index_cast %scan3A_135 : i32 to index
      %get3A_608 = arith.constant 752 : index
      %get3A_609 = tpu.vector_load %arg18[%get3A_607, %get3A_608] {strides = array<i32>} : memref<32x1024xf32, #tpu.memory_space<vmem>>, vector<16xf32>,
      %get3A_610 = arith.index_cast %scan3A_135 : i32 to index
      %get3A_611 = arith.constant 752 : index
      %get3A_612 = tpu.vector_load %arg19[%get3A_610, %get3A_611] {strides = array<i32>} : memref<32x1024xf32, #tpu.memory_space<vmem>>, vector<16xf32>,
      %add3A_613 = arith.addf %get3A_609, %get3A_612 : vector<16xf32>
      %swap3A_614 = arith.index_cast %scan3A_135 : i32 to index
      %swap3A_615 = arith.constant 752 : index
      %swap3A_616 = tpu.vector_load %arg18[%swap3A_614, %swap3A_615] {strides = array<i32>} : memref<32x1024xf32, #tpu.memory_space<vmem>>, vector<16xf32>,
      tpu.vector_store %arg18[%swap3A_614, %swap3A_615], %add3A_613 {strides = array<i32>} : memref<32x1024xf32, #tpu.memory_space<vmem>>, vector<16xf32>,
      %get3A_617 = arith.index_cast %scan3A_135 : i32 to index
      %get3A_618 = arith.constant 768 : index
      %get3A_619 = tpu.vector_load %arg18[%get3A_617, %get3A_618] {strides = array<i32>} : memref<32x1024xf32, #tpu.memory_space<vmem>>, vector<16xf32>,
      %get3A_620 = arith.index_cast %scan3A_135 : i32 to index
      %get3A_621 = arith.constant 768 : index
      %get3A_622 = tpu.vector_load %arg19[%get3A_620, %get3A_621] {strides = array<i32>} : memref<32x1024xf32, #tpu.memory_space<vmem>>, vector<16xf32>,
      %add3A_623 = arith.addf %get3A_619, %get3A_622 : vector<16xf32>
      %swap3A_624 = arith.index_cast %scan3A_135 : i32 to index
      %swap3A_625 = arith.constant 768 : index
      %swap3A_626 = tpu.vector_load %arg18[%swap3A_624, %swap3A_625] {strides = array<i32>} : memref<32x1024xf32, #tpu.memory_space<vmem>>, vector<16xf32>,
      tpu.vector_store %arg18[%swap3A_624, %swap3A_625], %add3A_623 {strides = array<i32>} : memref<32x1024xf32, #tpu.memory_space<vmem>>, vector<16xf32>,
      %get3A_627 = arith.index_cast %scan3A_135 : i32 to index
      %get3A_628 = arith.constant 784 : index
      %get3A_629 = tpu.vector_load %arg18[%get3A_627, %get3A_628] {strides = array<i32>} : memref<32x1024xf32, #tpu.memory_space<vmem>>, vector<16xf32>,
      %get3A_630 = arith.index_cast %scan3A_135 : i32 to index
      %get3A_631 = arith.constant 784 : index
      %get3A_632 = tpu.vector_load %arg19[%get3A_630, %get3A_631] {strides = array<i32>} : memref<32x1024xf32, #tpu.memory_space<vmem>>, vector<16xf32>,
      %add3A_633 = arith.addf %get3A_629, %get3A_632 : vector<16xf32>
      %swap3A_634 = arith.index_cast %scan3A_135 : i32 to index
      %swap3A_635 = arith.constant 784 : index
      %swap3A_636 = tpu.vector_load %arg18[%swap3A_634, %swap3A_635] {strides = array<i32>} : memref<32x1024xf32, #tpu.memory_space<vmem>>, vector<16xf32>,
      tpu.vector_store %arg18[%swap3A_634, %swap3A_635], %add3A_633 {strides = array<i32>} : memref<32x1024xf32, #tpu.memory_space<vmem>>, vector<16xf32>,
      %get3A_637 = arith.index_cast %scan3A_135 : i32 to index
      %get3A_638 = arith.constant 800 : index
      %get3A_639 = tpu.vector_load %arg18[%get3A_637, %get3A_638] {strides = array<i32>} : memref<32x1024xf32, #tpu.memory_space<vmem>>, vector<16xf32>,
      %get3A_640 = arith.index_cast %scan3A_135 : i32 to index
      %get3A_641 = arith.constant 800 : index
      %get3A_642 = tpu.vector_load %arg19[%get3A_640, %get3A_641] {strides = array<i32>} : memref<32x1024xf32, #tpu.memory_space<vmem>>, vector<16xf32>,
      %add3A_643 = arith.addf %get3A_639, %get3A_642 : vector<16xf32>
      %swap3A_644 = arith.index_cast %scan3A_135 : i32 to index
      %swap3A_645 = arith.constant 800 : index
      %swap3A_646 = tpu.vector_load %arg18[%swap3A_644, %swap3A_645] {strides = array<i32>} : memref<32x1024xf32, #tpu.memory_space<vmem>>, vector<16xf32>,
      tpu.vector_store %arg18[%swap3A_644, %swap3A_645], %add3A_643 {strides = array<i32>} : memref<32x1024xf32, #tpu.memory_space<vmem>>, vector<16xf32>,
      %get3A_647 = arith.index_cast %scan3A_135 : i32 to index
      %get3A_648 = arith.constant 816 : index
      %get3A_649 = tpu.vector_load %arg18[%get3A_647, %get3A_648] {strides = array<i32>} : memref<32x1024xf32, #tpu.memory_space<vmem>>, vector<16xf32>,
      %get3A_650 = arith.index_cast %scan3A_135 : i32 to index
      %get3A_651 = arith.constant 816 : index
      %get3A_652 = tpu.vector_load %arg19[%get3A_650, %get3A_651] {strides = array<i32>} : memref<32x1024xf32, #tpu.memory_space<vmem>>, vector<16xf32>,
      %add3A_653 = arith.addf %get3A_649, %get3A_652 : vector<16xf32>
      %swap3A_654 = arith.index_cast %scan3A_135 : i32 to index
      %swap3A_655 = arith.constant 816 : index
      %swap3A_656 = tpu.vector_load %arg18[%swap3A_654, %swap3A_655] {strides = array<i32>} : memref<32x1024xf32, #tpu.memory_space<vmem>>, vector<16xf32>,
      tpu.vector_store %arg18[%swap3A_654, %swap3A_655], %add3A_653 {strides = array<i32>} : memref<32x1024xf32, #tpu.memory_space<vmem>>, vector<16xf32>,
      %get3A_657 = arith.index_cast %scan3A_135 : i32 to index
      %get3A_658 = arith.constant 832 : index
      %get3A_659 = tpu.vector_load %arg18[%get3A_657, %get3A_658] {strides = array<i32>} : memref<32x1024xf32, #tpu.memory_space<vmem>>, vector<16xf32>,
      %get3A_660 = arith.index_cast %scan3A_135 : i32 to index
      %get3A_661 = arith.constant 832 : index
      %get3A_662 = tpu.vector_load %arg19[%get3A_660, %get3A_661] {strides = array<i32>} : memref<32x1024xf32, #tpu.memory_space<vmem>>, vector<16xf32>,
      %add3A_663 = arith.addf %get3A_659, %get3A_662 : vector<16xf32>
      %swap3A_664 = arith.index_cast %scan3A_135 : i32 to index
      %swap3A_665 = arith.constant 832 : index
      %swap3A_666 = tpu.vector_load %arg18[%swap3A_664, %swap3A_665] {strides = array<i32>} : memref<32x1024xf32, #tpu.memory_space<vmem>>, vector<16xf32>,
      tpu.vector_store %arg18[%swap3A_664, %swap3A_665], %add3A_663 {strides = array<i32>} : memref<32x1024xf32, #tpu.memory_space<vmem>>, vector<16xf32>,
      %get3A_667 = arith.index_cast %scan3A_135 : i32 to index
      %get3A_668 = arith.constant 848 : index
      %get3A_669 = tpu.vector_load %arg18[%get3A_667, %get3A_668] {strides = array<i32>} : memref<32x1024xf32, #tpu.memory_space<vmem>>, vector<16xf32>,
      %get3A_670 = arith.index_cast %scan3A_135 : i32 to index
      %get3A_671 = arith.constant 848 : index
      %get3A_672 = tpu.vector_load %arg19[%get3A_670, %get3A_671] {strides = array<i32>} : memref<32x1024xf32, #tpu.memory_space<vmem>>, vector<16xf32>,
      %add3A_673 = arith.addf %get3A_669, %get3A_672 : vector<16xf32>
      %swap3A_674 = arith.index_cast %scan3A_135 : i32 to index
      %swap3A_675 = arith.constant 848 : index
      %swap3A_676 = tpu.vector_load %arg18[%swap3A_674, %swap3A_675] {strides = array<i32>} : memref<32x1024xf32, #tpu.memory_space<vmem>>, vector<16xf32>,
      tpu.vector_store %arg18[%swap3A_674, %swap3A_675], %add3A_673 {strides = array<i32>} : memref<32x1024xf32, #tpu.memory_space<vmem>>, vector<16xf32>,
      %get3A_677 = arith.index_cast %scan3A_135 : i32 to index
      %get3A_678 = arith.constant 864 : index
      %get3A_679 = tpu.vector_load %arg18[%get3A_677, %get3A_678] {strides = array<i32>} : memref<32x1024xf32, #tpu.memory_space<vmem>>, vector<16xf32>,
      %get3A_680 = arith.index_cast %scan3A_135 : i32 to index
      %get3A_681 = arith.constant 864 : index
      %get3A_682 = tpu.vector_load %arg19[%get3A_680, %get3A_681] {strides = array<i32>} : memref<32x1024xf32, #tpu.memory_space<vmem>>, vector<16xf32>,
      %add3A_683 = arith.addf %get3A_679, %get3A_682 : vector<16xf32>
      %swap3A_684 = arith.index_cast %scan3A_135 : i32 to index
      %swap3A_685 = arith.constant 864 : index
      %swap3A_686 = tpu.vector_load %arg18[%swap3A_684, %swap3A_685] {strides = array<i32>} : memref<32x1024xf32, #tpu.memory_space<vmem>>, vector<16xf32>,
      tpu.vector_store %arg18[%swap3A_684, %swap3A_685], %add3A_683 {strides = array<i32>} : memref<32x1024xf32, #tpu.memory_space<vmem>>, vector<16xf32>,
      %get3A_687 = arith.index_cast %scan3A_135 : i32 to index
      %get3A_688 = arith.constant 880 : index
      %get3A_689 = tpu.vector_load %arg18[%get3A_687, %get3A_688] {strides = array<i32>} : memref<32x1024xf32, #tpu.memory_space<vmem>>, vector<16xf32>,
      %get3A_690 = arith.index_cast %scan3A_135 : i32 to index
      %get3A_691 = arith.constant 880 : index
      %get3A_692 = tpu.vector_load %arg19[%get3A_690, %get3A_691] {strides = array<i32>} : memref<32x1024xf32, #tpu.memory_space<vmem>>, vector<16xf32>,
      %add3A_693 = arith.addf %get3A_689, %get3A_692 : vector<16xf32>
      %swap3A_694 = arith.index_cast %scan3A_135 : i32 to index
      %swap3A_695 = arith.constant 880 : index
      %swap3A_696 = tpu.vector_load %arg18[%swap3A_694, %swap3A_695] {strides = array<i32>} : memref<32x1024xf32, #tpu.memory_space<vmem>>, vector<16xf32>,
      tpu.vector_store %arg18[%swap3A_694, %swap3A_695], %add3A_693 {strides = array<i32>} : memref<32x1024xf32, #tpu.memory_space<vmem>>, vector<16xf32>,
      %get3A_697 = arith.index_cast %scan3A_135 : i32 to index
      %get3A_698 = arith.constant 896 : index
      %get3A_699 = tpu.vector_load %arg18[%get3A_697, %get3A_698] {strides = array<i32>} : memref<32x1024xf32, #tpu.memory_space<vmem>>, vector<16xf32>,
      %get3A_700 = arith.index_cast %scan3A_135 : i32 to index
      %get3A_701 = arith.constant 896 : index
      %get3A_702 = tpu.vector_load %arg19[%get3A_700, %get3A_701] {strides = array<i32>} : memref<32x1024xf32, #tpu.memory_space<vmem>>, vector<16xf32>,
      %add3A_703 = arith.addf %get3A_699, %get3A_702 : vector<16xf32>
      %swap3A_704 = arith.index_cast %scan3A_135 : i32 to index
      %swap3A_705 = arith.constant 896 : index
      %swap3A_706 = tpu.vector_load %arg18[%swap3A_704, %swap3A_705] {strides = array<i32>} : memref<32x1024xf32, #tpu.memory_space<vmem>>, vector<16xf32>,
      tpu.vector_store %arg18[%swap3A_704, %swap3A_705], %add3A_703 {strides = array<i32>} : memref<32x1024xf32, #tpu.memory_space<vmem>>, vector<16xf32>,
      %get3A_707 = arith.index_cast %scan3A_135 : i32 to index
      %get3A_708 = arith.constant 912 : index
      %get3A_709 = tpu.vector_load %arg18[%get3A_707, %get3A_708] {strides = array<i32>} : memref<32x1024xf32, #tpu.memory_space<vmem>>, vector<16xf32>,
      %get3A_710 = arith.index_cast %scan3A_135 : i32 to index
      %get3A_711 = arith.constant 912 : index
      %get3A_712 = tpu.vector_load %arg19[%get3A_710, %get3A_711] {strides = array<i32>} : memref<32x1024xf32, #tpu.memory_space<vmem>>, vector<16xf32>,
      %add3A_713 = arith.addf %get3A_709, %get3A_712 : vector<16xf32>
      %swap3A_714 = arith.index_cast %scan3A_135 : i32 to index
      %swap3A_715 = arith.constant 912 : index
      %swap3A_716 = tpu.vector_load %arg18[%swap3A_714, %swap3A_715] {strides = array<i32>} : memref<32x1024xf32, #tpu.memory_space<vmem>>, vector<16xf32>,
      tpu.vector_store %arg18[%swap3A_714, %swap3A_715], %add3A_713 {strides = array<i32>} : memref<32x1024xf32, #tpu.memory_space<vmem>>, vector<16xf32>,
      %get3A_717 = arith.index_cast %scan3A_135 : i32 to index
      %get3A_718 = arith.constant 928 : index
      %get3A_719 = tpu.vector_load %arg18[%get3A_717, %get3A_718] {strides = array<i32>} : memref<32x1024xf32, #tpu.memory_space<vmem>>, vector<16xf32>,
      %get3A_720 = arith.index_cast %scan3A_135 : i32 to index
      %get3A_721 = arith.constant 928 : index
      %get3A_722 = tpu.vector_load %arg19[%get3A_720, %get3A_721] {strides = array<i32>} : memref<32x1024xf32, #tpu.memory_space<vmem>>, vector<16xf32>,
      %add3A_723 = arith.addf %get3A_719, %get3A_722 : vector<16xf32>
      %swap3A_724 = arith.index_cast %scan3A_135 : i32 to index
      %swap3A_725 = arith.constant 928 : index
      %swap3A_726 = tpu.vector_load %arg18[%swap3A_724, %swap3A_725] {strides = array<i32>} : memref<32x1024xf32, #tpu.memory_space<vmem>>, vector<16xf32>,
      tpu.vector_store %arg18[%swap3A_724, %swap3A_725], %add3A_723 {strides = array<i32>} : memref<32x1024xf32, #tpu.memory_space<vmem>>, vector<16xf32>,
      %get3A_727 = arith.index_cast %scan3A_135 : i32 to index
      %get3A_728 = arith.constant 944 : index
      %get3A_729 = tpu.vector_load %arg18[%get3A_727, %get3A_728] {strides = array<i32>} : memref<32x1024xf32, #tpu.memory_space<vmem>>, vector<16xf32>,
      %get3A_730 = arith.index_cast %scan3A_135 : i32 to index
      %get3A_731 = arith.constant 944 : index
      %get3A_732 = tpu.vector_load %arg19[%get3A_730, %get3A_731] {strides = array<i32>} : memref<32x1024xf32, #tpu.memory_space<vmem>>, vector<16xf32>,
      %add3A_733 = arith.addf %get3A_729, %get3A_732 : vector<16xf32>
      %swap3A_734 = arith.index_cast %scan3A_135 : i32 to index
      %swap3A_735 = arith.constant 944 : index
      %swap3A_736 = tpu.vector_load %arg18[%swap3A_734, %swap3A_735] {strides = array<i32>} : memref<32x1024xf32, #tpu.memory_space<vmem>>, vector<16xf32>,
      tpu.vector_store %arg18[%swap3A_734, %swap3A_735], %add3A_733 {strides = array<i32>} : memref<32x1024xf32, #tpu.memory_space<vmem>>, vector<16xf32>,
      %get3A_737 = arith.index_cast %scan3A_135 : i32 to index
      %get3A_738 = arith.constant 960 : index
      %get3A_739 = tpu.vector_load %arg18[%get3A_737, %get3A_738] {strides = array<i32>} : memref<32x1024xf32, #tpu.memory_space<vmem>>, vector<16xf32>,
      %get3A_740 = arith.index_cast %scan3A_135 : i32 to index
      %get3A_741 = arith.constant 960 : index
      %get3A_742 = tpu.vector_load %arg19[%get3A_740, %get3A_741] {strides = array<i32>} : memref<32x1024xf32, #tpu.memory_space<vmem>>, vector<16xf32>,
      %add3A_743 = arith.addf %get3A_739, %get3A_742 : vector<16xf32>
      %swap3A_744 = arith.index_cast %scan3A_135 : i32 to index
      %swap3A_745 = arith.constant 960 : index
      %swap3A_746 = tpu.vector_load %arg18[%swap3A_744, %swap3A_745] {strides = array<i32>} : memref<32x1024xf32, #tpu.memory_space<vmem>>, vector<16xf32>,
      tpu.vector_store %arg18[%swap3A_744, %swap3A_745], %add3A_743 {strides = array<i32>} : memref<32x1024xf32, #tpu.memory_space<vmem>>, vector<16xf32>,
      %get3A_747 = arith.index_cast %scan3A_135 : i32 to index
      %get3A_748 = arith.constant 976 : index
      %get3A_749 = tpu.vector_load %arg18[%get3A_747, %get3A_748] {strides = array<i32>} : memref<32x1024xf32, #tpu.memory_space<vmem>>, vector<16xf32>,
      %get3A_750 = arith.index_cast %scan3A_135 : i32 to index
      %get3A_751 = arith.constant 976 : index
      %get3A_752 = tpu.vector_load %arg19[%get3A_750, %get3A_751] {strides = array<i32>} : memref<32x1024xf32, #tpu.memory_space<vmem>>, vector<16xf32>,
      %add3A_753 = arith.addf %get3A_749, %get3A_752 : vector<16xf32>
      %swap3A_754 = arith.index_cast %scan3A_135 : i32 to index
      %swap3A_755 = arith.constant 976 : index
      %swap3A_756 = tpu.vector_load %arg18[%swap3A_754, %swap3A_755] {strides = array<i32>} : memref<32x1024xf32, #tpu.memory_space<vmem>>, vector<16xf32>,
      tpu.vector_store %arg18[%swap3A_754, %swap3A_755], %add3A_753 {strides = array<i32>} : memref<32x1024xf32, #tpu.memory_space<vmem>>, vector<16xf32>,
      %get3A_757 = arith.index_cast %scan3A_135 : i32 to index
      %get3A_758 = arith.constant 992 : index
      %get3A_759 = tpu.vector_load %arg18[%get3A_757, %get3A_758] {strides = array<i32>} : memref<32x1024xf32, #tpu.memory_space<vmem>>, vector<16xf32>,
      %get3A_760 = arith.index_cast %scan3A_135 : i32 to index
      %get3A_761 = arith.constant 992 : index
      %get3A_762 = tpu.vector_load %arg19[%get3A_760, %get3A_761] {strides = array<i32>} : memref<32x1024xf32, #tpu.memory_space<vmem>>, vector<16xf32>,
      %add3A_763 = arith.addf %get3A_759, %get3A_762 : vector<16xf32>
      %swap3A_764 = arith.index_cast %scan3A_135 : i32 to index
      %swap3A_765 = arith.constant 992 : index
      %swap3A_766 = tpu.vector_load %arg18[%swap3A_764, %swap3A_765] {strides = array<i32>} : memref<32x1024xf32, #tpu.memory_space<vmem>>, vector<16xf32>,
      tpu.vector_store %arg18[%swap3A_764, %swap3A_765], %add3A_763 {strides = array<i32>} : memref<32x1024xf32, #tpu.memory_space<vmem>>, vector<16xf32>,
      %get3A_767 = arith.index_cast %scan3A_135 : i32 to index
      %get3A_768 = arith.constant 1008 : index
      %get3A_769 = tpu.vector_load %arg18[%get3A_767, %get3A_768] {strides = array<i32>} : memref<32x1024xf32, #tpu.memory_space<vmem>>, vector<16xf32>,
      %get3A_770 = arith.index_cast %scan3A_135 : i32 to index
      %get3A_771 = arith.constant 1008 : index
      %get3A_772 = tpu.vector_load %arg19[%get3A_770, %get3A_771] {strides = array<i32>} : memref<32x1024xf32, #tpu.memory_space<vmem>>, vector<16xf32>,
      %add3A_773 = arith.addf %get3A_769, %get3A_772 : vector<16xf32>
      %swap3A_774 = arith.index_cast %scan3A_135 : i32 to index
      %swap3A_775 = arith.constant 1008 : index
      %swap3A_776 = tpu.vector_load %arg18[%swap3A_774, %swap3A_775] {strides = array<i32>} : memref<32x1024xf32, #tpu.memory_space<vmem>>, vector<16xf32>,
      tpu.vector_store %arg18[%swap3A_774, %swap3A_775], %add3A_773 {strides = array<i32>} : memref<32x1024xf32, #tpu.memory_space<vmem>>, vector<16xf32>,
      %scan3A_777 = arith.constant 0 : i32
      scf.yield %scan3A_777 : i32
    }
    %scan3A_95 = arith.constant 32 : i32
    %add3A_96 = arith.constant 0 : i32
    %add3A_97 = arith.addi %mul3A_2, %add3A_96 : i32
    "tpu.region"() ({
      %run_scoped3A = tpu.sem_alloc : memref<!tpu.dma_semaphore, #tpu.memory_space<semaphore_mem>>
      %dma_start3A_135 = arith.constant 0 : i32
      %dma_start3A_136 = tpu.memref_slice %arg8[%add3A_97, %dma_start3A_135] : memref<2048x1024xf32, #tpu.memory_space<hbm>> -> memref<32x1024xf32, #tpu.memory_space<hbm>>
      %dma_start3A_137 = arith.constant 0 : i32
      %dma_start3A_138 = tpu.memref_slice %arg8[%add3A_97, %dma_start3A_137] : memref<2048x1024xf32, #tpu.memory_space<hbm>> -> memref<32x1024xf32, #tpu.memory_space<hbm>>
      tpu.enqueue_dma source(%arg18 : memref<32x1024xf32, #tpu.memory_space<vmem>>) target(%dma_start3A_138 : memref<32x1024xf32, #tpu.memory_space<hbm>>) target_semaphore(%run_scoped3A : memref<!tpu.dma_semaphore, #tpu.memory_space<semaphore_mem>>)
      %dma_wait3A_139 = arith.constant 0 : i32
      %dma_wait3A_140 = tpu.memref_slice %arg8[%add3A_97, %dma_wait3A_139] : memref<2048x1024xf32, #tpu.memory_space<hbm>> -> memref<32x1024xf32, #tpu.memory_space<hbm>>
      %dma_wait3A_141 = arith.constant 0 : i32
      %dma_wait3A_142 = tpu.memref_slice %arg8[%add3A_97, %dma_wait3A_141] : memref<2048x1024xf32, #tpu.memory_space<hbm>> -> memref<32x1024xf32, #tpu.memory_space<hbm>>
      tpu.wait_dma2 semaphore(%run_scoped3A : memref<!tpu.dma_semaphore, #tpu.memory_space<semaphore_mem>>) src(%arg18 : memref<32x1024xf32, #tpu.memory_space<vmem>>) dst(%dma_wait3A_142 : memref<32x1024xf32, #tpu.memory_space<hbm>>)
      tpu.yield
    }) : () -> ()
    %get3A_98 = arith.constant 32 : index
    %get3A_99 = tpu.vector_load %arg14[%get3A_98] {strides = array<i32>} : memref<64xi32, #tpu.memory_space<vmem>>, vector<16xi32>,
    %swap3A_100 = arith.constant 0 : index
    %swap3A_101 = tpu.vector_load %arg16[%swap3A_100] {strides = array<i32>} : memref<32xi32, #tpu.memory_space<vmem>>, vector<16xi32>,
    tpu.vector_store %arg16[%swap3A_100], %get3A_99 {strides = array<i32>} : memref<32xi32, #tpu.memory_space<vmem>>, vector<16xi32>,
    %get3A_102 = arith.constant 32 : index
    %get3A_103 = tpu.vector_load %arg15[%get3A_102] {strides = array<i32>} : memref<64xi32, #tpu.memory_space<vmem>>, vector<16xi32>,
    %swap3A_104 = arith.constant 0 : index
    %swap3A_105 = tpu.vector_load %arg17[%swap3A_104] {strides = array<i32>} : memref<32xi32, #tpu.memory_space<vmem>>, vector<16xi32>,
    tpu.vector_store %arg17[%swap3A_104], %get3A_103 {strides = array<i32>} : memref<32xi32, #tpu.memory_space<vmem>>, vector<16xi32>,
    %get3A_106 = arith.constant 48 : index
    %get3A_107 = tpu.vector_load %arg14[%get3A_106] {strides = array<i32>} : memref<64xi32, #tpu.memory_space<vmem>>, vector<16xi32>,
    %swap3A_108 = arith.constant 16 : index
    %swap3A_109 = tpu.vector_load %arg16[%swap3A_108] {strides = array<i32>} : memref<32xi32, #tpu.memory_space<vmem>>, vector<16xi32>,
    tpu.vector_store %arg16[%swap3A_108], %get3A_107 {strides = array<i32>} : memref<32xi32, #tpu.memory_space<vmem>>, vector<16xi32>,
    %get3A_110 = arith.constant 48 : index
    %get3A_111 = tpu.vector_load %arg15[%get3A_110] {strides = array<i32>} : memref<64xi32, #tpu.memory_space<vmem>>, vector<16xi32>,
    %swap3A_112 = arith.constant 16 : index
    %swap3A_113 = tpu.vector_load %arg17[%swap3A_112] {strides = array<i32>} : memref<32xi32, #tpu.memory_space<vmem>>, vector<16xi32>,
    tpu.vector_store %arg17[%swap3A_112], %get3A_111 {strides = array<i32>} : memref<32xi32, #tpu.memory_space<vmem>>, vector<16xi32>,
    %dma_start3A_114 = arith.constant 0 : i32
    %dma_start3A_115 = arith.constant 0 : i32
    %dma_start3A_116 = tpu.memref_slice %arg2[%dma_start3A_114, %dma_start3A_115] : memref<6144x1024xf32, #tpu.memory_space<hbm>> -> memref<6144x1024xf32, #tpu.memory_space<hbm>>
    tpu.enqueue_indirect_dma source(%dma_start3A_116 : memref<6144x1024xf32, #tpu.memory_space<hbm>>) target(%arg18 : memref<32x1024xf32, #tpu.memory_space<vmem>>) offsets(%arg16 : memref<32xi32, #tpu.memory_space<vmem>>) semaphore(%arg20 : memref<!tpu.dma_semaphore, #tpu.memory_space<semaphore_mem>>)
    %dma_wait3A_117 = arith.constant 0 : i32
    %dma_wait3A_118 = arith.constant 0 : i32
    %dma_wait3A_119 = tpu.memref_slice %arg2[%dma_wait3A_117, %dma_wait3A_118] : memref<6144x1024xf32, #tpu.memory_space<hbm>> -> memref<6144x1024xf32, #tpu.memory_space<hbm>>
    tpu.wait_indirect_dma semaphore(%arg20 : memref<!tpu.dma_semaphore, #tpu.memory_space<semaphore_mem>>) src(%dma_wait3A_119 : memref<6144x1024xf32, #tpu.memory_space<hbm>>) dst(%arg18 : memref<32x1024xf32, #tpu.memory_space<vmem>>)
    %dma_start3A_120 = arith.constant 0 : i32
    %dma_start3A_121 = arith.constant 0 : i32
    %dma_start3A_122 = tpu.memref_slice %arg2[%dma_start3A_120, %dma_start3A_121] : memref<6144x1024xf32, #tpu.memory_space<hbm>> -> memref<6144x1024xf32, #tpu.memory_space<hbm>>
    tpu.enqueue_indirect_dma source(%dma_start3A_122 : memref<6144x1024xf32, #tpu.memory_space<hbm>>) target(%arg19 : memref<32x1024xf32, #tpu.memory_space<vmem>>) offsets(%arg17 : memref<32xi32, #tpu.memory_space<vmem>>) semaphore(%arg20 : memref<!tpu.dma_semaphore, #tpu.memory_space<semaphore_mem>>)
    %dma_wait3A_123 = arith.constant 0 : i32
    %dma_wait3A_124 = arith.constant 0 : i32
    %dma_wait3A_125 = tpu.memref_slice %arg2[%dma_wait3A_123, %dma_wait3A_124] : memref<6144x1024xf32, #tpu.memory_space<hbm>> -> memref<6144x1024xf32, #tpu.memory_space<hbm>>
    tpu.wait_indirect_dma semaphore(%arg20 : memref<!tpu.dma_semaphore, #tpu.memory_space<semaphore_mem>>) src(%dma_wait3A_125 : memref<6144x1024xf32, #tpu.memory_space<hbm>>) dst(%arg19 : memref<32x1024xf32, #tpu.memory_space<vmem>>)
    %scan3A_126 = arith.constant 0 : i32
    %scan3A_127 = arith.constant 0 : i32
    %scan3A_128 = arith.constant 32 : i32
    %scan3A_129 = arith.addi %scan3A_127, %scan3A_128 : i32
    %scan3A_130 = arith.constant 1 : i32
    %scan3A_131 = scf.for %scan3A_135 = %scan3A_127 to %scan3A_129 step %scan3A_130 iter_args(%scan3A_136 = %scan3A_126) -> (i32)  : i32 {
      %get3A_137 = arith.index_cast %scan3A_135 : i32 to index
      %get3A_138 = arith.constant 0 : index
      %get3A_139 = tpu.vector_load %arg18[%get3A_137, %get3A_138] {strides = array<i32>} : memref<32x1024xf32, #tpu.memory_space<vmem>>, vector<16xf32>,
      %get3A_140 = arith.index_cast %scan3A_135 : i32 to index
      %get3A_141 = arith.constant 0 : index
      %get3A_142 = tpu.vector_load %arg19[%get3A_140, %get3A_141] {strides = array<i32>} : memref<32x1024xf32, #tpu.memory_space<vmem>>, vector<16xf32>,
      %add3A_143 = arith.addf %get3A_139, %get3A_142 : vector<16xf32>
      %swap3A_144 = arith.index_cast %scan3A_135 : i32 to index
      %swap3A_145 = arith.constant 0 : index
      %swap3A_146 = tpu.vector_load %arg18[%swap3A_144, %swap3A_145] {strides = array<i32>} : memref<32x1024xf32, #tpu.memory_space<vmem>>, vector<16xf32>,
      tpu.vector_store %arg18[%swap3A_144, %swap3A_145], %add3A_143 {strides = array<i32>} : memref<32x1024xf32, #tpu.memory_space<vmem>>, vector<16xf32>,
      %get3A_147 = arith.index_cast %scan3A_135 : i32 to index
      %get3A_148 = arith.constant 16 : index
      %get3A_149 = tpu.vector_load %arg18[%get3A_147, %get3A_148] {strides = array<i32>} : memref<32x1024xf32, #tpu.memory_space<vmem>>, vector<16xf32>,
      %get3A_150 = arith.index_cast %scan3A_135 : i32 to index
      %get3A_151 = arith.constant 16 : index
      %get3A_152 = tpu.vector_load %arg19[%get3A_150, %get3A_151] {strides = array<i32>} : memref<32x1024xf32, #tpu.memory_space<vmem>>, vector<16xf32>,
      %add3A_153 = arith.addf %get3A_149, %get3A_152 : vector<16xf32>
      %swap3A_154 = arith.index_cast %scan3A_135 : i32 to index
      %swap3A_155 = arith.constant 16 : index
      %swap3A_156 = tpu.vector_load %arg18[%swap3A_154, %swap3A_155] {strides = array<i32>} : memref<32x1024xf32, #tpu.memory_space<vmem>>, vector<16xf32>,
      tpu.vector_store %arg18[%swap3A_154, %swap3A_155], %add3A_153 {strides = array<i32>} : memref<32x1024xf32, #tpu.memory_space<vmem>>, vector<16xf32>,
      %get3A_157 = arith.index_cast %scan3A_135 : i32 to index
      %get3A_158 = arith.constant 32 : index
      %get3A_159 = tpu.vector_load %arg18[%get3A_157, %get3A_158] {strides = array<i32>} : memref<32x1024xf32, #tpu.memory_space<vmem>>, vector<16xf32>,
      %get3A_160 = arith.index_cast %scan3A_135 : i32 to index
      %get3A_161 = arith.constant 32 : index
      %get3A_162 = tpu.vector_load %arg19[%get3A_160, %get3A_161] {strides = array<i32>} : memref<32x1024xf32, #tpu.memory_space<vmem>>, vector<16xf32>,
      %add3A_163 = arith.addf %get3A_159, %get3A_162 : vector<16xf32>
      %swap3A_164 = arith.index_cast %scan3A_135 : i32 to index
      %swap3A_165 = arith.constant 32 : index
      %swap3A_166 = tpu.vector_load %arg18[%swap3A_164, %swap3A_165] {strides = array<i32>} : memref<32x1024xf32, #tpu.memory_space<vmem>>, vector<16xf32>,
      tpu.vector_store %arg18[%swap3A_164, %swap3A_165], %add3A_163 {strides = array<i32>} : memref<32x1024xf32, #tpu.memory_space<vmem>>, vector<16xf32>,
      %get3A_167 = arith.index_cast %scan3A_135 : i32 to index
      %get3A_168 = arith.constant 48 : index
      %get3A_169 = tpu.vector_load %arg18[%get3A_167, %get3A_168] {strides = array<i32>} : memref<32x1024xf32, #tpu.memory_space<vmem>>, vector<16xf32>,
      %get3A_170 = arith.index_cast %scan3A_135 : i32 to index
      %get3A_171 = arith.constant 48 : index
      %get3A_172 = tpu.vector_load %arg19[%get3A_170, %get3A_171] {strides = array<i32>} : memref<32x1024xf32, #tpu.memory_space<vmem>>, vector<16xf32>,
      %add3A_173 = arith.addf %get3A_169, %get3A_172 : vector<16xf32>
      %swap3A_174 = arith.index_cast %scan3A_135 : i32 to index
      %swap3A_175 = arith.constant 48 : index
      %swap3A_176 = tpu.vector_load %arg18[%swap3A_174, %swap3A_175] {strides = array<i32>} : memref<32x1024xf32, #tpu.memory_space<vmem>>, vector<16xf32>,
      tpu.vector_store %arg18[%swap3A_174, %swap3A_175], %add3A_173 {strides = array<i32>} : memref<32x1024xf32, #tpu.memory_space<vmem>>, vector<16xf32>,
      %get3A_177 = arith.index_cast %scan3A_135 : i32 to index
      %get3A_178 = arith.constant 64 : index
      %get3A_179 = tpu.vector_load %arg18[%get3A_177, %get3A_178] {strides = array<i32>} : memref<32x1024xf32, #tpu.memory_space<vmem>>, vector<16xf32>,
      %get3A_180 = arith.index_cast %scan3A_135 : i32 to index
      %get3A_181 = arith.constant 64 : index
      %get3A_182 = tpu.vector_load %arg19[%get3A_180, %get3A_181] {strides = array<i32>} : memref<32x1024xf32, #tpu.memory_space<vmem>>, vector<16xf32>,
      %add3A_183 = arith.addf %get3A_179, %get3A_182 : vector<16xf32>
      %swap3A_184 = arith.index_cast %scan3A_135 : i32 to index
      %swap3A_185 = arith.constant 64 : index
      %swap3A_186 = tpu.vector_load %arg18[%swap3A_184, %swap3A_185] {strides = array<i32>} : memref<32x1024xf32, #tpu.memory_space<vmem>>, vector<16xf32>,
      tpu.vector_store %arg18[%swap3A_184, %swap3A_185], %add3A_183 {strides = array<i32>} : memref<32x1024xf32, #tpu.memory_space<vmem>>, vector<16xf32>,
      %get3A_187 = arith.index_cast %scan3A_135 : i32 to index
      %get3A_188 = arith.constant 80 : index
      %get3A_189 = tpu.vector_load %arg18[%get3A_187, %get3A_188] {strides = array<i32>} : memref<32x1024xf32, #tpu.memory_space<vmem>>, vector<16xf32>,
      %get3A_190 = arith.index_cast %scan3A_135 : i32 to index
      %get3A_191 = arith.constant 80 : index
      %get3A_192 = tpu.vector_load %arg19[%get3A_190, %get3A_191] {strides = array<i32>} : memref<32x1024xf32, #tpu.memory_space<vmem>>, vector<16xf32>,
      %add3A_193 = arith.addf %get3A_189, %get3A_192 : vector<16xf32>
      %swap3A_194 = arith.index_cast %scan3A_135 : i32 to index
      %swap3A_195 = arith.constant 80 : index
      %swap3A_196 = tpu.vector_load %arg18[%swap3A_194, %swap3A_195] {strides = array<i32>} : memref<32x1024xf32, #tpu.memory_space<vmem>>, vector<16xf32>,
      tpu.vector_store %arg18[%swap3A_194, %swap3A_195], %add3A_193 {strides = array<i32>} : memref<32x1024xf32, #tpu.memory_space<vmem>>, vector<16xf32>,
      %get3A_197 = arith.index_cast %scan3A_135 : i32 to index
      %get3A_198 = arith.constant 96 : index
      %get3A_199 = tpu.vector_load %arg18[%get3A_197, %get3A_198] {strides = array<i32>} : memref<32x1024xf32, #tpu.memory_space<vmem>>, vector<16xf32>,
      %get3A_200 = arith.index_cast %scan3A_135 : i32 to index
      %get3A_201 = arith.constant 96 : index
      %get3A_202 = tpu.vector_load %arg19[%get3A_200, %get3A_201] {strides = array<i32>} : memref<32x1024xf32, #tpu.memory_space<vmem>>, vector<16xf32>,
      %add3A_203 = arith.addf %get3A_199, %get3A_202 : vector<16xf32>
      %swap3A_204 = arith.index_cast %scan3A_135 : i32 to index
      %swap3A_205 = arith.constant 96 : index
      %swap3A_206 = tpu.vector_load %arg18[%swap3A_204, %swap3A_205] {strides = array<i32>} : memref<32x1024xf32, #tpu.memory_space<vmem>>, vector<16xf32>,
      tpu.vector_store %arg18[%swap3A_204, %swap3A_205], %add3A_203 {strides = array<i32>} : memref<32x1024xf32, #tpu.memory_space<vmem>>, vector<16xf32>,
      %get3A_207 = arith.index_cast %scan3A_135 : i32 to index
      %get3A_208 = arith.constant 112 : index
      %get3A_209 = tpu.vector_load %arg18[%get3A_207, %get3A_208] {strides = array<i32>} : memref<32x1024xf32, #tpu.memory_space<vmem>>, vector<16xf32>,
      %get3A_210 = arith.index_cast %scan3A_135 : i32 to index
      %get3A_211 = arith.constant 112 : index
      %get3A_212 = tpu.vector_load %arg19[%get3A_210, %get3A_211] {strides = array<i32>} : memref<32x1024xf32, #tpu.memory_space<vmem>>, vector<16xf32>,
      %add3A_213 = arith.addf %get3A_209, %get3A_212 : vector<16xf32>
      %swap3A_214 = arith.index_cast %scan3A_135 : i32 to index
      %swap3A_215 = arith.constant 112 : index
      %swap3A_216 = tpu.vector_load %arg18[%swap3A_214, %swap3A_215] {strides = array<i32>} : memref<32x1024xf32, #tpu.memory_space<vmem>>, vector<16xf32>,
      tpu.vector_store %arg18[%swap3A_214, %swap3A_215], %add3A_213 {strides = array<i32>} : memref<32x1024xf32, #tpu.memory_space<vmem>>, vector<16xf32>,
      %get3A_217 = arith.index_cast %scan3A_135 : i32 to index
      %get3A_218 = arith.constant 128 : index
      %get3A_219 = tpu.vector_load %arg18[%get3A_217, %get3A_218] {strides = array<i32>} : memref<32x1024xf32, #tpu.memory_space<vmem>>, vector<16xf32>,
      %get3A_220 = arith.index_cast %scan3A_135 : i32 to index
      %get3A_221 = arith.constant 128 : index
      %get3A_222 = tpu.vector_load %arg19[%get3A_220, %get3A_221] {strides = array<i32>} : memref<32x1024xf32, #tpu.memory_space<vmem>>, vector<16xf32>,
      %add3A_223 = arith.addf %get3A_219, %get3A_222 : vector<16xf32>
      %swap3A_224 = arith.index_cast %scan3A_135 : i32 to index
      %swap3A_225 = arith.constant 128 : index
      %swap3A_226 = tpu.vector_load %arg18[%swap3A_224, %swap3A_225] {strides = array<i32>} : memref<32x1024xf32, #tpu.memory_space<vmem>>, vector<16xf32>,
      tpu.vector_store %arg18[%swap3A_224, %swap3A_225], %add3A_223 {strides = array<i32>} : memref<32x1024xf32, #tpu.memory_space<vmem>>, vector<16xf32>,
      %get3A_227 = arith.index_cast %scan3A_135 : i32 to index
      %get3A_228 = arith.constant 144 : index
      %get3A_229 = tpu.vector_load %arg18[%get3A_227, %get3A_228] {strides = array<i32>} : memref<32x1024xf32, #tpu.memory_space<vmem>>, vector<16xf32>,
      %get3A_230 = arith.index_cast %scan3A_135 : i32 to index
      %get3A_231 = arith.constant 144 : index
      %get3A_232 = tpu.vector_load %arg19[%get3A_230, %get3A_231] {strides = array<i32>} : memref<32x1024xf32, #tpu.memory_space<vmem>>, vector<16xf32>,
      %add3A_233 = arith.addf %get3A_229, %get3A_232 : vector<16xf32>
      %swap3A_234 = arith.index_cast %scan3A_135 : i32 to index
      %swap3A_235 = arith.constant 144 : index
      %swap3A_236 = tpu.vector_load %arg18[%swap3A_234, %swap3A_235] {strides = array<i32>} : memref<32x1024xf32, #tpu.memory_space<vmem>>, vector<16xf32>,
      tpu.vector_store %arg18[%swap3A_234, %swap3A_235], %add3A_233 {strides = array<i32>} : memref<32x1024xf32, #tpu.memory_space<vmem>>, vector<16xf32>,
      %get3A_237 = arith.index_cast %scan3A_135 : i32 to index
      %get3A_238 = arith.constant 160 : index
      %get3A_239 = tpu.vector_load %arg18[%get3A_237, %get3A_238] {strides = array<i32>} : memref<32x1024xf32, #tpu.memory_space<vmem>>, vector<16xf32>,
      %get3A_240 = arith.index_cast %scan3A_135 : i32 to index
      %get3A_241 = arith.constant 160 : index
      %get3A_242 = tpu.vector_load %arg19[%get3A_240, %get3A_241] {strides = array<i32>} : memref<32x1024xf32, #tpu.memory_space<vmem>>, vector<16xf32>,
      %add3A_243 = arith.addf %get3A_239, %get3A_242 : vector<16xf32>
      %swap3A_244 = arith.index_cast %scan3A_135 : i32 to index
      %swap3A_245 = arith.constant 160 : index
      %swap3A_246 = tpu.vector_load %arg18[%swap3A_244, %swap3A_245] {strides = array<i32>} : memref<32x1024xf32, #tpu.memory_space<vmem>>, vector<16xf32>,
      tpu.vector_store %arg18[%swap3A_244, %swap3A_245], %add3A_243 {strides = array<i32>} : memref<32x1024xf32, #tpu.memory_space<vmem>>, vector<16xf32>,
      %get3A_247 = arith.index_cast %scan3A_135 : i32 to index
      %get3A_248 = arith.constant 176 : index
      %get3A_249 = tpu.vector_load %arg18[%get3A_247, %get3A_248] {strides = array<i32>} : memref<32x1024xf32, #tpu.memory_space<vmem>>, vector<16xf32>,
      %get3A_250 = arith.index_cast %scan3A_135 : i32 to index
      %get3A_251 = arith.constant 176 : index
      %get3A_252 = tpu.vector_load %arg19[%get3A_250, %get3A_251] {strides = array<i32>} : memref<32x1024xf32, #tpu.memory_space<vmem>>, vector<16xf32>,
      %add3A_253 = arith.addf %get3A_249, %get3A_252 : vector<16xf32>
      %swap3A_254 = arith.index_cast %scan3A_135 : i32 to index
      %swap3A_255 = arith.constant 176 : index
      %swap3A_256 = tpu.vector_load %arg18[%swap3A_254, %swap3A_255] {strides = array<i32>} : memref<32x1024xf32, #tpu.memory_space<vmem>>, vector<16xf32>,
      tpu.vector_store %arg18[%swap3A_254, %swap3A_255], %add3A_253 {strides = array<i32>} : memref<32x1024xf32, #tpu.memory_space<vmem>>, vector<16xf32>,
      %get3A_257 = arith.index_cast %scan3A_135 : i32 to index
      %get3A_258 = arith.constant 192 : index
      %get3A_259 = tpu.vector_load %arg18[%get3A_257, %get3A_258] {strides = array<i32>} : memref<32x1024xf32, #tpu.memory_space<vmem>>, vector<16xf32>,
      %get3A_260 = arith.index_cast %scan3A_135 : i32 to index
      %get3A_261 = arith.constant 192 : index
      %get3A_262 = tpu.vector_load %arg19[%get3A_260, %get3A_261] {strides = array<i32>} : memref<32x1024xf32, #tpu.memory_space<vmem>>, vector<16xf32>,
      %add3A_263 = arith.addf %get3A_259, %get3A_262 : vector<16xf32>
      %swap3A_264 = arith.index_cast %scan3A_135 : i32 to index
      %swap3A_265 = arith.constant 192 : index
      %swap3A_266 = tpu.vector_load %arg18[%swap3A_264, %swap3A_265] {strides = array<i32>} : memref<32x1024xf32, #tpu.memory_space<vmem>>, vector<16xf32>,
      tpu.vector_store %arg18[%swap3A_264, %swap3A_265], %add3A_263 {strides = array<i32>} : memref<32x1024xf32, #tpu.memory_space<vmem>>, vector<16xf32>,
      %get3A_267 = arith.index_cast %scan3A_135 : i32 to index
      %get3A_268 = arith.constant 208 : index
      %get3A_269 = tpu.vector_load %arg18[%get3A_267, %get3A_268] {strides = array<i32>} : memref<32x1024xf32, #tpu.memory_space<vmem>>, vector<16xf32>,
      %get3A_270 = arith.index_cast %scan3A_135 : i32 to index
      %get3A_271 = arith.constant 208 : index
      %get3A_272 = tpu.vector_load %arg19[%get3A_270, %get3A_271] {strides = array<i32>} : memref<32x1024xf32, #tpu.memory_space<vmem>>, vector<16xf32>,
      %add3A_273 = arith.addf %get3A_269, %get3A_272 : vector<16xf32>
      %swap3A_274 = arith.index_cast %scan3A_135 : i32 to index
      %swap3A_275 = arith.constant 208 : index
      %swap3A_276 = tpu.vector_load %arg18[%swap3A_274, %swap3A_275] {strides = array<i32>} : memref<32x1024xf32, #tpu.memory_space<vmem>>, vector<16xf32>,
      tpu.vector_store %arg18[%swap3A_274, %swap3A_275], %add3A_273 {strides = array<i32>} : memref<32x1024xf32, #tpu.memory_space<vmem>>, vector<16xf32>,
      %get3A_277 = arith.index_cast %scan3A_135 : i32 to index
      %get3A_278 = arith.constant 224 : index
      %get3A_279 = tpu.vector_load %arg18[%get3A_277, %get3A_278] {strides = array<i32>} : memref<32x1024xf32, #tpu.memory_space<vmem>>, vector<16xf32>,
      %get3A_280 = arith.index_cast %scan3A_135 : i32 to index
      %get3A_281 = arith.constant 224 : index
      %get3A_282 = tpu.vector_load %arg19[%get3A_280, %get3A_281] {strides = array<i32>} : memref<32x1024xf32, #tpu.memory_space<vmem>>, vector<16xf32>,
      %add3A_283 = arith.addf %get3A_279, %get3A_282 : vector<16xf32>
      %swap3A_284 = arith.index_cast %scan3A_135 : i32 to index
      %swap3A_285 = arith.constant 224 : index
      %swap3A_286 = tpu.vector_load %arg18[%swap3A_284, %swap3A_285] {strides = array<i32>} : memref<32x1024xf32, #tpu.memory_space<vmem>>, vector<16xf32>,
      tpu.vector_store %arg18[%swap3A_284, %swap3A_285], %add3A_283 {strides = array<i32>} : memref<32x1024xf32, #tpu.memory_space<vmem>>, vector<16xf32>,
      %get3A_287 = arith.index_cast %scan3A_135 : i32 to index
      %get3A_288 = arith.constant 240 : index
      %get3A_289 = tpu.vector_load %arg18[%get3A_287, %get3A_288] {strides = array<i32>} : memref<32x1024xf32, #tpu.memory_space<vmem>>, vector<16xf32>,
      %get3A_290 = arith.index_cast %scan3A_135 : i32 to index
      %get3A_291 = arith.constant 240 : index
      %get3A_292 = tpu.vector_load %arg19[%get3A_290, %get3A_291] {strides = array<i32>} : memref<32x1024xf32, #tpu.memory_space<vmem>>, vector<16xf32>,
      %add3A_293 = arith.addf %get3A_289, %get3A_292 : vector<16xf32>
      %swap3A_294 = arith.index_cast %scan3A_135 : i32 to index
      %swap3A_295 = arith.constant 240 : index
      %swap3A_296 = tpu.vector_load %arg18[%swap3A_294, %swap3A_295] {strides = array<i32>} : memref<32x1024xf32, #tpu.memory_space<vmem>>, vector<16xf32>,
      tpu.vector_store %arg18[%swap3A_294, %swap3A_295], %add3A_293 {strides = array<i32>} : memref<32x1024xf32, #tpu.memory_space<vmem>>, vector<16xf32>,
      %get3A_297 = arith.index_cast %scan3A_135 : i32 to index
      %get3A_298 = arith.constant 256 : index
      %get3A_299 = tpu.vector_load %arg18[%get3A_297, %get3A_298] {strides = array<i32>} : memref<32x1024xf32, #tpu.memory_space<vmem>>, vector<16xf32>,
      %get3A_300 = arith.index_cast %scan3A_135 : i32 to index
      %get3A_301 = arith.constant 256 : index
      %get3A_302 = tpu.vector_load %arg19[%get3A_300, %get3A_301] {strides = array<i32>} : memref<32x1024xf32, #tpu.memory_space<vmem>>, vector<16xf32>,
      %add3A_303 = arith.addf %get3A_299, %get3A_302 : vector<16xf32>
      %swap3A_304 = arith.index_cast %scan3A_135 : i32 to index
      %swap3A_305 = arith.constant 256 : index
      %swap3A_306 = tpu.vector_load %arg18[%swap3A_304, %swap3A_305] {strides = array<i32>} : memref<32x1024xf32, #tpu.memory_space<vmem>>, vector<16xf32>,
      tpu.vector_store %arg18[%swap3A_304, %swap3A_305], %add3A_303 {strides = array<i32>} : memref<32x1024xf32, #tpu.memory_space<vmem>>, vector<16xf32>,
      %get3A_307 = arith.index_cast %scan3A_135 : i32 to index
      %get3A_308 = arith.constant 272 : index
      %get3A_309 = tpu.vector_load %arg18[%get3A_307, %get3A_308] {strides = array<i32>} : memref<32x1024xf32, #tpu.memory_space<vmem>>, vector<16xf32>,
      %get3A_310 = arith.index_cast %scan3A_135 : i32 to index
      %get3A_311 = arith.constant 272 : index
      %get3A_312 = tpu.vector_load %arg19[%get3A_310, %get3A_311] {strides = array<i32>} : memref<32x1024xf32, #tpu.memory_space<vmem>>, vector<16xf32>,
      %add3A_313 = arith.addf %get3A_309, %get3A_312 : vector<16xf32>
      %swap3A_314 = arith.index_cast %scan3A_135 : i32 to index
      %swap3A_315 = arith.constant 272 : index
      %swap3A_316 = tpu.vector_load %arg18[%swap3A_314, %swap3A_315] {strides = array<i32>} : memref<32x1024xf32, #tpu.memory_space<vmem>>, vector<16xf32>,
      tpu.vector_store %arg18[%swap3A_314, %swap3A_315], %add3A_313 {strides = array<i32>} : memref<32x1024xf32, #tpu.memory_space<vmem>>, vector<16xf32>,
      %get3A_317 = arith.index_cast %scan3A_135 : i32 to index
      %get3A_318 = arith.constant 288 : index
      %get3A_319 = tpu.vector_load %arg18[%get3A_317, %get3A_318] {strides = array<i32>} : memref<32x1024xf32, #tpu.memory_space<vmem>>, vector<16xf32>,
      %get3A_320 = arith.index_cast %scan3A_135 : i32 to index
      %get3A_321 = arith.constant 288 : index
      %get3A_322 = tpu.vector_load %arg19[%get3A_320, %get3A_321] {strides = array<i32>} : memref<32x1024xf32, #tpu.memory_space<vmem>>, vector<16xf32>,
      %add3A_323 = arith.addf %get3A_319, %get3A_322 : vector<16xf32>
      %swap3A_324 = arith.index_cast %scan3A_135 : i32 to index
      %swap3A_325 = arith.constant 288 : index
      %swap3A_326 = tpu.vector_load %arg18[%swap3A_324, %swap3A_325] {strides = array<i32>} : memref<32x1024xf32, #tpu.memory_space<vmem>>, vector<16xf32>,
      tpu.vector_store %arg18[%swap3A_324, %swap3A_325], %add3A_323 {strides = array<i32>} : memref<32x1024xf32, #tpu.memory_space<vmem>>, vector<16xf32>,
      %get3A_327 = arith.index_cast %scan3A_135 : i32 to index
      %get3A_328 = arith.constant 304 : index
      %get3A_329 = tpu.vector_load %arg18[%get3A_327, %get3A_328] {strides = array<i32>} : memref<32x1024xf32, #tpu.memory_space<vmem>>, vector<16xf32>,
      %get3A_330 = arith.index_cast %scan3A_135 : i32 to index
      %get3A_331 = arith.constant 304 : index
      %get3A_332 = tpu.vector_load %arg19[%get3A_330, %get3A_331] {strides = array<i32>} : memref<32x1024xf32, #tpu.memory_space<vmem>>, vector<16xf32>,
      %add3A_333 = arith.addf %get3A_329, %get3A_332 : vector<16xf32>
      %swap3A_334 = arith.index_cast %scan3A_135 : i32 to index
      %swap3A_335 = arith.constant 304 : index
      %swap3A_336 = tpu.vector_load %arg18[%swap3A_334, %swap3A_335] {strides = array<i32>} : memref<32x1024xf32, #tpu.memory_space<vmem>>, vector<16xf32>,
      tpu.vector_store %arg18[%swap3A_334, %swap3A_335], %add3A_333 {strides = array<i32>} : memref<32x1024xf32, #tpu.memory_space<vmem>>, vector<16xf32>,
      %get3A_337 = arith.index_cast %scan3A_135 : i32 to index
      %get3A_338 = arith.constant 320 : index
      %get3A_339 = tpu.vector_load %arg18[%get3A_337, %get3A_338] {strides = array<i32>} : memref<32x1024xf32, #tpu.memory_space<vmem>>, vector<16xf32>,
      %get3A_340 = arith.index_cast %scan3A_135 : i32 to index
      %get3A_341 = arith.constant 320 : index
      %get3A_342 = tpu.vector_load %arg19[%get3A_340, %get3A_341] {strides = array<i32>} : memref<32x1024xf32, #tpu.memory_space<vmem>>, vector<16xf32>,
      %add3A_343 = arith.addf %get3A_339, %get3A_342 : vector<16xf32>
      %swap3A_344 = arith.index_cast %scan3A_135 : i32 to index
      %swap3A_345 = arith.constant 320 : index
      %swap3A_346 = tpu.vector_load %arg18[%swap3A_344, %swap3A_345] {strides = array<i32>} : memref<32x1024xf32, #tpu.memory_space<vmem>>, vector<16xf32>,
      tpu.vector_store %arg18[%swap3A_344, %swap3A_345], %add3A_343 {strides = array<i32>} : memref<32x1024xf32, #tpu.memory_space<vmem>>, vector<16xf32>,
      %get3A_347 = arith.index_cast %scan3A_135 : i32 to index
      %get3A_348 = arith.constant 336 : index
      %get3A_349 = tpu.vector_load %arg18[%get3A_347, %get3A_348] {strides = array<i32>} : memref<32x1024xf32, #tpu.memory_space<vmem>>, vector<16xf32>,
      %get3A_350 = arith.index_cast %scan3A_135 : i32 to index
      %get3A_351 = arith.constant 336 : index
      %get3A_352 = tpu.vector_load %arg19[%get3A_350, %get3A_351] {strides = array<i32>} : memref<32x1024xf32, #tpu.memory_space<vmem>>, vector<16xf32>,
      %add3A_353 = arith.addf %get3A_349, %get3A_352 : vector<16xf32>
      %swap3A_354 = arith.index_cast %scan3A_135 : i32 to index
      %swap3A_355 = arith.constant 336 : index
      %swap3A_356 = tpu.vector_load %arg18[%swap3A_354, %swap3A_355] {strides = array<i32>} : memref<32x1024xf32, #tpu.memory_space<vmem>>, vector<16xf32>,
      tpu.vector_store %arg18[%swap3A_354, %swap3A_355], %add3A_353 {strides = array<i32>} : memref<32x1024xf32, #tpu.memory_space<vmem>>, vector<16xf32>,
      %get3A_357 = arith.index_cast %scan3A_135 : i32 to index
      %get3A_358 = arith.constant 352 : index
      %get3A_359 = tpu.vector_load %arg18[%get3A_357, %get3A_358] {strides = array<i32>} : memref<32x1024xf32, #tpu.memory_space<vmem>>, vector<16xf32>,
      %get3A_360 = arith.index_cast %scan3A_135 : i32 to index
      %get3A_361 = arith.constant 352 : index
      %get3A_362 = tpu.vector_load %arg19[%get3A_360, %get3A_361] {strides = array<i32>} : memref<32x1024xf32, #tpu.memory_space<vmem>>, vector<16xf32>,
      %add3A_363 = arith.addf %get3A_359, %get3A_362 : vector<16xf32>
      %swap3A_364 = arith.index_cast %scan3A_135 : i32 to index
      %swap3A_365 = arith.constant 352 : index
      %swap3A_366 = tpu.vector_load %arg18[%swap3A_364, %swap3A_365] {strides = array<i32>} : memref<32x1024xf32, #tpu.memory_space<vmem>>, vector<16xf32>,
      tpu.vector_store %arg18[%swap3A_364, %swap3A_365], %add3A_363 {strides = array<i32>} : memref<32x1024xf32, #tpu.memory_space<vmem>>, vector<16xf32>,
      %get3A_367 = arith.index_cast %scan3A_135 : i32 to index
      %get3A_368 = arith.constant 368 : index
      %get3A_369 = tpu.vector_load %arg18[%get3A_367, %get3A_368] {strides = array<i32>} : memref<32x1024xf32, #tpu.memory_space<vmem>>, vector<16xf32>,
      %get3A_370 = arith.index_cast %scan3A_135 : i32 to index
      %get3A_371 = arith.constant 368 : index
      %get3A_372 = tpu.vector_load %arg19[%get3A_370, %get3A_371] {strides = array<i32>} : memref<32x1024xf32, #tpu.memory_space<vmem>>, vector<16xf32>,
      %add3A_373 = arith.addf %get3A_369, %get3A_372 : vector<16xf32>
      %swap3A_374 = arith.index_cast %scan3A_135 : i32 to index
      %swap3A_375 = arith.constant 368 : index
      %swap3A_376 = tpu.vector_load %arg18[%swap3A_374, %swap3A_375] {strides = array<i32>} : memref<32x1024xf32, #tpu.memory_space<vmem>>, vector<16xf32>,
      tpu.vector_store %arg18[%swap3A_374, %swap3A_375], %add3A_373 {strides = array<i32>} : memref<32x1024xf32, #tpu.memory_space<vmem>>, vector<16xf32>,
      %get3A_377 = arith.index_cast %scan3A_135 : i32 to index
      %get3A_378 = arith.constant 384 : index
      %get3A_379 = tpu.vector_load %arg18[%get3A_377, %get3A_378] {strides = array<i32>} : memref<32x1024xf32, #tpu.memory_space<vmem>>, vector<16xf32>,
      %get3A_380 = arith.index_cast %scan3A_135 : i32 to index
      %get3A_381 = arith.constant 384 : index
      %get3A_382 = tpu.vector_load %arg19[%get3A_380, %get3A_381] {strides = array<i32>} : memref<32x1024xf32, #tpu.memory_space<vmem>>, vector<16xf32>,
      %add3A_383 = arith.addf %get3A_379, %get3A_382 : vector<16xf32>
      %swap3A_384 = arith.index_cast %scan3A_135 : i32 to index
      %swap3A_385 = arith.constant 384 : index
      %swap3A_386 = tpu.vector_load %arg18[%swap3A_384, %swap3A_385] {strides = array<i32>} : memref<32x1024xf32, #tpu.memory_space<vmem>>, vector<16xf32>,
      tpu.vector_store %arg18[%swap3A_384, %swap3A_385], %add3A_383 {strides = array<i32>} : memref<32x1024xf32, #tpu.memory_space<vmem>>, vector<16xf32>,
      %get3A_387 = arith.index_cast %scan3A_135 : i32 to index
      %get3A_388 = arith.constant 400 : index
      %get3A_389 = tpu.vector_load %arg18[%get3A_387, %get3A_388] {strides = array<i32>} : memref<32x1024xf32, #tpu.memory_space<vmem>>, vector<16xf32>,
      %get3A_390 = arith.index_cast %scan3A_135 : i32 to index
      %get3A_391 = arith.constant 400 : index
      %get3A_392 = tpu.vector_load %arg19[%get3A_390, %get3A_391] {strides = array<i32>} : memref<32x1024xf32, #tpu.memory_space<vmem>>, vector<16xf32>,
      %add3A_393 = arith.addf %get3A_389, %get3A_392 : vector<16xf32>
      %swap3A_394 = arith.index_cast %scan3A_135 : i32 to index
      %swap3A_395 = arith.constant 400 : index
      %swap3A_396 = tpu.vector_load %arg18[%swap3A_394, %swap3A_395] {strides = array<i32>} : memref<32x1024xf32, #tpu.memory_space<vmem>>, vector<16xf32>,
      tpu.vector_store %arg18[%swap3A_394, %swap3A_395], %add3A_393 {strides = array<i32>} : memref<32x1024xf32, #tpu.memory_space<vmem>>, vector<16xf32>,
      %get3A_397 = arith.index_cast %scan3A_135 : i32 to index
      %get3A_398 = arith.constant 416 : index
      %get3A_399 = tpu.vector_load %arg18[%get3A_397, %get3A_398] {strides = array<i32>} : memref<32x1024xf32, #tpu.memory_space<vmem>>, vector<16xf32>,
      %get3A_400 = arith.index_cast %scan3A_135 : i32 to index
      %get3A_401 = arith.constant 416 : index
      %get3A_402 = tpu.vector_load %arg19[%get3A_400, %get3A_401] {strides = array<i32>} : memref<32x1024xf32, #tpu.memory_space<vmem>>, vector<16xf32>,
      %add3A_403 = arith.addf %get3A_399, %get3A_402 : vector<16xf32>
      %swap3A_404 = arith.index_cast %scan3A_135 : i32 to index
      %swap3A_405 = arith.constant 416 : index
      %swap3A_406 = tpu.vector_load %arg18[%swap3A_404, %swap3A_405] {strides = array<i32>} : memref<32x1024xf32, #tpu.memory_space<vmem>>, vector<16xf32>,
      tpu.vector_store %arg18[%swap3A_404, %swap3A_405], %add3A_403 {strides = array<i32>} : memref<32x1024xf32, #tpu.memory_space<vmem>>, vector<16xf32>,
      %get3A_407 = arith.index_cast %scan3A_135 : i32 to index
      %get3A_408 = arith.constant 432 : index
      %get3A_409 = tpu.vector_load %arg18[%get3A_407, %get3A_408] {strides = array<i32>} : memref<32x1024xf32, #tpu.memory_space<vmem>>, vector<16xf32>,
      %get3A_410 = arith.index_cast %scan3A_135 : i32 to index
      %get3A_411 = arith.constant 432 : index
      %get3A_412 = tpu.vector_load %arg19[%get3A_410, %get3A_411] {strides = array<i32>} : memref<32x1024xf32, #tpu.memory_space<vmem>>, vector<16xf32>,
      %add3A_413 = arith.addf %get3A_409, %get3A_412 : vector<16xf32>
      %swap3A_414 = arith.index_cast %scan3A_135 : i32 to index
      %swap3A_415 = arith.constant 432 : index
      %swap3A_416 = tpu.vector_load %arg18[%swap3A_414, %swap3A_415] {strides = array<i32>} : memref<32x1024xf32, #tpu.memory_space<vmem>>, vector<16xf32>,
      tpu.vector_store %arg18[%swap3A_414, %swap3A_415], %add3A_413 {strides = array<i32>} : memref<32x1024xf32, #tpu.memory_space<vmem>>, vector<16xf32>,
      %get3A_417 = arith.index_cast %scan3A_135 : i32 to index
      %get3A_418 = arith.constant 448 : index
      %get3A_419 = tpu.vector_load %arg18[%get3A_417, %get3A_418] {strides = array<i32>} : memref<32x1024xf32, #tpu.memory_space<vmem>>, vector<16xf32>,
      %get3A_420 = arith.index_cast %scan3A_135 : i32 to index
      %get3A_421 = arith.constant 448 : index
      %get3A_422 = tpu.vector_load %arg19[%get3A_420, %get3A_421] {strides = array<i32>} : memref<32x1024xf32, #tpu.memory_space<vmem>>, vector<16xf32>,
      %add3A_423 = arith.addf %get3A_419, %get3A_422 : vector<16xf32>
      %swap3A_424 = arith.index_cast %scan3A_135 : i32 to index
      %swap3A_425 = arith.constant 448 : index
      %swap3A_426 = tpu.vector_load %arg18[%swap3A_424, %swap3A_425] {strides = array<i32>} : memref<32x1024xf32, #tpu.memory_space<vmem>>, vector<16xf32>,
      tpu.vector_store %arg18[%swap3A_424, %swap3A_425], %add3A_423 {strides = array<i32>} : memref<32x1024xf32, #tpu.memory_space<vmem>>, vector<16xf32>,
      %get3A_427 = arith.index_cast %scan3A_135 : i32 to index
      %get3A_428 = arith.constant 464 : index
      %get3A_429 = tpu.vector_load %arg18[%get3A_427, %get3A_428] {strides = array<i32>} : memref<32x1024xf32, #tpu.memory_space<vmem>>, vector<16xf32>,
      %get3A_430 = arith.index_cast %scan3A_135 : i32 to index
      %get3A_431 = arith.constant 464 : index
      %get3A_432 = tpu.vector_load %arg19[%get3A_430, %get3A_431] {strides = array<i32>} : memref<32x1024xf32, #tpu.memory_space<vmem>>, vector<16xf32>,
      %add3A_433 = arith.addf %get3A_429, %get3A_432 : vector<16xf32>
      %swap3A_434 = arith.index_cast %scan3A_135 : i32 to index
      %swap3A_435 = arith.constant 464 : index
      %swap3A_436 = tpu.vector_load %arg18[%swap3A_434, %swap3A_435] {strides = array<i32>} : memref<32x1024xf32, #tpu.memory_space<vmem>>, vector<16xf32>,
      tpu.vector_store %arg18[%swap3A_434, %swap3A_435], %add3A_433 {strides = array<i32>} : memref<32x1024xf32, #tpu.memory_space<vmem>>, vector<16xf32>,
      %get3A_437 = arith.index_cast %scan3A_135 : i32 to index
      %get3A_438 = arith.constant 480 : index
      %get3A_439 = tpu.vector_load %arg18[%get3A_437, %get3A_438] {strides = array<i32>} : memref<32x1024xf32, #tpu.memory_space<vmem>>, vector<16xf32>,
      %get3A_440 = arith.index_cast %scan3A_135 : i32 to index
      %get3A_441 = arith.constant 480 : index
      %get3A_442 = tpu.vector_load %arg19[%get3A_440, %get3A_441] {strides = array<i32>} : memref<32x1024xf32, #tpu.memory_space<vmem>>, vector<16xf32>,
      %add3A_443 = arith.addf %get3A_439, %get3A_442 : vector<16xf32>
      %swap3A_444 = arith.index_cast %scan3A_135 : i32 to index
      %swap3A_445 = arith.constant 480 : index
      %swap3A_446 = tpu.vector_load %arg18[%swap3A_444, %swap3A_445] {strides = array<i32>} : memref<32x1024xf32, #tpu.memory_space<vmem>>, vector<16xf32>,
      tpu.vector_store %arg18[%swap3A_444, %swap3A_445], %add3A_443 {strides = array<i32>} : memref<32x1024xf32, #tpu.memory_space<vmem>>, vector<16xf32>,
      %get3A_447 = arith.index_cast %scan3A_135 : i32 to index
      %get3A_448 = arith.constant 496 : index
      %get3A_449 = tpu.vector_load %arg18[%get3A_447, %get3A_448] {strides = array<i32>} : memref<32x1024xf32, #tpu.memory_space<vmem>>, vector<16xf32>,
      %get3A_450 = arith.index_cast %scan3A_135 : i32 to index
      %get3A_451 = arith.constant 496 : index
      %get3A_452 = tpu.vector_load %arg19[%get3A_450, %get3A_451] {strides = array<i32>} : memref<32x1024xf32, #tpu.memory_space<vmem>>, vector<16xf32>,
      %add3A_453 = arith.addf %get3A_449, %get3A_452 : vector<16xf32>
      %swap3A_454 = arith.index_cast %scan3A_135 : i32 to index
      %swap3A_455 = arith.constant 496 : index
      %swap3A_456 = tpu.vector_load %arg18[%swap3A_454, %swap3A_455] {strides = array<i32>} : memref<32x1024xf32, #tpu.memory_space<vmem>>, vector<16xf32>,
      tpu.vector_store %arg18[%swap3A_454, %swap3A_455], %add3A_453 {strides = array<i32>} : memref<32x1024xf32, #tpu.memory_space<vmem>>, vector<16xf32>,
      %get3A_457 = arith.index_cast %scan3A_135 : i32 to index
      %get3A_458 = arith.constant 512 : index
      %get3A_459 = tpu.vector_load %arg18[%get3A_457, %get3A_458] {strides = array<i32>} : memref<32x1024xf32, #tpu.memory_space<vmem>>, vector<16xf32>,
      %get3A_460 = arith.index_cast %scan3A_135 : i32 to index
      %get3A_461 = arith.constant 512 : index
      %get3A_462 = tpu.vector_load %arg19[%get3A_460, %get3A_461] {strides = array<i32>} : memref<32x1024xf32, #tpu.memory_space<vmem>>, vector<16xf32>,
      %add3A_463 = arith.addf %get3A_459, %get3A_462 : vector<16xf32>
      %swap3A_464 = arith.index_cast %scan3A_135 : i32 to index
      %swap3A_465 = arith.constant 512 : index
      %swap3A_466 = tpu.vector_load %arg18[%swap3A_464, %swap3A_465] {strides = array<i32>} : memref<32x1024xf32, #tpu.memory_space<vmem>>, vector<16xf32>,
      tpu.vector_store %arg18[%swap3A_464, %swap3A_465], %add3A_463 {strides = array<i32>} : memref<32x1024xf32, #tpu.memory_space<vmem>>, vector<16xf32>,
      %get3A_467 = arith.index_cast %scan3A_135 : i32 to index
      %get3A_468 = arith.constant 528 : index
      %get3A_469 = tpu.vector_load %arg18[%get3A_467, %get3A_468] {strides = array<i32>} : memref<32x1024xf32, #tpu.memory_space<vmem>>, vector<16xf32>,
      %get3A_470 = arith.index_cast %scan3A_135 : i32 to index
      %get3A_471 = arith.constant 528 : index
      %get3A_472 = tpu.vector_load %arg19[%get3A_470, %get3A_471] {strides = array<i32>} : memref<32x1024xf32, #tpu.memory_space<vmem>>, vector<16xf32>,
      %add3A_473 = arith.addf %get3A_469, %get3A_472 : vector<16xf32>
      %swap3A_474 = arith.index_cast %scan3A_135 : i32 to index
      %swap3A_475 = arith.constant 528 : index
      %swap3A_476 = tpu.vector_load %arg18[%swap3A_474, %swap3A_475] {strides = array<i32>} : memref<32x1024xf32, #tpu.memory_space<vmem>>, vector<16xf32>,
      tpu.vector_store %arg18[%swap3A_474, %swap3A_475], %add3A_473 {strides = array<i32>} : memref<32x1024xf32, #tpu.memory_space<vmem>>, vector<16xf32>,
      %get3A_477 = arith.index_cast %scan3A_135 : i32 to index
      %get3A_478 = arith.constant 544 : index
      %get3A_479 = tpu.vector_load %arg18[%get3A_477, %get3A_478] {strides = array<i32>} : memref<32x1024xf32, #tpu.memory_space<vmem>>, vector<16xf32>,
      %get3A_480 = arith.index_cast %scan3A_135 : i32 to index
      %get3A_481 = arith.constant 544 : index
      %get3A_482 = tpu.vector_load %arg19[%get3A_480, %get3A_481] {strides = array<i32>} : memref<32x1024xf32, #tpu.memory_space<vmem>>, vector<16xf32>,
      %add3A_483 = arith.addf %get3A_479, %get3A_482 : vector<16xf32>
      %swap3A_484 = arith.index_cast %scan3A_135 : i32 to index
      %swap3A_485 = arith.constant 544 : index
      %swap3A_486 = tpu.vector_load %arg18[%swap3A_484, %swap3A_485] {strides = array<i32>} : memref<32x1024xf32, #tpu.memory_space<vmem>>, vector<16xf32>,
      tpu.vector_store %arg18[%swap3A_484, %swap3A_485], %add3A_483 {strides = array<i32>} : memref<32x1024xf32, #tpu.memory_space<vmem>>, vector<16xf32>,
      %get3A_487 = arith.index_cast %scan3A_135 : i32 to index
      %get3A_488 = arith.constant 560 : index
      %get3A_489 = tpu.vector_load %arg18[%get3A_487, %get3A_488] {strides = array<i32>} : memref<32x1024xf32, #tpu.memory_space<vmem>>, vector<16xf32>,
      %get3A_490 = arith.index_cast %scan3A_135 : i32 to index
      %get3A_491 = arith.constant 560 : index
      %get3A_492 = tpu.vector_load %arg19[%get3A_490, %get3A_491] {strides = array<i32>} : memref<32x1024xf32, #tpu.memory_space<vmem>>, vector<16xf32>,
      %add3A_493 = arith.addf %get3A_489, %get3A_492 : vector<16xf32>
      %swap3A_494 = arith.index_cast %scan3A_135 : i32 to index
      %swap3A_495 = arith.constant 560 : index
      %swap3A_496 = tpu.vector_load %arg18[%swap3A_494, %swap3A_495] {strides = array<i32>} : memref<32x1024xf32, #tpu.memory_space<vmem>>, vector<16xf32>,
      tpu.vector_store %arg18[%swap3A_494, %swap3A_495], %add3A_493 {strides = array<i32>} : memref<32x1024xf32, #tpu.memory_space<vmem>>, vector<16xf32>,
      %get3A_497 = arith.index_cast %scan3A_135 : i32 to index
      %get3A_498 = arith.constant 576 : index
      %get3A_499 = tpu.vector_load %arg18[%get3A_497, %get3A_498] {strides = array<i32>} : memref<32x1024xf32, #tpu.memory_space<vmem>>, vector<16xf32>,
      %get3A_500 = arith.index_cast %scan3A_135 : i32 to index
      %get3A_501 = arith.constant 576 : index
      %get3A_502 = tpu.vector_load %arg19[%get3A_500, %get3A_501] {strides = array<i32>} : memref<32x1024xf32, #tpu.memory_space<vmem>>, vector<16xf32>,
      %add3A_503 = arith.addf %get3A_499, %get3A_502 : vector<16xf32>
      %swap3A_504 = arith.index_cast %scan3A_135 : i32 to index
      %swap3A_505 = arith.constant 576 : index
      %swap3A_506 = tpu.vector_load %arg18[%swap3A_504, %swap3A_505] {strides = array<i32>} : memref<32x1024xf32, #tpu.memory_space<vmem>>, vector<16xf32>,
      tpu.vector_store %arg18[%swap3A_504, %swap3A_505], %add3A_503 {strides = array<i32>} : memref<32x1024xf32, #tpu.memory_space<vmem>>, vector<16xf32>,
      %get3A_507 = arith.index_cast %scan3A_135 : i32 to index
      %get3A_508 = arith.constant 592 : index
      %get3A_509 = tpu.vector_load %arg18[%get3A_507, %get3A_508] {strides = array<i32>} : memref<32x1024xf32, #tpu.memory_space<vmem>>, vector<16xf32>,
      %get3A_510 = arith.index_cast %scan3A_135 : i32 to index
      %get3A_511 = arith.constant 592 : index
      %get3A_512 = tpu.vector_load %arg19[%get3A_510, %get3A_511] {strides = array<i32>} : memref<32x1024xf32, #tpu.memory_space<vmem>>, vector<16xf32>,
      %add3A_513 = arith.addf %get3A_509, %get3A_512 : vector<16xf32>
      %swap3A_514 = arith.index_cast %scan3A_135 : i32 to index
      %swap3A_515 = arith.constant 592 : index
      %swap3A_516 = tpu.vector_load %arg18[%swap3A_514, %swap3A_515] {strides = array<i32>} : memref<32x1024xf32, #tpu.memory_space<vmem>>, vector<16xf32>,
      tpu.vector_store %arg18[%swap3A_514, %swap3A_515], %add3A_513 {strides = array<i32>} : memref<32x1024xf32, #tpu.memory_space<vmem>>, vector<16xf32>,
      %get3A_517 = arith.index_cast %scan3A_135 : i32 to index
      %get3A_518 = arith.constant 608 : index
      %get3A_519 = tpu.vector_load %arg18[%get3A_517, %get3A_518] {strides = array<i32>} : memref<32x1024xf32, #tpu.memory_space<vmem>>, vector<16xf32>,
      %get3A_520 = arith.index_cast %scan3A_135 : i32 to index
      %get3A_521 = arith.constant 608 : index
      %get3A_522 = tpu.vector_load %arg19[%get3A_520, %get3A_521] {strides = array<i32>} : memref<32x1024xf32, #tpu.memory_space<vmem>>, vector<16xf32>,
      %add3A_523 = arith.addf %get3A_519, %get3A_522 : vector<16xf32>
      %swap3A_524 = arith.index_cast %scan3A_135 : i32 to index
      %swap3A_525 = arith.constant 608 : index
      %swap3A_526 = tpu.vector_load %arg18[%swap3A_524, %swap3A_525] {strides = array<i32>} : memref<32x1024xf32, #tpu.memory_space<vmem>>, vector<16xf32>,
      tpu.vector_store %arg18[%swap3A_524, %swap3A_525], %add3A_523 {strides = array<i32>} : memref<32x1024xf32, #tpu.memory_space<vmem>>, vector<16xf32>,
      %get3A_527 = arith.index_cast %scan3A_135 : i32 to index
      %get3A_528 = arith.constant 624 : index
      %get3A_529 = tpu.vector_load %arg18[%get3A_527, %get3A_528] {strides = array<i32>} : memref<32x1024xf32, #tpu.memory_space<vmem>>, vector<16xf32>,
      %get3A_530 = arith.index_cast %scan3A_135 : i32 to index
      %get3A_531 = arith.constant 624 : index
      %get3A_532 = tpu.vector_load %arg19[%get3A_530, %get3A_531] {strides = array<i32>} : memref<32x1024xf32, #tpu.memory_space<vmem>>, vector<16xf32>,
      %add3A_533 = arith.addf %get3A_529, %get3A_532 : vector<16xf32>
      %swap3A_534 = arith.index_cast %scan3A_135 : i32 to index
      %swap3A_535 = arith.constant 624 : index
      %swap3A_536 = tpu.vector_load %arg18[%swap3A_534, %swap3A_535] {strides = array<i32>} : memref<32x1024xf32, #tpu.memory_space<vmem>>, vector<16xf32>,
      tpu.vector_store %arg18[%swap3A_534, %swap3A_535], %add3A_533 {strides = array<i32>} : memref<32x1024xf32, #tpu.memory_space<vmem>>, vector<16xf32>,
      %get3A_537 = arith.index_cast %scan3A_135 : i32 to index
      %get3A_538 = arith.constant 640 : index
      %get3A_539 = tpu.vector_load %arg18[%get3A_537, %get3A_538] {strides = array<i32>} : memref<32x1024xf32, #tpu.memory_space<vmem>>, vector<16xf32>,
      %get3A_540 = arith.index_cast %scan3A_135 : i32 to index
      %get3A_541 = arith.constant 640 : index
      %get3A_542 = tpu.vector_load %arg19[%get3A_540, %get3A_541] {strides = array<i32>} : memref<32x1024xf32, #tpu.memory_space<vmem>>, vector<16xf32>,
      %add3A_543 = arith.addf %get3A_539, %get3A_542 : vector<16xf32>
      %swap3A_544 = arith.index_cast %scan3A_135 : i32 to index
      %swap3A_545 = arith.constant 640 : index
      %swap3A_546 = tpu.vector_load %arg18[%swap3A_544, %swap3A_545] {strides = array<i32>} : memref<32x1024xf32, #tpu.memory_space<vmem>>, vector<16xf32>,
      tpu.vector_store %arg18[%swap3A_544, %swap3A_545], %add3A_543 {strides = array<i32>} : memref<32x1024xf32, #tpu.memory_space<vmem>>, vector<16xf32>,
      %get3A_547 = arith.index_cast %scan3A_135 : i32 to index
      %get3A_548 = arith.constant 656 : index
      %get3A_549 = tpu.vector_load %arg18[%get3A_547, %get3A_548] {strides = array<i32>} : memref<32x1024xf32, #tpu.memory_space<vmem>>, vector<16xf32>,
      %get3A_550 = arith.index_cast %scan3A_135 : i32 to index
      %get3A_551 = arith.constant 656 : index
      %get3A_552 = tpu.vector_load %arg19[%get3A_550, %get3A_551] {strides = array<i32>} : memref<32x1024xf32, #tpu.memory_space<vmem>>, vector<16xf32>,
      %add3A_553 = arith.addf %get3A_549, %get3A_552 : vector<16xf32>
      %swap3A_554 = arith.index_cast %scan3A_135 : i32 to index
      %swap3A_555 = arith.constant 656 : index
      %swap3A_556 = tpu.vector_load %arg18[%swap3A_554, %swap3A_555] {strides = array<i32>} : memref<32x1024xf32, #tpu.memory_space<vmem>>, vector<16xf32>,
      tpu.vector_store %arg18[%swap3A_554, %swap3A_555], %add3A_553 {strides = array<i32>} : memref<32x1024xf32, #tpu.memory_space<vmem>>, vector<16xf32>,
      %get3A_557 = arith.index_cast %scan3A_135 : i32 to index
      %get3A_558 = arith.constant 672 : index
      %get3A_559 = tpu.vector_load %arg18[%get3A_557, %get3A_558] {strides = array<i32>} : memref<32x1024xf32, #tpu.memory_space<vmem>>, vector<16xf32>,
      %get3A_560 = arith.index_cast %scan3A_135 : i32 to index
      %get3A_561 = arith.constant 672 : index
      %get3A_562 = tpu.vector_load %arg19[%get3A_560, %get3A_561] {strides = array<i32>} : memref<32x1024xf32, #tpu.memory_space<vmem>>, vector<16xf32>,
      %add3A_563 = arith.addf %get3A_559, %get3A_562 : vector<16xf32>
      %swap3A_564 = arith.index_cast %scan3A_135 : i32 to index
      %swap3A_565 = arith.constant 672 : index
      %swap3A_566 = tpu.vector_load %arg18[%swap3A_564, %swap3A_565] {strides = array<i32>} : memref<32x1024xf32, #tpu.memory_space<vmem>>, vector<16xf32>,
      tpu.vector_store %arg18[%swap3A_564, %swap3A_565], %add3A_563 {strides = array<i32>} : memref<32x1024xf32, #tpu.memory_space<vmem>>, vector<16xf32>,
      %get3A_567 = arith.index_cast %scan3A_135 : i32 to index
      %get3A_568 = arith.constant 688 : index
      %get3A_569 = tpu.vector_load %arg18[%get3A_567, %get3A_568] {strides = array<i32>} : memref<32x1024xf32, #tpu.memory_space<vmem>>, vector<16xf32>,
      %get3A_570 = arith.index_cast %scan3A_135 : i32 to index
      %get3A_571 = arith.constant 688 : index
      %get3A_572 = tpu.vector_load %arg19[%get3A_570, %get3A_571] {strides = array<i32>} : memref<32x1024xf32, #tpu.memory_space<vmem>>, vector<16xf32>,
      %add3A_573 = arith.addf %get3A_569, %get3A_572 : vector<16xf32>
      %swap3A_574 = arith.index_cast %scan3A_135 : i32 to index
      %swap3A_575 = arith.constant 688 : index
      %swap3A_576 = tpu.vector_load %arg18[%swap3A_574, %swap3A_575] {strides = array<i32>} : memref<32x1024xf32, #tpu.memory_space<vmem>>, vector<16xf32>,
      tpu.vector_store %arg18[%swap3A_574, %swap3A_575], %add3A_573 {strides = array<i32>} : memref<32x1024xf32, #tpu.memory_space<vmem>>, vector<16xf32>,
      %get3A_577 = arith.index_cast %scan3A_135 : i32 to index
      %get3A_578 = arith.constant 704 : index
      %get3A_579 = tpu.vector_load %arg18[%get3A_577, %get3A_578] {strides = array<i32>} : memref<32x1024xf32, #tpu.memory_space<vmem>>, vector<16xf32>,
      %get3A_580 = arith.index_cast %scan3A_135 : i32 to index
      %get3A_581 = arith.constant 704 : index
      %get3A_582 = tpu.vector_load %arg19[%get3A_580, %get3A_581] {strides = array<i32>} : memref<32x1024xf32, #tpu.memory_space<vmem>>, vector<16xf32>,
      %add3A_583 = arith.addf %get3A_579, %get3A_582 : vector<16xf32>
      %swap3A_584 = arith.index_cast %scan3A_135 : i32 to index
      %swap3A_585 = arith.constant 704 : index
      %swap3A_586 = tpu.vector_load %arg18[%swap3A_584, %swap3A_585] {strides = array<i32>} : memref<32x1024xf32, #tpu.memory_space<vmem>>, vector<16xf32>,
      tpu.vector_store %arg18[%swap3A_584, %swap3A_585], %add3A_583 {strides = array<i32>} : memref<32x1024xf32, #tpu.memory_space<vmem>>, vector<16xf32>,
      %get3A_587 = arith.index_cast %scan3A_135 : i32 to index
      %get3A_588 = arith.constant 720 : index
      %get3A_589 = tpu.vector_load %arg18[%get3A_587, %get3A_588] {strides = array<i32>} : memref<32x1024xf32, #tpu.memory_space<vmem>>, vector<16xf32>,
      %get3A_590 = arith.index_cast %scan3A_135 : i32 to index
      %get3A_591 = arith.constant 720 : index
      %get3A_592 = tpu.vector_load %arg19[%get3A_590, %get3A_591] {strides = array<i32>} : memref<32x1024xf32, #tpu.memory_space<vmem>>, vector<16xf32>,
      %add3A_593 = arith.addf %get3A_589, %get3A_592 : vector<16xf32>
      %swap3A_594 = arith.index_cast %scan3A_135 : i32 to index
      %swap3A_595 = arith.constant 720 : index
      %swap3A_596 = tpu.vector_load %arg18[%swap3A_594, %swap3A_595] {strides = array<i32>} : memref<32x1024xf32, #tpu.memory_space<vmem>>, vector<16xf32>,
      tpu.vector_store %arg18[%swap3A_594, %swap3A_595], %add3A_593 {strides = array<i32>} : memref<32x1024xf32, #tpu.memory_space<vmem>>, vector<16xf32>,
      %get3A_597 = arith.index_cast %scan3A_135 : i32 to index
      %get3A_598 = arith.constant 736 : index
      %get3A_599 = tpu.vector_load %arg18[%get3A_597, %get3A_598] {strides = array<i32>} : memref<32x1024xf32, #tpu.memory_space<vmem>>, vector<16xf32>,
      %get3A_600 = arith.index_cast %scan3A_135 : i32 to index
      %get3A_601 = arith.constant 736 : index
      %get3A_602 = tpu.vector_load %arg19[%get3A_600, %get3A_601] {strides = array<i32>} : memref<32x1024xf32, #tpu.memory_space<vmem>>, vector<16xf32>,
      %add3A_603 = arith.addf %get3A_599, %get3A_602 : vector<16xf32>
      %swap3A_604 = arith.index_cast %scan3A_135 : i32 to index
      %swap3A_605 = arith.constant 736 : index
      %swap3A_606 = tpu.vector_load %arg18[%swap3A_604, %swap3A_605] {strides = array<i32>} : memref<32x1024xf32, #tpu.memory_space<vmem>>, vector<16xf32>,
      tpu.vector_store %arg18[%swap3A_604, %swap3A_605], %add3A_603 {strides = array<i32>} : memref<32x1024xf32, #tpu.memory_space<vmem>>, vector<16xf32>,
      %get3A_607 = arith.index_cast %scan3A_135 : i32 to index
      %get3A_608 = arith.constant 752 : index
      %get3A_609 = tpu.vector_load %arg18[%get3A_607, %get3A_608] {strides = array<i32>} : memref<32x1024xf32, #tpu.memory_space<vmem>>, vector<16xf32>,
      %get3A_610 = arith.index_cast %scan3A_135 : i32 to index
      %get3A_611 = arith.constant 752 : index
      %get3A_612 = tpu.vector_load %arg19[%get3A_610, %get3A_611] {strides = array<i32>} : memref<32x1024xf32, #tpu.memory_space<vmem>>, vector<16xf32>,
      %add3A_613 = arith.addf %get3A_609, %get3A_612 : vector<16xf32>
      %swap3A_614 = arith.index_cast %scan3A_135 : i32 to index
      %swap3A_615 = arith.constant 752 : index
      %swap3A_616 = tpu.vector_load %arg18[%swap3A_614, %swap3A_615] {strides = array<i32>} : memref<32x1024xf32, #tpu.memory_space<vmem>>, vector<16xf32>,
      tpu.vector_store %arg18[%swap3A_614, %swap3A_615], %add3A_613 {strides = array<i32>} : memref<32x1024xf32, #tpu.memory_space<vmem>>, vector<16xf32>,
      %get3A_617 = arith.index_cast %scan3A_135 : i32 to index
      %get3A_618 = arith.constant 768 : index
      %get3A_619 = tpu.vector_load %arg18[%get3A_617, %get3A_618] {strides = array<i32>} : memref<32x1024xf32, #tpu.memory_space<vmem>>, vector<16xf32>,
      %get3A_620 = arith.index_cast %scan3A_135 : i32 to index
      %get3A_621 = arith.constant 768 : index
      %get3A_622 = tpu.vector_load %arg19[%get3A_620, %get3A_621] {strides = array<i32>} : memref<32x1024xf32, #tpu.memory_space<vmem>>, vector<16xf32>,
      %add3A_623 = arith.addf %get3A_619, %get3A_622 : vector<16xf32>
      %swap3A_624 = arith.index_cast %scan3A_135 : i32 to index
      %swap3A_625 = arith.constant 768 : index
      %swap3A_626 = tpu.vector_load %arg18[%swap3A_624, %swap3A_625] {strides = array<i32>} : memref<32x1024xf32, #tpu.memory_space<vmem>>, vector<16xf32>,
      tpu.vector_store %arg18[%swap3A_624, %swap3A_625], %add3A_623 {strides = array<i32>} : memref<32x1024xf32, #tpu.memory_space<vmem>>, vector<16xf32>,
      %get3A_627 = arith.index_cast %scan3A_135 : i32 to index
      %get3A_628 = arith.constant 784 : index
      %get3A_629 = tpu.vector_load %arg18[%get3A_627, %get3A_628] {strides = array<i32>} : memref<32x1024xf32, #tpu.memory_space<vmem>>, vector<16xf32>,
      %get3A_630 = arith.index_cast %scan3A_135 : i32 to index
      %get3A_631 = arith.constant 784 : index
      %get3A_632 = tpu.vector_load %arg19[%get3A_630, %get3A_631] {strides = array<i32>} : memref<32x1024xf32, #tpu.memory_space<vmem>>, vector<16xf32>,
      %add3A_633 = arith.addf %get3A_629, %get3A_632 : vector<16xf32>
      %swap3A_634 = arith.index_cast %scan3A_135 : i32 to index
      %swap3A_635 = arith.constant 784 : index
      %swap3A_636 = tpu.vector_load %arg18[%swap3A_634, %swap3A_635] {strides = array<i32>} : memref<32x1024xf32, #tpu.memory_space<vmem>>, vector<16xf32>,
      tpu.vector_store %arg18[%swap3A_634, %swap3A_635], %add3A_633 {strides = array<i32>} : memref<32x1024xf32, #tpu.memory_space<vmem>>, vector<16xf32>,
      %get3A_637 = arith.index_cast %scan3A_135 : i32 to index
      %get3A_638 = arith.constant 800 : index
      %get3A_639 = tpu.vector_load %arg18[%get3A_637, %get3A_638] {strides = array<i32>} : memref<32x1024xf32, #tpu.memory_space<vmem>>, vector<16xf32>,
      %get3A_640 = arith.index_cast %scan3A_135 : i32 to index
      %get3A_641 = arith.constant 800 : index
      %get3A_642 = tpu.vector_load %arg19[%get3A_640, %get3A_641] {strides = array<i32>} : memref<32x1024xf32, #tpu.memory_space<vmem>>, vector<16xf32>,
      %add3A_643 = arith.addf %get3A_639, %get3A_642 : vector<16xf32>
      %swap3A_644 = arith.index_cast %scan3A_135 : i32 to index
      %swap3A_645 = arith.constant 800 : index
      %swap3A_646 = tpu.vector_load %arg18[%swap3A_644, %swap3A_645] {strides = array<i32>} : memref<32x1024xf32, #tpu.memory_space<vmem>>, vector<16xf32>,
      tpu.vector_store %arg18[%swap3A_644, %swap3A_645], %add3A_643 {strides = array<i32>} : memref<32x1024xf32, #tpu.memory_space<vmem>>, vector<16xf32>,
      %get3A_647 = arith.index_cast %scan3A_135 : i32 to index
      %get3A_648 = arith.constant 816 : index
      %get3A_649 = tpu.vector_load %arg18[%get3A_647, %get3A_648] {strides = array<i32>} : memref<32x1024xf32, #tpu.memory_space<vmem>>, vector<16xf32>,
      %get3A_650 = arith.index_cast %scan3A_135 : i32 to index
      %get3A_651 = arith.constant 816 : index
      %get3A_652 = tpu.vector_load %arg19[%get3A_650, %get3A_651] {strides = array<i32>} : memref<32x1024xf32, #tpu.memory_space<vmem>>, vector<16xf32>,
      %add3A_653 = arith.addf %get3A_649, %get3A_652 : vector<16xf32>
      %swap3A_654 = arith.index_cast %scan3A_135 : i32 to index
      %swap3A_655 = arith.constant 816 : index
      %swap3A_656 = tpu.vector_load %arg18[%swap3A_654, %swap3A_655] {strides = array<i32>} : memref<32x1024xf32, #tpu.memory_space<vmem>>, vector<16xf32>,
      tpu.vector_store %arg18[%swap3A_654, %swap3A_655], %add3A_653 {strides = array<i32>} : memref<32x1024xf32, #tpu.memory_space<vmem>>, vector<16xf32>,
      %get3A_657 = arith.index_cast %scan3A_135 : i32 to index
      %get3A_658 = arith.constant 832 : index
      %get3A_659 = tpu.vector_load %arg18[%get3A_657, %get3A_658] {strides = array<i32>} : memref<32x1024xf32, #tpu.memory_space<vmem>>, vector<16xf32>,
      %get3A_660 = arith.index_cast %scan3A_135 : i32 to index
      %get3A_661 = arith.constant 832 : index
      %get3A_662 = tpu.vector_load %arg19[%get3A_660, %get3A_661] {strides = array<i32>} : memref<32x1024xf32, #tpu.memory_space<vmem>>, vector<16xf32>,
      %add3A_663 = arith.addf %get3A_659, %get3A_662 : vector<16xf32>
      %swap3A_664 = arith.index_cast %scan3A_135 : i32 to index
      %swap3A_665 = arith.constant 832 : index
      %swap3A_666 = tpu.vector_load %arg18[%swap3A_664, %swap3A_665] {strides = array<i32>} : memref<32x1024xf32, #tpu.memory_space<vmem>>, vector<16xf32>,
      tpu.vector_store %arg18[%swap3A_664, %swap3A_665], %add3A_663 {strides = array<i32>} : memref<32x1024xf32, #tpu.memory_space<vmem>>, vector<16xf32>,
      %get3A_667 = arith.index_cast %scan3A_135 : i32 to index
      %get3A_668 = arith.constant 848 : index
      %get3A_669 = tpu.vector_load %arg18[%get3A_667, %get3A_668] {strides = array<i32>} : memref<32x1024xf32, #tpu.memory_space<vmem>>, vector<16xf32>,
      %get3A_670 = arith.index_cast %scan3A_135 : i32 to index
      %get3A_671 = arith.constant 848 : index
      %get3A_672 = tpu.vector_load %arg19[%get3A_670, %get3A_671] {strides = array<i32>} : memref<32x1024xf32, #tpu.memory_space<vmem>>, vector<16xf32>,
      %add3A_673 = arith.addf %get3A_669, %get3A_672 : vector<16xf32>
      %swap3A_674 = arith.index_cast %scan3A_135 : i32 to index
      %swap3A_675 = arith.constant 848 : index
      %swap3A_676 = tpu.vector_load %arg18[%swap3A_674, %swap3A_675] {strides = array<i32>} : memref<32x1024xf32, #tpu.memory_space<vmem>>, vector<16xf32>,
      tpu.vector_store %arg18[%swap3A_674, %swap3A_675], %add3A_673 {strides = array<i32>} : memref<32x1024xf32, #tpu.memory_space<vmem>>, vector<16xf32>,
      %get3A_677 = arith.index_cast %scan3A_135 : i32 to index
      %get3A_678 = arith.constant 864 : index
      %get3A_679 = tpu.vector_load %arg18[%get3A_677, %get3A_678] {strides = array<i32>} : memref<32x1024xf32, #tpu.memory_space<vmem>>, vector<16xf32>,
      %get3A_680 = arith.index_cast %scan3A_135 : i32 to index
      %get3A_681 = arith.constant 864 : index
      %get3A_682 = tpu.vector_load %arg19[%get3A_680, %get3A_681] {strides = array<i32>} : memref<32x1024xf32, #tpu.memory_space<vmem>>, vector<16xf32>,
      %add3A_683 = arith.addf %get3A_679, %get3A_682 : vector<16xf32>
      %swap3A_684 = arith.index_cast %scan3A_135 : i32 to index
      %swap3A_685 = arith.constant 864 : index
      %swap3A_686 = tpu.vector_load %arg18[%swap3A_684, %swap3A_685] {strides = array<i32>} : memref<32x1024xf32, #tpu.memory_space<vmem>>, vector<16xf32>,
      tpu.vector_store %arg18[%swap3A_684, %swap3A_685], %add3A_683 {strides = array<i32>} : memref<32x1024xf32, #tpu.memory_space<vmem>>, vector<16xf32>,
      %get3A_687 = arith.index_cast %scan3A_135 : i32 to index
      %get3A_688 = arith.constant 880 : index
      %get3A_689 = tpu.vector_load %arg18[%get3A_687, %get3A_688] {strides = array<i32>} : memref<32x1024xf32, #tpu.memory_space<vmem>>, vector<16xf32>,
      %get3A_690 = arith.index_cast %scan3A_135 : i32 to index
      %get3A_691 = arith.constant 880 : index
      %get3A_692 = tpu.vector_load %arg19[%get3A_690, %get3A_691] {strides = array<i32>} : memref<32x1024xf32, #tpu.memory_space<vmem>>, vector<16xf32>,
      %add3A_693 = arith.addf %get3A_689, %get3A_692 : vector<16xf32>
      %swap3A_694 = arith.index_cast %scan3A_135 : i32 to index
      %swap3A_695 = arith.constant 880 : index
      %swap3A_696 = tpu.vector_load %arg18[%swap3A_694, %swap3A_695] {strides = array<i32>} : memref<32x1024xf32, #tpu.memory_space<vmem>>, vector<16xf32>,
      tpu.vector_store %arg18[%swap3A_694, %swap3A_695], %add3A_693 {strides = array<i32>} : memref<32x1024xf32, #tpu.memory_space<vmem>>, vector<16xf32>,
      %get3A_697 = arith.index_cast %scan3A_135 : i32 to index
      %get3A_698 = arith.constant 896 : index
      %get3A_699 = tpu.vector_load %arg18[%get3A_697, %get3A_698] {strides = array<i32>} : memref<32x1024xf32, #tpu.memory_space<vmem>>, vector<16xf32>,
      %get3A_700 = arith.index_cast %scan3A_135 : i32 to index
      %get3A_701 = arith.constant 896 : index
      %get3A_702 = tpu.vector_load %arg19[%get3A_700, %get3A_701] {strides = array<i32>} : memref<32x1024xf32, #tpu.memory_space<vmem>>, vector<16xf32>,
      %add3A_703 = arith.addf %get3A_699, %get3A_702 : vector<16xf32>
      %swap3A_704 = arith.index_cast %scan3A_135 : i32 to index
      %swap3A_705 = arith.constant 896 : index
      %swap3A_706 = tpu.vector_load %arg18[%swap3A_704, %swap3A_705] {strides = array<i32>} : memref<32x1024xf32, #tpu.memory_space<vmem>>, vector<16xf32>,
      tpu.vector_store %arg18[%swap3A_704, %swap3A_705], %add3A_703 {strides = array<i32>} : memref<32x1024xf32, #tpu.memory_space<vmem>>, vector<16xf32>,
      %get3A_707 = arith.index_cast %scan3A_135 : i32 to index
      %get3A_708 = arith.constant 912 : index
      %get3A_709 = tpu.vector_load %arg18[%get3A_707, %get3A_708] {strides = array<i32>} : memref<32x1024xf32, #tpu.memory_space<vmem>>, vector<16xf32>,
      %get3A_710 = arith.index_cast %scan3A_135 : i32 to index
      %get3A_711 = arith.constant 912 : index
      %get3A_712 = tpu.vector_load %arg19[%get3A_710, %get3A_711] {strides = array<i32>} : memref<32x1024xf32, #tpu.memory_space<vmem>>, vector<16xf32>,
      %add3A_713 = arith.addf %get3A_709, %get3A_712 : vector<16xf32>
      %swap3A_714 = arith.index_cast %scan3A_135 : i32 to index
      %swap3A_715 = arith.constant 912 : index
      %swap3A_716 = tpu.vector_load %arg18[%swap3A_714, %swap3A_715] {strides = array<i32>} : memref<32x1024xf32, #tpu.memory_space<vmem>>, vector<16xf32>,
      tpu.vector_store %arg18[%swap3A_714, %swap3A_715], %add3A_713 {strides = array<i32>} : memref<32x1024xf32, #tpu.memory_space<vmem>>, vector<16xf32>,
      %get3A_717 = arith.index_cast %scan3A_135 : i32 to index
      %get3A_718 = arith.constant 928 : index
      %get3A_719 = tpu.vector_load %arg18[%get3A_717, %get3A_718] {strides = array<i32>} : memref<32x1024xf32, #tpu.memory_space<vmem>>, vector<16xf32>,
      %get3A_720 = arith.index_cast %scan3A_135 : i32 to index
      %get3A_721 = arith.constant 928 : index
      %get3A_722 = tpu.vector_load %arg19[%get3A_720, %get3A_721] {strides = array<i32>} : memref<32x1024xf32, #tpu.memory_space<vmem>>, vector<16xf32>,
      %add3A_723 = arith.addf %get3A_719, %get3A_722 : vector<16xf32>
      %swap3A_724 = arith.index_cast %scan3A_135 : i32 to index
      %swap3A_725 = arith.constant 928 : index
      %swap3A_726 = tpu.vector_load %arg18[%swap3A_724, %swap3A_725] {strides = array<i32>} : memref<32x1024xf32, #tpu.memory_space<vmem>>, vector<16xf32>,
      tpu.vector_store %arg18[%swap3A_724, %swap3A_725], %add3A_723 {strides = array<i32>} : memref<32x1024xf32, #tpu.memory_space<vmem>>, vector<16xf32>,
      %get3A_727 = arith.index_cast %scan3A_135 : i32 to index
      %get3A_728 = arith.constant 944 : index
      %get3A_729 = tpu.vector_load %arg18[%get3A_727, %get3A_728] {strides = array<i32>} : memref<32x1024xf32, #tpu.memory_space<vmem>>, vector<16xf32>,
      %get3A_730 = arith.index_cast %scan3A_135 : i32 to index
      %get3A_731 = arith.constant 944 : index
      %get3A_732 = tpu.vector_load %arg19[%get3A_730, %get3A_731] {strides = array<i32>} : memref<32x1024xf32, #tpu.memory_space<vmem>>, vector<16xf32>,
      %add3A_733 = arith.addf %get3A_729, %get3A_732 : vector<16xf32>
      %swap3A_734 = arith.index_cast %scan3A_135 : i32 to index
      %swap3A_735 = arith.constant 944 : index
      %swap3A_736 = tpu.vector_load %arg18[%swap3A_734, %swap3A_735] {strides = array<i32>} : memref<32x1024xf32, #tpu.memory_space<vmem>>, vector<16xf32>,
      tpu.vector_store %arg18[%swap3A_734, %swap3A_735], %add3A_733 {strides = array<i32>} : memref<32x1024xf32, #tpu.memory_space<vmem>>, vector<16xf32>,
      %get3A_737 = arith.index_cast %scan3A_135 : i32 to index
      %get3A_738 = arith.constant 960 : index
      %get3A_739 = tpu.vector_load %arg18[%get3A_737, %get3A_738] {strides = array<i32>} : memref<32x1024xf32, #tpu.memory_space<vmem>>, vector<16xf32>,
      %get3A_740 = arith.index_cast %scan3A_135 : i32 to index
      %get3A_741 = arith.constant 960 : index
      %get3A_742 = tpu.vector_load %arg19[%get3A_740, %get3A_741] {strides = array<i32>} : memref<32x1024xf32, #tpu.memory_space<vmem>>, vector<16xf32>,
      %add3A_743 = arith.addf %get3A_739, %get3A_742 : vector<16xf32>
      %swap3A_744 = arith.index_cast %scan3A_135 : i32 to index
      %swap3A_745 = arith.constant 960 : index
      %swap3A_746 = tpu.vector_load %arg18[%swap3A_744, %swap3A_745] {strides = array<i32>} : memref<32x1024xf32, #tpu.memory_space<vmem>>, vector<16xf32>,
      tpu.vector_store %arg18[%swap3A_744, %swap3A_745], %add3A_743 {strides = array<i32>} : memref<32x1024xf32, #tpu.memory_space<vmem>>, vector<16xf32>,
      %get3A_747 = arith.index_cast %scan3A_135 : i32 to index
      %get3A_748 = arith.constant 976 : index
      %get3A_749 = tpu.vector_load %arg18[%get3A_747, %get3A_748] {strides = array<i32>} : memref<32x1024xf32, #tpu.memory_space<vmem>>, vector<16xf32>,
      %get3A_750 = arith.index_cast %scan3A_135 : i32 to index
      %get3A_751 = arith.constant 976 : index
      %get3A_752 = tpu.vector_load %arg19[%get3A_750, %get3A_751] {strides = array<i32>} : memref<32x1024xf32, #tpu.memory_space<vmem>>, vector<16xf32>,
      %add3A_753 = arith.addf %get3A_749, %get3A_752 : vector<16xf32>
      %swap3A_754 = arith.index_cast %scan3A_135 : i32 to index
      %swap3A_755 = arith.constant 976 : index
      %swap3A_756 = tpu.vector_load %arg18[%swap3A_754, %swap3A_755] {strides = array<i32>} : memref<32x1024xf32, #tpu.memory_space<vmem>>, vector<16xf32>,
      tpu.vector_store %arg18[%swap3A_754, %swap3A_755], %add3A_753 {strides = array<i32>} : memref<32x1024xf32, #tpu.memory_space<vmem>>, vector<16xf32>,
      %get3A_757 = arith.index_cast %scan3A_135 : i32 to index
      %get3A_758 = arith.constant 992 : index
      %get3A_759 = tpu.vector_load %arg18[%get3A_757, %get3A_758] {strides = array<i32>} : memref<32x1024xf32, #tpu.memory_space<vmem>>, vector<16xf32>,
      %get3A_760 = arith.index_cast %scan3A_135 : i32 to index
      %get3A_761 = arith.constant 992 : index
      %get3A_762 = tpu.vector_load %arg19[%get3A_760, %get3A_761] {strides = array<i32>} : memref<32x1024xf32, #tpu.memory_space<vmem>>, vector<16xf32>,
      %add3A_763 = arith.addf %get3A_759, %get3A_762 : vector<16xf32>
      %swap3A_764 = arith.index_cast %scan3A_135 : i32 to index
      %swap3A_765 = arith.constant 992 : index
      %swap3A_766 = tpu.vector_load %arg18[%swap3A_764, %swap3A_765] {strides = array<i32>} : memref<32x1024xf32, #tpu.memory_space<vmem>>, vector<16xf32>,
      tpu.vector_store %arg18[%swap3A_764, %swap3A_765], %add3A_763 {strides = array<i32>} : memref<32x1024xf32, #tpu.memory_space<vmem>>, vector<16xf32>,
      %get3A_767 = arith.index_cast %scan3A_135 : i32 to index
      %get3A_768 = arith.constant 1008 : index
      %get3A_769 = tpu.vector_load %arg18[%get3A_767, %get3A_768] {strides = array<i32>} : memref<32x1024xf32, #tpu.memory_space<vmem>>, vector<16xf32>,
      %get3A_770 = arith.index_cast %scan3A_135 : i32 to index
      %get3A_771 = arith.constant 1008 : index
      %get3A_772 = tpu.vector_load %arg19[%get3A_770, %get3A_771] {strides = array<i32>} : memref<32x1024xf32, #tpu.memory_space<vmem>>, vector<16xf32>,
      %add3A_773 = arith.addf %get3A_769, %get3A_772 : vector<16xf32>
      %swap3A_774 = arith.index_cast %scan3A_135 : i32 to index
      %swap3A_775 = arith.constant 1008 : index
      %swap3A_776 = tpu.vector_load %arg18[%swap3A_774, %swap3A_775] {strides = array<i32>} : memref<32x1024xf32, #tpu.memory_space<vmem>>, vector<16xf32>,
      tpu.vector_store %arg18[%swap3A_774, %swap3A_775], %add3A_773 {strides = array<i32>} : memref<32x1024xf32, #tpu.memory_space<vmem>>, vector<16xf32>,
      %scan3A_777 = arith.constant 0 : i32
      scf.yield %scan3A_777 : i32
    }
    %scan3A_132 = arith.constant 32 : i32
    %add3A_133 = arith.constant 32 : i32
    %add3A_134 = arith.addi %mul3A_2, %add3A_133 : i32
    "tpu.region"() ({
      %run_scoped3A = tpu.sem_alloc : memref<!tpu.dma_semaphore, #tpu.memory_space<semaphore_mem>>
      %dma_start3A_135 = arith.constant 0 : i32
      %dma_start3A_136 = tpu.memref_slice %arg8[%add3A_134, %dma_start3A_135] : memref<2048x1024xf32, #tpu.memory_space<hbm>> -> memref<32x1024xf32, #tpu.memory_space<hbm>>
      %dma_start3A_137 = arith.constant 0 : i32
      %dma_start3A_138 = tpu.memref_slice %arg8[%add3A_134, %dma_start3A_137] : memref<2048x1024xf32, #tpu.memory_space<hbm>> -> memref<32x1024xf32, #tpu.memory_space<hbm>>
      tpu.enqueue_dma source(%arg18 : memref<32x1024xf32, #tpu.memory_space<vmem>>) target(%dma_start3A_138 : memref<32x1024xf32, #tpu.memory_space<hbm>>) target_semaphore(%run_scoped3A : memref<!tpu.dma_semaphore, #tpu.memory_space<semaphore_mem>>)
      %dma_wait3A_139 = arith.constant 0 : i32
      %dma_wait3A_140 = tpu.memref_slice %arg8[%add3A_134, %dma_wait3A_139] : memref<2048x1024xf32, #tpu.memory_space<hbm>> -> memref<32x1024xf32, #tpu.memory_space<hbm>>
      %dma_wait3A_141 = arith.constant 0 : i32
      %dma_wait3A_142 = tpu.memref_slice %arg8[%add3A_134, %dma_wait3A_141] : memref<2048x1024xf32, #tpu.memory_space<hbm>> -> memref<32x1024xf32, #tpu.memory_space<hbm>>
      tpu.wait_dma2 semaphore(%run_scoped3A : memref<!tpu.dma_semaphore, #tpu.memory_space<semaphore_mem>>) src(%arg18 : memref<32x1024xf32, #tpu.memory_space<vmem>>) dst(%dma_wait3A_142 : memref<32x1024xf32, #tpu.memory_space<hbm>>)
      tpu.yield
    }) : () -> ()
    return
  }
}

#map = affine_map<(d0, d1) -> (0, 0)>
#map1 = affine_map<(d0, d1) -> (0)>
module attributes {stable_mosaic.version = 14 : i64} {
  func.func @_sc_build_gather(%arg0: i32, %arg1: i32, %arg2: memref<2048x1024xf32, #tpu.memory_space<hbm>>, %arg3: memref<2048xi32, #tpu.memory_space<hbm>>, %arg4: memref<2048xi32, #tpu.memory_space<hbm>>, %arg5: memref<2048xi32, #tpu.memory_space<hbm>>, %arg6: memref<2048xi32, #tpu.memory_space<hbm>>, %arg7: memref<2048xf32, #tpu.memory_space<hbm>>, %arg8: memref<2048xf32, #tpu.memory_space<hbm>>, %arg9: memref<16xi32, #tpu.memory_space<hbm>>, %arg10: memref<6144x1024xf32, #tpu.memory_space<hbm>>, %arg11: memref<6144xf32, #tpu.memory_space<hbm>>, %arg12: memref<2048xi32, #tpu.memory_space<vmem>>, %arg13: memref<2048xi32, #tpu.memory_space<vmem>>, %arg14: memref<2048xi32, #tpu.memory_space<vmem>>, %arg15: memref<2048xi32, #tpu.memory_space<vmem>>, %arg16: memref<2048xf32, #tpu.memory_space<vmem>>, %arg17: memref<2048xf32, #tpu.memory_space<vmem>>, %arg18: memref<16xi32, #tpu.memory_space<vmem>>, %arg19: memref<192xi32, #tpu.memory_space<vmem>>, %arg20: memref<192xf32, #tpu.memory_space<vmem>>, %arg21: memref<16x1024xf32, #tpu.memory_space<vmem>>, %arg22: memref<16x1024xf32, #tpu.memory_space<vmem>>, %arg23: memref<16x1024xf32, #tpu.memory_space<vmem>>, %arg24: memref<16x1024xf32, #tpu.memory_space<vmem>>, %arg25: memref<16x1024xf32, #tpu.memory_space<vmem>>, %arg26: memref<16x1024xf32, #tpu.memory_space<vmem>>, %arg27: memref<16x1024xf32, #tpu.memory_space<vmem>>, %arg28: memref<!tpu.dma_semaphore, #tpu.memory_space<semaphore_mem>>, %arg29: memref<!tpu.dma_semaphore, #tpu.memory_space<semaphore_mem>>, %arg30: memref<!tpu.dma_semaphore, #tpu.memory_space<semaphore_mem>>, %arg31: memref<!tpu.dma_semaphore, #tpu.memory_space<semaphore_mem>>, %arg32: memref<!tpu.dma_semaphore, #tpu.memory_space<semaphore_mem>>, %arg33: memref<!tpu.dma_semaphore, #tpu.memory_space<semaphore_mem>>, %arg34: memref<!tpu.dma_semaphore, #tpu.memory_space<semaphore_mem>>, %arg35: memref<!tpu.dma_semaphore, #tpu.memory_space<semaphore_mem>>, %arg36: memref<!tpu.dma_semaphore, #tpu.memory_space<semaphore_mem>>, %arg37: memref<!tpu.dma_semaphore, #tpu.memory_space<semaphore_mem>>, %arg38: memref<!tpu.dma_semaphore, #tpu.memory_space<semaphore_mem>>, %arg39: memref<!tpu.dma_semaphore, #tpu.memory_space<semaphore_mem>>, %arg40: memref<!tpu.dma_semaphore, #tpu.memory_space<semaphore_mem>>, %arg41: memref<!tpu.dma_semaphore, #tpu.memory_space<semaphore_mem>>) attributes {dimension_semantics = [#tpu.dimension_semantics<core_parallel>, #tpu.dimension_semantics<subcore_parallel>], iteration_bounds = array<i64: 2, 16>, scalar_prefetch = 0 : i64, scratch_operands = 30 : i64, tpu.core_type = #tpu.core_type<sc_vector_subcore>, window_params = [{transform_indices = #map}, {transform_indices = #map1}, {transform_indices = #map1}, {transform_indices = #map1}, {transform_indices = #map1}, {transform_indices = #map1}, {transform_indices = #map1}, {transform_indices = #map1}, {transform_indices = #map}, {transform_indices = #map1}]} {
    %mul3A = arith.constant 2 : i32
    %mul3A_0 = arith.muli %arg1, %mul3A : i32
    %add3A = arith.addi %mul3A_0, %arg0 : i32
    %mul3A_1 = arith.constant 192 : i32
    %mul3A_2 = arith.muli %add3A, %mul3A_1 : i32
    "tpu.region"() ({
      %run_scoped3A = tpu.sem_alloc : memref<!tpu.dma_semaphore, #tpu.memory_space<semaphore_mem>>
      tpu.enqueue_dma source(%arg3 : memref<2048xi32, #tpu.memory_space<hbm>>) target(%arg12 : memref<2048xi32, #tpu.memory_space<vmem>>) target_semaphore(%run_scoped3A : memref<!tpu.dma_semaphore, #tpu.memory_space<semaphore_mem>>)
      tpu.wait_dma2 semaphore(%run_scoped3A : memref<!tpu.dma_semaphore, #tpu.memory_space<semaphore_mem>>) src(%arg3 : memref<2048xi32, #tpu.memory_space<hbm>>) dst(%arg12 : memref<2048xi32, #tpu.memory_space<vmem>>)
      tpu.yield
    }) : () -> ()
    "tpu.region"() ({
      %run_scoped3A = tpu.sem_alloc : memref<!tpu.dma_semaphore, #tpu.memory_space<semaphore_mem>>
      tpu.enqueue_dma source(%arg4 : memref<2048xi32, #tpu.memory_space<hbm>>) target(%arg13 : memref<2048xi32, #tpu.memory_space<vmem>>) target_semaphore(%run_scoped3A : memref<!tpu.dma_semaphore, #tpu.memory_space<semaphore_mem>>)
      tpu.wait_dma2 semaphore(%run_scoped3A : memref<!tpu.dma_semaphore, #tpu.memory_space<semaphore_mem>>) src(%arg4 : memref<2048xi32, #tpu.memory_space<hbm>>) dst(%arg13 : memref<2048xi32, #tpu.memory_space<vmem>>)
      tpu.yield
    }) : () -> ()
    "tpu.region"() ({
      %run_scoped3A = tpu.sem_alloc : memref<!tpu.dma_semaphore, #tpu.memory_space<semaphore_mem>>
      tpu.enqueue_dma source(%arg5 : memref<2048xi32, #tpu.memory_space<hbm>>) target(%arg14 : memref<2048xi32, #tpu.memory_space<vmem>>) target_semaphore(%run_scoped3A : memref<!tpu.dma_semaphore, #tpu.memory_space<semaphore_mem>>)
      tpu.wait_dma2 semaphore(%run_scoped3A : memref<!tpu.dma_semaphore, #tpu.memory_space<semaphore_mem>>) src(%arg5 : memref<2048xi32, #tpu.memory_space<hbm>>) dst(%arg14 : memref<2048xi32, #tpu.memory_space<vmem>>)
      tpu.yield
    }) : () -> ()
    "tpu.region"() ({
      %run_scoped3A = tpu.sem_alloc : memref<!tpu.dma_semaphore, #tpu.memory_space<semaphore_mem>>
      tpu.enqueue_dma source(%arg6 : memref<2048xi32, #tpu.memory_space<hbm>>) target(%arg15 : memref<2048xi32, #tpu.memory_space<vmem>>) target_semaphore(%run_scoped3A : memref<!tpu.dma_semaphore, #tpu.memory_space<semaphore_mem>>)
      tpu.wait_dma2 semaphore(%run_scoped3A : memref<!tpu.dma_semaphore, #tpu.memory_space<semaphore_mem>>) src(%arg6 : memref<2048xi32, #tpu.memory_space<hbm>>) dst(%arg15 : memref<2048xi32, #tpu.memory_space<vmem>>)
      tpu.yield
    }) : () -> ()
    "tpu.region"() ({
      %run_scoped3A = tpu.sem_alloc : memref<!tpu.dma_semaphore, #tpu.memory_space<semaphore_mem>>
      tpu.enqueue_dma source(%arg7 : memref<2048xf32, #tpu.memory_space<hbm>>) target(%arg16 : memref<2048xf32, #tpu.memory_space<vmem>>) target_semaphore(%run_scoped3A : memref<!tpu.dma_semaphore, #tpu.memory_space<semaphore_mem>>)
      tpu.wait_dma2 semaphore(%run_scoped3A : memref<!tpu.dma_semaphore, #tpu.memory_space<semaphore_mem>>) src(%arg7 : memref<2048xf32, #tpu.memory_space<hbm>>) dst(%arg16 : memref<2048xf32, #tpu.memory_space<vmem>>)
      tpu.yield
    }) : () -> ()
    "tpu.region"() ({
      %run_scoped3A = tpu.sem_alloc : memref<!tpu.dma_semaphore, #tpu.memory_space<semaphore_mem>>
      tpu.enqueue_dma source(%arg8 : memref<2048xf32, #tpu.memory_space<hbm>>) target(%arg17 : memref<2048xf32, #tpu.memory_space<vmem>>) target_semaphore(%run_scoped3A : memref<!tpu.dma_semaphore, #tpu.memory_space<semaphore_mem>>)
      tpu.wait_dma2 semaphore(%run_scoped3A : memref<!tpu.dma_semaphore, #tpu.memory_space<semaphore_mem>>) src(%arg8 : memref<2048xf32, #tpu.memory_space<hbm>>) dst(%arg17 : memref<2048xf32, #tpu.memory_space<vmem>>)
      tpu.yield
    }) : () -> ()
    "tpu.region"() ({
      %run_scoped3A = tpu.sem_alloc : memref<!tpu.dma_semaphore, #tpu.memory_space<semaphore_mem>>
      tpu.enqueue_dma source(%arg9 : memref<16xi32, #tpu.memory_space<hbm>>) target(%arg18 : memref<16xi32, #tpu.memory_space<vmem>>) target_semaphore(%run_scoped3A : memref<!tpu.dma_semaphore, #tpu.memory_space<semaphore_mem>>)
      tpu.wait_dma2 semaphore(%run_scoped3A : memref<!tpu.dma_semaphore, #tpu.memory_space<semaphore_mem>>) src(%arg9 : memref<16xi32, #tpu.memory_space<hbm>>) dst(%arg18 : memref<16xi32, #tpu.memory_space<vmem>>)
      tpu.yield
    }) : () -> ()
    %add3A_3 = arith.constant 0 : i32
    %add3A_4 = arith.addi %mul3A_2, %add3A_3 : i32
    %iota3A = tpu.iota {dimensions = array<i32: 0>} : vector<16xi32>
    %add3A_5 = vector.broadcast %add3A_4 : i32 to vector<16xi32>
    %add3A_6 = arith.addi %add3A_5, %iota3A : vector<16xi32>
    %and3A = arith.constant 2047 : i32
    %and3A_7 = vector.broadcast %and3A : i32 to vector<16xi32>
    %and3A_8 = arith.andi %add3A_6, %and3A_7 : vector<16xi32>
    %swap3A = arith.constant 0 : index
    %swap3A_9 = tpu.vector_load %arg19[%swap3A] {strides = array<i32>} : memref<192xi32, #tpu.memory_space<vmem>>, vector<16xi32>,
    tpu.vector_store %arg19[%swap3A], %and3A_8 {strides = array<i32>} : memref<192xi32, #tpu.memory_space<vmem>>, vector<16xi32>,
    %broadcast_in_dim3A = arith.constant 0.000000e+00 : f32
    %broadcast_in_dim3A_10 = vector.broadcast %broadcast_in_dim3A : f32 to vector<16xf32>
    %swap3A_11 = arith.constant 0 : index
    %swap3A_12 = tpu.vector_load %arg20[%swap3A_11] {strides = array<i32>} : memref<192xf32, #tpu.memory_space<vmem>>, vector<16xf32>,
    tpu.vector_store %arg20[%swap3A_11], %broadcast_in_dim3A_10 {strides = array<i32>} : memref<192xf32, #tpu.memory_space<vmem>>, vector<16xf32>,
    %add3A_13 = arith.constant 16 : i32
    %add3A_14 = arith.addi %mul3A_2, %add3A_13 : i32
    %iota3A_15 = tpu.iota {dimensions = array<i32: 0>} : vector<16xi32>
    %add3A_16 = vector.broadcast %add3A_14 : i32 to vector<16xi32>
    %add3A_17 = arith.addi %add3A_16, %iota3A_15 : vector<16xi32>
    %and3A_18 = arith.constant 2047 : i32
    %and3A_19 = vector.broadcast %and3A_18 : i32 to vector<16xi32>
    %and3A_20 = arith.andi %add3A_17, %and3A_19 : vector<16xi32>
    %swap3A_21 = arith.constant 16 : index
    %swap3A_22 = tpu.vector_load %arg19[%swap3A_21] {strides = array<i32>} : memref<192xi32, #tpu.memory_space<vmem>>, vector<16xi32>,
    tpu.vector_store %arg19[%swap3A_21], %and3A_20 {strides = array<i32>} : memref<192xi32, #tpu.memory_space<vmem>>, vector<16xi32>,
    %broadcast_in_dim3A_23 = arith.constant 0.000000e+00 : f32
    %broadcast_in_dim3A_24 = vector.broadcast %broadcast_in_dim3A_23 : f32 to vector<16xf32>
    %swap3A_25 = arith.constant 16 : index
    %swap3A_26 = tpu.vector_load %arg20[%swap3A_25] {strides = array<i32>} : memref<192xf32, #tpu.memory_space<vmem>>, vector<16xf32>,
    tpu.vector_store %arg20[%swap3A_25], %broadcast_in_dim3A_24 {strides = array<i32>} : memref<192xf32, #tpu.memory_space<vmem>>, vector<16xf32>,
    %add3A_27 = arith.constant 32 : i32
    %add3A_28 = arith.addi %mul3A_2, %add3A_27 : i32
    %iota3A_29 = tpu.iota {dimensions = array<i32: 0>} : vector<16xi32>
    %add3A_30 = vector.broadcast %add3A_28 : i32 to vector<16xi32>
    %add3A_31 = arith.addi %add3A_30, %iota3A_29 : vector<16xi32>
    %and3A_32 = arith.constant 2047 : i32
    %and3A_33 = vector.broadcast %and3A_32 : i32 to vector<16xi32>
    %and3A_34 = arith.andi %add3A_31, %and3A_33 : vector<16xi32>
    %swap3A_35 = arith.constant 32 : index
    %swap3A_36 = tpu.vector_load %arg19[%swap3A_35] {strides = array<i32>} : memref<192xi32, #tpu.memory_space<vmem>>, vector<16xi32>,
    tpu.vector_store %arg19[%swap3A_35], %and3A_34 {strides = array<i32>} : memref<192xi32, #tpu.memory_space<vmem>>, vector<16xi32>,
    %broadcast_in_dim3A_37 = arith.constant 0.000000e+00 : f32
    %broadcast_in_dim3A_38 = vector.broadcast %broadcast_in_dim3A_37 : f32 to vector<16xf32>
    %swap3A_39 = arith.constant 32 : index
    %swap3A_40 = tpu.vector_load %arg20[%swap3A_39] {strides = array<i32>} : memref<192xf32, #tpu.memory_space<vmem>>, vector<16xf32>,
    tpu.vector_store %arg20[%swap3A_39], %broadcast_in_dim3A_38 {strides = array<i32>} : memref<192xf32, #tpu.memory_space<vmem>>, vector<16xf32>,
    %add3A_41 = arith.constant 48 : i32
    %add3A_42 = arith.addi %mul3A_2, %add3A_41 : i32
    %iota3A_43 = tpu.iota {dimensions = array<i32: 0>} : vector<16xi32>
    %add3A_44 = vector.broadcast %add3A_42 : i32 to vector<16xi32>
    %add3A_45 = arith.addi %add3A_44, %iota3A_43 : vector<16xi32>
    %and3A_46 = arith.constant 2047 : i32
    %and3A_47 = vector.broadcast %and3A_46 : i32 to vector<16xi32>
    %and3A_48 = arith.andi %add3A_45, %and3A_47 : vector<16xi32>
    %swap3A_49 = arith.constant 48 : index
    %swap3A_50 = tpu.vector_load %arg19[%swap3A_49] {strides = array<i32>} : memref<192xi32, #tpu.memory_space<vmem>>, vector<16xi32>,
    tpu.vector_store %arg19[%swap3A_49], %and3A_48 {strides = array<i32>} : memref<192xi32, #tpu.memory_space<vmem>>, vector<16xi32>,
    %broadcast_in_dim3A_51 = arith.constant 0.000000e+00 : f32
    %broadcast_in_dim3A_52 = vector.broadcast %broadcast_in_dim3A_51 : f32 to vector<16xf32>
    %swap3A_53 = arith.constant 48 : index
    %swap3A_54 = tpu.vector_load %arg20[%swap3A_53] {strides = array<i32>} : memref<192xf32, #tpu.memory_space<vmem>>, vector<16xf32>,
    tpu.vector_store %arg20[%swap3A_53], %broadcast_in_dim3A_52 {strides = array<i32>} : memref<192xf32, #tpu.memory_space<vmem>>, vector<16xf32>,
    %add3A_55 = arith.constant 64 : i32
    %add3A_56 = arith.addi %mul3A_2, %add3A_55 : i32
    %iota3A_57 = tpu.iota {dimensions = array<i32: 0>} : vector<16xi32>
    %add3A_58 = vector.broadcast %add3A_56 : i32 to vector<16xi32>
    %add3A_59 = arith.addi %add3A_58, %iota3A_57 : vector<16xi32>
    %and3A_60 = arith.constant 2047 : i32
    %and3A_61 = vector.broadcast %and3A_60 : i32 to vector<16xi32>
    %and3A_62 = arith.andi %add3A_59, %and3A_61 : vector<16xi32>
    %swap3A_63 = arith.constant 64 : index
    %swap3A_64 = tpu.vector_load %arg19[%swap3A_63] {strides = array<i32>} : memref<192xi32, #tpu.memory_space<vmem>>, vector<16xi32>,
    tpu.vector_store %arg19[%swap3A_63], %and3A_62 {strides = array<i32>} : memref<192xi32, #tpu.memory_space<vmem>>, vector<16xi32>,
    %broadcast_in_dim3A_65 = arith.constant 0.000000e+00 : f32
    %broadcast_in_dim3A_66 = vector.broadcast %broadcast_in_dim3A_65 : f32 to vector<16xf32>
    %swap3A_67 = arith.constant 64 : index
    %swap3A_68 = tpu.vector_load %arg20[%swap3A_67] {strides = array<i32>} : memref<192xf32, #tpu.memory_space<vmem>>, vector<16xf32>,
    tpu.vector_store %arg20[%swap3A_67], %broadcast_in_dim3A_66 {strides = array<i32>} : memref<192xf32, #tpu.memory_space<vmem>>, vector<16xf32>,
    %add3A_69 = arith.constant 80 : i32
    %add3A_70 = arith.addi %mul3A_2, %add3A_69 : i32
    %iota3A_71 = tpu.iota {dimensions = array<i32: 0>} : vector<16xi32>
    %add3A_72 = vector.broadcast %add3A_70 : i32 to vector<16xi32>
    %add3A_73 = arith.addi %add3A_72, %iota3A_71 : vector<16xi32>
    %and3A_74 = arith.constant 2047 : i32
    %and3A_75 = vector.broadcast %and3A_74 : i32 to vector<16xi32>
    %and3A_76 = arith.andi %add3A_73, %and3A_75 : vector<16xi32>
    %swap3A_77 = arith.constant 80 : index
    %swap3A_78 = tpu.vector_load %arg19[%swap3A_77] {strides = array<i32>} : memref<192xi32, #tpu.memory_space<vmem>>, vector<16xi32>,
    tpu.vector_store %arg19[%swap3A_77], %and3A_76 {strides = array<i32>} : memref<192xi32, #tpu.memory_space<vmem>>, vector<16xi32>,
    %broadcast_in_dim3A_79 = arith.constant 0.000000e+00 : f32
    %broadcast_in_dim3A_80 = vector.broadcast %broadcast_in_dim3A_79 : f32 to vector<16xf32>
    %swap3A_81 = arith.constant 80 : index
    %swap3A_82 = tpu.vector_load %arg20[%swap3A_81] {strides = array<i32>} : memref<192xf32, #tpu.memory_space<vmem>>, vector<16xf32>,
    tpu.vector_store %arg20[%swap3A_81], %broadcast_in_dim3A_80 {strides = array<i32>} : memref<192xf32, #tpu.memory_space<vmem>>, vector<16xf32>,
    %add3A_83 = arith.constant 96 : i32
    %add3A_84 = arith.addi %mul3A_2, %add3A_83 : i32
    %iota3A_85 = tpu.iota {dimensions = array<i32: 0>} : vector<16xi32>
    %add3A_86 = vector.broadcast %add3A_84 : i32 to vector<16xi32>
    %add3A_87 = arith.addi %add3A_86, %iota3A_85 : vector<16xi32>
    %and3A_88 = arith.constant 2047 : i32
    %and3A_89 = vector.broadcast %and3A_88 : i32 to vector<16xi32>
    %and3A_90 = arith.andi %add3A_87, %and3A_89 : vector<16xi32>
    %swap3A_91 = arith.constant 96 : index
    %swap3A_92 = tpu.vector_load %arg19[%swap3A_91] {strides = array<i32>} : memref<192xi32, #tpu.memory_space<vmem>>, vector<16xi32>,
    tpu.vector_store %arg19[%swap3A_91], %and3A_90 {strides = array<i32>} : memref<192xi32, #tpu.memory_space<vmem>>, vector<16xi32>,
    %broadcast_in_dim3A_93 = arith.constant 0.000000e+00 : f32
    %broadcast_in_dim3A_94 = vector.broadcast %broadcast_in_dim3A_93 : f32 to vector<16xf32>
    %swap3A_95 = arith.constant 96 : index
    %swap3A_96 = tpu.vector_load %arg20[%swap3A_95] {strides = array<i32>} : memref<192xf32, #tpu.memory_space<vmem>>, vector<16xf32>,
    tpu.vector_store %arg20[%swap3A_95], %broadcast_in_dim3A_94 {strides = array<i32>} : memref<192xf32, #tpu.memory_space<vmem>>, vector<16xf32>,
    %add3A_97 = arith.constant 112 : i32
    %add3A_98 = arith.addi %mul3A_2, %add3A_97 : i32
    %iota3A_99 = tpu.iota {dimensions = array<i32: 0>} : vector<16xi32>
    %add3A_100 = vector.broadcast %add3A_98 : i32 to vector<16xi32>
    %add3A_101 = arith.addi %add3A_100, %iota3A_99 : vector<16xi32>
    %and3A_102 = arith.constant 2047 : i32
    %and3A_103 = vector.broadcast %and3A_102 : i32 to vector<16xi32>
    %and3A_104 = arith.andi %add3A_101, %and3A_103 : vector<16xi32>
    %swap3A_105 = arith.constant 112 : index
    %swap3A_106 = tpu.vector_load %arg19[%swap3A_105] {strides = array<i32>} : memref<192xi32, #tpu.memory_space<vmem>>, vector<16xi32>,
    tpu.vector_store %arg19[%swap3A_105], %and3A_104 {strides = array<i32>} : memref<192xi32, #tpu.memory_space<vmem>>, vector<16xi32>,
    %broadcast_in_dim3A_107 = arith.constant 0.000000e+00 : f32
    %broadcast_in_dim3A_108 = vector.broadcast %broadcast_in_dim3A_107 : f32 to vector<16xf32>
    %swap3A_109 = arith.constant 112 : index
    %swap3A_110 = tpu.vector_load %arg20[%swap3A_109] {strides = array<i32>} : memref<192xf32, #tpu.memory_space<vmem>>, vector<16xf32>,
    tpu.vector_store %arg20[%swap3A_109], %broadcast_in_dim3A_108 {strides = array<i32>} : memref<192xf32, #tpu.memory_space<vmem>>, vector<16xf32>,
    %add3A_111 = arith.constant 128 : i32
    %add3A_112 = arith.addi %mul3A_2, %add3A_111 : i32
    %iota3A_113 = tpu.iota {dimensions = array<i32: 0>} : vector<16xi32>
    %add3A_114 = vector.broadcast %add3A_112 : i32 to vector<16xi32>
    %add3A_115 = arith.addi %add3A_114, %iota3A_113 : vector<16xi32>
    %and3A_116 = arith.constant 2047 : i32
    %and3A_117 = vector.broadcast %and3A_116 : i32 to vector<16xi32>
    %and3A_118 = arith.andi %add3A_115, %and3A_117 : vector<16xi32>
    %swap3A_119 = arith.constant 128 : index
    %swap3A_120 = tpu.vector_load %arg19[%swap3A_119] {strides = array<i32>} : memref<192xi32, #tpu.memory_space<vmem>>, vector<16xi32>,
    tpu.vector_store %arg19[%swap3A_119], %and3A_118 {strides = array<i32>} : memref<192xi32, #tpu.memory_space<vmem>>, vector<16xi32>,
    %broadcast_in_dim3A_121 = arith.constant 0.000000e+00 : f32
    %broadcast_in_dim3A_122 = vector.broadcast %broadcast_in_dim3A_121 : f32 to vector<16xf32>
    %swap3A_123 = arith.constant 128 : index
    %swap3A_124 = tpu.vector_load %arg20[%swap3A_123] {strides = array<i32>} : memref<192xf32, #tpu.memory_space<vmem>>, vector<16xf32>,
    tpu.vector_store %arg20[%swap3A_123], %broadcast_in_dim3A_122 {strides = array<i32>} : memref<192xf32, #tpu.memory_space<vmem>>, vector<16xf32>,
    %add3A_125 = arith.constant 144 : i32
    %add3A_126 = arith.addi %mul3A_2, %add3A_125 : i32
    %iota3A_127 = tpu.iota {dimensions = array<i32: 0>} : vector<16xi32>
    %add3A_128 = vector.broadcast %add3A_126 : i32 to vector<16xi32>
    %add3A_129 = arith.addi %add3A_128, %iota3A_127 : vector<16xi32>
    %and3A_130 = arith.constant 2047 : i32
    %and3A_131 = vector.broadcast %and3A_130 : i32 to vector<16xi32>
    %and3A_132 = arith.andi %add3A_129, %and3A_131 : vector<16xi32>
    %swap3A_133 = arith.constant 144 : index
    %swap3A_134 = tpu.vector_load %arg19[%swap3A_133] {strides = array<i32>} : memref<192xi32, #tpu.memory_space<vmem>>, vector<16xi32>,
    tpu.vector_store %arg19[%swap3A_133], %and3A_132 {strides = array<i32>} : memref<192xi32, #tpu.memory_space<vmem>>, vector<16xi32>,
    %broadcast_in_dim3A_135 = arith.constant 0.000000e+00 : f32
    %broadcast_in_dim3A_136 = vector.broadcast %broadcast_in_dim3A_135 : f32 to vector<16xf32>
    %swap3A_137 = arith.constant 144 : index
    %swap3A_138 = tpu.vector_load %arg20[%swap3A_137] {strides = array<i32>} : memref<192xf32, #tpu.memory_space<vmem>>, vector<16xf32>,
    tpu.vector_store %arg20[%swap3A_137], %broadcast_in_dim3A_136 {strides = array<i32>} : memref<192xf32, #tpu.memory_space<vmem>>, vector<16xf32>,
    %add3A_139 = arith.constant 160 : i32
    %add3A_140 = arith.addi %mul3A_2, %add3A_139 : i32
    %iota3A_141 = tpu.iota {dimensions = array<i32: 0>} : vector<16xi32>
    %add3A_142 = vector.broadcast %add3A_140 : i32 to vector<16xi32>
    %add3A_143 = arith.addi %add3A_142, %iota3A_141 : vector<16xi32>
    %and3A_144 = arith.constant 2047 : i32
    %and3A_145 = vector.broadcast %and3A_144 : i32 to vector<16xi32>
    %and3A_146 = arith.andi %add3A_143, %and3A_145 : vector<16xi32>
    %swap3A_147 = arith.constant 160 : index
    %swap3A_148 = tpu.vector_load %arg19[%swap3A_147] {strides = array<i32>} : memref<192xi32, #tpu.memory_space<vmem>>, vector<16xi32>,
    tpu.vector_store %arg19[%swap3A_147], %and3A_146 {strides = array<i32>} : memref<192xi32, #tpu.memory_space<vmem>>, vector<16xi32>,
    %broadcast_in_dim3A_149 = arith.constant 0.000000e+00 : f32
    %broadcast_in_dim3A_150 = vector.broadcast %broadcast_in_dim3A_149 : f32 to vector<16xf32>
    %swap3A_151 = arith.constant 160 : index
    %swap3A_152 = tpu.vector_load %arg20[%swap3A_151] {strides = array<i32>} : memref<192xf32, #tpu.memory_space<vmem>>, vector<16xf32>,
    tpu.vector_store %arg20[%swap3A_151], %broadcast_in_dim3A_150 {strides = array<i32>} : memref<192xf32, #tpu.memory_space<vmem>>, vector<16xf32>,
    %add3A_153 = arith.constant 176 : i32
    %add3A_154 = arith.addi %mul3A_2, %add3A_153 : i32
    %iota3A_155 = tpu.iota {dimensions = array<i32: 0>} : vector<16xi32>
    %add3A_156 = vector.broadcast %add3A_154 : i32 to vector<16xi32>
    %add3A_157 = arith.addi %add3A_156, %iota3A_155 : vector<16xi32>
    %and3A_158 = arith.constant 2047 : i32
    %and3A_159 = vector.broadcast %and3A_158 : i32 to vector<16xi32>
    %and3A_160 = arith.andi %add3A_157, %and3A_159 : vector<16xi32>
    %swap3A_161 = arith.constant 176 : index
    %swap3A_162 = tpu.vector_load %arg19[%swap3A_161] {strides = array<i32>} : memref<192xi32, #tpu.memory_space<vmem>>, vector<16xi32>,
    tpu.vector_store %arg19[%swap3A_161], %and3A_160 {strides = array<i32>} : memref<192xi32, #tpu.memory_space<vmem>>, vector<16xi32>,
    %broadcast_in_dim3A_163 = arith.constant 0.000000e+00 : f32
    %broadcast_in_dim3A_164 = vector.broadcast %broadcast_in_dim3A_163 : f32 to vector<16xf32>
    %swap3A_165 = arith.constant 176 : index
    %swap3A_166 = tpu.vector_load %arg20[%swap3A_165] {strides = array<i32>} : memref<192xf32, #tpu.memory_space<vmem>>, vector<16xf32>,
    tpu.vector_store %arg20[%swap3A_165], %broadcast_in_dim3A_164 {strides = array<i32>} : memref<192xf32, #tpu.memory_space<vmem>>, vector<16xf32>,
    %scan3A = arith.constant 0 : i32
    %scan3A_167 = arith.constant 0 : i32
    %scan3A_168 = arith.constant 128 : i32
    %scan3A_169 = arith.addi %scan3A_167, %scan3A_168 : i32
    %scan3A_170 = arith.constant 1 : i32
    %scan3A_171 = scf.for %scan3A_386 = %scan3A_167 to %scan3A_169 step %scan3A_170 iter_args(%scan3A_387 = %scan3A) -> (i32)  : i32 {
      %mul3A_388 = arith.constant 16 : i32
      %mul3A_389 = arith.muli %scan3A_386, %mul3A_388 : i32
      %iota3A_390 = tpu.iota {dimensions = array<i32: 0>} : vector<16xi32>
      %add3A_391 = vector.broadcast %mul3A_389 : i32 to vector<16xi32>
      %add3A_392 = arith.addi %add3A_391, %iota3A_390 : vector<16xi32>
      %mul3A_393 = arith.constant 16 : i32
      %mul3A_394 = arith.muli %scan3A_386, %mul3A_393 : i32
      %get3A_395 = arith.index_cast %mul3A_394 : i32 to index
      %get3A_396 = tpu.vector_load %arg12[%get3A_395] {strides = array<i32>} : memref<2048xi32, #tpu.memory_space<vmem>>, vector<16xi32>,
      %mul3A_397 = arith.constant 16 : i32
      %mul3A_398 = arith.muli %scan3A_386, %mul3A_397 : i32
      %get3A_399 = arith.index_cast %mul3A_398 : i32 to index
      %get3A_400 = tpu.vector_load %arg14[%get3A_399] {strides = array<i32>} : memref<2048xi32, #tpu.memory_space<vmem>>, vector<16xi32>,
      %mul3A_401 = arith.constant 16 : i32
      %mul3A_402 = arith.muli %scan3A_386, %mul3A_401 : i32
      %get3A_403 = arith.index_cast %mul3A_402 : i32 to index
      %get3A_404 = tpu.vector_load %arg16[%get3A_403] {strides = array<i32>} : memref<2048xf32, #tpu.memory_space<vmem>>, vector<16xf32>,
      %gather3A = tpu.vector_load_idx %arg18[%get3A_396] : memref<16xi32, #tpu.memory_space<vmem>>[vector<16xi32>], vector<16xi32>,
      %add3A_405 = arith.addi %gather3A, %get3A_400 : vector<16xi32>
      %ge3A = vector.broadcast %mul3A_2 : i32 to vector<16xi32>
      %ge3A_406 = arith.cmpi sge, %add3A_405, %ge3A : vector<16xi32>
      %add3A_407 = arith.constant 192 : i32
      %add3A_408 = arith.addi %mul3A_2, %add3A_407 : i32
      %lt3A = vector.broadcast %add3A_408 : i32 to vector<16xi32>
      %lt3A_409 = arith.cmpi slt, %add3A_405, %lt3A : vector<16xi32>
      %and3A_410 = arith.andi %ge3A_406, %lt3A_409 : vector<16xi1>
      %sub3A = vector.broadcast %mul3A_2 : i32 to vector<16xi32>
      %sub3A_411 = arith.subi %add3A_405, %sub3A : vector<16xi32>
      %jit3A = arith.constant 0 : i32
      %jit3A_412 = arith.constant 191 : i32
      %max3A = vector.broadcast %jit3A : i32 to vector<16xi32>
      %max3A_413 = arith.maxsi %max3A, %sub3A_411 : vector<16xi32>
      %min3A = vector.broadcast %jit3A_412 : i32 to vector<16xi32>
      %min3A_414 = arith.minsi %min3A, %max3A_413 : vector<16xi32>
      tpu.vector_store_idx %arg19[%min3A_414], %add3A_392 masked %and3A_410 : memref<192xi32, #tpu.memory_space<vmem>>[vector<16xi32>], vector<16xi32>, vector<16xi1>
      tpu.vector_store_idx %arg20[%min3A_414], %get3A_404 masked %and3A_410 : memref<192xf32, #tpu.memory_space<vmem>>[vector<16xi32>], vector<16xf32>, vector<16xi1>
      %mul3A_415 = arith.constant 16 : i32
      %mul3A_416 = arith.muli %scan3A_386, %mul3A_415 : i32
      %get3A_417 = arith.index_cast %mul3A_416 : i32 to index
      %get3A_418 = tpu.vector_load %arg13[%get3A_417] {strides = array<i32>} : memref<2048xi32, #tpu.memory_space<vmem>>, vector<16xi32>,
      %mul3A_419 = arith.constant 16 : i32
      %mul3A_420 = arith.muli %scan3A_386, %mul3A_419 : i32
      %get3A_421 = arith.index_cast %mul3A_420 : i32 to index
      %get3A_422 = tpu.vector_load %arg15[%get3A_421] {strides = array<i32>} : memref<2048xi32, #tpu.memory_space<vmem>>, vector<16xi32>,
      %mul3A_423 = arith.constant 16 : i32
      %mul3A_424 = arith.muli %scan3A_386, %mul3A_423 : i32
      %get3A_425 = arith.index_cast %mul3A_424 : i32 to index
      %get3A_426 = tpu.vector_load %arg17[%get3A_425] {strides = array<i32>} : memref<2048xf32, #tpu.memory_space<vmem>>, vector<16xf32>,
      %gather3A_427 = tpu.vector_load_idx %arg18[%get3A_418] : memref<16xi32, #tpu.memory_space<vmem>>[vector<16xi32>], vector<16xi32>,
      %add3A_428 = arith.addi %gather3A_427, %get3A_422 : vector<16xi32>
      %ge3A_429 = vector.broadcast %mul3A_2 : i32 to vector<16xi32>
      %ge3A_430 = arith.cmpi sge, %add3A_428, %ge3A_429 : vector<16xi32>
      %add3A_431 = arith.constant 192 : i32
      %add3A_432 = arith.addi %mul3A_2, %add3A_431 : i32
      %lt3A_433 = vector.broadcast %add3A_432 : i32 to vector<16xi32>
      %lt3A_434 = arith.cmpi slt, %add3A_428, %lt3A_433 : vector<16xi32>
      %and3A_435 = arith.andi %ge3A_430, %lt3A_434 : vector<16xi1>
      %sub3A_436 = vector.broadcast %mul3A_2 : i32 to vector<16xi32>
      %sub3A_437 = arith.subi %add3A_428, %sub3A_436 : vector<16xi32>
      %jit3A_438 = arith.constant 0 : i32
      %jit3A_439 = arith.constant 191 : i32
      %max3A_440 = vector.broadcast %jit3A_438 : i32 to vector<16xi32>
      %max3A_441 = arith.maxsi %max3A_440, %sub3A_437 : vector<16xi32>
      %min3A_442 = vector.broadcast %jit3A_439 : i32 to vector<16xi32>
      %min3A_443 = arith.minsi %min3A_442, %max3A_441 : vector<16xi32>
      tpu.vector_store_idx %arg19[%min3A_443], %add3A_392 masked %and3A_435 : memref<192xi32, #tpu.memory_space<vmem>>[vector<16xi32>], vector<16xi32>, vector<16xi1>
      tpu.vector_store_idx %arg20[%min3A_443], %get3A_426 masked %and3A_435 : memref<192xf32, #tpu.memory_space<vmem>>[vector<16xi32>], vector<16xf32>, vector<16xi1>
      %scan3A_444 = arith.constant 0 : i32
      scf.yield %scan3A_444 : i32
    }
    %scan3A_172 = arith.constant 128 : i32
    "tpu.region"() ({
      %run_scoped3A = tpu.sem_alloc : memref<!tpu.dma_semaphore, #tpu.memory_space<semaphore_mem>>
      %dma_start3A_386 = tpu.memref_slice %arg11[%mul3A_2] : memref<6144xf32, #tpu.memory_space<hbm>> -> memref<192xf32, #tpu.memory_space<hbm>>
      %dma_start3A_387 = tpu.memref_slice %arg11[%mul3A_2] : memref<6144xf32, #tpu.memory_space<hbm>> -> memref<192xf32, #tpu.memory_space<hbm>>
      tpu.enqueue_dma source(%arg20 : memref<192xf32, #tpu.memory_space<vmem>>) target(%dma_start3A_387 : memref<192xf32, #tpu.memory_space<hbm>>) target_semaphore(%run_scoped3A : memref<!tpu.dma_semaphore, #tpu.memory_space<semaphore_mem>>)
      %dma_wait3A_388 = tpu.memref_slice %arg11[%mul3A_2] : memref<6144xf32, #tpu.memory_space<hbm>> -> memref<192xf32, #tpu.memory_space<hbm>>
      %dma_wait3A_389 = tpu.memref_slice %arg11[%mul3A_2] : memref<6144xf32, #tpu.memory_space<hbm>> -> memref<192xf32, #tpu.memory_space<hbm>>
      tpu.wait_dma2 semaphore(%run_scoped3A : memref<!tpu.dma_semaphore, #tpu.memory_space<semaphore_mem>>) src(%arg20 : memref<192xf32, #tpu.memory_space<vmem>>) dst(%dma_wait3A_389 : memref<192xf32, #tpu.memory_space<hbm>>)
      tpu.yield
    }) : () -> ()
    %get3A = arith.constant 0 : index
    %get3A_173 = tpu.vector_load %arg19[%get3A] {strides = array<i32>} : memref<192xi32, #tpu.memory_space<vmem>>, vector<16xi32>,
    %dma_start3A = arith.constant 0 : i32
    %dma_start3A_174 = arith.constant 0 : i32
    %dma_start3A_175 = tpu.memref_slice %arg2[%dma_start3A, %dma_start3A_174] : memref<2048x1024xf32, #tpu.memory_space<hbm>> -> memref<2048x1024xf32, #tpu.memory_space<hbm>>
    tpu.enqueue_indirect_dma source(%dma_start3A_175 : memref<2048x1024xf32, #tpu.memory_space<hbm>>) target(%arg21 : memref<16x1024xf32, #tpu.memory_space<vmem>>) offsets(%get3A_173 : vector<16xi32>) semaphore(%arg28 : memref<!tpu.dma_semaphore, #tpu.memory_space<semaphore_mem>>)
    %get3A_176 = arith.constant 16 : index
    %get3A_177 = tpu.vector_load %arg19[%get3A_176] {strides = array<i32>} : memref<192xi32, #tpu.memory_space<vmem>>, vector<16xi32>,
    %dma_start3A_178 = arith.constant 0 : i32
    %dma_start3A_179 = arith.constant 0 : i32
    %dma_start3A_180 = tpu.memref_slice %arg2[%dma_start3A_178, %dma_start3A_179] : memref<2048x1024xf32, #tpu.memory_space<hbm>> -> memref<2048x1024xf32, #tpu.memory_space<hbm>>
    tpu.enqueue_indirect_dma source(%dma_start3A_180 : memref<2048x1024xf32, #tpu.memory_space<hbm>>) target(%arg22 : memref<16x1024xf32, #tpu.memory_space<vmem>>) offsets(%get3A_177 : vector<16xi32>) semaphore(%arg29 : memref<!tpu.dma_semaphore, #tpu.memory_space<semaphore_mem>>)
    %get3A_181 = arith.constant 32 : index
    %get3A_182 = tpu.vector_load %arg19[%get3A_181] {strides = array<i32>} : memref<192xi32, #tpu.memory_space<vmem>>, vector<16xi32>,
    %dma_start3A_183 = arith.constant 0 : i32
    %dma_start3A_184 = arith.constant 0 : i32
    %dma_start3A_185 = tpu.memref_slice %arg2[%dma_start3A_183, %dma_start3A_184] : memref<2048x1024xf32, #tpu.memory_space<hbm>> -> memref<2048x1024xf32, #tpu.memory_space<hbm>>
    tpu.enqueue_indirect_dma source(%dma_start3A_185 : memref<2048x1024xf32, #tpu.memory_space<hbm>>) target(%arg23 : memref<16x1024xf32, #tpu.memory_space<vmem>>) offsets(%get3A_182 : vector<16xi32>) semaphore(%arg30 : memref<!tpu.dma_semaphore, #tpu.memory_space<semaphore_mem>>)
    %get3A_186 = arith.constant 48 : index
    %get3A_187 = tpu.vector_load %arg19[%get3A_186] {strides = array<i32>} : memref<192xi32, #tpu.memory_space<vmem>>, vector<16xi32>,
    %dma_start3A_188 = arith.constant 0 : i32
    %dma_start3A_189 = arith.constant 0 : i32
    %dma_start3A_190 = tpu.memref_slice %arg2[%dma_start3A_188, %dma_start3A_189] : memref<2048x1024xf32, #tpu.memory_space<hbm>> -> memref<2048x1024xf32, #tpu.memory_space<hbm>>
    tpu.enqueue_indirect_dma source(%dma_start3A_190 : memref<2048x1024xf32, #tpu.memory_space<hbm>>) target(%arg24 : memref<16x1024xf32, #tpu.memory_space<vmem>>) offsets(%get3A_187 : vector<16xi32>) semaphore(%arg31 : memref<!tpu.dma_semaphore, #tpu.memory_space<semaphore_mem>>)
    %get3A_191 = arith.constant 64 : index
    %get3A_192 = tpu.vector_load %arg19[%get3A_191] {strides = array<i32>} : memref<192xi32, #tpu.memory_space<vmem>>, vector<16xi32>,
    %dma_start3A_193 = arith.constant 0 : i32
    %dma_start3A_194 = arith.constant 0 : i32
    %dma_start3A_195 = tpu.memref_slice %arg2[%dma_start3A_193, %dma_start3A_194] : memref<2048x1024xf32, #tpu.memory_space<hbm>> -> memref<2048x1024xf32, #tpu.memory_space<hbm>>
    tpu.enqueue_indirect_dma source(%dma_start3A_195 : memref<2048x1024xf32, #tpu.memory_space<hbm>>) target(%arg25 : memref<16x1024xf32, #tpu.memory_space<vmem>>) offsets(%get3A_192 : vector<16xi32>) semaphore(%arg32 : memref<!tpu.dma_semaphore, #tpu.memory_space<semaphore_mem>>)
    %get3A_196 = arith.constant 80 : index
    %get3A_197 = tpu.vector_load %arg19[%get3A_196] {strides = array<i32>} : memref<192xi32, #tpu.memory_space<vmem>>, vector<16xi32>,
    %dma_start3A_198 = arith.constant 0 : i32
    %dma_start3A_199 = arith.constant 0 : i32
    %dma_start3A_200 = tpu.memref_slice %arg2[%dma_start3A_198, %dma_start3A_199] : memref<2048x1024xf32, #tpu.memory_space<hbm>> -> memref<2048x1024xf32, #tpu.memory_space<hbm>>
    tpu.enqueue_indirect_dma source(%dma_start3A_200 : memref<2048x1024xf32, #tpu.memory_space<hbm>>) target(%arg26 : memref<16x1024xf32, #tpu.memory_space<vmem>>) offsets(%get3A_197 : vector<16xi32>) semaphore(%arg33 : memref<!tpu.dma_semaphore, #tpu.memory_space<semaphore_mem>>)
    %dma_wait3A = arith.constant 0 : i32
    %dma_wait3A_201 = arith.constant 0 : i32
    %dma_wait3A_202 = tpu.memref_slice %arg2[%dma_wait3A, %dma_wait3A_201] : memref<2048x1024xf32, #tpu.memory_space<hbm>> -> memref<2048x1024xf32, #tpu.memory_space<hbm>>
    tpu.wait_indirect_dma semaphore(%arg28 : memref<!tpu.dma_semaphore, #tpu.memory_space<semaphore_mem>>) src(%dma_wait3A_202 : memref<2048x1024xf32, #tpu.memory_space<hbm>>) dst(%arg21 : memref<16x1024xf32, #tpu.memory_space<vmem>>)
    %add3A_203 = arith.constant 0 : i32
    %add3A_204 = arith.addi %mul3A_2, %add3A_203 : i32
    %dma_start3A_205 = arith.constant 0 : i32
    %dma_start3A_206 = tpu.memref_slice %arg10[%add3A_204, %dma_start3A_205] : memref<6144x1024xf32, #tpu.memory_space<hbm>> -> memref<16x1024xf32, #tpu.memory_space<hbm>>
    %dma_start3A_207 = arith.constant 0 : i32
    %dma_start3A_208 = tpu.memref_slice %arg10[%add3A_204, %dma_start3A_207] : memref<6144x1024xf32, #tpu.memory_space<hbm>> -> memref<16x1024xf32, #tpu.memory_space<hbm>>
    tpu.enqueue_dma source(%arg21 : memref<16x1024xf32, #tpu.memory_space<vmem>>) target(%dma_start3A_208 : memref<16x1024xf32, #tpu.memory_space<hbm>>) target_semaphore(%arg35 : memref<!tpu.dma_semaphore, #tpu.memory_space<semaphore_mem>>)
    %get3A_209 = arith.constant 96 : index
    %get3A_210 = tpu.vector_load %arg19[%get3A_209] {strides = array<i32>} : memref<192xi32, #tpu.memory_space<vmem>>, vector<16xi32>,
    %dma_start3A_211 = arith.constant 0 : i32
    %dma_start3A_212 = arith.constant 0 : i32
    %dma_start3A_213 = tpu.memref_slice %arg2[%dma_start3A_211, %dma_start3A_212] : memref<2048x1024xf32, #tpu.memory_space<hbm>> -> memref<2048x1024xf32, #tpu.memory_space<hbm>>
    tpu.enqueue_indirect_dma source(%dma_start3A_213 : memref<2048x1024xf32, #tpu.memory_space<hbm>>) target(%arg27 : memref<16x1024xf32, #tpu.memory_space<vmem>>) offsets(%get3A_210 : vector<16xi32>) semaphore(%arg34 : memref<!tpu.dma_semaphore, #tpu.memory_space<semaphore_mem>>)
    %dma_wait3A_214 = arith.constant 0 : i32
    %dma_wait3A_215 = arith.constant 0 : i32
    %dma_wait3A_216 = tpu.memref_slice %arg2[%dma_wait3A_214, %dma_wait3A_215] : memref<2048x1024xf32, #tpu.memory_space<hbm>> -> memref<2048x1024xf32, #tpu.memory_space<hbm>>
    tpu.wait_indirect_dma semaphore(%arg29 : memref<!tpu.dma_semaphore, #tpu.memory_space<semaphore_mem>>) src(%dma_wait3A_216 : memref<2048x1024xf32, #tpu.memory_space<hbm>>) dst(%arg22 : memref<16x1024xf32, #tpu.memory_space<vmem>>)
    %add3A_217 = arith.constant 16 : i32
    %add3A_218 = arith.addi %mul3A_2, %add3A_217 : i32
    %dma_start3A_219 = arith.constant 0 : i32
    %dma_start3A_220 = tpu.memref_slice %arg10[%add3A_218, %dma_start3A_219] : memref<6144x1024xf32, #tpu.memory_space<hbm>> -> memref<16x1024xf32, #tpu.memory_space<hbm>>
    %dma_start3A_221 = arith.constant 0 : i32
    %dma_start3A_222 = tpu.memref_slice %arg10[%add3A_218, %dma_start3A_221] : memref<6144x1024xf32, #tpu.memory_space<hbm>> -> memref<16x1024xf32, #tpu.memory_space<hbm>>
    tpu.enqueue_dma source(%arg22 : memref<16x1024xf32, #tpu.memory_space<vmem>>) target(%dma_start3A_222 : memref<16x1024xf32, #tpu.memory_space<hbm>>) target_semaphore(%arg36 : memref<!tpu.dma_semaphore, #tpu.memory_space<semaphore_mem>>)
    %dma_wait3A_223 = arith.constant 0 : i32
    %dma_wait3A_224 = tpu.memref_slice %arg10[%add3A_204, %dma_wait3A_223] : memref<6144x1024xf32, #tpu.memory_space<hbm>> -> memref<16x1024xf32, #tpu.memory_space<hbm>>
    %dma_wait3A_225 = arith.constant 0 : i32
    %dma_wait3A_226 = tpu.memref_slice %arg10[%add3A_204, %dma_wait3A_225] : memref<6144x1024xf32, #tpu.memory_space<hbm>> -> memref<16x1024xf32, #tpu.memory_space<hbm>>
    tpu.wait_dma2 semaphore(%arg35 : memref<!tpu.dma_semaphore, #tpu.memory_space<semaphore_mem>>) src(%arg21 : memref<16x1024xf32, #tpu.memory_space<vmem>>) dst(%dma_wait3A_226 : memref<16x1024xf32, #tpu.memory_space<hbm>>)
    %get3A_227 = arith.constant 112 : index
    %get3A_228 = tpu.vector_load %arg19[%get3A_227] {strides = array<i32>} : memref<192xi32, #tpu.memory_space<vmem>>, vector<16xi32>,
    %dma_start3A_229 = arith.constant 0 : i32
    %dma_start3A_230 = arith.constant 0 : i32
    %dma_start3A_231 = tpu.memref_slice %arg2[%dma_start3A_229, %dma_start3A_230] : memref<2048x1024xf32, #tpu.memory_space<hbm>> -> memref<2048x1024xf32, #tpu.memory_space<hbm>>
    tpu.enqueue_indirect_dma source(%dma_start3A_231 : memref<2048x1024xf32, #tpu.memory_space<hbm>>) target(%arg21 : memref<16x1024xf32, #tpu.memory_space<vmem>>) offsets(%get3A_228 : vector<16xi32>) semaphore(%arg28 : memref<!tpu.dma_semaphore, #tpu.memory_space<semaphore_mem>>)
    %dma_wait3A_232 = arith.constant 0 : i32
    %dma_wait3A_233 = arith.constant 0 : i32
    %dma_wait3A_234 = tpu.memref_slice %arg2[%dma_wait3A_232, %dma_wait3A_233] : memref<2048x1024xf32, #tpu.memory_space<hbm>> -> memref<2048x1024xf32, #tpu.memory_space<hbm>>
    tpu.wait_indirect_dma semaphore(%arg30 : memref<!tpu.dma_semaphore, #tpu.memory_space<semaphore_mem>>) src(%dma_wait3A_234 : memref<2048x1024xf32, #tpu.memory_space<hbm>>) dst(%arg23 : memref<16x1024xf32, #tpu.memory_space<vmem>>)
    %add3A_235 = arith.constant 32 : i32
    %add3A_236 = arith.addi %mul3A_2, %add3A_235 : i32
    %dma_start3A_237 = arith.constant 0 : i32
    %dma_start3A_238 = tpu.memref_slice %arg10[%add3A_236, %dma_start3A_237] : memref<6144x1024xf32, #tpu.memory_space<hbm>> -> memref<16x1024xf32, #tpu.memory_space<hbm>>
    %dma_start3A_239 = arith.constant 0 : i32
    %dma_start3A_240 = tpu.memref_slice %arg10[%add3A_236, %dma_start3A_239] : memref<6144x1024xf32, #tpu.memory_space<hbm>> -> memref<16x1024xf32, #tpu.memory_space<hbm>>
    tpu.enqueue_dma source(%arg23 : memref<16x1024xf32, #tpu.memory_space<vmem>>) target(%dma_start3A_240 : memref<16x1024xf32, #tpu.memory_space<hbm>>) target_semaphore(%arg37 : memref<!tpu.dma_semaphore, #tpu.memory_space<semaphore_mem>>)
    %dma_wait3A_241 = arith.constant 0 : i32
    %dma_wait3A_242 = tpu.memref_slice %arg10[%add3A_218, %dma_wait3A_241] : memref<6144x1024xf32, #tpu.memory_space<hbm>> -> memref<16x1024xf32, #tpu.memory_space<hbm>>
    %dma_wait3A_243 = arith.constant 0 : i32
    %dma_wait3A_244 = tpu.memref_slice %arg10[%add3A_218, %dma_wait3A_243] : memref<6144x1024xf32, #tpu.memory_space<hbm>> -> memref<16x1024xf32, #tpu.memory_space<hbm>>
    tpu.wait_dma2 semaphore(%arg36 : memref<!tpu.dma_semaphore, #tpu.memory_space<semaphore_mem>>) src(%arg22 : memref<16x1024xf32, #tpu.memory_space<vmem>>) dst(%dma_wait3A_244 : memref<16x1024xf32, #tpu.memory_space<hbm>>)
    %get3A_245 = arith.constant 128 : index
    %get3A_246 = tpu.vector_load %arg19[%get3A_245] {strides = array<i32>} : memref<192xi32, #tpu.memory_space<vmem>>, vector<16xi32>,
    %dma_start3A_247 = arith.constant 0 : i32
    %dma_start3A_248 = arith.constant 0 : i32
    %dma_start3A_249 = tpu.memref_slice %arg2[%dma_start3A_247, %dma_start3A_248] : memref<2048x1024xf32, #tpu.memory_space<hbm>> -> memref<2048x1024xf32, #tpu.memory_space<hbm>>
    tpu.enqueue_indirect_dma source(%dma_start3A_249 : memref<2048x1024xf32, #tpu.memory_space<hbm>>) target(%arg22 : memref<16x1024xf32, #tpu.memory_space<vmem>>) offsets(%get3A_246 : vector<16xi32>) semaphore(%arg29 : memref<!tpu.dma_semaphore, #tpu.memory_space<semaphore_mem>>)
    %dma_wait3A_250 = arith.constant 0 : i32
    %dma_wait3A_251 = arith.constant 0 : i32
    %dma_wait3A_252 = tpu.memref_slice %arg2[%dma_wait3A_250, %dma_wait3A_251] : memref<2048x1024xf32, #tpu.memory_space<hbm>> -> memref<2048x1024xf32, #tpu.memory_space<hbm>>
    tpu.wait_indirect_dma semaphore(%arg31 : memref<!tpu.dma_semaphore, #tpu.memory_space<semaphore_mem>>) src(%dma_wait3A_252 : memref<2048x1024xf32, #tpu.memory_space<hbm>>) dst(%arg24 : memref<16x1024xf32, #tpu.memory_space<vmem>>)
    %add3A_253 = arith.constant 48 : i32
    %add3A_254 = arith.addi %mul3A_2, %add3A_253 : i32
    %dma_start3A_255 = arith.constant 0 : i32
    %dma_start3A_256 = tpu.memref_slice %arg10[%add3A_254, %dma_start3A_255] : memref<6144x1024xf32, #tpu.memory_space<hbm>> -> memref<16x1024xf32, #tpu.memory_space<hbm>>
    %dma_start3A_257 = arith.constant 0 : i32
    %dma_start3A_258 = tpu.memref_slice %arg10[%add3A_254, %dma_start3A_257] : memref<6144x1024xf32, #tpu.memory_space<hbm>> -> memref<16x1024xf32, #tpu.memory_space<hbm>>
    tpu.enqueue_dma source(%arg24 : memref<16x1024xf32, #tpu.memory_space<vmem>>) target(%dma_start3A_258 : memref<16x1024xf32, #tpu.memory_space<hbm>>) target_semaphore(%arg38 : memref<!tpu.dma_semaphore, #tpu.memory_space<semaphore_mem>>)
    %dma_wait3A_259 = arith.constant 0 : i32
    %dma_wait3A_260 = tpu.memref_slice %arg10[%add3A_236, %dma_wait3A_259] : memref<6144x1024xf32, #tpu.memory_space<hbm>> -> memref<16x1024xf32, #tpu.memory_space<hbm>>
    %dma_wait3A_261 = arith.constant 0 : i32
    %dma_wait3A_262 = tpu.memref_slice %arg10[%add3A_236, %dma_wait3A_261] : memref<6144x1024xf32, #tpu.memory_space<hbm>> -> memref<16x1024xf32, #tpu.memory_space<hbm>>
    tpu.wait_dma2 semaphore(%arg37 : memref<!tpu.dma_semaphore, #tpu.memory_space<semaphore_mem>>) src(%arg23 : memref<16x1024xf32, #tpu.memory_space<vmem>>) dst(%dma_wait3A_262 : memref<16x1024xf32, #tpu.memory_space<hbm>>)
    %get3A_263 = arith.constant 144 : index
    %get3A_264 = tpu.vector_load %arg19[%get3A_263] {strides = array<i32>} : memref<192xi32, #tpu.memory_space<vmem>>, vector<16xi32>,
    %dma_start3A_265 = arith.constant 0 : i32
    %dma_start3A_266 = arith.constant 0 : i32
    %dma_start3A_267 = tpu.memref_slice %arg2[%dma_start3A_265, %dma_start3A_266] : memref<2048x1024xf32, #tpu.memory_space<hbm>> -> memref<2048x1024xf32, #tpu.memory_space<hbm>>
    tpu.enqueue_indirect_dma source(%dma_start3A_267 : memref<2048x1024xf32, #tpu.memory_space<hbm>>) target(%arg23 : memref<16x1024xf32, #tpu.memory_space<vmem>>) offsets(%get3A_264 : vector<16xi32>) semaphore(%arg30 : memref<!tpu.dma_semaphore, #tpu.memory_space<semaphore_mem>>)
    %dma_wait3A_268 = arith.constant 0 : i32
    %dma_wait3A_269 = arith.constant 0 : i32
    %dma_wait3A_270 = tpu.memref_slice %arg2[%dma_wait3A_268, %dma_wait3A_269] : memref<2048x1024xf32, #tpu.memory_space<hbm>> -> memref<2048x1024xf32, #tpu.memory_space<hbm>>
    tpu.wait_indirect_dma semaphore(%arg32 : memref<!tpu.dma_semaphore, #tpu.memory_space<semaphore_mem>>) src(%dma_wait3A_270 : memref<2048x1024xf32, #tpu.memory_space<hbm>>) dst(%arg25 : memref<16x1024xf32, #tpu.memory_space<vmem>>)
    %add3A_271 = arith.constant 64 : i32
    %add3A_272 = arith.addi %mul3A_2, %add3A_271 : i32
    %dma_start3A_273 = arith.constant 0 : i32
    %dma_start3A_274 = tpu.memref_slice %arg10[%add3A_272, %dma_start3A_273] : memref<6144x1024xf32, #tpu.memory_space<hbm>> -> memref<16x1024xf32, #tpu.memory_space<hbm>>
    %dma_start3A_275 = arith.constant 0 : i32
    %dma_start3A_276 = tpu.memref_slice %arg10[%add3A_272, %dma_start3A_275] : memref<6144x1024xf32, #tpu.memory_space<hbm>> -> memref<16x1024xf32, #tpu.memory_space<hbm>>
    tpu.enqueue_dma source(%arg25 : memref<16x1024xf32, #tpu.memory_space<vmem>>) target(%dma_start3A_276 : memref<16x1024xf32, #tpu.memory_space<hbm>>) target_semaphore(%arg39 : memref<!tpu.dma_semaphore, #tpu.memory_space<semaphore_mem>>)
    %dma_wait3A_277 = arith.constant 0 : i32
    %dma_wait3A_278 = tpu.memref_slice %arg10[%add3A_254, %dma_wait3A_277] : memref<6144x1024xf32, #tpu.memory_space<hbm>> -> memref<16x1024xf32, #tpu.memory_space<hbm>>
    %dma_wait3A_279 = arith.constant 0 : i32
    %dma_wait3A_280 = tpu.memref_slice %arg10[%add3A_254, %dma_wait3A_279] : memref<6144x1024xf32, #tpu.memory_space<hbm>> -> memref<16x1024xf32, #tpu.memory_space<hbm>>
    tpu.wait_dma2 semaphore(%arg38 : memref<!tpu.dma_semaphore, #tpu.memory_space<semaphore_mem>>) src(%arg24 : memref<16x1024xf32, #tpu.memory_space<vmem>>) dst(%dma_wait3A_280 : memref<16x1024xf32, #tpu.memory_space<hbm>>)
    %get3A_281 = arith.constant 160 : index
    %get3A_282 = tpu.vector_load %arg19[%get3A_281] {strides = array<i32>} : memref<192xi32, #tpu.memory_space<vmem>>, vector<16xi32>,
    %dma_start3A_283 = arith.constant 0 : i32
    %dma_start3A_284 = arith.constant 0 : i32
    %dma_start3A_285 = tpu.memref_slice %arg2[%dma_start3A_283, %dma_start3A_284] : memref<2048x1024xf32, #tpu.memory_space<hbm>> -> memref<2048x1024xf32, #tpu.memory_space<hbm>>
    tpu.enqueue_indirect_dma source(%dma_start3A_285 : memref<2048x1024xf32, #tpu.memory_space<hbm>>) target(%arg24 : memref<16x1024xf32, #tpu.memory_space<vmem>>) offsets(%get3A_282 : vector<16xi32>) semaphore(%arg31 : memref<!tpu.dma_semaphore, #tpu.memory_space<semaphore_mem>>)
    %dma_wait3A_286 = arith.constant 0 : i32
    %dma_wait3A_287 = arith.constant 0 : i32
    %dma_wait3A_288 = tpu.memref_slice %arg2[%dma_wait3A_286, %dma_wait3A_287] : memref<2048x1024xf32, #tpu.memory_space<hbm>> -> memref<2048x1024xf32, #tpu.memory_space<hbm>>
    tpu.wait_indirect_dma semaphore(%arg33 : memref<!tpu.dma_semaphore, #tpu.memory_space<semaphore_mem>>) src(%dma_wait3A_288 : memref<2048x1024xf32, #tpu.memory_space<hbm>>) dst(%arg26 : memref<16x1024xf32, #tpu.memory_space<vmem>>)
    %add3A_289 = arith.constant 80 : i32
    %add3A_290 = arith.addi %mul3A_2, %add3A_289 : i32
    %dma_start3A_291 = arith.constant 0 : i32
    %dma_start3A_292 = tpu.memref_slice %arg10[%add3A_290, %dma_start3A_291] : memref<6144x1024xf32, #tpu.memory_space<hbm>> -> memref<16x1024xf32, #tpu.memory_space<hbm>>
    %dma_start3A_293 = arith.constant 0 : i32
    %dma_start3A_294 = tpu.memref_slice %arg10[%add3A_290, %dma_start3A_293] : memref<6144x1024xf32, #tpu.memory_space<hbm>> -> memref<16x1024xf32, #tpu.memory_space<hbm>>
    tpu.enqueue_dma source(%arg26 : memref<16x1024xf32, #tpu.memory_space<vmem>>) target(%dma_start3A_294 : memref<16x1024xf32, #tpu.memory_space<hbm>>) target_semaphore(%arg40 : memref<!tpu.dma_semaphore, #tpu.memory_space<semaphore_mem>>)
    %dma_wait3A_295 = arith.constant 0 : i32
    %dma_wait3A_296 = tpu.memref_slice %arg10[%add3A_272, %dma_wait3A_295] : memref<6144x1024xf32, #tpu.memory_space<hbm>> -> memref<16x1024xf32, #tpu.memory_space<hbm>>
    %dma_wait3A_297 = arith.constant 0 : i32
    %dma_wait3A_298 = tpu.memref_slice %arg10[%add3A_272, %dma_wait3A_297] : memref<6144x1024xf32, #tpu.memory_space<hbm>> -> memref<16x1024xf32, #tpu.memory_space<hbm>>
    tpu.wait_dma2 semaphore(%arg39 : memref<!tpu.dma_semaphore, #tpu.memory_space<semaphore_mem>>) src(%arg25 : memref<16x1024xf32, #tpu.memory_space<vmem>>) dst(%dma_wait3A_298 : memref<16x1024xf32, #tpu.memory_space<hbm>>)
    %get3A_299 = arith.constant 176 : index
    %get3A_300 = tpu.vector_load %arg19[%get3A_299] {strides = array<i32>} : memref<192xi32, #tpu.memory_space<vmem>>, vector<16xi32>,
    %dma_start3A_301 = arith.constant 0 : i32
    %dma_start3A_302 = arith.constant 0 : i32
    %dma_start3A_303 = tpu.memref_slice %arg2[%dma_start3A_301, %dma_start3A_302] : memref<2048x1024xf32, #tpu.memory_space<hbm>> -> memref<2048x1024xf32, #tpu.memory_space<hbm>>
    tpu.enqueue_indirect_dma source(%dma_start3A_303 : memref<2048x1024xf32, #tpu.memory_space<hbm>>) target(%arg25 : memref<16x1024xf32, #tpu.memory_space<vmem>>) offsets(%get3A_300 : vector<16xi32>) semaphore(%arg32 : memref<!tpu.dma_semaphore, #tpu.memory_space<semaphore_mem>>)
    %dma_wait3A_304 = arith.constant 0 : i32
    %dma_wait3A_305 = arith.constant 0 : i32
    %dma_wait3A_306 = tpu.memref_slice %arg2[%dma_wait3A_304, %dma_wait3A_305] : memref<2048x1024xf32, #tpu.memory_space<hbm>> -> memref<2048x1024xf32, #tpu.memory_space<hbm>>
    tpu.wait_indirect_dma semaphore(%arg34 : memref<!tpu.dma_semaphore, #tpu.memory_space<semaphore_mem>>) src(%dma_wait3A_306 : memref<2048x1024xf32, #tpu.memory_space<hbm>>) dst(%arg27 : memref<16x1024xf32, #tpu.memory_space<vmem>>)
    %add3A_307 = arith.constant 96 : i32
    %add3A_308 = arith.addi %mul3A_2, %add3A_307 : i32
    %dma_start3A_309 = arith.constant 0 : i32
    %dma_start3A_310 = tpu.memref_slice %arg10[%add3A_308, %dma_start3A_309] : memref<6144x1024xf32, #tpu.memory_space<hbm>> -> memref<16x1024xf32, #tpu.memory_space<hbm>>
    %dma_start3A_311 = arith.constant 0 : i32
    %dma_start3A_312 = tpu.memref_slice %arg10[%add3A_308, %dma_start3A_311] : memref<6144x1024xf32, #tpu.memory_space<hbm>> -> memref<16x1024xf32, #tpu.memory_space<hbm>>
    tpu.enqueue_dma source(%arg27 : memref<16x1024xf32, #tpu.memory_space<vmem>>) target(%dma_start3A_312 : memref<16x1024xf32, #tpu.memory_space<hbm>>) target_semaphore(%arg41 : memref<!tpu.dma_semaphore, #tpu.memory_space<semaphore_mem>>)
    %dma_wait3A_313 = arith.constant 0 : i32
    %dma_wait3A_314 = arith.constant 0 : i32
    %dma_wait3A_315 = tpu.memref_slice %arg2[%dma_wait3A_313, %dma_wait3A_314] : memref<2048x1024xf32, #tpu.memory_space<hbm>> -> memref<2048x1024xf32, #tpu.memory_space<hbm>>
    tpu.wait_indirect_dma semaphore(%arg28 : memref<!tpu.dma_semaphore, #tpu.memory_space<semaphore_mem>>) src(%dma_wait3A_315 : memref<2048x1024xf32, #tpu.memory_space<hbm>>) dst(%arg21 : memref<16x1024xf32, #tpu.memory_space<vmem>>)
    %add3A_316 = arith.constant 112 : i32
    %add3A_317 = arith.addi %mul3A_2, %add3A_316 : i32
    %dma_start3A_318 = arith.constant 0 : i32
    %dma_start3A_319 = tpu.memref_slice %arg10[%add3A_317, %dma_start3A_318] : memref<6144x1024xf32, #tpu.memory_space<hbm>> -> memref<16x1024xf32, #tpu.memory_space<hbm>>
    %dma_start3A_320 = arith.constant 0 : i32
    %dma_start3A_321 = tpu.memref_slice %arg10[%add3A_317, %dma_start3A_320] : memref<6144x1024xf32, #tpu.memory_space<hbm>> -> memref<16x1024xf32, #tpu.memory_space<hbm>>
    tpu.enqueue_dma source(%arg21 : memref<16x1024xf32, #tpu.memory_space<vmem>>) target(%dma_start3A_321 : memref<16x1024xf32, #tpu.memory_space<hbm>>) target_semaphore(%arg35 : memref<!tpu.dma_semaphore, #tpu.memory_space<semaphore_mem>>)
    %dma_wait3A_322 = arith.constant 0 : i32
    %dma_wait3A_323 = arith.constant 0 : i32
    %dma_wait3A_324 = tpu.memref_slice %arg2[%dma_wait3A_322, %dma_wait3A_323] : memref<2048x1024xf32, #tpu.memory_space<hbm>> -> memref<2048x1024xf32, #tpu.memory_space<hbm>>
    tpu.wait_indirect_dma semaphore(%arg29 : memref<!tpu.dma_semaphore, #tpu.memory_space<semaphore_mem>>) src(%dma_wait3A_324 : memref<2048x1024xf32, #tpu.memory_space<hbm>>) dst(%arg22 : memref<16x1024xf32, #tpu.memory_space<vmem>>)
    %add3A_325 = arith.constant 128 : i32
    %add3A_326 = arith.addi %mul3A_2, %add3A_325 : i32
    %dma_start3A_327 = arith.constant 0 : i32
    %dma_start3A_328 = tpu.memref_slice %arg10[%add3A_326, %dma_start3A_327] : memref<6144x1024xf32, #tpu.memory_space<hbm>> -> memref<16x1024xf32, #tpu.memory_space<hbm>>
    %dma_start3A_329 = arith.constant 0 : i32
    %dma_start3A_330 = tpu.memref_slice %arg10[%add3A_326, %dma_start3A_329] : memref<6144x1024xf32, #tpu.memory_space<hbm>> -> memref<16x1024xf32, #tpu.memory_space<hbm>>
    tpu.enqueue_dma source(%arg22 : memref<16x1024xf32, #tpu.memory_space<vmem>>) target(%dma_start3A_330 : memref<16x1024xf32, #tpu.memory_space<hbm>>) target_semaphore(%arg36 : memref<!tpu.dma_semaphore, #tpu.memory_space<semaphore_mem>>)
    %dma_wait3A_331 = arith.constant 0 : i32
    %dma_wait3A_332 = arith.constant 0 : i32
    %dma_wait3A_333 = tpu.memref_slice %arg2[%dma_wait3A_331, %dma_wait3A_332] : memref<2048x1024xf32, #tpu.memory_space<hbm>> -> memref<2048x1024xf32, #tpu.memory_space<hbm>>
    tpu.wait_indirect_dma semaphore(%arg30 : memref<!tpu.dma_semaphore, #tpu.memory_space<semaphore_mem>>) src(%dma_wait3A_333 : memref<2048x1024xf32, #tpu.memory_space<hbm>>) dst(%arg23 : memref<16x1024xf32, #tpu.memory_space<vmem>>)
    %add3A_334 = arith.constant 144 : i32
    %add3A_335 = arith.addi %mul3A_2, %add3A_334 : i32
    %dma_start3A_336 = arith.constant 0 : i32
    %dma_start3A_337 = tpu.memref_slice %arg10[%add3A_335, %dma_start3A_336] : memref<6144x1024xf32, #tpu.memory_space<hbm>> -> memref<16x1024xf32, #tpu.memory_space<hbm>>
    %dma_start3A_338 = arith.constant 0 : i32
    %dma_start3A_339 = tpu.memref_slice %arg10[%add3A_335, %dma_start3A_338] : memref<6144x1024xf32, #tpu.memory_space<hbm>> -> memref<16x1024xf32, #tpu.memory_space<hbm>>
    tpu.enqueue_dma source(%arg23 : memref<16x1024xf32, #tpu.memory_space<vmem>>) target(%dma_start3A_339 : memref<16x1024xf32, #tpu.memory_space<hbm>>) target_semaphore(%arg37 : memref<!tpu.dma_semaphore, #tpu.memory_space<semaphore_mem>>)
    %dma_wait3A_340 = arith.constant 0 : i32
    %dma_wait3A_341 = arith.constant 0 : i32
    %dma_wait3A_342 = tpu.memref_slice %arg2[%dma_wait3A_340, %dma_wait3A_341] : memref<2048x1024xf32, #tpu.memory_space<hbm>> -> memref<2048x1024xf32, #tpu.memory_space<hbm>>
    tpu.wait_indirect_dma semaphore(%arg31 : memref<!tpu.dma_semaphore, #tpu.memory_space<semaphore_mem>>) src(%dma_wait3A_342 : memref<2048x1024xf32, #tpu.memory_space<hbm>>) dst(%arg24 : memref<16x1024xf32, #tpu.memory_space<vmem>>)
    %add3A_343 = arith.constant 160 : i32
    %add3A_344 = arith.addi %mul3A_2, %add3A_343 : i32
    %dma_start3A_345 = arith.constant 0 : i32
    %dma_start3A_346 = tpu.memref_slice %arg10[%add3A_344, %dma_start3A_345] : memref<6144x1024xf32, #tpu.memory_space<hbm>> -> memref<16x1024xf32, #tpu.memory_space<hbm>>
    %dma_start3A_347 = arith.constant 0 : i32
    %dma_start3A_348 = tpu.memref_slice %arg10[%add3A_344, %dma_start3A_347] : memref<6144x1024xf32, #tpu.memory_space<hbm>> -> memref<16x1024xf32, #tpu.memory_space<hbm>>
    tpu.enqueue_dma source(%arg24 : memref<16x1024xf32, #tpu.memory_space<vmem>>) target(%dma_start3A_348 : memref<16x1024xf32, #tpu.memory_space<hbm>>) target_semaphore(%arg38 : memref<!tpu.dma_semaphore, #tpu.memory_space<semaphore_mem>>)
    %dma_wait3A_349 = arith.constant 0 : i32
    %dma_wait3A_350 = arith.constant 0 : i32
    %dma_wait3A_351 = tpu.memref_slice %arg2[%dma_wait3A_349, %dma_wait3A_350] : memref<2048x1024xf32, #tpu.memory_space<hbm>> -> memref<2048x1024xf32, #tpu.memory_space<hbm>>
    tpu.wait_indirect_dma semaphore(%arg32 : memref<!tpu.dma_semaphore, #tpu.memory_space<semaphore_mem>>) src(%dma_wait3A_351 : memref<2048x1024xf32, #tpu.memory_space<hbm>>) dst(%arg25 : memref<16x1024xf32, #tpu.memory_space<vmem>>)
    %add3A_352 = arith.constant 176 : i32
    %add3A_353 = arith.addi %mul3A_2, %add3A_352 : i32
    %dma_start3A_354 = arith.constant 0 : i32
    %dma_start3A_355 = tpu.memref_slice %arg10[%add3A_353, %dma_start3A_354] : memref<6144x1024xf32, #tpu.memory_space<hbm>> -> memref<16x1024xf32, #tpu.memory_space<hbm>>
    %dma_start3A_356 = arith.constant 0 : i32
    %dma_start3A_357 = tpu.memref_slice %arg10[%add3A_353, %dma_start3A_356] : memref<6144x1024xf32, #tpu.memory_space<hbm>> -> memref<16x1024xf32, #tpu.memory_space<hbm>>
    tpu.enqueue_dma source(%arg25 : memref<16x1024xf32, #tpu.memory_space<vmem>>) target(%dma_start3A_357 : memref<16x1024xf32, #tpu.memory_space<hbm>>) target_semaphore(%arg39 : memref<!tpu.dma_semaphore, #tpu.memory_space<semaphore_mem>>)
    %dma_wait3A_358 = arith.constant 0 : i32
    %dma_wait3A_359 = tpu.memref_slice %arg10[%add3A_290, %dma_wait3A_358] : memref<6144x1024xf32, #tpu.memory_space<hbm>> -> memref<16x1024xf32, #tpu.memory_space<hbm>>
    %dma_wait3A_360 = arith.constant 0 : i32
    %dma_wait3A_361 = tpu.memref_slice %arg10[%add3A_290, %dma_wait3A_360] : memref<6144x1024xf32, #tpu.memory_space<hbm>> -> memref<16x1024xf32, #tpu.memory_space<hbm>>
    tpu.wait_dma2 semaphore(%arg40 : memref<!tpu.dma_semaphore, #tpu.memory_space<semaphore_mem>>) src(%arg26 : memref<16x1024xf32, #tpu.memory_space<vmem>>) dst(%dma_wait3A_361 : memref<16x1024xf32, #tpu.memory_space<hbm>>)
    %dma_wait3A_362 = arith.constant 0 : i32
    %dma_wait3A_363 = tpu.memref_slice %arg10[%add3A_308, %dma_wait3A_362] : memref<6144x1024xf32, #tpu.memory_space<hbm>> -> memref<16x1024xf32, #tpu.memory_space<hbm>>
    %dma_wait3A_364 = arith.constant 0 : i32
    %dma_wait3A_365 = tpu.memref_slice %arg10[%add3A_308, %dma_wait3A_364] : memref<6144x1024xf32, #tpu.memory_space<hbm>> -> memref<16x1024xf32, #tpu.memory_space<hbm>>
    tpu.wait_dma2 semaphore(%arg41 : memref<!tpu.dma_semaphore, #tpu.memory_space<semaphore_mem>>) src(%arg27 : memref<16x1024xf32, #tpu.memory_space<vmem>>) dst(%dma_wait3A_365 : memref<16x1024xf32, #tpu.memory_space<hbm>>)
    %dma_wait3A_366 = arith.constant 0 : i32
    %dma_wait3A_367 = tpu.memref_slice %arg10[%add3A_317, %dma_wait3A_366] : memref<6144x1024xf32, #tpu.memory_space<hbm>> -> memref<16x1024xf32, #tpu.memory_space<hbm>>
    %dma_wait3A_368 = arith.constant 0 : i32
    %dma_wait3A_369 = tpu.memref_slice %arg10[%add3A_317, %dma_wait3A_368] : memref<6144x1024xf32, #tpu.memory_space<hbm>> -> memref<16x1024xf32, #tpu.memory_space<hbm>>
    tpu.wait_dma2 semaphore(%arg35 : memref<!tpu.dma_semaphore, #tpu.memory_space<semaphore_mem>>) src(%arg21 : memref<16x1024xf32, #tpu.memory_space<vmem>>) dst(%dma_wait3A_369 : memref<16x1024xf32, #tpu.memory_space<hbm>>)
    %dma_wait3A_370 = arith.constant 0 : i32
    %dma_wait3A_371 = tpu.memref_slice %arg10[%add3A_326, %dma_wait3A_370] : memref<6144x1024xf32, #tpu.memory_space<hbm>> -> memref<16x1024xf32, #tpu.memory_space<hbm>>
    %dma_wait3A_372 = arith.constant 0 : i32
    %dma_wait3A_373 = tpu.memref_slice %arg10[%add3A_326, %dma_wait3A_372] : memref<6144x1024xf32, #tpu.memory_space<hbm>> -> memref<16x1024xf32, #tpu.memory_space<hbm>>
    tpu.wait_dma2 semaphore(%arg36 : memref<!tpu.dma_semaphore, #tpu.memory_space<semaphore_mem>>) src(%arg22 : memref<16x1024xf32, #tpu.memory_space<vmem>>) dst(%dma_wait3A_373 : memref<16x1024xf32, #tpu.memory_space<hbm>>)
    %dma_wait3A_374 = arith.constant 0 : i32
    %dma_wait3A_375 = tpu.memref_slice %arg10[%add3A_335, %dma_wait3A_374] : memref<6144x1024xf32, #tpu.memory_space<hbm>> -> memref<16x1024xf32, #tpu.memory_space<hbm>>
    %dma_wait3A_376 = arith.constant 0 : i32
    %dma_wait3A_377 = tpu.memref_slice %arg10[%add3A_335, %dma_wait3A_376] : memref<6144x1024xf32, #tpu.memory_space<hbm>> -> memref<16x1024xf32, #tpu.memory_space<hbm>>
    tpu.wait_dma2 semaphore(%arg37 : memref<!tpu.dma_semaphore, #tpu.memory_space<semaphore_mem>>) src(%arg23 : memref<16x1024xf32, #tpu.memory_space<vmem>>) dst(%dma_wait3A_377 : memref<16x1024xf32, #tpu.memory_space<hbm>>)
    %dma_wait3A_378 = arith.constant 0 : i32
    %dma_wait3A_379 = tpu.memref_slice %arg10[%add3A_344, %dma_wait3A_378] : memref<6144x1024xf32, #tpu.memory_space<hbm>> -> memref<16x1024xf32, #tpu.memory_space<hbm>>
    %dma_wait3A_380 = arith.constant 0 : i32
    %dma_wait3A_381 = tpu.memref_slice %arg10[%add3A_344, %dma_wait3A_380] : memref<6144x1024xf32, #tpu.memory_space<hbm>> -> memref<16x1024xf32, #tpu.memory_space<hbm>>
    tpu.wait_dma2 semaphore(%arg38 : memref<!tpu.dma_semaphore, #tpu.memory_space<semaphore_mem>>) src(%arg24 : memref<16x1024xf32, #tpu.memory_space<vmem>>) dst(%dma_wait3A_381 : memref<16x1024xf32, #tpu.memory_space<hbm>>)
    %dma_wait3A_382 = arith.constant 0 : i32
    %dma_wait3A_383 = tpu.memref_slice %arg10[%add3A_353, %dma_wait3A_382] : memref<6144x1024xf32, #tpu.memory_space<hbm>> -> memref<16x1024xf32, #tpu.memory_space<hbm>>
    %dma_wait3A_384 = arith.constant 0 : i32
    %dma_wait3A_385 = tpu.memref_slice %arg10[%add3A_353, %dma_wait3A_384] : memref<6144x1024xf32, #tpu.memory_space<hbm>> -> memref<16x1024xf32, #tpu.memory_space<hbm>>
    tpu.wait_dma2 semaphore(%arg39 : memref<!tpu.dma_semaphore, #tpu.memory_space<semaphore_mem>>) src(%arg25 : memref<16x1024xf32, #tpu.memory_space<vmem>>) dst(%dma_wait3A_385 : memref<16x1024xf32, #tpu.memory_space<hbm>>)
    return
  }
}

module attributes {stable_mosaic.version = 14 : i64} {
  func.func @_route_body(%arg0: i32, %arg1: memref<256x1024xf32, #tpu.memory_space<vmem>>, %arg2: memref<256x1024xf32, #tpu.memory_space<vmem>>, %arg3: memref<1024x2048xf32, #tpu.memory_space<vmem>>, %arg4: memref<1x2048xf32, #tpu.memory_space<vmem>>, %arg5: memref<2048x16xf32, #tpu.memory_space<vmem>>, %arg6: memref<1x16xf32, #tpu.memory_space<vmem>>, %arg7: memref<1024x16xf32, #tpu.memory_space<vmem>>, %arg8: memref<1x16xf32, #tpu.memory_space<vmem>>, %arg9: memref<256x16xi32, #tpu.memory_space<vmem>>, %arg10: memref<256x16xi32, #tpu.memory_space<vmem>>, %arg11: memref<256x16xi32, #tpu.memory_space<vmem>>, %arg12: memref<256x16xi32, #tpu.memory_space<vmem>>, %arg13: memref<256x16xf32, #tpu.memory_space<vmem>>, %arg14: memref<256x16xf32, #tpu.memory_space<vmem>>, %arg15: memref<1x16xi32, #tpu.memory_space<vmem>>, %arg16: memref<1x64xi32, #tpu.memory_space<vmem>>, %arg17: memref<1x16xf32, #tpu.memory_space<vmem>>) attributes {dimension_semantics = [#tpu.dimension_semantics<arbitrary>], iteration_bounds = array<i64: 8>, scalar_prefetch = 0 : i64, scratch_operands = 1 : i64, tpu.core_type = #tpu.core_type<tc>, window_params = [{transform_indices = @transform_0, window_bounds = array<i64: 256, 1024>}, {transform_indices = @transform_1, window_bounds = array<i64: 256, 1024>}, {pipeline_mode = #tpu.pipeline_mode<synchronous>, transform_indices = @transform_2, window_bounds = array<i64: 1024, 2048>}, {pipeline_mode = #tpu.pipeline_mode<synchronous>, transform_indices = @transform_3, window_bounds = array<i64: 1, 2048>}, {pipeline_mode = #tpu.pipeline_mode<synchronous>, transform_indices = @transform_4, window_bounds = array<i64: 2048, 16>}, {pipeline_mode = #tpu.pipeline_mode<synchronous>, transform_indices = @transform_5, window_bounds = array<i64: 1, 16>}, {pipeline_mode = #tpu.pipeline_mode<synchronous>, transform_indices = @transform_6, window_bounds = array<i64: 1024, 16>}, {pipeline_mode = #tpu.pipeline_mode<synchronous>, transform_indices = @transform_7, window_bounds = array<i64: 1, 16>}, {transform_indices = @transform_8, window_bounds = array<i64: 256, 16>}, {transform_indices = @transform_9, window_bounds = array<i64: 256, 16>}, {transform_indices = @transform_10, window_bounds = array<i64: 256, 16>}, {transform_indices = @transform_11, window_bounds = array<i64: 256, 16>}, {transform_indices = @transform_12, window_bounds = array<i64: 256, 16>}, {transform_indices = @transform_13, window_bounds = array<i64: 256, 16>}, {pipeline_mode = #tpu.pipeline_mode<synchronous>, transform_indices = @transform_14, window_bounds = array<i64: 1, 16>}, {pipeline_mode = #tpu.pipeline_mode<synchronous>, transform_indices = @transform_15, window_bounds = array<i64: 1, 64>}]} {
    %get3A = arith.constant 0 : index
    %get3A_0 = arith.constant 0 : index
    %get3A_1 = vector.load %arg1[%get3A, %get3A_0] : memref<256x1024xf32, #tpu.memory_space<vmem>>, vector<256x1024xf32>
    %get3A_2 = arith.constant 0 : index
    %get3A_3 = arith.constant 0 : index
    %get3A_4 = vector.load %arg3[%get3A_2, %get3A_3] : memref<1024x2048xf32, #tpu.memory_space<vmem>>, vector<1024x2048xf32>
    %dot_general3A = arith.constant dense<0.000000e+00> : vector<256x2048xf32>
    %dot_general3A_5 = tpu.matmul %get3A_1, %get3A_4, %dot_general3A {dimension_numbers = #tpu.dot_dimension_numbers<[1], [0], [0], [1], [0, 0, 1, 1], [], []>, transpose_lhs_hint = false} : vector<256x1024xf32>, vector<1024x2048xf32>, vector<256x2048xf32> -> vector<256x2048xf32>
    %get3A_6 = arith.constant 0 : index
    %get3A_7 = arith.constant 0 : index
    %get3A_8 = vector.load %arg4[%get3A_6, %get3A_7] : memref<1x2048xf32, #tpu.memory_space<vmem>>, vector<1x2048xf32>
    %add3A = vector.broadcast %get3A_8 : vector<1x2048xf32> to vector<256x2048xf32>
    %add3A_9 = arith.addf %dot_general3A_5, %add3A : vector<256x2048xf32>
    %mul3A = arith.constant 5.000000e-01 : f32
    %mul3A_10 = vector.broadcast %mul3A : f32 to vector<256x2048xf32>
    %mul3A_11 = arith.mulf %mul3A_10, %add3A_9 : vector<256x2048xf32>
    %mul3A_12 = arith.constant 0.707106769 : f32
    %mul3A_13 = vector.broadcast %mul3A_12 : f32 to vector<256x2048xf32>
    %mul3A_14 = arith.mulf %add3A_9, %mul3A_13 : vector<256x2048xf32>
    %erf3A = math.erf %mul3A_14 : vector<256x2048xf32>
    %add3A_15 = arith.constant 1.000000e+00 : f32
    %add3A_16 = vector.broadcast %add3A_15 : f32 to vector<256x2048xf32>
    %add3A_17 = arith.addf %add3A_16, %erf3A : vector<256x2048xf32>
    %mul3A_18 = arith.mulf %mul3A_11, %add3A_17 : vector<256x2048xf32>
    %get3A_19 = arith.constant 0 : index
    %get3A_20 = arith.constant 0 : index
    %get3A_21 = vector.load %arg5[%get3A_19, %get3A_20] : memref<2048x16xf32, #tpu.memory_space<vmem>>, vector<2048x16xf32>
    %dot_general3A_22 = arith.constant dense<0.000000e+00> : vector<256x16xf32>
    %dot_general3A_23 = tpu.matmul %mul3A_18, %get3A_21, %dot_general3A_22 {dimension_numbers = #tpu.dot_dimension_numbers<[1], [0], [0], [1], [0, 0, 1, 1], [], []>, transpose_lhs_hint = false} : vector<256x2048xf32>, vector<2048x16xf32>, vector<256x16xf32> -> vector<256x16xf32>
    %get3A_24 = arith.constant 0 : index
    %get3A_25 = arith.constant 0 : index
    %get3A_26 = vector.load %arg6[%get3A_24, %get3A_25] : memref<1x16xf32, #tpu.memory_space<vmem>>, vector<1x16xf32>
    %add3A_27 = vector.broadcast %get3A_26 : vector<1x16xf32> to vector<256x16xf32>
    %add3A_28 = arith.addf %dot_general3A_23, %add3A_27 : vector<256x16xf32>
    %reduce_max3A = arith.constant dense<0xFF800000> : vector<256xf32>
    %reduce_max3A_29 = vector.multi_reduction <maximumf>, %add3A_28, %reduce_max3A [1] : vector<256x16xf32> to vector<256xf32>
    %broadcast_in_dim3A = vector.shape_cast %reduce_max3A_29 : vector<256xf32> to vector<256x1xf32>
    %sub3A = vector.broadcast %broadcast_in_dim3A : vector<256x1xf32> to vector<256x16xf32>
    %sub3A_30 = arith.subf %add3A_28, %sub3A : vector<256x16xf32>
    %exp3A = math.exp %sub3A_30 : vector<256x16xf32>
    %reduce_sum3A = arith.constant dense<0.000000e+00> : vector<256xf32>
    %reduce_sum3A_31 = vector.multi_reduction <add>, %exp3A, %reduce_sum3A [1] : vector<256x16xf32> to vector<256xf32>
    %broadcast_in_dim3A_32 = vector.shape_cast %reduce_sum3A_31 : vector<256xf32> to vector<256x1xf32>
    %div3A = vector.broadcast %broadcast_in_dim3A_32 : vector<256x1xf32> to vector<256x16xf32>
    %div3A_33 = arith.divf %exp3A, %div3A : vector<256x16xf32>
    %iota3A = tpu.iota {dimensions = array<i32: 1>} : vector<256x16xi32>
    %reduce_max3A_34 = arith.constant dense<0xFF800000> : vector<256xf32>
    %reduce_max3A_35 = vector.multi_reduction <maximumf>, %div3A_33, %reduce_max3A_34 [1] : vector<256x16xf32> to vector<256xf32>
    %broadcast_in_dim3A_36 = vector.shape_cast %reduce_max3A_35 : vector<256xf32> to vector<256x1xf32>
    %eq3A = vector.broadcast %broadcast_in_dim3A_36 : vector<256x1xf32> to vector<256x16xf32>
    %eq3A_37 = arith.cmpf oeq, %div3A_33, %eq3A : vector<256x16xf32>
    %jit3A = arith.constant 2147483647 : i32
    %broadcast_in_dim3A_38 = vector.broadcast %jit3A : i32 to vector<256x16xi32>
    %select_n3A = arith.select %eq3A_37, %iota3A, %broadcast_in_dim3A_38 : vector<256x16xi1>, vector<256x16xi32>
    %reduce_min3A = arith.constant dense<2147483647> : vector<256xi32>
    %reduce_min3A_39 = vector.multi_reduction <minsi>, %select_n3A, %reduce_min3A [1] : vector<256x16xi32> to vector<256xi32>
    %broadcast_in_dim3A_40 = vector.shape_cast %reduce_min3A_39 : vector<256xi32> to vector<256x1xi32>
    %eq3A_41 = vector.broadcast %broadcast_in_dim3A_40 : vector<256x1xi32> to vector<256x16xi32>
    %eq3A_42 = arith.cmpi eq, %iota3A, %eq3A_41 : vector<256x16xi32>
    %jit3A_43 = arith.constant -1.000000e+00 : f32
    %broadcast_in_dim3A_44 = vector.broadcast %jit3A_43 : f32 to vector<256x16xf32>
    %select_n3A_45 = arith.select %eq3A_42, %broadcast_in_dim3A_44, %div3A_33 : vector<256x16xi1>, vector<256x16xf32>
    %reduce_max3A_46 = arith.constant dense<0xFF800000> : vector<256xf32>
    %reduce_max3A_47 = vector.multi_reduction <maximumf>, %select_n3A_45, %reduce_max3A_46 [1] : vector<256x16xf32> to vector<256xf32>
    %broadcast_in_dim3A_48 = vector.shape_cast %reduce_max3A_47 : vector<256xf32> to vector<256x1xf32>
    %eq3A_49 = vector.broadcast %broadcast_in_dim3A_48 : vector<256x1xf32> to vector<256x16xf32>
    %eq3A_50 = arith.cmpf oeq, %select_n3A_45, %eq3A_49 : vector<256x16xf32>
    %jit3A_51 = arith.constant 2147483647 : i32
    %broadcast_in_dim3A_52 = vector.broadcast %jit3A_51 : i32 to vector<256x16xi32>
    %select_n3A_53 = arith.select %eq3A_50, %iota3A, %broadcast_in_dim3A_52 : vector<256x16xi1>, vector<256x16xi32>
    %reduce_min3A_54 = arith.constant dense<2147483647> : vector<256xi32>
    %reduce_min3A_55 = vector.multi_reduction <minsi>, %select_n3A_53, %reduce_min3A_54 [1] : vector<256x16xi32> to vector<256xi32>
    %broadcast_in_dim3A_56 = vector.shape_cast %reduce_min3A_55 : vector<256xi32> to vector<256x1xi32>
    %eq3A_57 = vector.broadcast %broadcast_in_dim3A_40 : vector<256x1xi32> to vector<256x16xi32>
    %eq3A_58 = arith.cmpi eq, %iota3A, %eq3A_57 : vector<256x16xi32>
    %eq3A_59 = vector.broadcast %broadcast_in_dim3A_56 : vector<256x1xi32> to vector<256x16xi32>
    %eq3A_60 = arith.cmpi eq, %iota3A, %eq3A_59 : vector<256x16xi32>
    %or3A = arith.ori %eq3A_58, %eq3A_60 : vector<256x16xi1>
    %jit3A_61 = arith.constant 0.000000e+00 : f32
    %broadcast_in_dim3A_62 = vector.broadcast %jit3A_61 : f32 to vector<256x16xf32>
    %select_n3A_63 = arith.select %or3A, %div3A_33, %broadcast_in_dim3A_62 : vector<256x16xi1>, vector<256x16xf32>
    %reduce_sum3A_64 = arith.constant dense<0.000000e+00> : vector<256xf32>
    %reduce_sum3A_65 = vector.multi_reduction <add>, %select_n3A_63, %reduce_sum3A_64 [1] : vector<256x16xf32> to vector<256xf32>
    %broadcast_in_dim3A_66 = vector.shape_cast %reduce_sum3A_65 : vector<256xf32> to vector<256x1xf32>
    %div3A_67 = vector.broadcast %broadcast_in_dim3A_66 : vector<256x1xf32> to vector<256x16xf32>
    %div3A_68 = arith.divf %select_n3A_63, %div3A_67 : vector<256x16xf32>
    %get3A_69 = arith.constant 0 : index
    %get3A_70 = arith.constant 0 : index
    %get3A_71 = vector.load %arg2[%get3A_69, %get3A_70] : memref<256x1024xf32, #tpu.memory_space<vmem>>, vector<256x1024xf32>
    %get3A_72 = arith.constant 0 : index
    %get3A_73 = arith.constant 0 : index
    %get3A_74 = vector.load %arg7[%get3A_72, %get3A_73] : memref<1024x16xf32, #tpu.memory_space<vmem>>, vector<1024x16xf32>
    %dot_general3A_75 = arith.constant dense<0.000000e+00> : vector<256x16xf32>
    %dot_general3A_76 = tpu.matmul %get3A_71, %get3A_74, %dot_general3A_75 {dimension_numbers = #tpu.dot_dimension_numbers<[1], [0], [0], [1], [0, 0, 1, 1], [], []>, transpose_lhs_hint = false} : vector<256x1024xf32>, vector<1024x16xf32>, vector<256x16xf32> -> vector<256x16xf32>
    %get3A_77 = arith.constant 0 : index
    %get3A_78 = arith.constant 0 : index
    %get3A_79 = vector.load %arg8[%get3A_77, %get3A_78] : memref<1x16xf32, #tpu.memory_space<vmem>>, vector<1x16xf32>
    %add3A_80 = vector.broadcast %get3A_79 : vector<1x16xf32> to vector<256x16xf32>
    %add3A_81 = arith.addf %dot_general3A_76, %add3A_80 : vector<256x16xf32>
    %logistic3A = arith.negf %add3A_81 : vector<256x16xf32>
    %logistic3A_82 = math.exp %logistic3A : vector<256x16xf32>
    %logistic3A_83 = arith.constant 1.000000e+00 : f32
    %logistic3A_84 = vector.broadcast %logistic3A_83 : f32 to vector<256x16xf32>
    %logistic3A_85 = arith.addf %logistic3A_84, %logistic3A_82 : vector<256x16xf32>
    %logistic3A_86 = arith.divf %logistic3A_84, %logistic3A_85 : vector<256x16xf32>
    %mul3A_87 = arith.mulf %div3A_68, %logistic3A_86 : vector<256x16xf32>
    %eq3A_88 = arith.constant 0 : i32
    %eq3A_89 = arith.cmpi eq, %arg0, %eq3A_88 : i32
    %convert_element_type3A = arith.extui %eq3A_89 : i1 to i32
    %cond3A = arith.constant 0 : i32
    %cond3A_90 = arith.cmpi ne, %convert_element_type3A, %cond3A : i32
    scf.if %cond3A_90 {
      %broadcast_in_dim3A_181 = arith.constant 0.000000e+00 : f32
      %broadcast_in_dim3A_182 = vector.broadcast %broadcast_in_dim3A_181 : f32 to vector<1x16xf32>
      %swap3A_183 = arith.constant 0 : index
      %swap3A_184 = arith.constant 0 : index
      %swap3A_185 = vector.load %arg17[%swap3A_183, %swap3A_184] : memref<1x16xf32, #tpu.memory_space<vmem>>, vector<1x16xf32>
      tpu.vector_store %arg17[%swap3A_183, %swap3A_184], %broadcast_in_dim3A_182 {strides = array<i32>} : memref<1x16xf32, #tpu.memory_space<vmem>>, vector<1x16xf32>,
    } else {
    }
    %convert_element_type3A_91 = arith.extui %or3A : vector<256x16xi1> to vector<256x16xi32>
    %convert_element_type3A_92 = arith.sitofp %convert_element_type3A_91 : vector<256x16xi32> to vector<256x16xf32>
    %iota3A_93 = tpu.iota {dimensions = array<i32: 0>} : vector<256x256xi32>
    %iota3A_94 = tpu.iota {dimensions = array<i32: 1>} : vector<256x256xi32>
    %gt3A = arith.cmpi sgt, %iota3A_93, %iota3A_94 : vector<256x256xi32>
    %convert_element_type3A_95 = arith.extui %gt3A : vector<256x256xi1> to vector<256x256xi32>
    %convert_element_type3A_96 = arith.sitofp %convert_element_type3A_95 : vector<256x256xi32> to vector<256x256xf32>
    %get3A_97 = arith.constant 0 : index
    %get3A_98 = arith.constant 0 : index
    %get3A_99 = vector.load %arg17[%get3A_97, %get3A_98] : memref<1x16xf32, #tpu.memory_space<vmem>>, vector<1x16xf32>
    %dot_general3A_100 = arith.constant dense<0.000000e+00> : vector<256x16xf32>
    %dot_general3A_101 = tpu.matmul %convert_element_type3A_96, %convert_element_type3A_92, %dot_general3A_100 {dimension_numbers = #tpu.dot_dimension_numbers<[1], [0], [0], [1], [0, 0, 1, 1], [], []>, transpose_lhs_hint = false} : vector<256x256xf32>, vector<256x16xf32>, vector<256x16xf32> -> vector<256x16xf32>
    %add3A_102 = vector.broadcast %get3A_99 : vector<1x16xf32> to vector<256x16xf32>
    %add3A_103 = arith.addf %add3A_102, %dot_general3A_101 : vector<256x16xf32>
    %get3A_104 = arith.constant 0 : index
    %get3A_105 = arith.constant 0 : index
    %get3A_106 = vector.load %arg17[%get3A_104, %get3A_105] : memref<1x16xf32, #tpu.memory_space<vmem>>, vector<1x16xf32>
    %reduce_sum3A_107 = arith.constant dense<0.000000e+00> : vector<16xf32>
    %reduce_sum3A_108 = vector.multi_reduction <add>, %convert_element_type3A_92, %reduce_sum3A_107 [0] : vector<256x16xf32> to vector<16xf32>
    %broadcast_in_dim3A_109 = vector.shape_cast %reduce_sum3A_108 : vector<16xf32> to vector<1x16xf32>
    %add3A_110 = arith.addf %get3A_106, %broadcast_in_dim3A_109 : vector<1x16xf32>
    %swap3A = arith.constant 0 : index
    %swap3A_111 = arith.constant 0 : index
    %swap3A_112 = vector.load %arg17[%swap3A, %swap3A_111] : memref<1x16xf32, #tpu.memory_space<vmem>>, vector<1x16xf32>
    tpu.vector_store %arg17[%swap3A, %swap3A_111], %add3A_110 {strides = array<i32>} : memref<1x16xf32, #tpu.memory_space<vmem>>, vector<1x16xf32>,
    %convert_element_type3A_113 = arith.fptosi %add3A_103 : vector<256x16xf32> to vector<256x16xi32>
    %broadcast_in_dim3A_114 = vector.shape_cast %broadcast_in_dim3A_40 : vector<256x1xi32> to vector<256x1xi32>
    %broadcast_in_dim3A_115 = vector.broadcast %broadcast_in_dim3A_114 : vector<256x1xi32> to vector<256x16xi32>
    %swap3A_116 = arith.constant 0 : index
    %swap3A_117 = arith.constant 0 : index
    %swap3A_118 = vector.load %arg9[%swap3A_116, %swap3A_117] : memref<256x16xi32, #tpu.memory_space<vmem>>, vector<256x16xi32>
    tpu.vector_store %arg9[%swap3A_116, %swap3A_117], %broadcast_in_dim3A_115 {strides = array<i32>} : memref<256x16xi32, #tpu.memory_space<vmem>>, vector<256x16xi32>,
    %broadcast_in_dim3A_119 = vector.shape_cast %broadcast_in_dim3A_56 : vector<256x1xi32> to vector<256x1xi32>
    %broadcast_in_dim3A_120 = vector.broadcast %broadcast_in_dim3A_119 : vector<256x1xi32> to vector<256x16xi32>
    %swap3A_121 = arith.constant 0 : index
    %swap3A_122 = arith.constant 0 : index
    %swap3A_123 = vector.load %arg10[%swap3A_121, %swap3A_122] : memref<256x16xi32, #tpu.memory_space<vmem>>, vector<256x16xi32>
    tpu.vector_store %arg10[%swap3A_121, %swap3A_122], %broadcast_in_dim3A_120 {strides = array<i32>} : memref<256x16xi32, #tpu.memory_space<vmem>>, vector<256x16xi32>,
    %eq3A_124 = vector.broadcast %broadcast_in_dim3A_40 : vector<256x1xi32> to vector<256x16xi32>
    %eq3A_125 = arith.cmpi eq, %iota3A, %eq3A_124 : vector<256x16xi32>
    %jit3A_126 = arith.constant 0 : i32
    %broadcast_in_dim3A_127 = vector.broadcast %jit3A_126 : i32 to vector<256x16xi32>
    %select_n3A_128 = arith.select %eq3A_125, %convert_element_type3A_113, %broadcast_in_dim3A_127 : vector<256x16xi1>, vector<256x16xi32>
    %reduce_sum3A_129 = arith.constant dense<0> : vector<256xi32>
    %reduce_sum3A_130 = vector.multi_reduction <add>, %select_n3A_128, %reduce_sum3A_129 [1] : vector<256x16xi32> to vector<256xi32>
    %broadcast_in_dim3A_131 = vector.shape_cast %reduce_sum3A_130 : vector<256xi32> to vector<256x1xi32>
    %broadcast_in_dim3A_132 = vector.shape_cast %broadcast_in_dim3A_131 : vector<256x1xi32> to vector<256x1xi32>
    %broadcast_in_dim3A_133 = vector.broadcast %broadcast_in_dim3A_132 : vector<256x1xi32> to vector<256x16xi32>
    %swap3A_134 = arith.constant 0 : index
    %swap3A_135 = arith.constant 0 : index
    %swap3A_136 = vector.load %arg11[%swap3A_134, %swap3A_135] : memref<256x16xi32, #tpu.memory_space<vmem>>, vector<256x16xi32>
    tpu.vector_store %arg11[%swap3A_134, %swap3A_135], %broadcast_in_dim3A_133 {strides = array<i32>} : memref<256x16xi32, #tpu.memory_space<vmem>>, vector<256x16xi32>,
    %eq3A_137 = vector.broadcast %broadcast_in_dim3A_56 : vector<256x1xi32> to vector<256x16xi32>
    %eq3A_138 = arith.cmpi eq, %iota3A, %eq3A_137 : vector<256x16xi32>
    %jit3A_139 = arith.constant 0 : i32
    %broadcast_in_dim3A_140 = vector.broadcast %jit3A_139 : i32 to vector<256x16xi32>
    %select_n3A_141 = arith.select %eq3A_138, %convert_element_type3A_113, %broadcast_in_dim3A_140 : vector<256x16xi1>, vector<256x16xi32>
    %reduce_sum3A_142 = arith.constant dense<0> : vector<256xi32>
    %reduce_sum3A_143 = vector.multi_reduction <add>, %select_n3A_141, %reduce_sum3A_142 [1] : vector<256x16xi32> to vector<256xi32>
    %broadcast_in_dim3A_144 = vector.shape_cast %reduce_sum3A_143 : vector<256xi32> to vector<256x1xi32>
    %broadcast_in_dim3A_145 = vector.shape_cast %broadcast_in_dim3A_144 : vector<256x1xi32> to vector<256x1xi32>
    %broadcast_in_dim3A_146 = vector.broadcast %broadcast_in_dim3A_145 : vector<256x1xi32> to vector<256x16xi32>
    %swap3A_147 = arith.constant 0 : index
    %swap3A_148 = arith.constant 0 : index
    %swap3A_149 = vector.load %arg12[%swap3A_147, %swap3A_148] : memref<256x16xi32, #tpu.memory_space<vmem>>, vector<256x16xi32>
    tpu.vector_store %arg12[%swap3A_147, %swap3A_148], %broadcast_in_dim3A_146 {strides = array<i32>} : memref<256x16xi32, #tpu.memory_space<vmem>>, vector<256x16xi32>,
    %eq3A_150 = vector.broadcast %broadcast_in_dim3A_40 : vector<256x1xi32> to vector<256x16xi32>
    %eq3A_151 = arith.cmpi eq, %iota3A, %eq3A_150 : vector<256x16xi32>
    %jit3A_152 = arith.constant 0.000000e+00 : f32
    %broadcast_in_dim3A_153 = vector.broadcast %jit3A_152 : f32 to vector<256x16xf32>
    %select_n3A_154 = arith.select %eq3A_151, %mul3A_87, %broadcast_in_dim3A_153 : vector<256x16xi1>, vector<256x16xf32>
    %reduce_sum3A_155 = arith.constant dense<0.000000e+00> : vector<256xf32>
    %reduce_sum3A_156 = vector.multi_reduction <add>, %select_n3A_154, %reduce_sum3A_155 [1] : vector<256x16xf32> to vector<256xf32>
    %broadcast_in_dim3A_157 = vector.shape_cast %reduce_sum3A_156 : vector<256xf32> to vector<256x1xf32>
    %broadcast_in_dim3A_158 = vector.shape_cast %broadcast_in_dim3A_157 : vector<256x1xf32> to vector<256x1xf32>
    %broadcast_in_dim3A_159 = vector.broadcast %broadcast_in_dim3A_158 : vector<256x1xf32> to vector<256x16xf32>
    %swap3A_160 = arith.constant 0 : index
    %swap3A_161 = arith.constant 0 : index
    %swap3A_162 = vector.load %arg13[%swap3A_160, %swap3A_161] : memref<256x16xf32, #tpu.memory_space<vmem>>, vector<256x16xf32>
    tpu.vector_store %arg13[%swap3A_160, %swap3A_161], %broadcast_in_dim3A_159 {strides = array<i32>} : memref<256x16xf32, #tpu.memory_space<vmem>>, vector<256x16xf32>,
    %eq3A_163 = vector.broadcast %broadcast_in_dim3A_56 : vector<256x1xi32> to vector<256x16xi32>
    %eq3A_164 = arith.cmpi eq, %iota3A, %eq3A_163 : vector<256x16xi32>
    %jit3A_165 = arith.constant 0.000000e+00 : f32
    %broadcast_in_dim3A_166 = vector.broadcast %jit3A_165 : f32 to vector<256x16xf32>
    %select_n3A_167 = arith.select %eq3A_164, %mul3A_87, %broadcast_in_dim3A_166 : vector<256x16xi1>, vector<256x16xf32>
    %reduce_sum3A_168 = arith.constant dense<0.000000e+00> : vector<256xf32>
    %reduce_sum3A_169 = vector.multi_reduction <add>, %select_n3A_167, %reduce_sum3A_168 [1] : vector<256x16xf32> to vector<256xf32>
    %broadcast_in_dim3A_170 = vector.shape_cast %reduce_sum3A_169 : vector<256xf32> to vector<256x1xf32>
    %broadcast_in_dim3A_171 = vector.shape_cast %broadcast_in_dim3A_170 : vector<256x1xf32> to vector<256x1xf32>
    %broadcast_in_dim3A_172 = vector.broadcast %broadcast_in_dim3A_171 : vector<256x1xf32> to vector<256x16xf32>
    %swap3A_173 = arith.constant 0 : index
    %swap3A_174 = arith.constant 0 : index
    %swap3A_175 = vector.load %arg14[%swap3A_173, %swap3A_174] : memref<256x16xf32, #tpu.memory_space<vmem>>, vector<256x16xf32>
    tpu.vector_store %arg14[%swap3A_173, %swap3A_174], %broadcast_in_dim3A_172 {strides = array<i32>} : memref<256x16xf32, #tpu.memory_space<vmem>>, vector<256x16xf32>,
    %eq3A_176 = arith.constant 7 : i32
    %eq3A_177 = arith.cmpi eq, %arg0, %eq3A_176 : i32
    %convert_element_type3A_178 = arith.extui %eq3A_177 : i1 to i32
    %cond3A_179 = arith.constant 0 : i32
    %cond3A_180 = arith.cmpi ne, %convert_element_type3A_178, %cond3A_179 : i32
    scf.if %cond3A_180 {
      %get3A_181 = arith.constant 0 : index
      %get3A_182 = arith.constant 0 : index
      %get3A_183 = vector.load %arg17[%get3A_181, %get3A_182] : memref<1x16xf32, #tpu.memory_space<vmem>>, vector<1x16xf32>
      %div3A_184 = arith.constant 1.280000e+02 : f32
      %div3A_185 = vector.broadcast %div3A_184 : f32 to vector<1x16xf32>
      %div3A_186 = arith.divf %get3A_183, %div3A_185 : vector<1x16xf32>
      %ceil3A = math.ceil %div3A_186 : vector<1x16xf32>
      %iota3A_187 = tpu.iota {dimensions = array<i32: 0>} : vector<16x16xi32>
      %iota3A_188 = tpu.iota {dimensions = array<i32: 1>} : vector<16x16xi32>
      %lt3A = arith.cmpi slt, %iota3A_187, %iota3A_188 : vector<16x16xi32>
      %convert_element_type3A_189 = arith.extui %lt3A : vector<16x16xi1> to vector<16x16xi32>
      %convert_element_type3A_190 = arith.sitofp %convert_element_type3A_189 : vector<16x16xi32> to vector<16x16xf32>
      %dot_general3A_191 = arith.constant dense<0.000000e+00> : vector<1x16xf32>
      %dot_general3A_192 = tpu.matmul %ceil3A, %convert_element_type3A_190, %dot_general3A_191 {dimension_numbers = #tpu.dot_dimension_numbers<[1], [0], [0], [1], [0, 0, 1, 1], [], []>, transpose_lhs_hint = false} : vector<1x16xf32>, vector<16x16xf32>, vector<1x16xf32> -> vector<1x16xf32>
      %mul3A_193 = arith.constant 1.280000e+02 : f32
      %mul3A_194 = vector.broadcast %mul3A_193 : f32 to vector<1x16xf32>
      %mul3A_195 = arith.mulf %dot_general3A_192, %mul3A_194 : vector<1x16xf32>
      %convert_element_type3A_196 = arith.fptosi %mul3A_195 : vector<1x16xf32> to vector<1x16xi32>
      %swap3A_197 = arith.constant 0 : index
      %swap3A_198 = arith.constant 0 : index
      %swap3A_199 = vector.load %arg15[%swap3A_197, %swap3A_198] : memref<1x16xi32, #tpu.memory_space<vmem>>, vector<1x16xi32>
      tpu.vector_store %arg15[%swap3A_197, %swap3A_198], %convert_element_type3A_196 {strides = array<i32>} : memref<1x16xi32, #tpu.memory_space<vmem>>, vector<1x16xi32>,
      %eq3A_200 = arith.cmpi eq, %iota3A_187, %iota3A_188 : vector<16x16xi32>
      %broadcast_in_dim3A_201 = vector.shape_cast %dot_general3A_192 : vector<1x16xf32> to vector<1x16xf32>
      %broadcast_in_dim3A_202 = vector.broadcast %broadcast_in_dim3A_201 : vector<1x16xf32> to vector<16x16xf32>
      %jit3A_203 = arith.constant 0.000000e+00 : f32
      %broadcast_in_dim3A_204 = vector.broadcast %jit3A_203 : f32 to vector<16x16xf32>
      %select_n3A_205 = arith.select %eq3A_200, %broadcast_in_dim3A_202, %broadcast_in_dim3A_204 : vector<16x16xi1>, vector<16x16xf32>
      %reduce_sum3A_206 = arith.constant dense<0.000000e+00> : vector<16xf32>
      %reduce_sum3A_207 = vector.multi_reduction <add>, %select_n3A_205, %reduce_sum3A_206 [1] : vector<16x16xf32> to vector<16xf32>
      %broadcast_in_dim3A_208 = vector.shape_cast %reduce_sum3A_207 : vector<16xf32> to vector<16x1xf32>
      %iota3A_209 = tpu.iota {dimensions = array<i32: 1>} : vector<16x64xi32>
      %convert_element_type3A_210 = arith.fptosi %broadcast_in_dim3A_208 : vector<16x1xf32> to vector<16x1xi32>
      %broadcast_in_dim3A_211 = vector.shape_cast %convert_element_type3A_210 : vector<16x1xi32> to vector<16x1xi32>
      %broadcast_in_dim3A_212 = vector.broadcast %broadcast_in_dim3A_211 : vector<16x1xi32> to vector<16x64xi32>
      %le3A = arith.cmpi sle, %broadcast_in_dim3A_212, %iota3A_209 : vector<16x64xi32>
      %convert_element_type3A_213 = arith.extui %le3A : vector<16x64xi1> to vector<16x64xi32>
      %reduce_sum3A_214 = arith.constant dense<0> : vector<64xi32>
      %reduce_sum3A_215 = vector.multi_reduction <add>, %convert_element_type3A_213, %reduce_sum3A_214 [0] : vector<16x64xi32> to vector<64xi32>
      %broadcast_in_dim3A_216 = vector.shape_cast %reduce_sum3A_215 : vector<64xi32> to vector<1x64xi32>
      %sub3A_217 = arith.constant 1 : i32
      %sub3A_218 = vector.broadcast %sub3A_217 : i32 to vector<1x64xi32>
      %sub3A_219 = arith.subi %broadcast_in_dim3A_216, %sub3A_218 : vector<1x64xi32>
      %swap3A_220 = arith.constant 0 : index
      %swap3A_221 = arith.constant 0 : index
      %swap3A_222 = vector.load %arg16[%swap3A_220, %swap3A_221] : memref<1x64xi32, #tpu.memory_space<vmem>>, vector<1x64xi32>
      tpu.vector_store %arg16[%swap3A_220, %swap3A_221], %sub3A_219 {strides = array<i32>} : memref<1x64xi32, #tpu.memory_space<vmem>>, vector<1x64xi32>,
    } else {
    }
    return
  }
  func.func @transform_0(%arg0: i32) -> (i32, i32) {
    %c0_i32 = arith.constant 0 : i32
    %c0_i32_0 = arith.constant 0 : i32
    return %arg0, %c0_i32 : i32, i32
  }
  func.func @transform_1(%arg0: i32) -> (i32, i32) {
    %c0_i32 = arith.constant 0 : i32
    %c0_i32_0 = arith.constant 0 : i32
    return %arg0, %c0_i32 : i32, i32
  }
  func.func @transform_2(%arg0: i32) -> (i32, i32) {
    %c0_i32 = arith.constant 0 : i32
    %c0_i32_0 = arith.constant 0 : i32
    %c0_i32_1 = arith.constant 0 : i32
    return %c0_i32, %c0_i32_0 : i32, i32
  }
  func.func @transform_3(%arg0: i32) -> (i32, i32) {
    %c0_i32 = arith.constant 0 : i32
    %c0_i32_0 = arith.constant 0 : i32
    %c0_i32_1 = arith.constant 0 : i32
    return %c0_i32, %c0_i32_0 : i32, i32
  }
  func.func @transform_4(%arg0: i32) -> (i32, i32) {
    %c0_i32 = arith.constant 0 : i32
    %c0_i32_0 = arith.constant 0 : i32
    %c0_i32_1 = arith.constant 0 : i32
    return %c0_i32, %c0_i32_0 : i32, i32
  }
  func.func @transform_5(%arg0: i32) -> (i32, i32) {
    %c0_i32 = arith.constant 0 : i32
    %c0_i32_0 = arith.constant 0 : i32
    %c0_i32_1 = arith.constant 0 : i32
    return %c0_i32, %c0_i32_0 : i32, i32
  }
  func.func @transform_6(%arg0: i32) -> (i32, i32) {
    %c0_i32 = arith.constant 0 : i32
    %c0_i32_0 = arith.constant 0 : i32
    %c0_i32_1 = arith.constant 0 : i32
    return %c0_i32, %c0_i32_0 : i32, i32
  }
  func.func @transform_7(%arg0: i32) -> (i32, i32) {
    %c0_i32 = arith.constant 0 : i32
    %c0_i32_0 = arith.constant 0 : i32
    %c0_i32_1 = arith.constant 0 : i32
    return %c0_i32, %c0_i32_0 : i32, i32
  }
  func.func @transform_8(%arg0: i32) -> (i32, i32) {
    %c0_i32 = arith.constant 0 : i32
    %c0_i32_0 = arith.constant 0 : i32
    return %arg0, %c0_i32 : i32, i32
  }
  func.func @transform_9(%arg0: i32) -> (i32, i32) {
    %c0_i32 = arith.constant 0 : i32
    %c0_i32_0 = arith.constant 0 : i32
    return %arg0, %c0_i32 : i32, i32
  }
  func.func @transform_10(%arg0: i32) -> (i32, i32) {
    %c0_i32 = arith.constant 0 : i32
    %c0_i32_0 = arith.constant 0 : i32
    return %arg0, %c0_i32 : i32, i32
  }
  func.func @transform_11(%arg0: i32) -> (i32, i32) {
    %c0_i32 = arith.constant 0 : i32
    %c0_i32_0 = arith.constant 0 : i32
    return %arg0, %c0_i32 : i32, i32
  }
  func.func @transform_12(%arg0: i32) -> (i32, i32) {
    %c0_i32 = arith.constant 0 : i32
    %c0_i32_0 = arith.constant 0 : i32
    return %arg0, %c0_i32 : i32, i32
  }
  func.func @transform_13(%arg0: i32) -> (i32, i32) {
    %c0_i32 = arith.constant 0 : i32
    %c0_i32_0 = arith.constant 0 : i32
    return %arg0, %c0_i32 : i32, i32
  }
  func.func @transform_14(%arg0: i32) -> (i32, i32) {
    %c0_i32 = arith.constant 0 : i32
    %c0_i32_0 = arith.constant 0 : i32
    %c0_i32_1 = arith.constant 0 : i32
    return %c0_i32, %c0_i32_0 : i32, i32
  }
  func.func @transform_15(%arg0: i32) -> (i32, i32) {
    %c0_i32 = arith.constant 0 : i32
    %c0_i32_0 = arith.constant 0 : i32
    %c0_i32_1 = arith.constant 0 : i32
    return %c0_i32, %c0_i32_0 : i32, i32
  }
}

module attributes {stable_mosaic.version = 14 : i64} {
  func.func @_group_mm_body(%arg0: i32, %arg1: memref<48xi32, #tpu.memory_space<smem>>, %arg2: memref<128x1024xf32, #tpu.memory_space<vmem>>, %arg3: memref<1x1024x1024xbf16, #tpu.memory_space<vmem>>, %arg4: memref<1x1x1024xf32, #tpu.memory_space<vmem>>, %arg5: memref<1x1x1024xf32, #tpu.memory_space<vmem>>, %arg6: memref<128x1xf32, #tpu.memory_space<vmem>>, %arg7: memref<128x1024xf32, #tpu.memory_space<vmem>>) attributes {dimension_semantics = [#tpu.dimension_semantics<arbitrary>], iteration_bounds = array<i64: 48>, scalar_prefetch = 1 : i64, scratch_operands = 0 : i64, tpu.core_type = #tpu.core_type<tc>, window_params = [{transform_indices = @transform_0, window_bounds = array<i64: 128, 1024>}, {transform_indices = @transform_1, window_bounds = array<i64: 1, 1024, 1024>}, {transform_indices = @transform_2, window_bounds = array<i64: 1, 1, 1024>}, {transform_indices = @transform_3, window_bounds = array<i64: 1, 1, 1024>}, {transform_indices = @transform_4, window_bounds = array<i64: 128, 1>}, {transform_indices = @transform_5, window_bounds = array<i64: 128, 1024>}]} {
    %get3A = arith.constant 0 : index
    %get3A_0 = arith.constant 0 : index
    %get3A_1 = vector.load %arg2[%get3A, %get3A_0] : memref<128x1024xf32, #tpu.memory_space<vmem>>, vector<128x1024xf32>
    %convert_element_type3A = arith.truncf %get3A_1 : vector<128x1024xf32> to vector<128x1024xbf16>
    %get3A_2 = arith.constant 0 : index
    %get3A_3 = arith.constant 0 : index
    %get3A_4 = arith.constant 0 : index
    %get3A_5 = vector.load %arg3[%get3A_2, %get3A_3, %get3A_4] : memref<1x1024x1024xbf16, #tpu.memory_space<vmem>>, vector<1x1024x1024xbf16>
    %get3A_6 = vector.shape_cast %get3A_5 : vector<1x1024x1024xbf16> to vector<1024x1024xbf16>
    %dot_general3A = arith.constant dense<0.000000e+00> : vector<128x1024xf32>
    %dot_general3A_7 = tpu.matmul %convert_element_type3A, %get3A_6, %dot_general3A {dimension_numbers = #tpu.dot_dimension_numbers<[1], [0], [0], [1], [0, 0, 1, 1], [], []>, transpose_lhs_hint = false} : vector<128x1024xbf16>, vector<1024x1024xbf16>, vector<128x1024xf32> -> vector<128x1024xf32>
    %get3A_8 = arith.constant 0 : index
    %get3A_9 = arith.constant 0 : index
    %get3A_10 = arith.constant 0 : index
    %get3A_11 = vector.load %arg4[%get3A_8, %get3A_9, %get3A_10] : memref<1x1x1024xf32, #tpu.memory_space<vmem>>, vector<1x1x1024xf32>
    %get3A_12 = vector.shape_cast %get3A_11 : vector<1x1x1024xf32> to vector<1x1024xf32>
    %add3A = vector.broadcast %get3A_12 : vector<1x1024xf32> to vector<128x1024xf32>
    %add3A_13 = arith.addf %dot_general3A_7, %add3A : vector<128x1024xf32>
    %get3A_14 = arith.constant 0 : index
    %get3A_15 = arith.constant 0 : index
    %get3A_16 = arith.constant 0 : index
    %get3A_17 = vector.load %arg5[%get3A_14, %get3A_15, %get3A_16] : memref<1x1x1024xf32, #tpu.memory_space<vmem>>, vector<1x1x1024xf32>
    %get3A_18 = vector.shape_cast %get3A_17 : vector<1x1x1024xf32> to vector<1x1024xf32>
    %add3A_19 = vector.broadcast %get3A_18 : vector<1x1024xf32> to vector<128x1024xf32>
    %add3A_20 = arith.addf %add3A_13, %add3A_19 : vector<128x1024xf32>
    %get3A_21 = arith.constant 0 : index
    %get3A_22 = arith.constant 0 : index
    %get3A_23 = vector.load %arg6[%get3A_21, %get3A_22] : memref<128x1xf32, #tpu.memory_space<vmem>>, vector<128x1xf32>
    %mul3A = vector.broadcast %get3A_23 : vector<128x1xf32> to vector<128x1024xf32>
    %mul3A_24 = arith.mulf %add3A_20, %mul3A : vector<128x1024xf32>
    %swap3A = arith.constant 0 : index
    %swap3A_25 = arith.constant 0 : index
    %swap3A_26 = vector.load %arg7[%swap3A, %swap3A_25] : memref<128x1024xf32, #tpu.memory_space<vmem>>, vector<128x1024xf32>
    tpu.vector_store %arg7[%swap3A, %swap3A_25], %mul3A_24 {strides = array<i32>} : memref<128x1024xf32, #tpu.memory_space<vmem>>, vector<128x1024xf32>,
    return
  }
  func.func @transform_0(%arg0: i32, %arg1: memref<48xi32, #tpu.memory_space<smem>>) -> (i32, i32) {
    %c0_i32 = arith.constant 0 : i32
    %c0_i32_0 = arith.constant 0 : i32
    return %arg0, %c0_i32 : i32, i32
  }
  func.func @transform_1(%arg0: i32, %arg1: memref<48xi32, #tpu.memory_space<smem>>) -> (i32, i32, i32) {
    %get3A = arith.index_cast %arg0 : i32 to index
    %get3A_0 = memref.load %arg1[%get3A] : memref<48xi32, #tpu.memory_space<smem>>
    %c0_i32 = arith.constant 0 : i32
    %c0_i32_1 = arith.constant 0 : i32
    %c0_i32_2 = arith.constant 0 : i32
    return %get3A_0, %c0_i32, %c0_i32_1 : i32, i32, i32
  }
  func.func @transform_2(%arg0: i32, %arg1: memref<48xi32, #tpu.memory_space<smem>>) -> (i32, i32, i32) {
    %get3A = arith.index_cast %arg0 : i32 to index
    %get3A_0 = memref.load %arg1[%get3A] : memref<48xi32, #tpu.memory_space<smem>>
    %c0_i32 = arith.constant 0 : i32
    %c0_i32_1 = arith.constant 0 : i32
    %c0_i32_2 = arith.constant 0 : i32
    return %get3A_0, %c0_i32, %c0_i32_1 : i32, i32, i32
  }
  func.func @transform_3(%arg0: i32, %arg1: memref<48xi32, #tpu.memory_space<smem>>) -> (i32, i32, i32) {
    %get3A = arith.index_cast %arg0 : i32 to index
    %get3A_0 = memref.load %arg1[%get3A] : memref<48xi32, #tpu.memory_space<smem>>
    %c0_i32 = arith.constant 0 : i32
    %c0_i32_1 = arith.constant 0 : i32
    %c0_i32_2 = arith.constant 0 : i32
    return %get3A_0, %c0_i32, %c0_i32_1 : i32, i32, i32
  }
  func.func @transform_4(%arg0: i32, %arg1: memref<48xi32, #tpu.memory_space<smem>>) -> (i32, i32) {
    %c0_i32 = arith.constant 0 : i32
    %c0_i32_0 = arith.constant 0 : i32
    return %arg0, %c0_i32 : i32, i32
  }
  func.func @transform_5(%arg0: i32, %arg1: memref<48xi32, #tpu.memory_space<smem>>) -> (i32, i32) {
    %c0_i32 = arith.constant 0 : i32
    %c0_i32_0 = arith.constant 0 : i32
    return %arg0, %c0_i32 : i32, i32
  }
}

module attributes {stable_mosaic.version = 14 : i64} {
  func.func @_integrate_body(%arg0: i32, %arg1: memref<256x1024xf32, #tpu.memory_space<vmem>>, %arg2: memref<256x1024xf32, #tpu.memory_space<vmem>>, %arg3: memref<2048x1024xf32, #tpu.memory_space<vmem>>, %arg4: memref<1x1024xf32, #tpu.memory_space<vmem>>, %arg5: memref<256x1024xf32, #tpu.memory_space<vmem>>) attributes {dimension_semantics = [#tpu.dimension_semantics<arbitrary>], iteration_bounds = array<i64: 8>, scalar_prefetch = 0 : i64, scratch_operands = 0 : i64, tpu.core_type = #tpu.core_type<tc>, window_params = [{transform_indices = @transform_0, window_bounds = array<i64: 256, 1024>}, {transform_indices = @transform_1, window_bounds = array<i64: 256, 1024>}, {pipeline_mode = #tpu.pipeline_mode<synchronous>, transform_indices = @transform_2, window_bounds = array<i64: 2048, 1024>}, {pipeline_mode = #tpu.pipeline_mode<synchronous>, transform_indices = @transform_3, window_bounds = array<i64: 1, 1024>}, {transform_indices = @transform_4, window_bounds = array<i64: 256, 1024>}]} {
    %get3A = arith.constant 0 : index
    %get3A_0 = arith.constant 0 : index
    %get3A_1 = vector.load %arg1[%get3A, %get3A_0] : memref<256x1024xf32, #tpu.memory_space<vmem>>, vector<256x1024xf32>
    %get3A_2 = arith.constant 0 : index
    %get3A_3 = arith.constant 0 : index
    %get3A_4 = vector.load %arg3[%get3A_2, %get3A_3] : memref<2048x1024xf32, #tpu.memory_space<vmem>>, vector<1024x1024xf32>
    %dot_general3A = arith.constant dense<0.000000e+00> : vector<256x1024xf32>
    %dot_general3A_5 = tpu.matmul %get3A_1, %get3A_4, %dot_general3A {dimension_numbers = #tpu.dot_dimension_numbers<[1], [0], [0], [1], [0, 0, 1, 1], [], []>, transpose_lhs_hint = false} : vector<256x1024xf32>, vector<1024x1024xf32>, vector<256x1024xf32> -> vector<256x1024xf32>
    %get3A_6 = arith.constant 0 : index
    %get3A_7 = arith.constant 0 : index
    %get3A_8 = vector.load %arg2[%get3A_6, %get3A_7] : memref<256x1024xf32, #tpu.memory_space<vmem>>, vector<256x1024xf32>
    %get3A_9 = arith.constant 1024 : index
    %get3A_10 = arith.constant 0 : index
    %get3A_11 = vector.load %arg3[%get3A_9, %get3A_10] : memref<2048x1024xf32, #tpu.memory_space<vmem>>, vector<1024x1024xf32>
    %dot_general3A_12 = arith.constant dense<0.000000e+00> : vector<256x1024xf32>
    %dot_general3A_13 = tpu.matmul %get3A_8, %get3A_11, %dot_general3A_12 {dimension_numbers = #tpu.dot_dimension_numbers<[1], [0], [0], [1], [0, 0, 1, 1], [], []>, transpose_lhs_hint = false} : vector<256x1024xf32>, vector<1024x1024xf32>, vector<256x1024xf32> -> vector<256x1024xf32>
    %add3A = arith.addf %dot_general3A_5, %dot_general3A_13 : vector<256x1024xf32>
    %get3A_14 = arith.constant 0 : index
    %get3A_15 = arith.constant 0 : index
    %get3A_16 = vector.load %arg4[%get3A_14, %get3A_15] : memref<1x1024xf32, #tpu.memory_space<vmem>>, vector<1x1024xf32>
    %add3A_17 = vector.broadcast %get3A_16 : vector<1x1024xf32> to vector<256x1024xf32>
    %add3A_18 = arith.addf %add3A, %add3A_17 : vector<256x1024xf32>
    %swap3A = arith.constant 0 : index
    %swap3A_19 = arith.constant 0 : index
    %swap3A_20 = vector.load %arg5[%swap3A, %swap3A_19] : memref<256x1024xf32, #tpu.memory_space<vmem>>, vector<256x1024xf32>
    tpu.vector_store %arg5[%swap3A, %swap3A_19], %add3A_18 {strides = array<i32>} : memref<256x1024xf32, #tpu.memory_space<vmem>>, vector<256x1024xf32>,
    return
  }
  func.func @transform_0(%arg0: i32) -> (i32, i32) {
    %c0_i32 = arith.constant 0 : i32
    %c0_i32_0 = arith.constant 0 : i32
    return %arg0, %c0_i32 : i32, i32
  }
  func.func @transform_1(%arg0: i32) -> (i32, i32) {
    %c0_i32 = arith.constant 0 : i32
    %c0_i32_0 = arith.constant 0 : i32
    return %arg0, %c0_i32 : i32, i32
  }
  func.func @transform_2(%arg0: i32) -> (i32, i32) {
    %c0_i32 = arith.constant 0 : i32
    %c0_i32_0 = arith.constant 0 : i32
    %c0_i32_1 = arith.constant 0 : i32
    return %c0_i32, %c0_i32_0 : i32, i32
  }
  func.func @transform_3(%arg0: i32) -> (i32, i32) {
    %c0_i32 = arith.constant 0 : i32
    %c0_i32_0 = arith.constant 0 : i32
    %c0_i32_1 = arith.constant 0 : i32
    return %c0_i32, %c0_i32_0 : i32, i32
  }
  func.func @transform_4(%arg0: i32) -> (i32, i32) {
    %c0_i32 = arith.constant 0 : i32
    %c0_i32_0 = arith.constant 0 : i32
    return %arg0, %c0_i32 : i32, i32
  }
}

</mosaic_0001>

<sc_bundles>
// kernel: kernel.10.cloned.1.call-start
scs
__scs_entry_jumppad:
0x0: {  	(pc) =	sbr.rel $0x88, $3  }
0x1: {  	(tag) =	ssettag $0x0;
	lr =	simm.s32 $0x1  }
0x2: {  	[smem:$0x3F94] =	sst lr;
	_ =	strace $0xD0000000  }
0x3: {  	_ = 	snop  }
0x4: {  	_ = 	snop  }
0x5: {  	_ = 	snop  }
0x6: {  	_ = 	snop  }
0x7: {  	_ = 	snop  }
__scs_overlays_trampoline_lowered:
0x8: {  	[smem:$0x3FA3] =	sst s0  }
0x9: {  	[smem:$0x3FA4] =	sst s1  }
0xa: {  	[smem:$0x3FA5] =	sst s2  }
0xb: {  	[smem:$0x3FA6] =	sst s3  }
0xc: {  	[smem:$0x3FA7] =	sst s4  }
0xd: {  	[smem:$0x3FA8] =	sst s5  }
0xe: {  	[smem:$0x3FA9] =	sst s6  }
0xf: {  	[smem:$0x3FAA] =	sst s7  }
0x10: {  	[smem:$0x3FAB] =	sst s8  }
0x11: {  	[smem:$0x3FAC] =	sst s9;
	s0 =	simm.s32 @!p0 $0x0  }
0x12: {  	s1 =	sld [smem:$0x3F92];
	s0 =	simm.s32 @p0 $0x1  }
0x13: {  	[smem:$0x3FAD] =	sst s0;
	s0 =	simm.s32 @!p1 $0x0  }
0x14: {  	s2 =	sld [smem:$0x3F91];
	s0 =	simm.s32 @p1 $0x1  }
0x15: {  	[smem:$0x3FAE] =	sst s0;
	s0 =	simm.s32 @!p2 $0x0  }
0x16: {  	s3 =	sld [smem:$0x3FDB];
	s0 =	simm.s32 @p2 $0x1  }
0x17: {  	s4 =	simm.s32 $0x1BF5;
	[smem:$0x3FB0] =	sst s0  }
0x18: {  	s0 =	sld [smem:$0x3F93];
	_ =	swait.ge [sflag:s4], $0x0  }
0x19: {  	s7 =	sld [smem:$0x3F94]  }
0x1a: {  	s8 =	sadd.s32 $0xFFFFE003, lr  }
0x1b: {  	s9 =	sadd.s32 $0xFFFFFEF7, lr;
	s5 =	simm.s32 $0xFFFFFFFF;
	p2 =	slt.u32 s8, $0xFFFFF086  }
0x1c: {  	p1 =	slt.u32 s9, $0xF7A;
	s5 =	simm.s32 @!p2 $0x0  }
0x1d: {  	s5 =	simm.s32 @p1 $0x1;
	p0 =	seq.s32 s7, s2  }
0x1e: {  	s7 =	smul.u32 @!p0 $0xF7A, s2;
	p2 =	seq.s32 @!p0 s5, $0x0  }
0x1f: {  	s9 =	smul.u32 $0xF7A, s1;
	s8 =	simm.s32 @!p0 $0x1BF5;
	p2 =	por !p2, p0  }
0x20: {  	[sflag:s8] =	ssyncset.s32 @!p0 $0xFFFFF086;
	s6 =	sadd.s32 @!p0 s3, s7;
	s7 =	simm.s32 @!p0 $0x108  }
0x21: {  	s3 =	sadd.s32 s3, s9;
	s6 =	sadd.s32 @!p0 $0x88, s6;
	s7 =	simm.s32 @p2 $0x1082  }
0x22: {  	[simem:s7], [sflag:s8] =	dma.local @!p0 [hbm:s6], $0xF7A  }
0x23: {  	s9 =	sor.u32 $0xD0000000, s2;
	s6 =	simm.s32 $0x108;
	_ =	swait.ge @!p0 [sflag:s8], $0x0  }
0x24: {  	s3 =	sadd.s32 $0x88, s3;
	s6 =	simm.s32 @!p1 $0x1082;
	[sflag:s4] =	ssyncset.s32 $0xFFFFF086  }
0x25: {  	[simem:s6], [sflag:s4] =	dma.local [hbm:s3], $0xF7A  }
0x26: {  	[smem:$0x3F94] =	sst s1;
	(tag) =	ssettag s2;
	_ =	strace s9  }
0x27: {  	s1 =	sld [smem:$0x3FA4]  }
0x28: {  	s2 =	sld [smem:$0x3FA5]  }
0x29: {  	s4 =	sld [smem:$0x3FA7]  }
0x2a: {  	p0 =	seq.s32 s5, $0x0;
	s5 =	sld [smem:$0x3FA8]  }
0x2b: {  	s6 =	sld [smem:$0x3FA9]  }
0x2c: {  	s7 =	sld [smem:$0x3FAA]  }
0x2d: {  	s3 =	simm.s32 $0x108;
	s8 =	sld [smem:$0x3FAB]  }
0x2e: {  	s3 =	simm.s32 @!p0 $0x1082;
	s9 =	sld [smem:$0x3FAC]  }
0x2f: {  	lr =	sadd.s32 s0, s3;
	s0 =	sld [smem:$0x3FA3]  }
0x30: {  	s3 =	sld [smem:$0x3FA6]  }
0x31: {  	[smem:$0x3FAF] =	sst s10  }
0x32: {  	s10 =	sld [smem:$0x3FAD];
	_ =	sdelay $0x3  }
0x33: {  	p0 =	seq.s32 s10, $0x1;
	s10 =	sld [smem:$0x3FAF];
	_ =	sdelay $0x3  }
0x34: {  	[smem:$0x3FAF] =	sst s10  }
0x35: {  	s10 =	sld [smem:$0x3FAE];
	_ =	sdelay $0x3  }
0x36: {  	p1 =	seq.s32 s10, $0x1;
	s10 =	sld [smem:$0x3FAF];
	_ =	sdelay $0x3  }
0x37: {  	[smem:$0x3FAF] =	sst s10  }
0x38: {  	s10 =	sld [smem:$0x3FB0]  }
0x39: {  	_ = 	snop;
	(pc) =	sbr.ind lr, $3  }
0x3a: {  	_ = 	snop  }
0x3b: {  	_ = 	snop  }
0x3c: {  	p2 =	seq.s32 s10, $0x1;
	s10 =	sld [smem:$0x3FAF]  }
0x3d: {  	_ =	shalt  }
0x3e: {  	_ =	shalt  }
0x3f: {  	_ =	shalt  }
0x40: {  	_ =	shalt  }
0x41: {  	_ =	shalt  }
0x42: {  	_ =	shalt  }
0x43: {  	_ =	shalt  }
0x44: {  	_ =	shalt  }
0x45: {  	_ =	shalt  }
0x46: {  	_ =	shalt  }
0x47: {  	_ =	shalt  }
0x48: {  	_ =	shalt  }
0x49: {  	_ =	shalt  }
0x4a: {  	_ =	shalt  }
0x4b: {  	_ =	shalt  }
0x4c: {  	_ =	shalt  }
0x4d: {  	_ =	shalt  }
0x4e: {  	_ =	shalt  }
0x4f: {  	_ =	shalt  }
0x50: {  	_ =	shalt  }
0x51: {  	_ =	shalt  }
0x52: {  	_ =	shalt  }
0x53: {  	_ =	shalt  }
0x54: {  	_ =	shalt  }
0x55: {  	_ =	shalt  }
0x56: {  	_ =	shalt  }
0x57: {  	_ =	shalt  }
0x58: {  	_ =	shalt  }
0x59: {  	_ =	shalt  }
0x5a: {  	_ =	shalt  }
0x5b: {  	_ =	shalt  }
0x5c: {  	_ =	shalt  }
0x5d: {  	_ =	shalt  }
0x5e: {  	_ =	shalt  }
0x5f: {  	_ =	shalt  }
0x60: {  	_ =	shalt  }
0x61: {  	_ =	shalt  }
0x62: {  	_ =	shalt  }
0x63: {  	_ =	shalt  }
0x64: {  	_ =	shalt  }
0x65: {  	_ =	shalt  }
0x66: {  	_ =	shalt  }
0x67: {  	_ =	shalt  }
0x68: {  	_ =	shalt  }
0x69: {  	_ =	shalt  }
0x6a: {  	_ =	shalt  }
0x6b: {  	_ =	shalt  }
0x6c: {  	_ =	shalt  }
0x6d: {  	_ =	shalt  }
0x6e: {  	_ =	shalt  }
0x6f: {  	_ =	shalt  }
0x70: {  	_ =	shalt  }
0x71: {  	_ =	shalt  }
0x72: {  	_ =	shalt  }
0x73: {  	_ =	shalt  }
0x74: {  	_ =	shalt  }
0x75: {  	_ =	shalt  }
0x76: {  	_ =	shalt  }
0x77: {  	_ =	shalt  }
0x78: {  	_ =	shalt  }
0x79: {  	_ =	shalt  }
0x7a: {  	_ =	shalt  }
0x7b: {  	_ =	shalt  }
0x7c: {  	_ =	shalt  }
0x7d: {  	_ =	shalt  }
0x7e: {  	_ =	shalt  }
0x7f: {  	_ =	shalt  }
0x80: {  	_ =	shalt  }
0x81: {  	_ =	shalt  }
0x82: {  	_ =	shalt  }
0x83: {  	_ =	shalt  }
0x84: {  	_ =	shalt  }
0x85: {  	_ =	shalt  }
0x86: {  	_ =	shalt  }
0x87: {  	_ =	shalt  }
.Lfunc_end0:
.L_simem_size_0:
called_computation.1_lowered:
.L_overlay_start_0:
0x88: {  	s2 =	sld [smem:$0x3FD9]  }
0x89: {  	s3 =	sld [smem:$0x3FFE];
	_ =	sdelay $0x1  }
0x8a: {  	s1 =	srdreg.scid  }
0x8b: {  	s0 =	sand.u32 $0x1, s1  }
0x8c: {  	s17 =	sshll.u32 s0, $0xA;
	s2 =	sadd.s32 s3, s2  }
0x8d: {  	s2 =	sadd.s32 s2, s17  }
0x8e: {  	[smem:$0x3FBB] =	sst s2  }
0x8f: {  	_ = 	snop  }
0x90: {  	s2 =	sld [smem:$0x3FD0];
	(tm) =	ssettm $0x1  }
0x91: {  	s18 =	sld [smem:$0x3FFB];
	_ =	sdelay $0x3  }
0x92: {  	_ =	strace s18  }
0x93: {  	s3 =	sld [smem:$0x3FFC];
	_ =	sdelay $0x3  }
0x94: {  	_ =	strace s3  }
0x95: {  	s3 =	sld [smem:$0x3FFD];
	_ =	sdelay $0x3  }
0x96: {  	_ =	strace s3  }
0x97: {  	_ =	strace $0x8FFFFFFF  }
0x98: {  	s19 =	sld [smem:$0x3FDB];
	_ =	sdelay $0x1  }
0x99: {  	s4 =	simm.s32 $_scs_section_size  }
0x9a: {  	s5 =	simm.s32 $_size__tile_overlayer_lowered;
	s6 =	simm.s32 $_tile_overlayer_lowered  }
0x9b: {  	s22 =	simm.s32 $0x1BFF;
	s21 =	sshll.u32 s6, $0x1;
	s3 =	sadd.s32 s4, s19  }
0x9c: {  	s7 =	simm.s32 $0x0;
	s20 =	sshll.u32 s5, $0x1;
	s5 =	sadd.s32 s21, s3  }
0x9d: {  	[timem:s7], [sflag:s22] =	dma.local [hbm:s5], s20  }
0x9e: {  	_ =	swait.ge [sflag:s22], s20  }
0x9f: {  	s4 =	ssub.s32 $0x0, s20;
	[sflag:s22] =	ssyncset.done $0x0  }
0xa0: {  	[sflag:s22] =	ssyncadd.s32 s4;
	_ =	sdelay $0x1  }
0xa1: {  	s23 =	simm.s32 $0x1B8B  }
0xa2: {  	_ =	swait.ge [sflag:s23], $0x1  }
0xa3: {  	[sflag:s23] =	ssyncset.done $0x0  }
0xa4: {  	s25 =	simm.s32 $0x1B8E;
	s24 =	sld [smem:$0x3FFE];
	[sflag:s23] =	ssyncadd.s32 $0xFFFFFFFF  }
0xa5: {  	s26 =	simm.s32 $execute0_lowered;
	[smem:$0x3FD2] =	sst s25  }
0xa6: {  	s5 =	sshll.u32 s26, $0x1;
	_ =	strace $0x80000049;
	[dreg:$0x1] =	wrdreg $0xFFFFFFFF  }
0xa7: {  	s28 =	simm.s32 $_size_execute0_lowered;
	s3 =	sadd.s32 s3, s5;
	[dreg:$0x0] =	wrdreg $0x0  }
0xa8: {  	s5 =	sshll.u32 s28, $0x1;
	[dreg:$0x2] =	wrdreg s3  }
0xa9: {  	[dreg:$0x3] =	wrdreg s5  }
0xaa: {  	[dreg:$0x4] =	wrdreg $0xC0  }
0xab: {  	_ =	task [dreg:s7], $0x5FFFF  }
0xac: {  	[dreg:$0x1] =	wrdreg $0xFFFFFFFF  }
0xad: {  	[dreg:$0x0] =	wrdreg $0x60  }
0xae: {  	[dreg:$0x2] =	wrdreg s24  }
0xaf: {  	[dreg:$0x3] =	wrdreg s2  }
0xb0: {  	[dreg:$0x4] =	wrdreg $0x9  }
0xb1: {  	_ =	task.clear_ibuf [dreg:s7], $0x5FFFF;
	_ =	strace $0x90000049  }
0xb2: {  	s29 =	simm.s32 $0x9;
	_ =	strace $0x8000004B  }
0xb3: {  	_ =	swait.ge [sflag:s29], $0x1  }
0xb4: {  	[sflag:s29] =	ssyncadd.s32 $0xFFFFFFFF  }
0xb5: {  	_ =	strace $0x9000004B  }
0xb6: {  	_ =	sfence  }
0xb7: {  	s30 =	sld [smem:$0x0];
	_ =	sdelay $0x2  }
0xb8: {  	s31 =	sshll.u32 s1, $0xD;
	s1 =	sshrl.u32 s1, $0x2  }
0xb9: {  	s3 =	sand.u32 $0x4000, s31;
	s1 =	sadd.s32 s1, s30  }
0xba: {  	s0 =	sor.u32 s3, s0;
	s1 =	sshll.u32 s1, $0x11  }
0xbb: {  	s0 =	sor.u32 s1, s0  }
0xbc: {  	s0 =	sadd.s32 $0x8F2B, s0  }
0xbd: {  	[sflag:s0] =	ssyncadd.remote.s32 $0x1  }
0xbe: {  	_ =	sfence.sel $0xFFFF  }
0xbf: {  	[dreg:$0x0] =	wrdreg $0xFFFFFFFF;
	(pc) =	sbr.abs _section_cstart, $3  }
0xc0: {  	[dreg:$0x1] =	wrdreg $0xFFFFFFFF  }
0xc1: {  	_ =	task.clear_ibuf [dreg:s7], $0x2FFFF;
	_ =	strace $0x9FFFFFFF  }
0xc2: {  	(tm) =	ssettm $0x7FFFFFFF  }
0xc3: {  	_ =	shalt  }
tec
execute0_lowered:
.L_overlay_start_1:
0x0: {  	(tag) =	ssettag $0x1  }
0x1: {  	s0 =	rddreg [dreg:$0x0]  }
0x2: {  	s1 =	rddreg [dreg:$0x1];
	s3 =	srdreg.scid  }
0x3: {  	s2 =	simm.s32 $0x0;
	s5 =	stileid.u32;
	s15 =	simm.s32 $0x2  }
0x4: {  	s8 =	simm.s32 $0x9C80;
	s13 =	simm.s32 $0xD480;
	s28 =	simm.s32 $0xDC80  }
0x5: {  	s14 =	simm.s32 $0xE480;
	s29 =	simm.s32 $0xEC80;
	s30 =	simm.s32 $0xF480  }
0x6: {  	s31 =	simm.s32 $0xFC80;
	s4 =	sand.u32 $0x1, s3;
	s3 =	sadd.s32 $0x1C1A00, s0  }
0x7: {  	[smem:$0x7FF] =	sst s2;
	s7 =	sadd.s32 $0xC00, s0;
	s9 =	sadd.s32 $0x1C1B00, s0  }
0x8: {  	s19 =	sshll.u32 s5, $0x7;
	s10 =	sadd.s32 $0x1C1C00, s0;
	s12 =	sadd.s32 $0x1C1D00, s0  }
0x9: {  	s20 =	sshll.u32 s4, $0x6;
	_ =	strace $0x8000004A;
	s4 =	ssub.s32 $0x2, s4  }
0xa: {  	[dreg:$0x3] =	wrdreg s7;
	s5 =	sor.u32 s20, s19;
	s21 =	sshrl.u32 s4, $0x1  }
0xb: {  	s19 =	simm.s32 $0x200;
	s6 =	sshrl.u32 s5, $0x3;
	s4 =	ssub.s32 s4, s21  }
0xc: {  	s20 =	simm.s32 $0x480;
	s6 =	sadd.s32 s6, s0;
	s26 =	smax.u32 s4, $0x1  }
0xd: {  	s5 =	sshll.u32 s5, $0x7;
	s22 =	sadd.s32 $0x1000, s6;
	[dreg:$0x9] =	wrdreg s26  }
0xe: {  	s21 =	simm.s32 $0xA480;
	s23 =	sadd.s32 $0xE00, s6;
	[dreg:$0x4] =	wrdreg s22  }
0xf: {  	s11 =	sadd.s32 s1, s5;
	s24 =	sadd.s32 $0x1400, s6;
	[dreg:$0x5] =	wrdreg s23  }
0x10: {  	s4 =	simm.s32 $0x1;
	s6 =	sadd.s32 $0x1200, s6;
	[dreg:$0x6] =	wrdreg s24  }
0x11: {  	v2 =	vlaneseq.u32;
	s0 =	simm.s32 $0x0;
	s25 =	sadd.s32 $0x1000, s11;
	[dreg:$0x7] =	wrdreg s6  }
0x12: {  	vm0 =	vmmov $0xffff;
	v1 =	vshrl.u32 v2, $0x3;
	s26 =	simm.s32 $0xCC80;
	[dreg:$0x8] =	wrdreg s25;
	s22 =	simm.s32 $0xAC80  }
0x13: {  	v0 =	vand.u32 $0x7, v2;
	v2 =	vor.u32 $0x8, v2;
	v1 =	vmul.u32 $0x8, v1;
	s23 =	simm.s32 $0xB480;
	s24 =	simm.s32 $0xBC80;
	s25 =	simm.s32 $0xC480  }
.LBB2_1:
0x14: {  	s1 =	rddreg [dreg:$0x4]  }
0x15: {  	[tilespmem:s2], [sflag:$0x2] =	stream.linear.gather [hbm4b:s1+s2], $0x40, $0x38;
	[tilespmem:$0x10480] =	vst v63  }
0x16: {  	_ =	swait.ge [sflag:s15], $0x40  }
0x17: {  	[sflag:s15] =	ssyncset.done $0x0  }
0x18: {  	s5 =	simm.s32 $0x80;
	s18 =	rddreg [dreg:$0x5];
	[sflag:s15] =	ssyncadd.s32 $0xFFFFFFC0  }
0x19: {  	[tilespmem:s5], [sflag:$0x2] =	stream.linear.gather [hbm4b:s18+s2], $0x40, $0x38;
	[tilespmem:$0x10480] =	vst v63  }
0x1a: {  	_ =	swait.ge [sflag:s15], $0x40  }
0x1b: {  	[sflag:s15] =	ssyncset.done $0x0  }
0x1c: {  	s7 =	simm.s32 $0x100;
	s6 =	rddreg [dreg:$0x6];
	[sflag:s15] =	ssyncadd.s32 $0xFFFFFFC0  }
0x1d: {  	[tilespmem:s7], [sflag:$0x2] =	stream.linear.gather [hbm4b:s6+s2], $0x40, $0x38;
	[tilespmem:$0x10480] =	vst v63  }
0x1e: {  	_ =	swait.ge [sflag:s15], $0x40  }
0x1f: {  	[sflag:s15] =	ssyncset.done $0x0  }
0x20: {  	s17 =	simm.s32 $0x180;
	s16 =	rddreg [dreg:$0x7];
	[sflag:s15] =	ssyncadd.s32 $0xFFFFFFC0  }
0x21: {  	[tilespmem:s17], [sflag:$0x2] =	stream.linear.gather [hbm4b:s16+s2], $0x40, $0x38;
	[tilespmem:$0x10480] =	vst v63  }
0x22: {  	_ =	swait.ge [sflag:s15], $0x40  }
0x23: {  	[sflag:s15] =	ssyncset.done $0x0  }
0x24: {  	s18 =	rddreg [dreg:$0x3];
	[sflag:s15] =	ssyncadd.s32 $0xFFFFFFC0  }
0x25: {  	[tilespmem:s19], [sflag:$0x2] =	stream.linear.gather [hbm4b:s18+s2], $0x80, $0x38;
	[tilespmem:$0x10480] =	vst v63  }
0x26: {  	_ =	swait.ge [sflag:s15], $0x80  }
0x27: {  	[sflag:s15] =	ssyncset.done $0x0  }
0x28: {  	[sflag:s15] =	ssyncadd.s32 $0xFFFFFF80  }
0x29: {  	v3 =	vld [tilespmem:$0x0];
	_ =	sdelay $0x5  }
0x2a: {  	v4 =	vld [tilespmem:$0x80]  }
0x2b: {  	v5 =	vld [tilespmem:$0x100]  }
0x2c: {  	v3 =	vld.idx.msk [tilespmem:v3+s19+$0x0], $0xffff;
	_ =	sdelay $0x4  }
0x2d: {  	v44 =	vld [tilespmem:$0x10];
	v3 =	vadd.s32 v3, v5  }
0x2e: {  	v45 =	vld [tilespmem:$0x180];
	[tilespmem:$0x280] =	vst v3  }
0x2f: {  	v3 =	vld.idx.msk [tilespmem:v4+s19+$0x0], $0xffff;
	_ =	sdelay $0x4  }
0x30: {  	v46 =	vld [tilespmem:$0x90];
	v3 =	vadd.s32 v3, v45  }
0x31: {  	v47 =	vld [tilespmem:$0x110];
	[tilespmem:$0x300] =	vst v3  }
0x32: {  	v3 =	vld.idx.msk [tilespmem:v44+s19+$0x0], $0xffff;
	_ =	sdelay $0x4  }
0x33: {  	v48 =	vld [tilespmem:$0x20];
	v3 =	vadd.s32 v3, v47  }
0x34: {  	v49 =	vld [tilespmem:$0x190];
	[tilespmem:$0x290] =	vst v3  }
0x35: {  	v3 =	vld.idx.msk [tilespmem:v46+s19+$0x0], $0xffff;
	_ =	sdelay $0x4  }
0x36: {  	v50 =	vld [tilespmem:$0xA0];
	v3 =	vadd.s32 v3, v49  }
0x37: {  	v51 =	vld [tilespmem:$0x120];
	[tilespmem:$0x310] =	vst v3  }
0x38: {  	v3 =	vld.idx.msk [tilespmem:v48+s19+$0x0], $0xffff;
	_ =	sdelay $0x4  }
0x39: {  	v52 =	vld [tilespmem:$0x30];
	v3 =	vadd.s32 v3, v51  }
0x3a: {  	v53 =	vld [tilespmem:$0x1A0];
	[tilespmem:$0x2A0] =	vst v3  }
0x3b: {  	v3 =	vld.idx.msk [tilespmem:v50+s19+$0x0], $0xffff;
	_ =	sdelay $0x4  }
0x3c: {  	v54 =	vld [tilespmem:$0xB0];
	v3 =	vadd.s32 v3, v53  }
0x3d: {  	v55 =	vld [tilespmem:$0x130];
	[tilespmem:$0x320] =	vst v3  }
0x3e: {  	v3 =	vld.idx.msk [tilespmem:v52+s19+$0x0], $0xffff;
	_ =	sdelay $0x1  }
0x3f: {  	v6 =	vld [tilespmem:$0x280];
	_ =	sdelay $0x2  }
0x40: {  	v3 =	vadd.s32 v3, v55  }
0x41: {  	[tilespmem:$0x2B0] =	vst v3  }
0x42: {  	v3 =	vld.idx.msk [tilespmem:v54+s19+$0x0], $0xffff;
	[tilespmem:$0x380] =	vst v6  }
0x43: {  	v56 =	vld [tilespmem:$0x380];
	_ =	sdelay $0x4  }
0x44: {  	v57 =	vld [tilespmem:$0x1B0];
	v58 =	vshll.u32 v56, $0x3  }
0x45: {  	v7 =	vld [tilespmem:$0x300];
	v4 =	vand.u32 $0x7, v56;
	v6 =	vand.u32 $0xFFFFFFC0, v58  }
0x46: {  	v59 =	vld [tilespmem:$0x290];
	v4 =	vor.u32 v4, v6  }
0x47: {  	v9 =	vld [tilespmem:$0x310];
	v8 =	vperm.xlane v4, v0;
	_ =	sdelay $0x1  }
0x48: {  	v60 =	vadd.s32 v1, v8  }
0x49: {  	[tilespmem:$0x400] =	vst v7  }
0x4a: {  	[tilespmem:$0x390] =	vst v59  }
0x4b: {  	[tilespmem:$0x410] =	vst v9;
	v3 =	vadd.s32 v3, v57  }
0x4c: {  	[tilespmem:$0x330] =	vst v3  }
0x4d: {  	[tilespmem:s20], [sflag:$0x1] =	stream.indirect_vreg.gather [hbm4b:s3+s2], $0x80, v60, vm0, $0xb8;
	[tilespmem:$0x10480] =	vst v63  }
0x4e: {  	s5 =	simm.s32 $0xC80;
	v3 =	vperm.xlane v4, v2  }
0x4f: {  	[tilespmem:s5], [sflag:$0x1] =	stream.indirect_vreg.gather [hbm4b:s9+s2], $0x80, v60, vm0, $0xb8;
	[tilespmem:$0x10480] =	vst v63  }
0x50: {  	s6 =	simm.s32 $0x1480;
	v3 =	vadd.s32 v1, v3  }
0x51: {  	[tilespmem:s6], [sflag:$0x1] =	stream.indirect_vreg.gather [hbm4b:s10+s2], $0x80, v60, vm0, $0xb8;
	[tilespmem:$0x10480] =	vst v63  }
0x52: {  	s7 =	simm.s32 $0x1C80  }
0x53: {  	[tilespmem:s7], [sflag:$0x1] =	stream.indirect_vreg.gather [hbm4b:s12+s2], $0x80, v60, vm0, $0xb8;
	[tilespmem:$0x10480] =	vst v63  }
0x54: {  	s16 =	simm.s32 $0x2480  }
0x55: {  	[tilespmem:s16], [sflag:$0x1] =	stream.indirect_vreg.gather [hbm4b:s3+s2], $0x80, v3, vm0, $0xb8;
	[tilespmem:$0x10480] =	vst v63  }
0x56: {  	s17 =	simm.s32 $0x2C80  }
0x57: {  	[tilespmem:s17], [sflag:$0x1] =	stream.indirect_vreg.gather [hbm4b:s9+s2], $0x80, v3, vm0, $0xb8;
	[tilespmem:$0x10480] =	vst v63  }
0x58: {  	s18 =	simm.s32 $0x3480  }
0x59: {  	[tilespmem:s18], [sflag:$0x1] =	stream.indirect_vreg.gather [hbm4b:s10+s2], $0x80, v3, vm0, $0xb8;
	[tilespmem:$0x10480] =	vst v63  }
0x5a: {  	s5 =	simm.s32 $0x3C80  }
0x5b: {  	[tilespmem:s5], [sflag:$0x1] =	stream.indirect_vreg.gather [hbm4b:s12+s2], $0x80, v3, vm0, $0xb8;
	[tilespmem:$0x10480] =	vst v63  }
0x5c: {  	v3 =	vld [tilespmem:$0x390];
	_ =	sdelay $0x4  }
0x5d: {  	v61 =	vshll.u32 v3, $0x3  }
0x5e: {  	v3 =	vand.u32 $0x7, v3;
	v4 =	vand.u32 $0xFFFFFFC0, v61  }
0x5f: {  	v3 =	vor.u32 v3, v4  }
0x60: {  	v4 =	vperm.xlane v3, v0;
	_ =	sdelay $0x1  }
0x61: {  	v4 =	vadd.s32 v1, v4;
	_ =	sdelay $0x3  }
0x62: {  	s6 =	simm.s32 $0x4480  }
0x63: {  	[tilespmem:s6], [sflag:$0x1] =	stream.indirect_vreg.gather [hbm4b:s3+s2], $0x80, v4, vm0, $0xb8;
	[tilespmem:$0x10480] =	vst v63  }
0x64: {  	s7 =	simm.s32 $0x4C80;
	v3 =	vperm.xlane v3, v2  }
0x65: {  	[tilespmem:s7], [sflag:$0x1] =	stream.indirect_vreg.gather [hbm4b:s9+s2], $0x80, v4, vm0, $0xb8;
	[tilespmem:$0x10480] =	vst v63  }
0x66: {  	s16 =	simm.s32 $0x5480;
	v3 =	vadd.s32 v1, v3  }
0x67: {  	[tilespmem:s16], [sflag:$0x1] =	stream.indirect_vreg.gather [hbm4b:s10+s2], $0x80, v4, vm0, $0xb8;
	[tilespmem:$0x10480] =	vst v63  }
0x68: {  	s17 =	simm.s32 $0x5C80  }
0x69: {  	[tilespmem:s17], [sflag:$0x1] =	stream.indirect_vreg.gather [hbm4b:s12+s2], $0x80, v4, vm0, $0xb8;
	[tilespmem:$0x10480] =	vst v63  }
0x6a: {  	s18 =	simm.s32 $0x6480  }
0x6b: {  	[tilespmem:s18], [sflag:$0x1] =	stream.indirect_vreg.gather [hbm4b:s3+s2], $0x80, v3, vm0, $0xb8;
	[tilespmem:$0x10480] =	vst v63  }
0x6c: {  	s5 =	simm.s32 $0x6C80  }
0x6d: {  	[tilespmem:s5], [sflag:$0x1] =	stream.indirect_vreg.gather [hbm4b:s9+s2], $0x80, v3, vm0, $0xb8;
	[tilespmem:$0x10480] =	vst v63  }
0x6e: {  	s6 =	simm.s32 $0x7480  }
0x6f: {  	[tilespmem:s6], [sflag:$0x1] =	stream.indirect_vreg.gather [hbm4b:s10+s2], $0x80, v3, vm0, $0xb8;
	[tilespmem:$0x10480] =	vst v63  }
0x70: {  	s7 =	simm.s32 $0x7C80  }
0x71: {  	[tilespmem:s7], [sflag:$0x1] =	stream.indirect_vreg.gather [hbm4b:s12+s2], $0x80, v3, vm0, $0xb8;
	[tilespmem:$0x10480] =	vst v63  }
0x72: {  	_ =	swait.ge [sflag:s4], $0x8000  }
0x73: {  	[sflag:s4] =	ssyncset.done $0x0  }
0x74: {  	[sflag:s4] =	ssyncadd.s32 $0xFFFF8000  }
0x75: {  	v3 =	vld [tilespmem:$0x400];
	_ =	sdelay $0x4  }
0x76: {  	v62 =	vshll.u32 v3, $0x3  }
0x77: {  	v3 =	vand.u32 $0x7, v3;
	v4 =	vand.u32 $0xFFFFFFC0, v62  }
0x78: {  	v3 =	vor.u32 v3, v4  }
0x79: {  	v4 =	vperm.xlane v3, v0;
	_ =	sdelay $0x1  }
0x7a: {  	v4 =	vadd.s32 v1, v4;
	_ =	sdelay $0x3  }
0x7b: {  	s16 =	simm.s32 $0x8480  }
0x7c: {  	[tilespmem:s16], [sflag:$0x1] =	stream.indirect_vreg.gather [hbm4b:s3+s2], $0x80, v4, vm0, $0xb8;
	[tilespmem:$0x10480] =	vst v63  }
0x7d: {  	s17 =	simm.s32 $0x8C80;
	v3 =	vperm.xlane v3, v2  }
0x7e: {  	[tilespmem:s17], [sflag:$0x1] =	stream.indirect_vreg.gather [hbm4b:s9+s2], $0x80, v4, vm0, $0xb8;
	[tilespmem:$0x10480] =	vst v63  }
0x7f: {  	s18 =	simm.s32 $0x9480;
	v3 =	vadd.s32 v1, v3  }
0x80: {  	[tilespmem:s18], [sflag:$0x1] =	stream.indirect_vreg.gather [hbm4b:s10+s2], $0x80, v4, vm0, $0xb8;
	[tilespmem:$0x10480] =	vst v63  }
0x81: {  	_ = 	snop  }
0x82: {  	[tilespmem:s8], [sflag:$0x1] =	stream.indirect_vreg.gather [hbm4b:s12+s2], $0x80, v4, vm0, $0xb8;
	[tilespmem:$0x10480] =	vst v63  }
0x83: {  	_ = 	snop  }
0x84: {  	[tilespmem:s21], [sflag:$0x1] =	stream.indirect_vreg.gather [hbm4b:s3+s2], $0x80, v3, vm0, $0xb8;
	[tilespmem:$0x10480] =	vst v63  }
0x85: {  	_ = 	snop  }
0x86: {  	[tilespmem:s22], [sflag:$0x1] =	stream.indirect_vreg.gather [hbm4b:s9+s2], $0x80, v3, vm0, $0xb8;
	[tilespmem:$0x10480] =	vst v63  }
0x87: {  	_ = 	snop  }
0x88: {  	[tilespmem:s23], [sflag:$0x1] =	stream.indirect_vreg.gather [hbm4b:s10+s2], $0x80, v3, vm0, $0xb8;
	[tilespmem:$0x10480] =	vst v63  }
0x89: {  	_ = 	snop  }
0x8a: {  	[tilespmem:s24], [sflag:$0x1] =	stream.indirect_vreg.gather [hbm4b:s12+s2], $0x80, v3, vm0, $0xb8;
	[tilespmem:$0x10480] =	vst v63  }
0x8b: {  	v3 =	vld [tilespmem:$0x410];
	_ =	sdelay $0x4  }
0x8c: {  	v63 =	vshll.u32 v3, $0x3  }
0x8d: {  	v3 =	vand.u32 $0x7, v3;
	v4 =	vand.u32 $0xFFFFFFC0, v63  }
0x8e: {  	v3 =	vor.u32 v3, v4  }
0x8f: {  	v4 =	vperm.xlane v3, v0;
	_ =	sdelay $0x1  }
0x90: {  	v4 =	vadd.s32 v1, v4;
	_ =	sdelay $0x4  }
0x91: {  	[tilespmem:s25], [sflag:$0x1] =	stream.indirect_vreg.gather [hbm4b:s3+s2], $0x80, v4, vm0, $0xb8;
	[tilespmem:$0x10480] =	vst v63  }
0x92: {  	v3 =	vperm.xlane v3, v2  }
0x93: {  	[tilespmem:s26], [sflag:$0x1] =	stream.indirect_vreg.gather [hbm4b:s9+s2], $0x80, v4, vm0, $0xb8;
	[tilespmem:$0x10480] =	vst v63  }
0x94: {  	v3 =	vadd.s32 v1, v3  }
0x95: {  	[tilespmem:s13], [sflag:$0x1] =	stream.indirect_vreg.gather [hbm4b:s10+s2], $0x80, v4, vm0, $0xb8;
	[tilespmem:$0x10480] =	vst v63  }
0x96: {  	_ = 	snop  }
0x97: {  	[tilespmem:s28], [sflag:$0x1] =	stream.indirect_vreg.gather [hbm4b:s12+s2], $0x80, v4, vm0, $0xb8;
	[tilespmem:$0x10480] =	vst v63  }
0x98: {  	_ = 	snop  }
0x99: {  	[tilespmem:s14], [sflag:$0x1] =	stream.indirect_vreg.gather [hbm4b:s3+s2], $0x80, v3, vm0, $0xb8;
	[tilespmem:$0x10480] =	vst v63  }
0x9a: {  	_ = 	snop  }
0x9b: {  	[tilespmem:s29], [sflag:$0x1] =	stream.indirect_vreg.gather [hbm4b:s9+s2], $0x80, v3, vm0, $0xb8;
	[tilespmem:$0x10480] =	vst v63  }
0x9c: {  	_ = 	snop  }
0x9d: {  	[tilespmem:s30], [sflag:$0x1] =	stream.indirect_vreg.gather [hbm4b:s10+s2], $0x80, v3, vm0, $0xb8;
	[tilespmem:$0x10480] =	vst v63  }
0x9e: {  	_ = 	snop  }
0x9f: {  	[tilespmem:s31], [sflag:$0x1] =	stream.indirect_vreg.gather [hbm4b:s12+s2], $0x80, v3, vm0, $0xb8;
	[tilespmem:$0x10480] =	vst v63  }
0xa0: {  	_ =	swait.ge [sflag:s4], $0x8000  }
0xa1: {  	s1 =	simm.s32 $0xFFFF8000;
	s16 =	simm.s32 $0x0;
	[sflag:s4] =	ssyncset.done $0x0  }
0xa2: {  	s17 =	simm.s32 $0x0;
	s18 =	simm.s32 $0x0;
	[sflag:s4] =	ssyncadd.s32 $0xFFFF8000  }
.LBB2_2:
0xa3: {  	s5 =	sadd.s32 $0x8000, s1  }
0xa4: {  	s6 =	sand.u32 $0x380, s18;
	s5 =	sand.u32 $0x6000, s5  }
0xa5: {  	s5 =	sor.u32 s6, s5  }
0xa6: {  	v3 =	vld [tilespmem:s5+$0x480]  }
0xa7: {  	v4 =	vld [tilespmem:s5+$0x8480]  }
0xa8: {  	v5 =	vld [tilespmem:s5+$0x490]  }
0xa9: {  	v6 =	vld [tilespmem:s5+$0x8490]  }
0xaa: {  	v7 =	vld [tilespmem:s5+$0x4A0]  }
0xab: {  	v8 =	vld [tilespmem:s5+$0x84A0]  }
0xac: {  	v9 =	vld [tilespmem:s5+$0x4B0]  }
0xad: {  	v10 =	vld [tilespmem:s5+$0x84B0]  }
0xae: {  	v11 =	vld [tilespmem:s5+$0x4C0]  }
0xaf: {  	v12 =	vld [tilespmem:s5+$0x84C0]  }
0xb0: {  	v13 =	vld [tilespmem:s5+$0x4D0]  }
0xb1: {  	v14 =	vld [tilespmem:s5+$0x84D0]  }
0xb2: {  	v15 =	vld [tilespmem:s5+$0x4E0]  }
0xb3: {  	v16 =	vld [tilespmem:s5+$0x84E0]  }
0xb4: {  	v17 =	vld [tilespmem:s5+$0x4F0]  }
0xb5: {  	v18 =	vld [tilespmem:s5+$0x84F0]  }
0xb6: {  	v19 =	vld [tilespmem:s5+$0x880]  }
0xb7: {  	v20 =	vld [tilespmem:s5+$0x8880]  }
0xb8: {  	v21 =	vld [tilespmem:s5+$0x890]  }
0xb9: {  	v22 =	vld [tilespmem:s5+$0x8890]  }
0xba: {  	v23 =	vld [tilespmem:s5+$0x8A0]  }
0xbb: {  	v24 =	vld [tilespmem:s5+$0x88A0]  }
0xbc: {  	v25 =	vld [tilespmem:s5+$0x8B0]  }
0xbd: {  	v26 =	vld [tilespmem:s5+$0x88B0]  }
0xbe: {  	v27 =	vld [tilespmem:s5+$0x8C0]  }
0xbf: {  	v28 =	vld [tilespmem:s5+$0x88C0]  }
0xc0: {  	v29 =	vld [tilespmem:s5+$0x8D0]  }
0xc1: {  	v30 =	vld [tilespmem:s5+$0x88D0]  }
0xc2: {  	v31 =	vld [tilespmem:s5+$0x8E0]  }
0xc3: {  	v32 =	vld [tilespmem:s5+$0x88E0]  }
0xc4: {  	v33 =	vld [tilespmem:s5+$0x8F0]  }
0xc5: {  	v34 =	vld [tilespmem:s5+$0x88F0]  }
0xc6: {  	v35 =	vld [tilespmem:s5+$0xC80]  }
0xc7: {  	v36 =	vld [tilespmem:s5+$0x8C80]  }
0xc8: {  	v37 =	vld [tilespmem:s5+$0xC90]  }
0xc9: {  	v38 =	vld [tilespmem:s5+$0x8C90]  }
0xca: {  	v39 =	vld [tilespmem:s5+$0xCA0]  }
0xcb: {  	v40 =	vld [tilespmem:s5+$0x8CA0]  }
0xcc: {  	v41 =	vld [tilespmem:s5+$0xCB0]  }
0xcd: {  	v42 =	vld [tilespmem:s5+$0x8CB0]  }
0xce: {  	v43 =	vld [tilespmem:s5+$0xCC0]  }
0xcf: {  	v44 =	vld [tilespmem:s5+$0x8CC0]  }
0xd0: {  	v45 =	vld [tilespmem:s5+$0xCD0]  }
0xd1: {  	v46 =	vld [tilespmem:s5+$0x8CD0]  }
0xd2: {  	v47 =	vld [tilespmem:s5+$0xCE0]  }
0xd3: {  	v48 =	vld [tilespmem:s5+$0x8CE0]  }
0xd4: {  	v49 =	vld [tilespmem:s5+$0xCF0]  }
0xd5: {  	v50 =	vld [tilespmem:s5+$0x8CF0]  }
0xd6: {  	v51 =	vld [tilespmem:s5+$0x1080]  }
0xd7: {  	v52 =	vld [tilespmem:s5+$0x9080]  }
0xd8: {  	v53 =	vld [tilespmem:s5+$0x1090]  }
0xd9: {  	v54 =	vld [tilespmem:s5+$0x9090]  }
0xda: {  	v55 =	vld [tilespmem:s5+$0x10A0]  }
0xdb: {  	v56 =	vld [tilespmem:s5+$0x90A0]  }
0xdc: {  	v57 =	vld [tilespmem:s5+$0x10B0]  }
0xdd: {  	v58 =	vld [tilespmem:s5+$0x90B0]  }
0xde: {  	v59 =	vld [tilespmem:s5+$0x10C0]  }
0xdf: {  	v60 =	vld [tilespmem:s5+$0x90C0]  }
0xe0: {  	v61 =	vld [tilespmem:s5+$0x10D0]  }
0xe1: {  	v62 =	vld [tilespmem:s5+$0x90D0]  }
0xe2: {  	v63 =	vld [tilespmem:s5+$0x10E0]  }
0xe3: {  	v3 =	vadd.f32 v4, v3;
	v4 =	vld [tilespmem:s5+$0x90E0]  }
0xe4: {  	v5 =	vadd.f32 v6, v5;
	v6 =	vld [tilespmem:s5+$0x10F0]  }
0xe5: {  	v14 =	vadd.f32 v14, v13;
	v13 =	vld [tilespmem:s5+$0x94A0];
	[tilespmem:s5+$0x480] =	vst v3;
	v3 =	vadd.f32 v8, v7  }
0xe6: {  	v18 =	vadd.f32 v18, v17;
	v17 =	vld [tilespmem:s5+$0x94C0];
	[tilespmem:s5+$0x490] =	vst v5  }
0xe7: {  	v22 =	vadd.f32 v22, v21;
	v21 =	vld [tilespmem:s5+$0x94E0];
	[tilespmem:s5+$0x4A0] =	vst v3;
	v3 =	vadd.f32 v12, v11  }
0xe8: {  	v7 =	vld [tilespmem:s5+$0x90F0];
	[tilespmem:s5+$0x4D0] =	vst v14  }
0xe9: {  	v8 =	vld [tilespmem:s5+$0x1480];
	[tilespmem:s5+$0x4C0] =	vst v3;
	v3 =	vadd.f32 v16, v15  }
0xea: {  	v5 =	vadd.f32 v10, v9;
	v9 =	vld [tilespmem:s5+$0x9480];
	[tilespmem:s5+$0x4F0] =	vst v18  }
0xeb: {  	v10 =	vld [tilespmem:s5+$0x1490];
	[tilespmem:s5+$0x4E0] =	vst v3;
	v3 =	vadd.f32 v20, v19  }
0xec: {  	v26 =	vadd.f32 v26, v25;
	v14 =	vld [tilespmem:s5+$0x14B0];
	[tilespmem:s5+$0x890] =	vst v22  }
0xed: {  	v18 =	vld [tilespmem:s5+$0x14D0];
	[tilespmem:s5+$0x880] =	vst v3;
	v3 =	vadd.f32 v24, v23  }
0xee: {  	v30 =	vadd.f32 v30, v29;
	[tilespmem:s5+$0x8B0] =	vst v26;
	v22 =	vld [tilespmem:s5+$0x14F0]  }
0xef: {  	v19 =	vld [tilespmem:s5+$0x94D0];
	[tilespmem:s5+$0x8A0] =	vst v3;
	v3 =	vadd.f32 v28, v27  }
0xf0: {  	v34 =	vadd.f32 v34, v33;
	[tilespmem:s5+$0x8D0] =	vst v30;
	v11 =	vld [tilespmem:s5+$0x9490]  }
0xf1: {  	v12 =	vld [tilespmem:s5+$0x14A0];
	[tilespmem:s5+$0x8C0] =	vst v3;
	v3 =	vadd.f32 v32, v31  }
0xf2: {  	[tilespmem:s5+$0x8F0] =	vst v34;
	v15 =	vld [tilespmem:s5+$0x94B0]  }
0xf3: {  	v16 =	vld [tilespmem:s5+$0x14C0];
	[tilespmem:s5+$0x8E0] =	vst v3;
	v3 =	vadd.f32 v36, v35  }
0xf4: {  	[tilespmem:s5+$0x4B0] =	vst v5;
	v20 =	vld [tilespmem:s5+$0x14E0];
	v19 =	vadd.f32 v19, v18  }
0xf5: {  	v24 =	vld [tilespmem:s5+$0x1880];
	[tilespmem:s5+$0xC80] =	vst v3;
	v3 =	vadd.f32 v40, v39  }
0xf6: {  	[tilespmem:s5+$0x14D0] =	vst v19;
	v36 =	vadd.f32 v38, v37;
	v37 =	vld [tilespmem:s5+$0x94F0]  }
0xf7: {  	v38 =	vadd.f32 v42, v41;
	v41 =	vld [tilespmem:s5+$0x1890];
	[tilespmem:s5+$0xCA0] =	vst v3;
	v3 =	vadd.f32 v44, v43  }
0xf8: {  	v42 =	vld [tilespmem:s5+$0x9890];
	[tilespmem:s5+$0xC90] =	vst v36  }
0xf9: {  	v35 =	vld [tilespmem:s5+$0x1C90];
	[tilespmem:s5+$0xCC0] =	vst v3;
	v3 =	vadd.f32 v48, v47  }
0xfa: {  	v39 =	vld [tilespmem:s5+$0x9880];
	[tilespmem:s5+$0xCB0] =	vst v38;
	v40 =	vadd.f32 v46, v45  }
0xfb: {  	v45 =	vld [tilespmem:s5+$0x98A0];
	[tilespmem:s5+$0xCE0] =	vst v3;
	v3 =	vadd.f32 v52, v51  }
0xfc: {  	v46 =	vadd.f32 v54, v53;
	v53 =	vld [tilespmem:s5+$0x18D0];
	[tilespmem:s5+$0xCD0] =	vst v40  }
0xfd: {  	v54 =	vld [tilespmem:s5+$0x98D0];
	[tilespmem:s5+$0x1080] =	vst v3;
	v3 =	vadd.f32 v56, v55  }
0xfe: {  	v36 =	vld [tilespmem:s5+$0x9C90];
	v43 =	vadd.f32 v50, v49;
	[tilespmem:s5+$0x1090] =	vst v46  }
0xff: {  	v38 =	vld [tilespmem:s5+$0x1CA0];
	[tilespmem:s5+$0x10A0] =	vst v3;
	v3 =	vadd.f32 v60, v59  }
0x100: {  	v44 =	vld [tilespmem:s5+$0x18A0];
	v49 =	vadd.f32 v58, v57;
	[tilespmem:s5+$0xCF0] =	vst v43  }
0x101: {  	v50 =	vld [tilespmem:s5+$0x18C0];
	[tilespmem:s5+$0x10C0] =	vst v3;
	v3 =	vadd.f32 v4, v63  }
0x102: {  	v57 =	vld [tilespmem:s5+$0x98E0];
	v58 =	vadd.f32 v11, v10;
	[tilespmem:s5+$0x10B0] =	vst v49  }
0x103: {  	v46 =	vld [tilespmem:s5+$0x9CD0];
	[tilespmem:s5+$0x10E0] =	vst v3;
	v3 =	vadd.f32 v9, v8  }
0x104: {  	v37 =	vadd.f32 v37, v22;
	v40 =	vadd.f32 v42, v41;
	v41 =	vld [tilespmem:s5+$0x1CB0];
	[tilespmem:s5+$0x1490] =	vst v58  }
0x105: {  	v42 =	vld [tilespmem:s5+$0x9CB0];
	[tilespmem:s5+$0x1480] =	vst v3;
	v3 =	vadd.f32 v13, v12  }
0x106: {  	v47 =	vld [tilespmem:s5+$0x18B0];
	[tilespmem:s5+$0x14F0] =	vst v37  }
0x107: {  	v48 =	vld [tilespmem:s5+$0x98B0];
	[tilespmem:s5+$0x14A0] =	vst v3;
	v3 =	vadd.f32 v17, v16  }
0x108: {  	v49 =	vld [tilespmem:s5+$0x9CE0];
	[tilespmem:s5+$0x1890] =	vst v40;
	v52 =	vadd.f32 v62, v61  }
0x109: {  	v51 =	vld [tilespmem:s5+$0x98C0];
	[tilespmem:s5+$0x14C0] =	vst v3;
	v3 =	vadd.f32 v21, v20  }
0x10a: {  	v61 =	vadd.f32 v15, v14;
	v62 =	vld [tilespmem:s5+$0x1C80];
	[tilespmem:s5+$0x10D0] =	vst v52  }
0x10b: {  	v56 =	vld [tilespmem:s5+$0x18E0];
	[tilespmem:s5+$0x14E0] =	vst v3;
	v3 =	vadd.f32 v39, v24  }
0x10c: {  	v55 =	vadd.f32 v7, v6;
	[tilespmem:s5+$0x14B0] =	vst v61;
	v52 =	vld [tilespmem:s5+$0x9CF0]  }
0x10d: {  	v43 =	vadd.f32 v48, v47;
	v47 =	vld [tilespmem:s5+$0x1CE0];
	[tilespmem:s5+$0x1880] =	vst v3;
	v3 =	vadd.f32 v45, v44  }
0x10e: {  	[tilespmem:s5+$0x10F0] =	vst v55;
	v63 =	vld [tilespmem:s5+$0x9C80]  }
0x10f: {  	v59 =	vld [tilespmem:s5+$0x18F0];
	[tilespmem:s5+$0x18A0] =	vst v3;
	v3 =	vadd.f32 v51, v50  }
0x110: {  	[tilespmem:s5+$0x18B0] =	vst v43;
	v4 =	vadd.f32 v54, v53;
	v39 =	vld [tilespmem:s5+$0x9CA0]  }
0x111: {  	v60 =	vld [tilespmem:s5+$0x98F0];
	[tilespmem:s5+$0x18C0] =	vst v3;
	v3 =	vadd.f32 v57, v56  }
0x112: {  	v54 =	vadd.f32 v42, v41;
	[tilespmem:s5+$0x18D0] =	vst v4;
	v45 =	vld [tilespmem:s5+$0x1CD0]  }
0x113: {  	v53 =	vld [tilespmem:s5+$0x9CC0];
	[tilespmem:s5+$0x18E0] =	vst v3;
	v3 =	vadd.f32 v63, v62  }
0x114: {  	[tilespmem:s5+$0x1CB0] =	vst v54;
	v55 =	vadd.f32 v49, v47;
	v50 =	vld [tilespmem:s5+$0x1CF0]  }
0x115: {  	v44 =	vld [tilespmem:s5+$0x1CC0];
	[tilespmem:s5+$0x1C80] =	vst v3;
	v3 =	vadd.f32 v39, v38  }
0x116: {  	v48 =	vadd.f32 v60, v59;
	[tilespmem:s5+$0x1CE0] =	vst v55  }
0x117: {  	[tilespmem:s5+$0x1CA0] =	vst v3;
	v3 =	vadd.f32 v46, v45  }
0x118: {  	s7 =	sand.u32 $0x7, s16;
	[tilespmem:s5+$0x18F0] =	vst v48;
	v51 =	vadd.f32 v36, v35  }
0x119: {  	s6 =	sshll.u32 s7, $0x7;
	[tilespmem:s5+$0x1CD0] =	vst v3;
	v3 =	vadd.f32 v52, v50  }
0x11a: {  	s6 =	sadd.s32 s6, s17;
	[tilespmem:s5+$0x1C90] =	vst v51;
	v56 =	vadd.f32 v53, v44  }
0x11b: {  	s7 =	sor.u32 $0x1C00, s6;
	[tilespmem:s5+$0x1CF0] =	vst v3  }
0x11c: {  	[tilespmem:s5+$0x1CC0] =	vst v56;
	v3 =	vld [tilespmem:s7+$0x480]  }
0x11d: {  	v4 =	vld [tilespmem:s7+$0x8480];
	_ =	sdelay $0x4  }
0x11e: {  	v3 =	vadd.f32 v4, v3;
	_ =	sdelay $0x1  }
0x11f: {  	[tilespmem:s7+$0x480] =	vst v3;
	s7 =	sor.u32 $0x1C10, s6  }
0x120: {  	v3 =	vld [tilespmem:s7+$0x480]  }
0x121: {  	v57 =	vld [tilespmem:s7+$0x8480];
	_ =	sdelay $0x4  }
0x122: {  	v3 =	vadd.f32 v57, v3;
	_ =	sdelay $0x1  }
0x123: {  	[tilespmem:s7+$0x480] =	vst v3;
	s7 =	sor.u32 $0x1C20, s6  }
0x124: {  	v3 =	vld [tilespmem:s7+$0x480]  }
0x125: {  	v58 =	vld [tilespmem:s7+$0x8480];
	_ =	sdelay $0x4  }
0x126: {  	v3 =	vadd.f32 v58, v3;
	_ =	sdelay $0x1  }
0x127: {  	[tilespmem:s7+$0x480] =	vst v3;
	s7 =	sor.u32 $0x1C30, s6  }
0x128: {  	v3 =	vld [tilespmem:s7+$0x480]  }
0x129: {  	v59 =	vld [tilespmem:s7+$0x8480];
	_ =	sdelay $0x4  }
0x12a: {  	v3 =	vadd.f32 v59, v3;
	_ =	sdelay $0x1  }
0x12b: {  	[tilespmem:s7+$0x480] =	vst v3;
	s7 =	sor.u32 $0x1C40, s6  }
0x12c: {  	v3 =	vld [tilespmem:s7+$0x480]  }
0x12d: {  	v60 =	vld [tilespmem:s7+$0x8480];
	_ =	sdelay $0x4  }
0x12e: {  	v3 =	vadd.f32 v60, v3;
	_ =	sdelay $0x1  }
0x12f: {  	[tilespmem:s7+$0x480] =	vst v3;
	s7 =	sor.u32 $0x1C50, s6  }
0x130: {  	v3 =	vld [tilespmem:s7+$0x480]  }
0x131: {  	v61 =	vld [tilespmem:s7+$0x8480];
	_ =	sdelay $0x4  }
0x132: {  	v3 =	vadd.f32 v61, v3;
	_ =	sdelay $0x1  }
0x133: {  	[tilespmem:s7+$0x480] =	vst v3;
	s7 =	sor.u32 $0x1C60, s6  }
0x134: {  	v3 =	vld [tilespmem:s7+$0x480]  }
0x135: {  	v62 =	vld [tilespmem:s7+$0x8480];
	_ =	sdelay $0x4  }
0x136: {  	v3 =	vadd.f32 v62, v3;
	_ =	sdelay $0x1  }
0x137: {  	[tilespmem:s7+$0x480] =	vst v3;
	s7 =	sor.u32 $0x1C70, s6  }
0x138: {  	v3 =	vld [tilespmem:s7+$0x480]  }
0x139: {  	v63 =	vld [tilespmem:s7+$0x8480];
	_ =	sdelay $0x1  }
0x13a: {  	p0 =	sne.s32 s18, $0xF80  }
.Ltmp0:
0x13b: {  	_ = 	snop;
	(pc) =	sbr.rel @p0 .LBB2_2-.Ltmp0, $4  }
0x13c: {  	_ = 	snop  }
0x13d: {  	v3 =	vadd.f32 v63, v3  }
0x13e: {  	s16 =	sadd.s32 $0x1, s16  }
0x13f: {  	s1 =	sadd.s32 $0x400, s1;
	s18 =	sadd.s32 $0x80, s18;
	s17 =	sadd.s32 $0x400, s17;
	[tilespmem:s7+$0x480] =	vst v3  }
0x140: {  	s1 =	simm.s32 $0x0  }
0x141: {  	[hbm4b:s11+s1] =	stream.linear.scatter [tilespmem:s20], [sflag:$0x2], $0x8000, $0x38;
	[tilespmem:$0x10480] =	vst v63  }
0x142: {  	_ =	swait.ge [sflag:s15], $0x8000  }
0x143: {  	[sflag:s15] =	ssyncset.done $0x0  }
0x144: {  	[sflag:s15] =	ssyncadd.s32 $0xFFFF8000  }
0x145: {  	v3 =	vld [tilespmem:$0x2A0];
	_ =	sdelay $0x4  }
0x146: {  	[tilespmem:$0x380] =	vst v3  }
0x147: {  	v3 =	vld [tilespmem:$0x380];
	_ =	sdelay $0x4  }
0x148: {  	v4 =	vshll.u32 v3, $0x3  }
0x149: {  	v3 =	vand.u32 $0x7, v3;
	v4 =	vand.u32 $0xFFFFFFC0, v4  }
0x14a: {  	v5 =	vld [tilespmem:$0x320];
	v3 =	vor.u32 v3, v4  }
0x14b: {  	v60 =	vld [tilespmem:$0x2B0];
	v6 =	vperm.xlane v3, v0  }
0x14c: {  	v7 =	vld [tilespmem:$0x330]  }
0x14d: {  	v6 =	vadd.s32 v1, v6;
	_ =	sdelay $0x1  }
0x14e: {  	[tilespmem:$0x400] =	vst v5  }
0x14f: {  	[tilespmem:$0x390] =	vst v60  }
0x150: {  	[tilespmem:$0x410] =	vst v7  }
0x151: {  	[tilespmem:s20], [sflag:$0x1] =	stream.indirect_vreg.gather [hbm4b:s3+s1], $0x80, v6, vm0, $0xb8;
	[tilespmem:$0x10480] =	vst v63  }
0x152: {  	s5 =	simm.s32 $0xC80;
	v3 =	vperm.xlane v3, v2  }
0x153: {  	[tilespmem:s5], [sflag:$0x1] =	stream.indirect_vreg.gather [hbm4b:s9+s1], $0x80, v6, vm0, $0xb8;
	[tilespmem:$0x10480] =	vst v63  }
0x154: {  	s17 =	simm.s32 $0x1480;
	v3 =	vadd.s32 v1, v3  }
0x155: {  	[tilespmem:s17], [sflag:$0x1] =	stream.indirect_vreg.gather [hbm4b:s10+s1], $0x80, v6, vm0, $0xb8;
	[tilespmem:$0x10480] =	vst v63  }
0x156: {  	s18 =	simm.s32 $0x1C80  }
0x157: {  	[tilespmem:s18], [sflag:$0x1] =	stream.indirect_vreg.gather [hbm4b:s12+s1], $0x80, v6, vm0, $0xb8;
	[tilespmem:$0x10480] =	vst v63  }
0x158: {  	s6 =	simm.s32 $0x2480  }
0x159: {  	[tilespmem:s6], [sflag:$0x1] =	stream.indirect_vreg.gather [hbm4b:s3+s1], $0x80, v3, vm0, $0xb8;
	[tilespmem:$0x10480] =	vst v63  }
0x15a: {  	s7 =	simm.s32 $0x2C80  }
0x15b: {  	[tilespmem:s7], [sflag:$0x1] =	stream.indirect_vreg.gather [hbm4b:s9+s1], $0x80, v3, vm0, $0xb8;
	[tilespmem:$0x10480] =	vst v63  }
0x15c: {  	s16 =	simm.s32 $0x3480  }
0x15d: {  	[tilespmem:s16], [sflag:$0x1] =	stream.indirect_vreg.gather [hbm4b:s10+s1], $0x80, v3, vm0, $0xb8;
	[tilespmem:$0x10480] =	vst v63  }
0x15e: {  	s17 =	simm.s32 $0x3C80  }
0x15f: {  	[tilespmem:s17], [sflag:$0x1] =	stream.indirect_vreg.gather [hbm4b:s12+s1], $0x80, v3, vm0, $0xb8;
	[tilespmem:$0x10480] =	vst v63  }
0x160: {  	v3 =	vld [tilespmem:$0x390];
	_ =	sdelay $0x4  }
0x161: {  	v61 =	vshll.u32 v3, $0x3  }
0x162: {  	v3 =	vand.u32 $0x7, v3;
	v4 =	vand.u32 $0xFFFFFFC0, v61  }
0x163: {  	v3 =	vor.u32 v3, v4  }
0x164: {  	v4 =	vperm.xlane v3, v0;
	_ =	sdelay $0x1  }
0x165: {  	v4 =	vadd.s32 v1, v4;
	_ =	sdelay $0x3  }
0x166: {  	s18 =	simm.s32 $0x4480  }
0x167: {  	[tilespmem:s18], [sflag:$0x1] =	stream.indirect_vreg.gather [hbm4b:s3+s1], $0x80, v4, vm0, $0xb8;
	[tilespmem:$0x10480] =	vst v63  }
0x168: {  	s6 =	simm.s32 $0x4C80;
	v3 =	vperm.xlane v3, v2  }
0x169: {  	[tilespmem:s6], [sflag:$0x1] =	stream.indirect_vreg.gather [hbm4b:s9+s1], $0x80, v4, vm0, $0xb8;
	[tilespmem:$0x10480] =	vst v63  }
0x16a: {  	s7 =	simm.s32 $0x5480;
	v3 =	vadd.s32 v1, v3  }
0x16b: {  	[tilespmem:s7], [sflag:$0x1] =	stream.indirect_vreg.gather [hbm4b:s10+s1], $0x80, v4, vm0, $0xb8;
	[tilespmem:$0x10480] =	vst v63  }
0x16c: {  	s16 =	simm.s32 $0x5C80  }
0x16d: {  	[tilespmem:s16], [sflag:$0x1] =	stream.indirect_vreg.gather [hbm4b:s12+s1], $0x80, v4, vm0, $0xb8;
	[tilespmem:$0x10480] =	vst v63  }
0x16e: {  	s17 =	simm.s32 $0x6480  }
0x16f: {  	[tilespmem:s17], [sflag:$0x1] =	stream.indirect_vreg.gather [hbm4b:s3+s1], $0x80, v3, vm0, $0xb8;
	[tilespmem:$0x10480] =	vst v63  }
0x170: {  	s18 =	simm.s32 $0x6C80  }
0x171: {  	[tilespmem:s18], [sflag:$0x1] =	stream.indirect_vreg.gather [hbm4b:s9+s1], $0x80, v3, vm0, $0xb8;
	[tilespmem:$0x10480] =	vst v63  }
0x172: {  	s6 =	simm.s32 $0x7480  }
0x173: {  	[tilespmem:s6], [sflag:$0x1] =	stream.indirect_vreg.gather [hbm4b:s10+s1], $0x80, v3, vm0, $0xb8;
	[tilespmem:$0x10480] =	vst v63  }
0x174: {  	s7 =	simm.s32 $0x7C80  }
0x175: {  	[tilespmem:s7], [sflag:$0x1] =	stream.indirect_vreg.gather [hbm4b:s12+s1], $0x80, v3, vm0, $0xb8;
	[tilespmem:$0x10480] =	vst v63  }
0x176: {  	_ =	swait.ge [sflag:s4], $0x8000  }
0x177: {  	[sflag:s4] =	ssyncset.done $0x0  }
0x178: {  	[sflag:s4] =	ssyncadd.s32 $0xFFFF8000  }
0x179: {  	v3 =	vld [tilespmem:$0x400];
	_ =	sdelay $0x4  }
0x17a: {  	v62 =	vshll.u32 v3, $0x3  }
0x17b: {  	v3 =	vand.u32 $0x7, v3;
	v4 =	vand.u32 $0xFFFFFFC0, v62  }
0x17c: {  	v3 =	vor.u32 v3, v4  }
0x17d: {  	v4 =	vperm.xlane v3, v0;
	_ =	sdelay $0x1  }
0x17e: {  	v4 =	vadd.s32 v1, v4;
	_ =	sdelay $0x3  }
0x17f: {  	s16 =	simm.s32 $0x8480  }
0x180: {  	[tilespmem:s16], [sflag:$0x1] =	stream.indirect_vreg.gather [hbm4b:s3+s1], $0x80, v4, vm0, $0xb8;
	[tilespmem:$0x10480] =	vst v63  }
0x181: {  	s17 =	simm.s32 $0x8C80;
	v3 =	vperm.xlane v3, v2  }
0x182: {  	[tilespmem:s17], [sflag:$0x1] =	stream.indirect_vreg.gather [hbm4b:s9+s1], $0x80, v4, vm0, $0xb8;
	[tilespmem:$0x10480] =	vst v63  }
0x183: {  	s18 =	simm.s32 $0x9480;
	v3 =	vadd.s32 v1, v3  }
0x184: {  	[tilespmem:s18], [sflag:$0x1] =	stream.indirect_vreg.gather [hbm4b:s10+s1], $0x80, v4, vm0, $0xb8;
	[tilespmem:$0x10480] =	vst v63  }
0x185: {  	_ = 	snop  }
0x186: {  	[tilespmem:s8], [sflag:$0x1] =	stream.indirect_vreg.gather [hbm4b:s12+s1], $0x80, v4, vm0, $0xb8;
	[tilespmem:$0x10480] =	vst v63  }
0x187: {  	_ = 	snop  }
0x188: {  	[tilespmem:s21], [sflag:$0x1] =	stream.indirect_vreg.gather [hbm4b:s3+s1], $0x80, v3, vm0, $0xb8;
	[tilespmem:$0x10480] =	vst v63  }
0x189: {  	_ = 	snop  }
0x18a: {  	[tilespmem:s22], [sflag:$0x1] =	stream.indirect_vreg.gather [hbm4b:s9+s1], $0x80, v3, vm0, $0xb8;
	[tilespmem:$0x10480] =	vst v63  }
0x18b: {  	_ = 	snop  }
0x18c: {  	[tilespmem:s23], [sflag:$0x1] =	stream.indirect_vreg.gather [hbm4b:s10+s1], $0x80, v3, vm0, $0xb8;
	[tilespmem:$0x10480] =	vst v63  }
0x18d: {  	_ = 	snop  }
0x18e: {  	[tilespmem:s24], [sflag:$0x1] =	stream.indirect_vreg.gather [hbm4b:s12+s1], $0x80, v3, vm0, $0xb8;
	[tilespmem:$0x10480] =	vst v63  }
0x18f: {  	v3 =	vld [tilespmem:$0x410];
	_ =	sdelay $0x4  }
0x190: {  	v63 =	vshll.u32 v3, $0x3  }
0x191: {  	v3 =	vand.u32 $0x7, v3;
	v4 =	vand.u32 $0xFFFFFFC0, v63  }
0x192: {  	v3 =	vor.u32 v3, v4  }
0x193: {  	v4 =	vperm.xlane v3, v0;
	_ =	sdelay $0x1  }
0x194: {  	v4 =	vadd.s32 v1, v4;
	_ =	sdelay $0x4  }
0x195: {  	[tilespmem:s25], [sflag:$0x1] =	stream.indirect_vreg.gather [hbm4b:s3+s1], $0x80, v4, vm0, $0xb8;
	[tilespmem:$0x10480] =	vst v63  }
0x196: {  	v3 =	vperm.xlane v3, v2  }
0x197: {  	[tilespmem:s26], [sflag:$0x1] =	stream.indirect_vreg.gather [hbm4b:s9+s1], $0x80, v4, vm0, $0xb8;
	[tilespmem:$0x10480] =	vst v63  }
0x198: {  	v3 =	vadd.s32 v1, v3  }
0x199: {  	[tilespmem:s13], [sflag:$0x1] =	stream.indirect_vreg.gather [hbm4b:s10+s1], $0x80, v4, vm0, $0xb8;
	[tilespmem:$0x10480] =	vst v63  }
0x19a: {  	_ = 	snop  }
0x19b: {  	[tilespmem:s28], [sflag:$0x1] =	stream.indirect_vreg.gather [hbm4b:s12+s1], $0x80, v4, vm0, $0xb8;
	[tilespmem:$0x10480] =	vst v63  }
0x19c: {  	_ = 	snop  }
0x19d: {  	[tilespmem:s14], [sflag:$0x1] =	stream.indirect_vreg.gather [hbm4b:s3+s1], $0x80, v3, vm0, $0xb8;
	[tilespmem:$0x10480] =	vst v63  }
0x19e: {  	_ = 	snop  }
0x19f: {  	[tilespmem:s29], [sflag:$0x1] =	stream.indirect_vreg.gather [hbm4b:s9+s1], $0x80, v3, vm0, $0xb8;
	[tilespmem:$0x10480] =	vst v63  }
0x1a0: {  	_ = 	snop  }
0x1a1: {  	[tilespmem:s30], [sflag:$0x1] =	stream.indirect_vreg.gather [hbm4b:s10+s1], $0x80, v3, vm0, $0xb8;
	[tilespmem:$0x10480] =	vst v63  }
0x1a2: {  	_ = 	snop  }
0x1a3: {  	[tilespmem:s31], [sflag:$0x1] =	stream.indirect_vreg.gather [hbm4b:s12+s1], $0x80, v3, vm0, $0xb8;
	[tilespmem:$0x10480] =	vst v63  }
0x1a4: {  	_ =	swait.ge [sflag:s4], $0x8000  }
0x1a5: {  	s16 =	simm.s32 $0xFFFF8000;
	[sflag:s4] =	ssyncset.done $0x0  }
0x1a6: {  	s17 =	simm.s32 $0x0;
	s18 =	simm.s32 $0x0;
	[sflag:s4] =	ssyncadd.s32 $0xFFFF8000  }
.LBB2_4:
0x1a7: {  	s5 =	sadd.s32 $0x8000, s16  }
0x1a8: {  	s6 =	sand.u32 $0x380, s18;
	s5 =	sand.u32 $0x6000, s5  }
0x1a9: {  	s5 =	sor.u32 s6, s5  }
0x1aa: {  	v3 =	vld [tilespmem:s5+$0x480]  }
0x1ab: {  	v4 =	vld [tilespmem:s5+$0x8480]  }
0x1ac: {  	v5 =	vld [tilespmem:s5+$0x490]  }
0x1ad: {  	v6 =	vld [tilespmem:s5+$0x8490]  }
0x1ae: {  	v7 =	vld [tilespmem:s5+$0x4A0]  }
0x1af: {  	v8 =	vld [tilespmem:s5+$0x84A0]  }
0x1b0: {  	v9 =	vld [tilespmem:s5+$0x4B0]  }
0x1b1: {  	v10 =	vld [tilespmem:s5+$0x84B0]  }
0x1b2: {  	v11 =	vld [tilespmem:s5+$0x4C0]  }
0x1b3: {  	v12 =	vld [tilespmem:s5+$0x84C0]  }
0x1b4: {  	v13 =	vld [tilespmem:s5+$0x4D0]  }
0x1b5: {  	v14 =	vld [tilespmem:s5+$0x84D0]  }
0x1b6: {  	v15 =	vld [tilespmem:s5+$0x4E0]  }
0x1b7: {  	v16 =	vld [tilespmem:s5+$0x84E0]  }
0x1b8: {  	v17 =	vld [tilespmem:s5+$0x4F0]  }
0x1b9: {  	v18 =	vld [tilespmem:s5+$0x84F0]  }
0x1ba: {  	v19 =	vld [tilespmem:s5+$0x880]  }
0x1bb: {  	v20 =	vld [tilespmem:s5+$0x8880]  }
0x1bc: {  	v21 =	vld [tilespmem:s5+$0x890]  }
0x1bd: {  	v22 =	vld [tilespmem:s5+$0x8890]  }
0x1be: {  	v23 =	vld [tilespmem:s5+$0x8A0]  }
0x1bf: {  	v24 =	vld [tilespmem:s5+$0x88A0]  }
0x1c0: {  	v25 =	vld [tilespmem:s5+$0x8B0]  }
0x1c1: {  	v26 =	vld [tilespmem:s5+$0x88B0]  }
0x1c2: {  	v27 =	vld [tilespmem:s5+$0x8C0]  }
0x1c3: {  	v28 =	vld [tilespmem:s5+$0x88C0]  }
0x1c4: {  	v29 =	vld [tilespmem:s5+$0x8D0]  }
0x1c5: {  	v30 =	vld [tilespmem:s5+$0x88D0]  }
0x1c6: {  	v31 =	vld [tilespmem:s5+$0x8E0]  }
0x1c7: {  	v32 =	vld [tilespmem:s5+$0x88E0]  }
0x1c8: {  	v33 =	vld [tilespmem:s5+$0x8F0]  }
0x1c9: {  	v34 =	vld [tilespmem:s5+$0x88F0]  }
0x1ca: {  	v35 =	vld [tilespmem:s5+$0xC80]  }
0x1cb: {  	v36 =	vld [tilespmem:s5+$0x8C80]  }
0x1cc: {  	v37 =	vld [tilespmem:s5+$0xC90]  }
0x1cd: {  	v38 =	vld [tilespmem:s5+$0x8C90]  }
0x1ce: {  	v39 =	vld [tilespmem:s5+$0xCA0]  }
0x1cf: {  	v40 =	vld [tilespmem:s5+$0x8CA0]  }
0x1d0: {  	v41 =	vld [tilespmem:s5+$0xCB0]  }
0x1d1: {  	v42 =	vld [tilespmem:s5+$0x8CB0]  }
0x1d2: {  	v43 =	vld [tilespmem:s5+$0xCC0]  }
0x1d3: {  	v44 =	vld [tilespmem:s5+$0x8CC0]  }
0x1d4: {  	v45 =	vld [tilespmem:s5+$0xCD0]  }
0x1d5: {  	v46 =	vld [tilespmem:s5+$0x8CD0]  }
0x1d6: {  	v47 =	vld [tilespmem:s5+$0xCE0]  }
0x1d7: {  	v48 =	vld [tilespmem:s5+$0x8CE0]  }
0x1d8: {  	v49 =	vld [tilespmem:s5+$0xCF0]  }
0x1d9: {  	v50 =	vld [tilespmem:s5+$0x8CF0]  }
0x1da: {  	v51 =	vld [tilespmem:s5+$0x1080]  }
0x1db: {  	v52 =	vld [tilespmem:s5+$0x9080]  }
0x1dc: {  	v53 =	vld [tilespmem:s5+$0x1090]  }
0x1dd: {  	v54 =	vld [tilespmem:s5+$0x9090]  }
0x1de: {  	v55 =	vld [tilespmem:s5+$0x10A0]  }
0x1df: {  	v56 =	vld [tilespmem:s5+$0x90A0]  }
0x1e0: {  	v57 =	vld [tilespmem:s5+$0x10B0]  }
0x1e1: {  	v58 =	vld [tilespmem:s5+$0x90B0]  }
0x1e2: {  	v59 =	vld [tilespmem:s5+$0x10C0]  }
0x1e3: {  	v60 =	vld [tilespmem:s5+$0x90C0]  }
0x1e4: {  	v61 =	vld [tilespmem:s5+$0x10D0]  }
0x1e5: {  	v62 =	vld [tilespmem:s5+$0x90D0]  }
0x1e6: {  	v63 =	vld [tilespmem:s5+$0x10E0]  }
0x1e7: {  	v3 =	vadd.f32 v4, v3;
	v4 =	vld [tilespmem:s5+$0x90E0]  }
0x1e8: {  	v5 =	vadd.f32 v6, v5;
	v6 =	vld [tilespmem:s5+$0x10F0]  }
0x1e9: {  	v14 =	vadd.f32 v14, v13;
	v13 =	vld [tilespmem:s5+$0x94A0];
	[tilespmem:s5+$0x480] =	vst v3;
	v3 =	vadd.f32 v8, v7  }
0x1ea: {  	v18 =	vadd.f32 v18, v17;
	v17 =	vld [tilespmem:s5+$0x94C0];
	[tilespmem:s5+$0x490] =	vst v5  }
0x1eb: {  	v22 =	vadd.f32 v22, v21;
	v21 =	vld [tilespmem:s5+$0x94E0];
	[tilespmem:s5+$0x4A0] =	vst v3;
	v3 =	vadd.f32 v12, v11  }
0x1ec: {  	v7 =	vld [tilespmem:s5+$0x90F0];
	[tilespmem:s5+$0x4D0] =	vst v14  }
0x1ed: {  	v8 =	vld [tilespmem:s5+$0x1480];
	[tilespmem:s5+$0x4C0] =	vst v3;
	v3 =	vadd.f32 v16, v15  }
0x1ee: {  	v5 =	vadd.f32 v10, v9;
	v9 =	vld [tilespmem:s5+$0x9480];
	[tilespmem:s5+$0x4F0] =	vst v18  }
0x1ef: {  	v10 =	vld [tilespmem:s5+$0x1490];
	[tilespmem:s5+$0x4E0] =	vst v3;
	v3 =	vadd.f32 v20, v19  }
0x1f0: {  	v26 =	vadd.f32 v26, v25;
	v14 =	vld [tilespmem:s5+$0x14B0];
	[tilespmem:s5+$0x890] =	vst v22  }
0x1f1: {  	v18 =	vld [tilespmem:s5+$0x14D0];
	[tilespmem:s5+$0x880] =	vst v3;
	v3 =	vadd.f32 v24, v23  }
0x1f2: {  	v30 =	vadd.f32 v30, v29;
	[tilespmem:s5+$0x8B0] =	vst v26;
	v22 =	vld [tilespmem:s5+$0x14F0]  }
0x1f3: {  	v19 =	vld [tilespmem:s5+$0x94D0];
	[tilespmem:s5+$0x8A0] =	vst v3;
	v3 =	vadd.f32 v28, v27  }
0x1f4: {  	v34 =	vadd.f32 v34, v33;
	[tilespmem:s5+$0x8D0] =	vst v30;
	v11 =	vld [tilespmem:s5+$0x9490]  }
0x1f5: {  	v12 =	vld [tilespmem:s5+$0x14A0];
	[tilespmem:s5+$0x8C0] =	vst v3;
	v3 =	vadd.f32 v32, v31  }
0x1f6: {  	[tilespmem:s5+$0x8F0] =	vst v34;
	v15 =	vld [tilespmem:s5+$0x94B0]  }
0x1f7: {  	v16 =	vld [tilespmem:s5+$0x14C0];
	[tilespmem:s5+$0x8E0] =	vst v3;
	v3 =	vadd.f32 v36, v35  }
0x1f8: {  	[tilespmem:s5+$0x4B0] =	vst v5;
	v20 =	vld [tilespmem:s5+$0x14E0];
	v19 =	vadd.f32 v19, v18  }
0x1f9: {  	v24 =	vld [tilespmem:s5+$0x1880];
	[tilespmem:s5+$0xC80] =	vst v3;
	v3 =	vadd.f32 v40, v39  }
0x1fa: {  	[tilespmem:s5+$0x14D0] =	vst v19;
	v36 =	vadd.f32 v38, v37;
	v37 =	vld [tilespmem:s5+$0x94F0]  }
0x1fb: {  	v38 =	vadd.f32 v42, v41;
	v41 =	vld [tilespmem:s5+$0x1890];
	[tilespmem:s5+$0xCA0] =	vst v3;
	v3 =	vadd.f32 v44, v43  }
0x1fc: {  	v42 =	vld [tilespmem:s5+$0x9890];
	[tilespmem:s5+$0xC90] =	vst v36  }
0x1fd: {  	v35 =	vld [tilespmem:s5+$0x1C90];
	[tilespmem:s5+$0xCC0] =	vst v3;
	v3 =	vadd.f32 v48, v47  }
0x1fe: {  	v39 =	vld [tilespmem:s5+$0x9880];
	[tilespmem:s5+$0xCB0] =	vst v38;
	v40 =	vadd.f32 v46, v45  }
0x1ff: {  	v45 =	vld [tilespmem:s5+$0x98A0];
	[tilespmem:s5+$0xCE0] =	vst v3;
	v3 =	vadd.f32 v52, v51  }
0x200: {  	v46 =	vadd.f32 v54, v53;
	v53 =	vld [tilespmem:s5+$0x18D0];
	[tilespmem:s5+$0xCD0] =	vst v40  }
0x201: {  	v54 =	vld [tilespmem:s5+$0x98D0];
	[tilespmem:s5+$0x1080] =	vst v3;
	v3 =	vadd.f32 v56, v55  }
0x202: {  	v36 =	vld [tilespmem:s5+$0x9C90];
	v43 =	vadd.f32 v50, v49;
	[tilespmem:s5+$0x1090] =	vst v46  }
0x203: {  	v38 =	vld [tilespmem:s5+$0x1CA0];
	[tilespmem:s5+$0x10A0] =	vst v3;
	v3 =	vadd.f32 v60, v59  }
0x204: {  	v44 =	vld [tilespmem:s5+$0x18A0];
	v49 =	vadd.f32 v58, v57;
	[tilespmem:s5+$0xCF0] =	vst v43  }
0x205: {  	v50 =	vld [tilespmem:s5+$0x18C0];
	[tilespmem:s5+$0x10C0] =	vst v3;
	v3 =	vadd.f32 v4, v63  }
0x206: {  	v57 =	vld [tilespmem:s5+$0x98E0];
	v58 =	vadd.f32 v11, v10;
	[tilespmem:s5+$0x10B0] =	vst v49  }
0x207: {  	v46 =	vld [tilespmem:s5+$0x9CD0];
	[tilespmem:s5+$0x10E0] =	vst v3;
	v3 =	vadd.f32 v9, v8  }
0x208: {  	v37 =	vadd.f32 v37, v22;
	v40 =	vadd.f32 v42, v41;
	v41 =	vld [tilespmem:s5+$0x1CB0];
	[tilespmem:s5+$0x1490] =	vst v58  }
0x209: {  	v42 =	vld [tilespmem:s5+$0x9CB0];
	[tilespmem:s5+$0x1480] =	vst v3;
	v3 =	vadd.f32 v13, v12  }
0x20a: {  	v47 =	vld [tilespmem:s5+$0x18B0];
	[tilespmem:s5+$0x14F0] =	vst v37  }
0x20b: {  	v48 =	vld [tilespmem:s5+$0x98B0];
	[tilespmem:s5+$0x14A0] =	vst v3;
	v3 =	vadd.f32 v17, v16  }
0x20c: {  	v49 =	vld [tilespmem:s5+$0x9CE0];
	[tilespmem:s5+$0x1890] =	vst v40;
	v52 =	vadd.f32 v62, v61  }
0x20d: {  	v51 =	vld [tilespmem:s5+$0x98C0];
	[tilespmem:s5+$0x14C0] =	vst v3;
	v3 =	vadd.f32 v21, v20  }
0x20e: {  	v61 =	vadd.f32 v15, v14;
	v62 =	vld [tilespmem:s5+$0x1C80];
	[tilespmem:s5+$0x10D0] =	vst v52  }
0x20f: {  	v56 =	vld [tilespmem:s5+$0x18E0];
	[tilespmem:s5+$0x14E0] =	vst v3;
	v3 =	vadd.f32 v39, v24  }
0x210: {  	v55 =	vadd.f32 v7, v6;
	[tilespmem:s5+$0x14B0] =	vst v61;
	v52 =	vld [tilespmem:s5+$0x9CF0]  }
0x211: {  	v43 =	vadd.f32 v48, v47;
	v47 =	vld [tilespmem:s5+$0x1CE0];
	[tilespmem:s5+$0x1880] =	vst v3;
	v3 =	vadd.f32 v45, v44  }
0x212: {  	[tilespmem:s5+$0x10F0] =	vst v55;
	v63 =	vld [tilespmem:s5+$0x9C80]  }
0x213: {  	v59 =	vld [tilespmem:s5+$0x18F0];
	[tilespmem:s5+$0x18A0] =	vst v3;
	v3 =	vadd.f32 v51, v50  }
0x214: {  	[tilespmem:s5+$0x18B0] =	vst v43;
	v4 =	vadd.f32 v54, v53;
	v39 =	vld [tilespmem:s5+$0x9CA0]  }
0x215: {  	v60 =	vld [tilespmem:s5+$0x98F0];
	[tilespmem:s5+$0x18C0] =	vst v3;
	v3 =	vadd.f32 v57, v56  }
0x216: {  	v54 =	vadd.f32 v42, v41;
	[tilespmem:s5+$0x18D0] =	vst v4;
	v45 =	vld [tilespmem:s5+$0x1CD0]  }
0x217: {  	v53 =	vld [tilespmem:s5+$0x9CC0];
	[tilespmem:s5+$0x18E0] =	vst v3;
	v3 =	vadd.f32 v63, v62  }
0x218: {  	[tilespmem:s5+$0x1CB0] =	vst v54;
	v55 =	vadd.f32 v49, v47;
	v50 =	vld [tilespmem:s5+$0x1CF0]  }
0x219: {  	v44 =	vld [tilespmem:s5+$0x1CC0];
	[tilespmem:s5+$0x1C80] =	vst v3;
	v3 =	vadd.f32 v39, v38  }
0x21a: {  	v48 =	vadd.f32 v60, v59;
	[tilespmem:s5+$0x1CE0] =	vst v55  }
0x21b: {  	[tilespmem:s5+$0x1CA0] =	vst v3;
	v3 =	vadd.f32 v46, v45  }
0x21c: {  	s7 =	sand.u32 $0x7, s1;
	[tilespmem:s5+$0x18F0] =	vst v48;
	v51 =	vadd.f32 v36, v35  }
0x21d: {  	s6 =	sshll.u32 s7, $0x7;
	[tilespmem:s5+$0x1CD0] =	vst v3;
	v3 =	vadd.f32 v52, v50  }
0x21e: {  	s6 =	sadd.s32 s6, s17;
	[tilespmem:s5+$0x1C90] =	vst v51;
	v56 =	vadd.f32 v53, v44  }
0x21f: {  	s7 =	sor.u32 $0x1C00, s6;
	[tilespmem:s5+$0x1CF0] =	vst v3  }
0x220: {  	[tilespmem:s5+$0x1CC0] =	vst v56;
	v3 =	vld [tilespmem:s7+$0x480]  }
0x221: {  	v4 =	vld [tilespmem:s7+$0x8480];
	_ =	sdelay $0x4  }
0x222: {  	v3 =	vadd.f32 v4, v3;
	_ =	sdelay $0x1  }
0x223: {  	[tilespmem:s7+$0x480] =	vst v3;
	s7 =	sor.u32 $0x1C10, s6  }
0x224: {  	v3 =	vld [tilespmem:s7+$0x480]  }
0x225: {  	v57 =	vld [tilespmem:s7+$0x8480];
	_ =	sdelay $0x4  }
0x226: {  	v3 =	vadd.f32 v57, v3;
	_ =	sdelay $0x1  }
0x227: {  	[tilespmem:s7+$0x480] =	vst v3;
	s7 =	sor.u32 $0x1C20, s6  }
0x228: {  	v3 =	vld [tilespmem:s7+$0x480]  }
0x229: {  	v58 =	vld [tilespmem:s7+$0x8480];
	_ =	sdelay $0x4  }
0x22a: {  	v3 =	vadd.f32 v58, v3;
	_ =	sdelay $0x1  }
0x22b: {  	[tilespmem:s7+$0x480] =	vst v3;
	s7 =	sor.u32 $0x1C30, s6  }
0x22c: {  	v3 =	vld [tilespmem:s7+$0x480]  }
0x22d: {  	v59 =	vld [tilespmem:s7+$0x8480];
	_ =	sdelay $0x4  }
0x22e: {  	v3 =	vadd.f32 v59, v3;
	_ =	sdelay $0x1  }
0x22f: {  	[tilespmem:s7+$0x480] =	vst v3;
	s7 =	sor.u32 $0x1C40, s6  }
0x230: {  	v3 =	vld [tilespmem:s7+$0x480]  }
0x231: {  	v60 =	vld [tilespmem:s7+$0x8480];
	_ =	sdelay $0x4  }
0x232: {  	v3 =	vadd.f32 v60, v3;
	_ =	sdelay $0x1  }
0x233: {  	[tilespmem:s7+$0x480] =	vst v3;
	s7 =	sor.u32 $0x1C50, s6  }
0x234: {  	v3 =	vld [tilespmem:s7+$0x480]  }
0x235: {  	v61 =	vld [tilespmem:s7+$0x8480];
	_ =	sdelay $0x4  }
0x236: {  	v3 =	vadd.f32 v61, v3;
	_ =	sdelay $0x1  }
0x237: {  	[tilespmem:s7+$0x480] =	vst v3;
	s7 =	sor.u32 $0x1C60, s6  }
0x238: {  	v3 =	vld [tilespmem:s7+$0x480]  }
0x239: {  	v62 =	vld [tilespmem:s7+$0x8480];
	_ =	sdelay $0x4  }
0x23a: {  	v3 =	vadd.f32 v62, v3;
	_ =	sdelay $0x1  }
0x23b: {  	[tilespmem:s7+$0x480] =	vst v3;
	s7 =	sor.u32 $0x1C70, s6  }
0x23c: {  	v3 =	vld [tilespmem:s7+$0x480]  }
0x23d: {  	v63 =	vld [tilespmem:s7+$0x8480];
	_ =	sdelay $0x1  }
0x23e: {  	p0 =	sne.s32 s18, $0xF80  }
.Ltmp1:
0x23f: {  	_ = 	snop;
	(pc) =	sbr.rel @p0 .LBB2_4-.Ltmp1, $4  }
0x240: {  	_ = 	snop  }
0x241: {  	v3 =	vadd.f32 v63, v3  }
0x242: {  	s1 =	sadd.s32 $0x1, s1  }
0x243: {  	s16 =	sadd.s32 $0x400, s16;
	s18 =	sadd.s32 $0x80, s18;
	s17 =	sadd.s32 $0x400, s17;
	[tilespmem:s7+$0x480] =	vst v3  }
0x244: {  	s1 =	rddreg [dreg:$0x8]  }
0x245: {  	[hbm4b:s1+s2] =	stream.linear.scatter [tilespmem:s20], [sflag:$0x2], $0x8000, $0x38;
	[tilespmem:$0x10480] =	vst v63  }
0x246: {  	_ =	swait.ge [sflag:s15], $0x8000  }
0x247: {  	s0 =	sadd.s32 $0x1, s0;
	s18 =	rddreg [dreg:$0x9]  }
0x248: {  	p0 =	sne.s32 s0, s18  }
.Ltmp2:
0x249: {  	_ = 	snop;
	(pc) =	sbr.rel @p0 .LBB2_1-.Ltmp2, $3  }
0x24a: {  	_ =	sdelay $0x1  }
0x24b: {  	[sflag:s15] =	ssyncset.done $0x0  }
0x24c: {  	[sflag:s15] =	ssyncadd.s32 $0xFFFF8000  }
0x24d: {  	_ =	sfence.sel $0x180000  }
0x24e: {  	[bflag:$0x0] =	sbarrier.arrive $0xFFFF  }
0x24f: {  	_ =	strace $0x9000004A  }
0x250: {  	s0 =	stileid.u32;
	[bflag:$0x2] =	sbarrier.arrive $0xFFFF  }
0x251: {  	p0 =	sne.s32 s0, $0x0;
	s0 =	rddreg [dreg:$0x2]  }
0x252: {  	s0 =	sadd.s32 @!p0 $0x100000, s0  }
0x253: {  	[sflag:s0] =	ssyncadd.tile.s32 @!p0 $0x1;
	_ =	shalt  }
.Lfunc_end2:
_tile_overlayer_lowered:
.L_overlay_start_2:
0x254: {  	(tag) =	ssettag $0x2  }
0x255: {  	s0 =	rddreg [dreg:$0x0];
	s2 =	stileid.u32  }
0x256: {  	s1 =	rddreg [dreg:$0x1];
	p0 =	sne.s32 s2, $0x0  }
0x257: {  	s3 =	rddreg [dreg:$0x2];
	[bflag:$0x3] =	sbarrier.arrive $0xFFFF;
	s2 =	simm.s32 @!p0 $0x1C02  }
0x258: {  	[timem:s3], [sflag:s2] =	dma.local @!p0 [hbm:s0], s1  }
0x259: {  	s0 =	simm.s32 @!p0 $0x2  }
0x25a: {  	_ =	swait.ge @!p0 [sflag:s0], s1  }
0x25b: {  	s1 =	ssub.s32 @!p0 $0x0, s1;
	[sflag:s0] =	ssyncset.done @!p0 $0x0  }
0x25c: {  	[sflag:s0] =	ssyncadd.s32 @!p0 s1  }
0x25d: {  	[bflag:$0x3] =	sbarrier.arrive $0xFFFF  }
0x25e: {  	_ =	shalt  }

// kernel: kernel.7.cloned.1.call-start
scs
__scs_entry_jumppad:
0x0: {  	(pc) =	sbr.rel $0x88, $3  }
0x1: {  	(tag) =	ssettag $0x0;
	lr =	simm.s32 $0x1  }
0x2: {  	[smem:$0x3F94] =	sst lr;
	_ =	strace $0xD0000000  }
0x3: {  	_ = 	snop  }
0x4: {  	_ = 	snop  }
0x5: {  	_ = 	snop  }
0x6: {  	_ = 	snop  }
0x7: {  	_ = 	snop  }
__scs_overlays_trampoline_lowered:
0x8: {  	[smem:$0x3FA3] =	sst s0  }
0x9: {  	[smem:$0x3FA4] =	sst s1  }
0xa: {  	[smem:$0x3FA5] =	sst s2  }
0xb: {  	[smem:$0x3FA6] =	sst s3  }
0xc: {  	[smem:$0x3FA7] =	sst s4  }
0xd: {  	[smem:$0x3FA8] =	sst s5  }
0xe: {  	[smem:$0x3FA9] =	sst s6  }
0xf: {  	[smem:$0x3FAA] =	sst s7  }
0x10: {  	[smem:$0x3FAB] =	sst s8  }
0x11: {  	[smem:$0x3FAC] =	sst s9;
	s0 =	simm.s32 @!p0 $0x0  }
0x12: {  	s1 =	sld [smem:$0x3F92];
	s0 =	simm.s32 @p0 $0x1  }
0x13: {  	[smem:$0x3FAD] =	sst s0;
	s0 =	simm.s32 @!p1 $0x0  }
0x14: {  	s2 =	sld [smem:$0x3F91];
	s0 =	simm.s32 @p1 $0x1  }
0x15: {  	[smem:$0x3FAE] =	sst s0;
	s0 =	simm.s32 @!p2 $0x0  }
0x16: {  	s3 =	sld [smem:$0x3FDB];
	s0 =	simm.s32 @p2 $0x1  }
0x17: {  	s4 =	simm.s32 $0x1BF5;
	[smem:$0x3FB0] =	sst s0  }
0x18: {  	s0 =	sld [smem:$0x3F93];
	_ =	swait.ge [sflag:s4], $0x0  }
0x19: {  	s7 =	sld [smem:$0x3F94]  }
0x1a: {  	s8 =	sadd.s32 $0xFFFFE003, lr  }
0x1b: {  	s9 =	sadd.s32 $0xFFFFFEF7, lr;
	s5 =	simm.s32 $0xFFFFFFFF;
	p2 =	slt.u32 s8, $0xFFFFF086  }
0x1c: {  	p1 =	slt.u32 s9, $0xF7A;
	s5 =	simm.s32 @!p2 $0x0  }
0x1d: {  	s5 =	simm.s32 @p1 $0x1;
	p0 =	seq.s32 s7, s2  }
0x1e: {  	s7 =	smul.u32 @!p0 $0xF7A, s2;
	p2 =	seq.s32 @!p0 s5, $0x0  }
0x1f: {  	s9 =	smul.u32 $0xF7A, s1;
	s8 =	simm.s32 @!p0 $0x1BF5;
	p2 =	por !p2, p0  }
0x20: {  	[sflag:s8] =	ssyncset.s32 @!p0 $0xFFFFF086;
	s6 =	sadd.s32 @!p0 s3, s7;
	s7 =	simm.s32 @!p0 $0x108  }
0x21: {  	s3 =	sadd.s32 s3, s9;
	s6 =	sadd.s32 @!p0 $0x88, s6;
	s7 =	simm.s32 @p2 $0x1082  }
0x22: {  	[simem:s7], [sflag:s8] =	dma.local @!p0 [hbm:s6], $0xF7A  }
0x23: {  	s9 =	sor.u32 $0xD0000000, s2;
	s6 =	simm.s32 $0x108;
	_ =	swait.ge @!p0 [sflag:s8], $0x0  }
0x24: {  	s3 =	sadd.s32 $0x88, s3;
	s6 =	simm.s32 @!p1 $0x1082;
	[sflag:s4] =	ssyncset.s32 $0xFFFFF086  }
0x25: {  	[simem:s6], [sflag:s4] =	dma.local [hbm:s3], $0xF7A  }
0x26: {  	[smem:$0x3F94] =	sst s1;
	(tag) =	ssettag s2;
	_ =	strace s9  }
0x27: {  	s1 =	sld [smem:$0x3FA4]  }
0x28: {  	s2 =	sld [smem:$0x3FA5]  }
0x29: {  	s4 =	sld [smem:$0x3FA7]  }
0x2a: {  	p0 =	seq.s32 s5, $0x0;
	s5 =	sld [smem:$0x3FA8]  }
0x2b: {  	s6 =	sld [smem:$0x3FA9]  }
0x2c: {  	s7 =	sld [smem:$0x3FAA]  }
0x2d: {  	s3 =	simm.s32 $0x108;
	s8 =	sld [smem:$0x3FAB]  }
0x2e: {  	s3 =	simm.s32 @!p0 $0x1082;
	s9 =	sld [smem:$0x3FAC]  }
0x2f: {  	lr =	sadd.s32 s0, s3;
	s0 =	sld [smem:$0x3FA3]  }
0x30: {  	s3 =	sld [smem:$0x3FA6]  }
0x31: {  	[smem:$0x3FAF] =	sst s10  }
0x32: {  	s10 =	sld [smem:$0x3FAD];
	_ =	sdelay $0x3  }
0x33: {  	p0 =	seq.s32 s10, $0x1;
	s10 =	sld [smem:$0x3FAF];
	_ =	sdelay $0x3  }
0x34: {  	[smem:$0x3FAF] =	sst s10  }
0x35: {  	s10 =	sld [smem:$0x3FAE];
	_ =	sdelay $0x3  }
0x36: {  	p1 =	seq.s32 s10, $0x1;
	s10 =	sld [smem:$0x3FAF];
	_ =	sdelay $0x3  }
0x37: {  	[smem:$0x3FAF] =	sst s10  }
0x38: {  	s10 =	sld [smem:$0x3FB0]  }
0x39: {  	_ = 	snop;
	(pc) =	sbr.ind lr, $3  }
0x3a: {  	_ = 	snop  }
0x3b: {  	_ = 	snop  }
0x3c: {  	p2 =	seq.s32 s10, $0x1;
	s10 =	sld [smem:$0x3FAF]  }
0x3d: {  	_ =	shalt  }
0x3e: {  	_ =	shalt  }
0x3f: {  	_ =	shalt  }
0x40: {  	_ =	shalt  }
0x41: {  	_ =	shalt  }
0x42: {  	_ =	shalt  }
0x43: {  	_ =	shalt  }
0x44: {  	_ =	shalt  }
0x45: {  	_ =	shalt  }
0x46: {  	_ =	shalt  }
0x47: {  	_ =	shalt  }
0x48: {  	_ =	shalt  }
0x49: {  	_ =	shalt  }
0x4a: {  	_ =	shalt  }
0x4b: {  	_ =	shalt  }
0x4c: {  	_ =	shalt  }
0x4d: {  	_ =	shalt  }
0x4e: {  	_ =	shalt  }
0x4f: {  	_ =	shalt  }
0x50: {  	_ =	shalt  }
0x51: {  	_ =	shalt  }
0x52: {  	_ =	shalt  }
0x53: {  	_ =	shalt  }
0x54: {  	_ =	shalt  }
0x55: {  	_ =	shalt  }
0x56: {  	_ =	shalt  }
0x57: {  	_ =	shalt  }
0x58: {  	_ =	shalt  }
0x59: {  	_ =	shalt  }
0x5a: {  	_ =	shalt  }
0x5b: {  	_ =	shalt  }
0x5c: {  	_ =	shalt  }
0x5d: {  	_ =	shalt  }
0x5e: {  	_ =	shalt  }
0x5f: {  	_ =	shalt  }
0x60: {  	_ =	shalt  }
0x61: {  	_ =	shalt  }
0x62: {  	_ =	shalt  }
0x63: {  	_ =	shalt  }
0x64: {  	_ =	shalt  }
0x65: {  	_ =	shalt  }
0x66: {  	_ =	shalt  }
0x67: {  	_ =	shalt  }
0x68: {  	_ =	shalt  }
0x69: {  	_ =	shalt  }
0x6a: {  	_ =	shalt  }
0x6b: {  	_ =	shalt  }
0x6c: {  	_ =	shalt  }
0x6d: {  	_ =	shalt  }
0x6e: {  	_ =	shalt  }
0x6f: {  	_ =	shalt  }
0x70: {  	_ =	shalt  }
0x71: {  	_ =	shalt  }
0x72: {  	_ =	shalt  }
0x73: {  	_ =	shalt  }
0x74: {  	_ =	shalt  }
0x75: {  	_ =	shalt  }
0x76: {  	_ =	shalt  }
0x77: {  	_ =	shalt  }
0x78: {  	_ =	shalt  }
0x79: {  	_ =	shalt  }
0x7a: {  	_ =	shalt  }
0x7b: {  	_ =	shalt  }
0x7c: {  	_ =	shalt  }
0x7d: {  	_ =	shalt  }
0x7e: {  	_ =	shalt  }
0x7f: {  	_ =	shalt  }
0x80: {  	_ =	shalt  }
0x81: {  	_ =	shalt  }
0x82: {  	_ =	shalt  }
0x83: {  	_ =	shalt  }
0x84: {  	_ =	shalt  }
0x85: {  	_ =	shalt  }
0x86: {  	_ =	shalt  }
0x87: {  	_ =	shalt  }
.Lfunc_end0:
.L_simem_size_0:
called_computation_lowered:
.L_overlay_start_0:
0x88: {  	s2 =	sld [smem:$0x3FD9]  }
0x89: {  	s3 =	sld [smem:$0x3FFE];
	_ =	sdelay $0x1  }
0x8a: {  	s1 =	srdreg.scid  }
0x8b: {  	s0 =	sand.u32 $0x1, s1  }
0x8c: {  	s17 =	sshll.u32 s0, $0xA;
	s2 =	sadd.s32 s3, s2  }
0x8d: {  	s2 =	sadd.s32 s2, s17  }
0x8e: {  	[smem:$0x3FBB] =	sst s2  }
0x8f: {  	_ = 	snop  }
0x90: {  	s2 =	sld [smem:$0x3FC9]  }
0x91: {  	s18 =	sld [smem:$0x3FD0];
	(tm) =	ssettm $0x1  }
0x92: {  	s4 =	sld [smem:$0x3FFB];
	_ =	sdelay $0x3  }
0x93: {  	_ =	strace s4  }
0x94: {  	s4 =	sld [smem:$0x3FFC];
	_ =	sdelay $0x3  }
0x95: {  	_ =	strace s4  }
0x96: {  	s4 =	sld [smem:$0x3FFD];
	_ =	sdelay $0x3  }
0x97: {  	_ =	strace s4  }
0x98: {  	_ =	strace $0x8FFFFFFF  }
0x99: {  	s19 =	sld [smem:$0x3FDB];
	_ =	sdelay $0x1  }
0x9a: {  	s5 =	simm.s32 $_scs_section_size  }
0x9b: {  	s6 =	simm.s32 $_size__tile_overlayer_lowered;
	s7 =	simm.s32 $_tile_overlayer_lowered  }
0x9c: {  	s22 =	simm.s32 $0x1BFF;
	s21 =	sshll.u32 s7, $0x1;
	s4 =	sadd.s32 s5, s19  }
0x9d: {  	s8 =	simm.s32 $0x0;
	s20 =	sshll.u32 s6, $0x1;
	s6 =	sadd.s32 s21, s4  }
0x9e: {  	[timem:s8], [sflag:s22] =	dma.local [hbm:s6], s20  }
0x9f: {  	_ =	swait.ge [sflag:s22], s20  }
0xa0: {  	s5 =	ssub.s32 $0x0, s20;
	[sflag:s22] =	ssyncset.done $0x0  }
0xa1: {  	[sflag:s22] =	ssyncadd.s32 s5;
	_ =	sdelay $0x1  }
0xa2: {  	s23 =	simm.s32 $0x1B8B  }
0xa3: {  	_ =	swait.ge [sflag:s23], $0x1  }
0xa4: {  	[sflag:s23] =	ssyncset.done $0x0  }
0xa5: {  	s25 =	simm.s32 $0x1B8E;
	s24 =	sld [smem:$0x3FFE];
	[sflag:s23] =	ssyncadd.s32 $0xFFFFFFFF  }
0xa6: {  	s26 =	simm.s32 $execute0_lowered;
	[smem:$0x3FD2] =	sst s25  }
0xa7: {  	s6 =	sshll.u32 s26, $0x1;
	_ =	strace $0x80000046;
	[dreg:$0x1] =	wrdreg $0xFFFFFFFF  }
0xa8: {  	s28 =	simm.s32 $_size_execute0_lowered;
	s4 =	sadd.s32 s4, s6;
	[dreg:$0x0] =	wrdreg $0x0  }
0xa9: {  	s6 =	sshll.u32 s28, $0x1;
	[dreg:$0x2] =	wrdreg s4  }
0xaa: {  	[dreg:$0x3] =	wrdreg s6  }
0xab: {  	[dreg:$0x4] =	wrdreg $0xC0  }
0xac: {  	_ =	task [dreg:s8], $0x5FFFF  }
0xad: {  	[dreg:$0x1] =	wrdreg $0xFFFFFFFF  }
0xae: {  	[dreg:$0x0] =	wrdreg $0x60  }
0xaf: {  	[dreg:$0x2] =	wrdreg s2  }
0xb0: {  	[dreg:$0x3] =	wrdreg s24  }
0xb1: {  	[dreg:$0x4] =	wrdreg s18  }
0xb2: {  	[dreg:$0x5] =	wrdreg $0x9  }
0xb3: {  	_ =	task.clear_ibuf [dreg:s8], $0x6FFFF;
	_ =	strace $0x90000046  }
0xb4: {  	s29 =	simm.s32 $0x9;
	_ =	strace $0x80000048  }
0xb5: {  	_ =	swait.ge [sflag:s29], $0x1  }
0xb6: {  	[sflag:s29] =	ssyncadd.s32 $0xFFFFFFFF  }
0xb7: {  	_ =	strace $0x90000048  }
0xb8: {  	_ =	sfence  }
0xb9: {  	s30 =	sld [smem:$0x0];
	_ =	sdelay $0x2  }
0xba: {  	s31 =	sshll.u32 s1, $0xD;
	s1 =	sshrl.u32 s1, $0x2  }
0xbb: {  	s3 =	sand.u32 $0x4000, s31;
	s1 =	sadd.s32 s1, s30  }
0xbc: {  	s0 =	sor.u32 s3, s0;
	s1 =	sshll.u32 s1, $0x11  }
0xbd: {  	s0 =	sor.u32 s1, s0  }
0xbe: {  	s0 =	sadd.s32 $0x8F2B, s0  }
0xbf: {  	[sflag:s0] =	ssyncadd.remote.s32 $0x1  }
0xc0: {  	_ =	sfence.sel $0xFFFF  }
0xc1: {  	[dreg:$0x0] =	wrdreg $0xFFFFFFFF;
	(pc) =	sbr.abs _section_cstart, $3  }
0xc2: {  	[dreg:$0x1] =	wrdreg $0xFFFFFFFF  }
0xc3: {  	_ =	task.clear_ibuf [dreg:s8], $0x2FFFF;
	_ =	strace $0x9FFFFFFF  }
0xc4: {  	(tm) =	ssettm $0x7FFFFFFF  }
0xc5: {  	_ =	shalt  }
tec
execute0_lowered:
.L_overlay_start_1:
0x0: {  	(tag) =	ssettag $0x1  }
0x1: {  	s0 =	srdreg.scid  }
0x2: {  	s1 =	stileid.u32;
	s4 =	rddreg [dreg:$0x1]  }
0x3: {  	s9 =	rddreg [dreg:$0x2];
	s29 =	simm.s32 $0xF;
	s30 =	simm.s32 $0x3000  }
0x4: {  	s31 =	simm.s32 $0x3080;
	s0 =	sand.u32 $0x1, s0;
	s1 =	sshll.u32 s1, $0x1  }
0x5: {  	s10 =	sadd.s32 $0x1A00, s4;
	s2 =	sor.u32 s0, s1;
	s0 =	ssub.s32 $0x2, s0  }
0x6: {  	s1 =	simm.s32 $0x0;
	s11 =	smul.u32 $0xC0, s2;
	s3 =	sshrl.u32 s0, $0x1  }
0x7: {  	[smem:$0x7FF] =	sst s1;
	s14 =	smul.u32 $0x6000, s2;
	s0 =	ssub.s32 s0, s3  }
0x8: {  	s12 =	sor.u32 $0x10, s11;
	s13 =	sor.u32 $0x20, s11;
	s16 =	sor.u32 $0x30, s11  }
0x9: {  	s6 =	sadd.s32 $0x40, s11;
	s7 =	sadd.s32 $0x50, s11;
	s8 =	sadd.s32 $0x60, s11  }
0xa: {  	s2 =	sadd.s32 $0x70, s11;
	s3 =	sadd.s32 $0x80, s11;
	s15 =	sshrl.u32 s11, $0x3  }
0xb: {  	s5 =	sadd.s32 $0x90, s11;
	s23 =	sadd.s32 s10, s14;
	s0 =	smax.u32 s0, $0x1  }
0xc: {  	s9 =	sadd.s32 s9, s15;
	[dreg:$0x5] =	wrdreg s23;
	s24 =	sshll.u32 s12, $0x7  }
0xd: {  	s25 =	sshll.u32 s13, $0x7;
	[dreg:$0x4] =	wrdreg s9;
	s9 =	sadd.s32 s10, s24  }
0xe: {  	s26 =	sshll.u32 s16, $0x7;
	s14 =	sadd.s32 s10, s25;
	[dreg:$0x6] =	wrdreg s9  }
0xf: {  	s19 =	sshll.u32 s7, $0x7;
	s17 =	sadd.s32 s10, s26;
	[dreg:$0x7] =	wrdreg s14  }
0x10: {  	s20 =	sshll.u32 s8, $0x7;
	s21 =	sadd.s32 s10, s19;
	[dreg:$0x8] =	wrdreg s17  }
0x11: {  	s18 =	sshll.u32 s6, $0x7;
	s22 =	sadd.s32 s10, s20;
	[dreg:$0xa] =	wrdreg s21  }
0x12: {  	s24 =	sshll.u32 s3, $0x7;
	s9 =	sadd.s32 s10, s18;
	[dreg:$0xb] =	wrdreg s22  }
0x13: {  	s25 =	sshll.u32 s5, $0x7;
	s26 =	sadd.s32 s10, s24;
	[dreg:$0x9] =	wrdreg s9  }
0x14: {  	s23 =	sshll.u32 s2, $0x7;
	s14 =	sadd.s32 s10, s25;
	[dreg:$0xd] =	wrdreg s26  }
0x15: {  	s17 =	sadd.s32 $0xA0, s11;
	s18 =	sadd.s32 $0xB0, s11;
	[dreg:$0xe] =	wrdreg s14  }
0x16: {  	s9 =	sadd.s32 s10, s23;
	s14 =	rddreg [dreg:$0x0];
	s15 =	sshll.u32 s17, $0x7  }
0x17: {  	v0 =	vlaneseq.u32;
	s19 =	sshll.u32 s18, $0x7;
	[dreg:$0xc] =	wrdreg s9;
	s9 =	sadd.s32 s10, s15  }
0x18: {  	v15 =	vimm.f32 $0.0e+00;
	v5 =	vor.u32 s13, v0;
	s13 =	simm.s32 $0x3280;
	s20 =	sadd.s32 s10, s19;
	[dreg:$0xf] =	wrdreg s9  }
0x19: {  	vm0 =	vmmov $0xffff;
	v17 =	vshrl.u32 v0, $0x3;
	v7 =	vor.u32 s6, v0;
	s6 =	simm.s32 $0x7280;
	s21 =	sadd.s32 $0x1000, s4;
	[dreg:$0x10] =	wrdreg s20  }
0x1a: {  	v16 =	vand.u32 $0x7, v0;
	v18 =	vor.u32 $0x8, v0;
	v17 =	vmul.u32 $0x8, v17;
	s22 =	sadd.s32 $0xE00, s4;
	_ =	strace $0x80000047;
	[dreg:$0x11] =	wrdreg s21  }
0x1b: {  	v1 =	vmov s11;
	v3 =	vor.u32 s11, v0;
	v4 =	vor.u32 s12, v0;
	s12 =	simm.s32 $0xB280;
	s23 =	sadd.s32 $0x1400, s4;
	[dreg:$0x12] =	wrdreg s22  }
0x1c: {  	v6 =	vor.u32 s16, v0;
	v8 =	vor.u32 s7, v0;
	v10 =	vor.u32 s2, v0;
	s2 =	simm.s32 $0x1;
	s24 =	sadd.s32 $0x1200, s4;
	[dreg:$0x13] =	wrdreg s23  }
0x1d: {  	v9 =	vor.u32 s8, v0;
	v11 =	vor.u32 s3, v0;
	v12 =	vor.u32 s5, v0;
	s8 =	simm.s32 $0x1B280;
	s25 =	sadd.s32 $0x1800, s4;
	[dreg:$0x14] =	wrdreg s24  }
0x1e: {  	v3 =	vand.u32 $0x7CF, v3;
	v4 =	vand.u32 $0x7DF, v4;
	v5 =	vand.u32 $0x7EF, v5;
	s5 =	simm.s32 $0xF280;
	s26 =	sadd.s32 $0x1600, s4;
	[dreg:$0x15] =	wrdreg s25  }
0x1f: {  	v6 =	vand.u32 $0x7FF, v6;
	v7 =	vand.u32 $0x7CF, v7;
	v8 =	vand.u32 $0x7DF, v8;
	s4 =	sadd.s32 $0xC00, s4;
	s28 =	sadd.s32 $0x300, s14;
	[dreg:$0x16] =	wrdreg s26  }
0x20: {  	v9 =	vand.u32 $0x7EF, v9;
	v10 =	vand.u32 $0x7FF, v10;
	v11 =	vand.u32 $0x7CF, v11;
	s10 =	simm.s32 $0x3180;
	s20 =	sadd.s32 $0xC0, s11;
	[dreg:$0x17] =	wrdreg s4  }
0x21: {  	v12 =	vand.u32 $0x7DF, v12;
	v13 =	vor.u32 s17, v0;
	v14 =	vor.u32 s18, v0;
	s11 =	simm.s32 $0x0;
	[dreg:$0x18] =	wrdreg s0;
	s25 =	sadd.s32 $0x100, s14  }
0x22: {  	v13 =	vand.u32 $0x7EF, v13;
	v14 =	vand.u32 $0x7FF, v14;
	s26 =	sadd.s32 $0x200, s14;
	v2 =	vmov s20;
	s4 =	simm.s32 $0x13280;
	s23 =	simm.s32 $0x2  }
.LBB2_1:
0x23: {  	s0 =	rddreg [dreg:$0x11]  }
0x24: {  	[tilespmem:s1], [sflag:$0xF] =	stream.linear.gather [hbm4b:s0+s1], $0x800, $0x38;
	[tilespmem:$0x1F280] =	vst v63  }
0x25: {  	_ =	swait.ge [sflag:s29], $0x800  }
0x26: {  	[sflag:s29] =	ssyncset.done $0x0  }
0x27: {  	s24 =	simm.s32 $0x800;
	s9 =	rddreg [dreg:$0x12];
	[sflag:s29] =	ssyncadd.s32 $0xFFFFF800  }
0x28: {  	[tilespmem:s24], [sflag:$0xF] =	stream.linear.gather [hbm4b:s9+s1], $0x800, $0x38;
	[tilespmem:$0x1F280] =	vst v63  }
0x29: {  	_ =	swait.ge [sflag:s29], $0x800  }
0x2a: {  	[sflag:s29] =	ssyncset.done $0x0  }
0x2b: {  	s3 =	simm.s32 $0x1000;
	s15 =	rddreg [dreg:$0x13];
	[sflag:s29] =	ssyncadd.s32 $0xFFFFF800  }
0x2c: {  	[tilespmem:s3], [sflag:$0xF] =	stream.linear.gather [hbm4b:s15+s1], $0x800, $0x38;
	[tilespmem:$0x1F280] =	vst v63  }
0x2d: {  	_ =	swait.ge [sflag:s29], $0x800  }
0x2e: {  	[sflag:s29] =	ssyncset.done $0x0  }
0x2f: {  	s17 =	simm.s32 $0x1800;
	s16 =	rddreg [dreg:$0x14];
	[sflag:s29] =	ssyncadd.s32 $0xFFFFF800  }
0x30: {  	[tilespmem:s17], [sflag:$0xF] =	stream.linear.gather [hbm4b:s16+s1], $0x800, $0x38;
	[tilespmem:$0x1F280] =	vst v63  }
0x31: {  	_ =	swait.ge [sflag:s29], $0x800  }
0x32: {  	[sflag:s29] =	ssyncset.done $0x0  }
0x33: {  	s20 =	simm.s32 $0x2000;
	s18 =	rddreg [dreg:$0x15];
	[sflag:s29] =	ssyncadd.s32 $0xFFFFF800  }
0x34: {  	[tilespmem:s20], [sflag:$0xF] =	stream.linear.gather [hbm4b:s18+s1], $0x800, $0x38;
	[tilespmem:$0x1F280] =	vst v63  }
0x35: {  	_ =	swait.ge [sflag:s29], $0x800  }
0x36: {  	[sflag:s29] =	ssyncset.done $0x0  }
0x37: {  	s21 =	simm.s32 $0x2800;
	s19 =	rddreg [dreg:$0x16];
	[sflag:s29] =	ssyncadd.s32 $0xFFFFF800  }
0x38: {  	[tilespmem:s21], [sflag:$0xF] =	stream.linear.gather [hbm4b:s19+s1], $0x800, $0x38;
	[tilespmem:$0x1F280] =	vst v63  }
0x39: {  	_ =	swait.ge [sflag:s29], $0x800  }
0x3a: {  	[sflag:s29] =	ssyncset.done $0x0  }
0x3b: {  	s22 =	rddreg [dreg:$0x17];
	[sflag:s29] =	ssyncadd.s32 $0xFFFFF800  }
0x3c: {  	[tilespmem:s30], [sflag:$0xF] =	stream.linear.gather [hbm4b:s22+s1], $0x80, $0x38;
	[tilespmem:$0x1F280] =	vst v63  }
0x3d: {  	_ =	swait.ge [sflag:s29], $0x80  }
0x3e: {  	[sflag:s29] =	ssyncset.done $0x0  }
0x3f: {  	[sflag:s29] =	ssyncadd.s32 $0xFFFFFF80  }
0x40: {  	[tilespmem:$0x3080] =	vst v3  }
0x41: {  	[tilespmem:$0x3180] =	vst v15  }
0x42: {  	[tilespmem:$0x3090] =	vst v4  }
0x43: {  	[tilespmem:$0x3190] =	vst v15  }
0x44: {  	[tilespmem:$0x30A0] =	vst v5  }
0x45: {  	[tilespmem:$0x31A0] =	vst v15  }
0x46: {  	[tilespmem:$0x30B0] =	vst v6  }
0x47: {  	[tilespmem:$0x31B0] =	vst v15  }
0x48: {  	[tilespmem:$0x30C0] =	vst v7  }
0x49: {  	[tilespmem:$0x31C0] =	vst v15  }
0x4a: {  	[tilespmem:$0x30D0] =	vst v8  }
0x4b: {  	[tilespmem:$0x31D0] =	vst v15  }
0x4c: {  	[tilespmem:$0x30E0] =	vst v9  }
0x4d: {  	[tilespmem:$0x31E0] =	vst v15  }
0x4e: {  	[tilespmem:$0x30F0] =	vst v10  }
0x4f: {  	[tilespmem:$0x31F0] =	vst v15  }
0x50: {  	[tilespmem:$0x3100] =	vst v11  }
0x51: {  	[tilespmem:$0x3200] =	vst v15  }
0x52: {  	[tilespmem:$0x3110] =	vst v12  }
0x53: {  	[tilespmem:$0x3210] =	vst v15  }
0x54: {  	[tilespmem:$0x3120] =	vst v13  }
0x55: {  	[tilespmem:$0x3220] =	vst v15  }
0x56: {  	[tilespmem:$0x3130] =	vst v14  }
0x57: {  	s0 =	simm.s32 $0x0;
	s22 =	simm.s32 $0x0;
	[tilespmem:$0x3230] =	vst v15  }
.LBB2_2:
0x58: {  	v19 =	vld [tilespmem:s22+$0x0];
	_ =	sdelay $0x6  }
0x59: {  	v20 =	vld [tilespmem:s3+$0x0]  }
0x5a: {  	v19 =	vld.idx.msk [tilespmem:v19+s30+$0x0], $0xffff;
	_ =	sdelay $0x4  }
0x5b: {  	v19 =	vadd.s32 v20, v19  }
0x5c: {  	v20 =	vsub.s32 v19, v1  }
0x5d: {  	vm1 =	vge.s32 v19, v1;
	vm2 =	vlt.s32 v19, v2;
	vm3 =	vgt.s32 v20, $0x0  }
0x5e: {  	vm1 =	vmand vm1, vm2;
	v19 =	vnsel vm3, $0x0, v20  }
0x5f: {  	v19 =	vmin.u32 v19, $0xBF  }
0x60: {  	v20 =	vld [tilespmem:s20+$0x0];
	_ =	sdelay $0x2  }
0x61: {  	v21 =	vor.u32 s0, v0  }
0x62: {  	[tilespmem:v19+s31+$0x0] =	vst.idx.msk vm1, v21  }
0x63: {  	[tilespmem:v19+s10+$0x0] =	vst.idx.msk vm1, v20  }
0x64: {  	v19 =	vld [tilespmem:s24+$0x0];
	_ =	sdelay $0x6  }
0x65: {  	v20 =	vld [tilespmem:s17+$0x0]  }
0x66: {  	v19 =	vld.idx.msk [tilespmem:v19+s30+$0x0], $0xffff;
	_ =	sdelay $0x4  }
0x67: {  	v19 =	vadd.s32 v20, v19  }
0x68: {  	v20 =	vsub.s32 v19, v1  }
0x69: {  	vm1 =	vge.s32 v19, v1;
	vm2 =	vlt.s32 v19, v2;
	vm3 =	vgt.s32 v20, $0x0  }
0x6a: {  	vm1 =	vmand vm1, vm2;
	v19 =	vnsel vm3, $0x0, v20  }
0x6b: {  	v19 =	vmin.u32 v19, $0xBF  }
0x6c: {  	p0 =	sne.s32 s0, $0x7F0;
	v20 =	vld [tilespmem:s21+$0x0]  }
.Ltmp0:
0x6d: {  	_ = 	snop;
	(pc) =	sbr.rel @p0 .LBB2_2-.Ltmp0, $4  }
0x6e: {  	_ = 	snop  }
0x6f: {  	s22 =	sadd.s32 $0x10, s22  }
0x70: {  	s3 =	sadd.s32 $0x10, s3;
	s0 =	sadd.s32 $0x10, s0;
	s20 =	sadd.s32 $0x10, s20;
	[tilespmem:v19+s31+$0x0] =	vst.idx.msk vm1, v21  }
0x71: {  	s24 =	sadd.s32 $0x10, s24;
	s17 =	sadd.s32 $0x10, s17;
	s21 =	sadd.s32 $0x10, s21;
	[tilespmem:v19+s10+$0x0] =	vst.idx.msk vm1, v20  }
0x72: {  	s0 =	rddreg [dreg:$0x4]  }
0x73: {  	[hbm4b:s0+s1] =	stream.linear.scatter [tilespmem:s10], [sflag:$0xF], $0xC0, $0x38;
	[tilespmem:$0x1F280] =	vst v63  }
0x74: {  	_ =	swait.ge [sflag:s29], $0xC0  }
0x75: {  	[sflag:s29] =	ssyncset.done $0x0  }
0x76: {  	[sflag:s29] =	ssyncadd.s32 $0xFFFFFF40  }
0x77: {  	v19 =	vld [tilespmem:$0x3080];
	_ =	sdelay $0x4  }
0x78: {  	v20 =	vshll.u32 v19, $0x3  }
0x79: {  	v19 =	vand.u32 $0x7, v19;
	v20 =	vand.u32 $0xFFFFFFC0, v20  }
0x7a: {  	v19 =	vor.u32 v19, v20  }
0x7b: {  	v20 =	vperm.xlane v19, v16;
	_ =	sdelay $0x1  }
0x7c: {  	v20 =	vadd.s32 v17, v20;
	_ =	sdelay $0x4  }
0x7d: {  	[tilespmem:s13], [sflag:$0x1] =	stream.indirect_vreg.gather [hbm4b:s14+s1], $0x80, v20, vm0, $0xb8;
	[tilespmem:$0x1F280] =	vst v63  }
0x7e: {  	s17 =	simm.s32 $0x3A80;
	v19 =	vperm.xlane v19, v18  }
0x7f: {  	[tilespmem:s17], [sflag:$0x1] =	stream.indirect_vreg.gather [hbm4b:s25+s1], $0x80, v20, vm0, $0xb8;
	[tilespmem:$0x1F280] =	vst v63  }
0x80: {  	s20 =	simm.s32 $0x4280;
	v19 =	vadd.s32 v17, v19  }
0x81: {  	[tilespmem:s20], [sflag:$0x1] =	stream.indirect_vreg.gather [hbm4b:s26+s1], $0x80, v20, vm0, $0xb8;
	[tilespmem:$0x1F280] =	vst v63  }
0x82: {  	s21 =	simm.s32 $0x4A80  }
0x83: {  	[tilespmem:s21], [sflag:$0x1] =	stream.indirect_vreg.gather [hbm4b:s28+s1], $0x80, v20, vm0, $0xb8;
	[tilespmem:$0x1F280] =	vst v63  }
0x84: {  	s22 =	simm.s32 $0x5280  }
0x85: {  	[tilespmem:s22], [sflag:$0x1] =	stream.indirect_vreg.gather [hbm4b:s14+s1], $0x80, v19, vm0, $0xb8;
	[tilespmem:$0x1F280] =	vst v63  }
0x86: {  	s24 =	simm.s32 $0x5A80  }
0x87: {  	[tilespmem:s24], [sflag:$0x1] =	stream.indirect_vreg.gather [hbm4b:s25+s1], $0x80, v19, vm0, $0xb8;
	[tilespmem:$0x1F280] =	vst v63  }
0x88: {  	s9 =	simm.s32 $0x6280  }
0x89: {  	[tilespmem:s9], [sflag:$0x1] =	stream.indirect_vreg.gather [hbm4b:s26+s1], $0x80, v19, vm0, $0xb8;
	[tilespmem:$0x1F280] =	vst v63  }
0x8a: {  	s19 =	simm.s32 $0x6A80  }
0x8b: {  	[tilespmem:s19], [sflag:$0x1] =	stream.indirect_vreg.gather [hbm4b:s28+s1], $0x80, v19, vm0, $0xb8;
	[tilespmem:$0x1F280] =	vst v63  }
0x8c: {  	v19 =	vld [tilespmem:$0x3090];
	_ =	sdelay $0x4  }
0x8d: {  	v20 =	vshll.u32 v19, $0x3  }
0x8e: {  	v19 =	vand.u32 $0x7, v19;
	v20 =	vand.u32 $0xFFFFFFC0, v20  }
0x8f: {  	v19 =	vor.u32 v19, v20  }
0x90: {  	v20 =	vperm.xlane v19, v16;
	_ =	sdelay $0x1  }
0x91: {  	v20 =	vadd.s32 v17, v20;
	_ =	sdelay $0x4  }
0x92: {  	[tilespmem:s6], [sflag:$0x2] =	stream.indirect_vreg.gather [hbm4b:s14+s1], $0x80, v20, vm0, $0xb8;
	[tilespmem:$0x1F280] =	vst v63  }
0x93: {  	s15 =	simm.s32 $0x7A80;
	v19 =	vperm.xlane v19, v18  }
0x94: {  	[tilespmem:s15], [sflag:$0x2] =	stream.indirect_vreg.gather [hbm4b:s25+s1], $0x80, v20, vm0, $0xb8;
	[tilespmem:$0x1F280] =	vst v63  }
0x95: {  	s18 =	simm.s32 $0x8280;
	v19 =	vadd.s32 v17, v19  }
0x96: {  	[tilespmem:s18], [sflag:$0x2] =	stream.indirect_vreg.gather [hbm4b:s26+s1], $0x80, v20, vm0, $0xb8;
	[tilespmem:$0x1F280] =	vst v63  }
0x97: {  	s16 =	simm.s32 $0x8A80  }
0x98: {  	[tilespmem:s16], [sflag:$0x2] =	stream.indirect_vreg.gather [hbm4b:s28+s1], $0x80, v20, vm0, $0xb8;
	[tilespmem:$0x1F280] =	vst v63  }
0x99: {  	s18 =	simm.s32 $0x9280  }
0x9a: {  	[tilespmem:s18], [sflag:$0x2] =	stream.indirect_vreg.gather [hbm4b:s14+s1], $0x80, v19, vm0, $0xb8;
	[tilespmem:$0x1F280] =	vst v63  }
0x9b: {  	s3 =	simm.s32 $0x9A80  }
0x9c: {  	[tilespmem:s3], [sflag:$0x2] =	stream.indirect_vreg.gather [hbm4b:s25+s1], $0x80, v19, vm0, $0xb8;
	[tilespmem:$0x1F280] =	vst v63  }
0x9d: {  	s7 =	simm.s32 $0xA280  }
0x9e: {  	[tilespmem:s7], [sflag:$0x2] =	stream.indirect_vreg.gather [hbm4b:s26+s1], $0x80, v19, vm0, $0xb8;
	[tilespmem:$0x1F280] =	vst v63  }
0x9f: {  	s3 =	simm.s32 $0xAA80  }
0xa0: {  	[tilespmem:s3], [sflag:$0x2] =	stream.indirect_vreg.gather [hbm4b:s28+s1], $0x80, v19, vm0, $0xb8;
	[tilespmem:$0x1F280] =	vst v63  }
0xa1: {  	v19 =	vld [tilespmem:$0x30A0];
	_ =	sdelay $0x4  }
0xa2: {  	v20 =	vshll.u32 v19, $0x3  }
0xa3: {  	v19 =	vand.u32 $0x7, v19;
	v20 =	vand.u32 $0xFFFFFFC0, v20  }
0xa4: {  	v19 =	vor.u32 v19, v20  }
0xa5: {  	v20 =	vperm.xlane v19, v16;
	_ =	sdelay $0x1  }
0xa6: {  	v20 =	vadd.s32 v17, v20;
	_ =	sdelay $0x4  }
0xa7: {  	[tilespmem:s12], [sflag:$0x3] =	stream.indirect_vreg.gather [hbm4b:s14+s1], $0x80, v20, vm0, $0xb8;
	[tilespmem:$0x1F280] =	vst v63  }
0xa8: {  	s7 =	simm.s32 $0xBA80;
	v19 =	vperm.xlane v19, v18  }
0xa9: {  	[tilespmem:s7], [sflag:$0x3] =	stream.indirect_vreg.gather [hbm4b:s25+s1], $0x80, v20, vm0, $0xb8;
	[tilespmem:$0x1F280] =	vst v63  }
0xaa: {  	s3 =	simm.s32 $0xC280;
	v19 =	vadd.s32 v17, v19  }
0xab: {  	[tilespmem:s3], [sflag:$0x3] =	stream.indirect_vreg.gather [hbm4b:s26+s1], $0x80, v20, vm0, $0xb8;
	[tilespmem:$0x1F280] =	vst v63  }
0xac: {  	s7 =	simm.s32 $0xCA80  }
0xad: {  	[tilespmem:s7], [sflag:$0x3] =	stream.indirect_vreg.gather [hbm4b:s28+s1], $0x80, v20, vm0, $0xb8;
	[tilespmem:$0x1F280] =	vst v63  }
0xae: {  	s3 =	simm.s32 $0xD280  }
0xaf: {  	[tilespmem:s3], [sflag:$0x3] =	stream.indirect_vreg.gather [hbm4b:s14+s1], $0x80, v19, vm0, $0xb8;
	[tilespmem:$0x1F280] =	vst v63  }
0xb0: {  	s7 =	simm.s32 $0xDA80  }
0xb1: {  	[tilespmem:s7], [sflag:$0x3] =	stream.indirect_vreg.gather [hbm4b:s25+s1], $0x80, v19, vm0, $0xb8;
	[tilespmem:$0x1F280] =	vst v63  }
0xb2: {  	s3 =	simm.s32 $0xE280  }
0xb3: {  	[tilespmem:s3], [sflag:$0x3] =	stream.indirect_vreg.gather [hbm4b:s26+s1], $0x80, v19, vm0, $0xb8;
	[tilespmem:$0x1F280] =	vst v63  }
0xb4: {  	s7 =	simm.s32 $0xEA80  }
0xb5: {  	[tilespmem:s7], [sflag:$0x3] =	stream.indirect_vreg.gather [hbm4b:s28+s1], $0x80, v19, vm0, $0xb8;
	[tilespmem:$0x1F280] =	vst v63  }
0xb6: {  	v19 =	vld [tilespmem:$0x30B0];
	_ =	sdelay $0x4  }
0xb7: {  	v20 =	vshll.u32 v19, $0x3  }
0xb8: {  	v19 =	vand.u32 $0x7, v19;
	v20 =	vand.u32 $0xFFFFFFC0, v20  }
0xb9: {  	v19 =	vor.u32 v19, v20  }
0xba: {  	v20 =	vperm.xlane v19, v16;
	_ =	sdelay $0x1  }
0xbb: {  	v20 =	vadd.s32 v17, v20;
	_ =	sdelay $0x4  }
0xbc: {  	[tilespmem:s5], [sflag:$0x4] =	stream.indirect_vreg.gather [hbm4b:s14+s1], $0x80, v20, vm0, $0xb8;
	[tilespmem:$0x1F280] =	vst v63  }
0xbd: {  	s3 =	simm.s32 $0xFA80;
	v19 =	vperm.xlane v19, v18  }
0xbe: {  	[tilespmem:s3], [sflag:$0x4] =	stream.indirect_vreg.gather [hbm4b:s25+s1], $0x80, v20, vm0, $0xb8;
	[tilespmem:$0x1F280] =	vst v63  }
0xbf: {  	s7 =	simm.s32 $0x10280;
	v19 =	vadd.s32 v17, v19  }
0xc0: {  	[tilespmem:s7], [sflag:$0x4] =	stream.indirect_vreg.gather [hbm4b:s26+s1], $0x80, v20, vm0, $0xb8;
	[tilespmem:$0x1F280] =	vst v63  }
0xc1: {  	s3 =	simm.s32 $0x10A80  }
0xc2: {  	[tilespmem:s3], [sflag:$0x4] =	stream.indirect_vreg.gather [hbm4b:s28+s1], $0x80, v20, vm0, $0xb8;
	[tilespmem:$0x1F280] =	vst v63  }
0xc3: {  	s7 =	simm.s32 $0x11280  }
0xc4: {  	[tilespmem:s7], [sflag:$0x4] =	stream.indirect_vreg.gather [hbm4b:s14+s1], $0x80, v19, vm0, $0xb8;
	[tilespmem:$0x1F280] =	vst v63  }
0xc5: {  	s3 =	simm.s32 $0x11A80  }
0xc6: {  	[tilespmem:s3], [sflag:$0x4] =	stream.indirect_vreg.gather [hbm4b:s25+s1], $0x80, v19, vm0, $0xb8;
	[tilespmem:$0x1F280] =	vst v63  }
0xc7: {  	s7 =	simm.s32 $0x12280  }
0xc8: {  	[tilespmem:s7], [sflag:$0x4] =	stream.indirect_vreg.gather [hbm4b:s26+s1], $0x80, v19, vm0, $0xb8;
	[tilespmem:$0x1F280] =	vst v63  }
0xc9: {  	s3 =	simm.s32 $0x12A80  }
0xca: {  	[tilespmem:s3], [sflag:$0x4] =	stream.indirect_vreg.gather [hbm4b:s28+s1], $0x80, v19, vm0, $0xb8;
	[tilespmem:$0x1F280] =	vst v63  }
0xcb: {  	v19 =	vld [tilespmem:$0x30C0];
	_ =	sdelay $0x4  }
0xcc: {  	v20 =	vshll.u32 v19, $0x3  }
0xcd: {  	v19 =	vand.u32 $0x7, v19;
	v20 =	vand.u32 $0xFFFFFFC0, v20  }
0xce: {  	v19 =	vor.u32 v19, v20  }
0xcf: {  	v20 =	vperm.xlane v19, v16;
	_ =	sdelay $0x1  }
0xd0: {  	v20 =	vadd.s32 v17, v20;
	_ =	sdelay $0x4  }
0xd1: {  	[tilespmem:s4], [sflag:$0x5] =	stream.indirect_vreg.gather [hbm4b:s14+s1], $0x80, v20, vm0, $0xb8;
	[tilespmem:$0x1F280] =	vst v63  }
0xd2: {  	s7 =	simm.s32 $0x13A80;
	v19 =	vperm.xlane v19, v18  }
0xd3: {  	[tilespmem:s7], [sflag:$0x5] =	stream.indirect_vreg.gather [hbm4b:s25+s1], $0x80, v20, vm0, $0xb8;
	[tilespmem:$0x1F280] =	vst v63  }
0xd4: {  	s3 =	simm.s32 $0x14280;
	v19 =	vadd.s32 v17, v19  }
0xd5: {  	[tilespmem:s3], [sflag:$0x5] =	stream.indirect_vreg.gather [hbm4b:s26+s1], $0x80, v20, vm0, $0xb8;
	[tilespmem:$0x1F280] =	vst v63  }
0xd6: {  	s7 =	simm.s32 $0x14A80  }
0xd7: {  	[tilespmem:s7], [sflag:$0x5] =	stream.indirect_vreg.gather [hbm4b:s28+s1], $0x80, v20, vm0, $0xb8;
	[tilespmem:$0x1F280] =	vst v63  }
0xd8: {  	s3 =	simm.s32 $0x15280  }
0xd9: {  	[tilespmem:s3], [sflag:$0x5] =	stream.indirect_vreg.gather [hbm4b:s14+s1], $0x80, v19, vm0, $0xb8;
	[tilespmem:$0x1F280] =	vst v63  }
0xda: {  	s7 =	simm.s32 $0x15A80  }
0xdb: {  	[tilespmem:s7], [sflag:$0x5] =	stream.indirect_vreg.gather [hbm4b:s25+s1], $0x80, v19, vm0, $0xb8;
	[tilespmem:$0x1F280] =	vst v63  }
0xdc: {  	s3 =	simm.s32 $0x16280  }
0xdd: {  	[tilespmem:s3], [sflag:$0x5] =	stream.indirect_vreg.gather [hbm4b:s26+s1], $0x80, v19, vm0, $0xb8;
	[tilespmem:$0x1F280] =	vst v63  }
0xde: {  	s7 =	simm.s32 $0x16A80  }
0xdf: {  	[tilespmem:s7], [sflag:$0x5] =	stream.indirect_vreg.gather [hbm4b:s28+s1], $0x80, v19, vm0, $0xb8;
	[tilespmem:$0x1F280] =	vst v63  }
0xe0: {  	v19 =	vld [tilespmem:$0x30D0];
	_ =	sdelay $0x4  }
0xe1: {  	v20 =	vshll.u32 v19, $0x3  }
0xe2: {  	v19 =	vand.u32 $0x7, v19;
	v20 =	vand.u32 $0xFFFFFFC0, v20  }
0xe3: {  	v19 =	vor.u32 v19, v20  }
0xe4: {  	v20 =	vperm.xlane v19, v16;
	_ =	sdelay $0x1  }
0xe5: {  	v20 =	vadd.s32 v17, v20;
	_ =	sdelay $0x3  }
0xe6: {  	s7 =	simm.s32 $0x17280  }
0xe7: {  	[tilespmem:s7], [sflag:$0x6] =	stream.indirect_vreg.gather [hbm4b:s14+s1], $0x80, v20, vm0, $0xb8;
	[tilespmem:$0x1F280] =	vst v63  }
0xe8: {  	s3 =	simm.s32 $0x17A80;
	v19 =	vperm.xlane v19, v18  }
0xe9: {  	[tilespmem:s3], [sflag:$0x6] =	stream.indirect_vreg.gather [hbm4b:s25+s1], $0x80, v20, vm0, $0xb8;
	[tilespmem:$0x1F280] =	vst v63  }
0xea: {  	v19 =	vadd.s32 v17, v19;
	s3 =	simm.s32 $0x18280  }
0xeb: {  	[tilespmem:s3], [sflag:$0x6] =	stream.indirect_vreg.gather [hbm4b:s26+s1], $0x80, v20, vm0, $0xb8;
	[tilespmem:$0x1F280] =	vst v63  }
0xec: {  	s3 =	simm.s32 $0x18A80  }
0xed: {  	[tilespmem:s3], [sflag:$0x6] =	stream.indirect_vreg.gather [hbm4b:s28+s1], $0x80, v20, vm0, $0xb8;
	[tilespmem:$0x1F280] =	vst v63  }
0xee: {  	s3 =	simm.s32 $0x19280  }
0xef: {  	[tilespmem:s3], [sflag:$0x6] =	stream.indirect_vreg.gather [hbm4b:s14+s1], $0x80, v19, vm0, $0xb8;
	[tilespmem:$0x1F280] =	vst v63  }
0xf0: {  	s3 =	simm.s32 $0x19A80  }
0xf1: {  	[tilespmem:s3], [sflag:$0x6] =	stream.indirect_vreg.gather [hbm4b:s25+s1], $0x80, v19, vm0, $0xb8;
	[tilespmem:$0x1F280] =	vst v63  }
0xf2: {  	s3 =	simm.s32 $0x1A280  }
0xf3: {  	[tilespmem:s3], [sflag:$0x6] =	stream.indirect_vreg.gather [hbm4b:s26+s1], $0x80, v19, vm0, $0xb8;
	[tilespmem:$0x1F280] =	vst v63  }
0xf4: {  	s3 =	simm.s32 $0x1AA80  }
0xf5: {  	[tilespmem:s3], [sflag:$0x6] =	stream.indirect_vreg.gather [hbm4b:s28+s1], $0x80, v19, vm0, $0xb8;
	[tilespmem:$0x1F280] =	vst v63  }
0xf6: {  	_ =	swait.ge [sflag:s2], $0x4000  }
0xf7: {  	[sflag:s2] =	ssyncset.done $0x0  }
0xf8: {  	s3 =	rddreg [dreg:$0x5];
	[sflag:s2] =	ssyncadd.s32 $0xFFFFC000  }
0xf9: {  	[hbm4b:s3+s1] =	stream.linear.scatter [tilespmem:s13], [sflag:$0x8], $0x4000, $0x38;
	[tilespmem:$0x1F280] =	vst v63  }
0xfa: {  	v19 =	vld [tilespmem:$0x30E0];
	_ =	sdelay $0x4  }
0xfb: {  	v20 =	vshll.u32 v19, $0x3  }
0xfc: {  	v19 =	vand.u32 $0x7, v19;
	v20 =	vand.u32 $0xFFFFFFC0, v20  }
0xfd: {  	v19 =	vor.u32 v19, v20  }
0xfe: {  	v20 =	vperm.xlane v19, v16;
	_ =	sdelay $0x1  }
0xff: {  	v20 =	vadd.s32 v17, v20;
	_ =	sdelay $0x4  }
0x100: {  	[tilespmem:s8], [sflag:$0x7] =	stream.indirect_vreg.gather [hbm4b:s14+s1], $0x80, v20, vm0, $0xb8;
	[tilespmem:$0x1F280] =	vst v63  }
0x101: {  	s3 =	simm.s32 $0x1BA80;
	v19 =	vperm.xlane v19, v18  }
0x102: {  	[tilespmem:s3], [sflag:$0x7] =	stream.indirect_vreg.gather [hbm4b:s25+s1], $0x80, v20, vm0, $0xb8;
	[tilespmem:$0x1F280] =	vst v63  }
0x103: {  	v19 =	vadd.s32 v17, v19;
	s3 =	simm.s32 $0x1C280  }
0x104: {  	[tilespmem:s3], [sflag:$0x7] =	stream.indirect_vreg.gather [hbm4b:s26+s1], $0x80, v20, vm0, $0xb8;
	[tilespmem:$0x1F280] =	vst v63  }
0x105: {  	s3 =	simm.s32 $0x1CA80  }
0x106: {  	[tilespmem:s3], [sflag:$0x7] =	stream.indirect_vreg.gather [hbm4b:s28+s1], $0x80, v20, vm0, $0xb8;
	[tilespmem:$0x1F280] =	vst v63  }
0x107: {  	s3 =	simm.s32 $0x1D280  }
0x108: {  	[tilespmem:s3], [sflag:$0x7] =	stream.indirect_vreg.gather [hbm4b:s14+s1], $0x80, v19, vm0, $0xb8;
	[tilespmem:$0x1F280] =	vst v63  }
0x109: {  	s3 =	simm.s32 $0x1DA80  }
0x10a: {  	[tilespmem:s3], [sflag:$0x7] =	stream.indirect_vreg.gather [hbm4b:s25+s1], $0x80, v19, vm0, $0xb8;
	[tilespmem:$0x1F280] =	vst v63  }
0x10b: {  	s3 =	simm.s32 $0x1E280  }
0x10c: {  	[tilespmem:s3], [sflag:$0x7] =	stream.indirect_vreg.gather [hbm4b:s26+s1], $0x80, v19, vm0, $0xb8;
	[tilespmem:$0x1F280] =	vst v63  }
0x10d: {  	s3 =	simm.s32 $0x1EA80  }
0x10e: {  	[tilespmem:s3], [sflag:$0x7] =	stream.indirect_vreg.gather [hbm4b:s28+s1], $0x80, v19, vm0, $0xb8;
	[tilespmem:$0x1F280] =	vst v63  }
0x10f: {  	_ =	swait.ge [sflag:s23], $0x4000  }
0x110: {  	[sflag:s23] =	ssyncset.done $0x0  }
0x111: {  	s3 =	rddreg [dreg:$0x6];
	[sflag:s23] =	ssyncadd.s32 $0xFFFFC000  }
0x112: {  	[hbm4b:s3+s1] =	stream.linear.scatter [tilespmem:s6], [sflag:$0x9], $0x4000, $0x38;
	[tilespmem:$0x1F280] =	vst v63  }
0x113: {  	s3 =	simm.s32 $0x8  }
0x114: {  	_ =	swait.ge [sflag:s3], $0x4000  }
0x115: {  	[sflag:s3] =	ssyncset.done $0x0  }
0x116: {  	[sflag:s3] =	ssyncadd.s32 $0xFFFFC000  }
0x117: {  	v19 =	vld [tilespmem:$0x30F0];
	_ =	sdelay $0x4  }
0x118: {  	v20 =	vshll.u32 v19, $0x3  }
0x119: {  	v19 =	vand.u32 $0x7, v19;
	v20 =	vand.u32 $0xFFFFFFC0, v20  }
0x11a: {  	v19 =	vor.u32 v19, v20  }
0x11b: {  	v20 =	vperm.xlane v19, v16;
	_ =	sdelay $0x1  }
0x11c: {  	v20 =	vadd.s32 v17, v20;
	_ =	sdelay $0x4  }
0x11d: {  	[tilespmem:s13], [sflag:$0x1] =	stream.indirect_vreg.gather [hbm4b:s14+s1], $0x80, v20, vm0, $0xb8;
	[tilespmem:$0x1F280] =	vst v63  }
0x11e: {  	v19 =	vperm.xlane v19, v18  }
0x11f: {  	[tilespmem:s17], [sflag:$0x1] =	stream.indirect_vreg.gather [hbm4b:s25+s1], $0x80, v20, vm0, $0xb8;
	[tilespmem:$0x1F280] =	vst v63  }
0x120: {  	v19 =	vadd.s32 v17, v19  }
0x121: {  	[tilespmem:s20], [sflag:$0x1] =	stream.indirect_vreg.gather [hbm4b:s26+s1], $0x80, v20, vm0, $0xb8;
	[tilespmem:$0x1F280] =	vst v63  }
0x122: {  	_ = 	snop  }
0x123: {  	[tilespmem:s21], [sflag:$0x1] =	stream.indirect_vreg.gather [hbm4b:s28+s1], $0x80, v20, vm0, $0xb8;
	[tilespmem:$0x1F280] =	vst v63  }
0x124: {  	_ = 	snop  }
0x125: {  	[tilespmem:s22], [sflag:$0x1] =	stream.indirect_vreg.gather [hbm4b:s14+s1], $0x80, v19, vm0, $0xb8;
	[tilespmem:$0x1F280] =	vst v63  }
0x126: {  	_ = 	snop  }
0x127: {  	[tilespmem:s24], [sflag:$0x1] =	stream.indirect_vreg.gather [hbm4b:s25+s1], $0x80, v19, vm0, $0xb8;
	[tilespmem:$0x1F280] =	vst v63  }
0x128: {  	_ = 	snop  }
0x129: {  	[tilespmem:s9], [sflag:$0x1] =	stream.indirect_vreg.gather [hbm4b:s26+s1], $0x80, v19, vm0, $0xb8;
	[tilespmem:$0x1F280] =	vst v63  }
0x12a: {  	s9 =	simm.s32 $0x3  }
0x12b: {  	[tilespmem:s19], [sflag:$0x1] =	stream.indirect_vreg.gather [hbm4b:s28+s1], $0x80, v19, vm0, $0xb8;
	[tilespmem:$0x1F280] =	vst v63  }
0x12c: {  	_ =	swait.ge [sflag:s9], $0x4000  }
0x12d: {  	[sflag:s9] =	ssyncset.done $0x0  }
0x12e: {  	s17 =	simm.s32 $0x9;
	s20 =	rddreg [dreg:$0x7];
	[sflag:s9] =	ssyncadd.s32 $0xFFFFC000  }
0x12f: {  	[hbm4b:s20+s1] =	stream.linear.scatter [tilespmem:s12], [sflag:$0xA], $0x4000, $0x38;
	[tilespmem:$0x1F280] =	vst v63  }
0x130: {  	_ =	swait.ge [sflag:s17], $0x4000  }
0x131: {  	[sflag:s17] =	ssyncset.done $0x0  }
0x132: {  	[sflag:s17] =	ssyncadd.s32 $0xFFFFC000  }
0x133: {  	v19 =	vld [tilespmem:$0x3100];
	_ =	sdelay $0x4  }
0x134: {  	v20 =	vshll.u32 v19, $0x3  }
0x135: {  	v19 =	vand.u32 $0x7, v19;
	v20 =	vand.u32 $0xFFFFFFC0, v20  }
0x136: {  	v19 =	vor.u32 v19, v20  }
0x137: {  	v20 =	vperm.xlane v19, v16;
	_ =	sdelay $0x1  }
0x138: {  	v20 =	vadd.s32 v17, v20;
	_ =	sdelay $0x4  }
0x139: {  	[tilespmem:s6], [sflag:$0x2] =	stream.indirect_vreg.gather [hbm4b:s14+s1], $0x80, v20, vm0, $0xb8;
	[tilespmem:$0x1F280] =	vst v63  }
0x13a: {  	v19 =	vperm.xlane v19, v18  }
0x13b: {  	[tilespmem:s15], [sflag:$0x2] =	stream.indirect_vreg.gather [hbm4b:s25+s1], $0x80, v20, vm0, $0xb8;
	[tilespmem:$0x1F280] =	vst v63  }
0x13c: {  	s21 =	simm.s32 $0x8280;
	v19 =	vadd.s32 v17, v19  }
0x13d: {  	[tilespmem:s21], [sflag:$0x2] =	stream.indirect_vreg.gather [hbm4b:s26+s1], $0x80, v20, vm0, $0xb8;
	[tilespmem:$0x1F280] =	vst v63  }
0x13e: {  	_ = 	snop  }
0x13f: {  	[tilespmem:s16], [sflag:$0x2] =	stream.indirect_vreg.gather [hbm4b:s28+s1], $0x80, v20, vm0, $0xb8;
	[tilespmem:$0x1F280] =	vst v63  }
0x140: {  	_ = 	snop  }
0x141: {  	[tilespmem:s18], [sflag:$0x2] =	stream.indirect_vreg.gather [hbm4b:s14+s1], $0x80, v19, vm0, $0xb8;
	[tilespmem:$0x1F280] =	vst v63  }
0x142: {  	s22 =	simm.s32 $0x9A80  }
0x143: {  	[tilespmem:s22], [sflag:$0x2] =	stream.indirect_vreg.gather [hbm4b:s25+s1], $0x80, v19, vm0, $0xb8;
	[tilespmem:$0x1F280] =	vst v63  }
0x144: {  	s24 =	simm.s32 $0xA280  }
0x145: {  	[tilespmem:s24], [sflag:$0x2] =	stream.indirect_vreg.gather [hbm4b:s26+s1], $0x80, v19, vm0, $0xb8;
	[tilespmem:$0x1F280] =	vst v63  }
0x146: {  	s15 =	simm.s32 $0xAA80  }
0x147: {  	[tilespmem:s15], [sflag:$0x2] =	stream.indirect_vreg.gather [hbm4b:s28+s1], $0x80, v19, vm0, $0xb8;
	[tilespmem:$0x1F280] =	vst v63  }
0x148: {  	s15 =	simm.s32 $0x4  }
0x149: {  	_ =	swait.ge [sflag:s15], $0x4000  }
0x14a: {  	[sflag:s15] =	ssyncset.done $0x0  }
0x14b: {  	s16 =	rddreg [dreg:$0x8];
	[sflag:s15] =	ssyncadd.s32 $0xFFFFC000  }
0x14c: {  	[hbm4b:s16+s1] =	stream.linear.scatter [tilespmem:s5], [sflag:$0xB], $0x4000, $0x38;
	[tilespmem:$0x1F280] =	vst v63  }
0x14d: {  	s16 =	simm.s32 $0xA  }
0x14e: {  	_ =	swait.ge [sflag:s16], $0x4000  }
0x14f: {  	[sflag:s16] =	ssyncset.done $0x0  }
0x150: {  	[sflag:s16] =	ssyncadd.s32 $0xFFFFC000  }
0x151: {  	v19 =	vld [tilespmem:$0x3110];
	_ =	sdelay $0x4  }
0x152: {  	v20 =	vshll.u32 v19, $0x3  }
0x153: {  	v19 =	vand.u32 $0x7, v19;
	v20 =	vand.u32 $0xFFFFFFC0, v20  }
0x154: {  	v19 =	vor.u32 v19, v20  }
0x155: {  	v20 =	vperm.xlane v19, v16;
	_ =	sdelay $0x1  }
0x156: {  	v20 =	vadd.s32 v17, v20;
	_ =	sdelay $0x4  }
0x157: {  	[tilespmem:s12], [sflag:$0x3] =	stream.indirect_vreg.gather [hbm4b:s14+s1], $0x80, v20, vm0, $0xb8;
	[tilespmem:$0x1F280] =	vst v63  }
0x158: {  	s18 =	simm.s32 $0xBA80;
	v19 =	vperm.xlane v19, v18  }
0x159: {  	[tilespmem:s18], [sflag:$0x3] =	stream.indirect_vreg.gather [hbm4b:s25+s1], $0x80, v20, vm0, $0xb8;
	[tilespmem:$0x1F280] =	vst v63  }
0x15a: {  	s19 =	simm.s32 $0xC280;
	v19 =	vadd.s32 v17, v19  }
0x15b: {  	[tilespmem:s19], [sflag:$0x3] =	stream.indirect_vreg.gather [hbm4b:s26+s1], $0x80, v20, vm0, $0xb8;
	[tilespmem:$0x1F280] =	vst v63  }
0x15c: {  	s20 =	simm.s32 $0xCA80  }
0x15d: {  	[tilespmem:s20], [sflag:$0x3] =	stream.indirect_vreg.gather [hbm4b:s28+s1], $0x80, v20, vm0, $0xb8;
	[tilespmem:$0x1F280] =	vst v63  }
0x15e: {  	s21 =	simm.s32 $0xD280  }
0x15f: {  	[tilespmem:s21], [sflag:$0x3] =	stream.indirect_vreg.gather [hbm4b:s14+s1], $0x80, v19, vm0, $0xb8;
	[tilespmem:$0x1F280] =	vst v63  }
0x160: {  	s22 =	simm.s32 $0xDA80  }
0x161: {  	[tilespmem:s22], [sflag:$0x3] =	stream.indirect_vreg.gather [hbm4b:s25+s1], $0x80, v19, vm0, $0xb8;
	[tilespmem:$0x1F280] =	vst v63  }
0x162: {  	s24 =	simm.s32 $0xE280  }
0x163: {  	[tilespmem:s24], [sflag:$0x3] =	stream.indirect_vreg.gather [hbm4b:s26+s1], $0x80, v19, vm0, $0xb8;
	[tilespmem:$0x1F280] =	vst v63  }
0x164: {  	s18 =	simm.s32 $0xEA80  }
0x165: {  	[tilespmem:s18], [sflag:$0x3] =	stream.indirect_vreg.gather [hbm4b:s28+s1], $0x80, v19, vm0, $0xb8;
	[tilespmem:$0x1F280] =	vst v63  }
0x166: {  	s18 =	simm.s32 $0x5  }
0x167: {  	_ =	swait.ge [sflag:s18], $0x4000  }
0x168: {  	[sflag:s18] =	ssyncset.done $0x0  }
0x169: {  	s19 =	rddreg [dreg:$0x9];
	[sflag:s18] =	ssyncadd.s32 $0xFFFFC000  }
0x16a: {  	[hbm4b:s19+s1] =	stream.linear.scatter [tilespmem:s4], [sflag:$0xC], $0x4000, $0x38;
	[tilespmem:$0x1F280] =	vst v63  }
0x16b: {  	s19 =	simm.s32 $0xB  }
0x16c: {  	_ =	swait.ge [sflag:s19], $0x4000  }
0x16d: {  	[sflag:s19] =	ssyncset.done $0x0  }
0x16e: {  	[sflag:s19] =	ssyncadd.s32 $0xFFFFC000  }
0x16f: {  	v19 =	vld [tilespmem:$0x3120];
	_ =	sdelay $0x4  }
0x170: {  	v20 =	vshll.u32 v19, $0x3  }
0x171: {  	v19 =	vand.u32 $0x7, v19;
	v20 =	vand.u32 $0xFFFFFFC0, v20  }
0x172: {  	v19 =	vor.u32 v19, v20  }
0x173: {  	v20 =	vperm.xlane v19, v16;
	_ =	sdelay $0x1  }
0x174: {  	v20 =	vadd.s32 v17, v20;
	_ =	sdelay $0x4  }
0x175: {  	[tilespmem:s5], [sflag:$0x4] =	stream.indirect_vreg.gather [hbm4b:s14+s1], $0x80, v20, vm0, $0xb8;
	[tilespmem:$0x1F280] =	vst v63  }
0x176: {  	s20 =	simm.s32 $0xFA80;
	v19 =	vperm.xlane v19, v18  }
0x177: {  	[tilespmem:s20], [sflag:$0x4] =	stream.indirect_vreg.gather [hbm4b:s25+s1], $0x80, v20, vm0, $0xb8;
	[tilespmem:$0x1F280] =	vst v63  }
0x178: {  	s21 =	simm.s32 $0x10280;
	v19 =	vadd.s32 v17, v19  }
0x179: {  	[tilespmem:s21], [sflag:$0x4] =	stream.indirect_vreg.gather [hbm4b:s26+s1], $0x80, v20, vm0, $0xb8;
	[tilespmem:$0x1F280] =	vst v63  }
0x17a: {  	s22 =	simm.s32 $0x10A80  }
0x17b: {  	[tilespmem:s22], [sflag:$0x4] =	stream.indirect_vreg.gather [hbm4b:s28+s1], $0x80, v20, vm0, $0xb8;
	[tilespmem:$0x1F280] =	vst v63  }
0x17c: {  	s24 =	simm.s32 $0x11280  }
0x17d: {  	[tilespmem:s24], [sflag:$0x4] =	stream.indirect_vreg.gather [hbm4b:s14+s1], $0x80, v19, vm0, $0xb8;
	[tilespmem:$0x1F280] =	vst v63  }
0x17e: {  	s20 =	simm.s32 $0x11A80  }
0x17f: {  	[tilespmem:s20], [sflag:$0x4] =	stream.indirect_vreg.gather [hbm4b:s25+s1], $0x80, v19, vm0, $0xb8;
	[tilespmem:$0x1F280] =	vst v63  }
0x180: {  	s21 =	simm.s32 $0x12280  }
0x181: {  	[tilespmem:s21], [sflag:$0x4] =	stream.indirect_vreg.gather [hbm4b:s26+s1], $0x80, v19, vm0, $0xb8;
	[tilespmem:$0x1F280] =	vst v63  }
0x182: {  	s22 =	simm.s32 $0x12A80;
	s24 =	simm.s32 $0x6  }
0x183: {  	[tilespmem:s22], [sflag:$0x4] =	stream.indirect_vreg.gather [hbm4b:s28+s1], $0x80, v19, vm0, $0xb8;
	[tilespmem:$0x1F280] =	vst v63  }
0x184: {  	_ =	swait.ge [sflag:s24], $0x4000  }
0x185: {  	[sflag:s24] =	ssyncset.done $0x0  }
0x186: {  	s20 =	rddreg [dreg:$0xa];
	[sflag:s24] =	ssyncadd.s32 $0xFFFFC000  }
0x187: {  	[hbm4b:s20+s1] =	stream.linear.scatter [tilespmem:s7], [sflag:$0xD], $0x4000, $0x38;
	[tilespmem:$0x1F280] =	vst v63  }
0x188: {  	s7 =	simm.s32 $0xC  }
0x189: {  	_ =	swait.ge [sflag:s7], $0x4000  }
0x18a: {  	[sflag:s7] =	ssyncset.done $0x0  }
0x18b: {  	[sflag:s7] =	ssyncadd.s32 $0xFFFFC000  }
0x18c: {  	v19 =	vld [tilespmem:$0x3130];
	_ =	sdelay $0x4  }
0x18d: {  	v20 =	vshll.u32 v19, $0x3  }
0x18e: {  	v19 =	vand.u32 $0x7, v19;
	v20 =	vand.u32 $0xFFFFFFC0, v20  }
0x18f: {  	v19 =	vor.u32 v19, v20  }
0x190: {  	v20 =	vperm.xlane v19, v16;
	_ =	sdelay $0x1  }
0x191: {  	v20 =	vadd.s32 v17, v20;
	_ =	sdelay $0x4  }
0x192: {  	[tilespmem:s4], [sflag:$0x5] =	stream.indirect_vreg.gather [hbm4b:s14+s1], $0x80, v20, vm0, $0xb8;
	[tilespmem:$0x1F280] =	vst v63  }
0x193: {  	s21 =	simm.s32 $0x13A80;
	v19 =	vperm.xlane v19, v18  }
0x194: {  	[tilespmem:s21], [sflag:$0x5] =	stream.indirect_vreg.gather [hbm4b:s25+s1], $0x80, v20, vm0, $0xb8;
	[tilespmem:$0x1F280] =	vst v63  }
0x195: {  	s22 =	simm.s32 $0x14280;
	v19 =	vadd.s32 v17, v19  }
0x196: {  	[tilespmem:s22], [sflag:$0x5] =	stream.indirect_vreg.gather [hbm4b:s26+s1], $0x80, v20, vm0, $0xb8;
	[tilespmem:$0x1F280] =	vst v63  }
0x197: {  	s24 =	simm.s32 $0x14A80  }
0x198: {  	[tilespmem:s24], [sflag:$0x5] =	stream.indirect_vreg.gather [hbm4b:s28+s1], $0x80, v20, vm0, $0xb8;
	[tilespmem:$0x1F280] =	vst v63  }
0x199: {  	s20 =	simm.s32 $0x15280  }
0x19a: {  	[tilespmem:s20], [sflag:$0x5] =	stream.indirect_vreg.gather [hbm4b:s14+s1], $0x80, v19, vm0, $0xb8;
	[tilespmem:$0x1F280] =	vst v63  }
0x19b: {  	s21 =	simm.s32 $0x15A80  }
0x19c: {  	[tilespmem:s21], [sflag:$0x5] =	stream.indirect_vreg.gather [hbm4b:s25+s1], $0x80, v19, vm0, $0xb8;
	[tilespmem:$0x1F280] =	vst v63  }
0x19d: {  	s22 =	simm.s32 $0x16280  }
0x19e: {  	[tilespmem:s22], [sflag:$0x5] =	stream.indirect_vreg.gather [hbm4b:s26+s1], $0x80, v19, vm0, $0xb8;
	[tilespmem:$0x1F280] =	vst v63  }
0x19f: {  	s24 =	simm.s32 $0x16A80;
	s20 =	simm.s32 $0x7  }
0x1a0: {  	[tilespmem:s24], [sflag:$0x5] =	stream.indirect_vreg.gather [hbm4b:s28+s1], $0x80, v19, vm0, $0xb8;
	[tilespmem:$0x1F280] =	vst v63  }
0x1a1: {  	_ =	swait.ge [sflag:s20], $0x4000  }
0x1a2: {  	[sflag:s20] =	ssyncset.done $0x0  }
0x1a3: {  	s21 =	rddreg [dreg:$0xb];
	[sflag:s20] =	ssyncadd.s32 $0xFFFFC000  }
0x1a4: {  	[hbm4b:s21+s1] =	stream.linear.scatter [tilespmem:s8], [sflag:$0xE], $0x4000, $0x38;
	[tilespmem:$0x1F280] =	vst v63  }
0x1a5: {  	_ =	swait.ge [sflag:s2], $0x4000  }
0x1a6: {  	[sflag:s2] =	ssyncset.done $0x0  }
0x1a7: {  	s22 =	rddreg [dreg:$0xc];
	[sflag:s2] =	ssyncadd.s32 $0xFFFFC000  }
0x1a8: {  	[hbm4b:s22+s1] =	stream.linear.scatter [tilespmem:s13], [sflag:$0x8], $0x4000, $0x38;
	[tilespmem:$0x1F280] =	vst v63  }
0x1a9: {  	_ =	swait.ge [sflag:s23], $0x4000  }
0x1aa: {  	[sflag:s23] =	ssyncset.done $0x0  }
0x1ab: {  	s24 =	rddreg [dreg:$0xd];
	[sflag:s23] =	ssyncadd.s32 $0xFFFFC000  }
0x1ac: {  	[hbm4b:s24+s1] =	stream.linear.scatter [tilespmem:s6], [sflag:$0x9], $0x4000, $0x38;
	[tilespmem:$0x1F280] =	vst v63  }
0x1ad: {  	_ =	swait.ge [sflag:s9], $0x4000  }
0x1ae: {  	[sflag:s9] =	ssyncset.done $0x0  }
0x1af: {  	[sflag:s9] =	ssyncadd.s32 $0xFFFFC000;
	s9 =	rddreg [dreg:$0xe]  }
0x1b0: {  	[hbm4b:s9+s1] =	stream.linear.scatter [tilespmem:s12], [sflag:$0xA], $0x4000, $0x38;
	[tilespmem:$0x1F280] =	vst v63  }
0x1b1: {  	_ =	swait.ge [sflag:s15], $0x4000  }
0x1b2: {  	[sflag:s15] =	ssyncset.done $0x0  }
0x1b3: {  	[sflag:s15] =	ssyncadd.s32 $0xFFFFC000;
	s15 =	rddreg [dreg:$0xf]  }
0x1b4: {  	[hbm4b:s15+s1] =	stream.linear.scatter [tilespmem:s5], [sflag:$0xB], $0x4000, $0x38;
	[tilespmem:$0x1F280] =	vst v63  }
0x1b5: {  	_ =	swait.ge [sflag:s18], $0x4000  }
0x1b6: {  	[sflag:s18] =	ssyncset.done $0x0  }
0x1b7: {  	s21 =	simm.s32 $0xD;
	s20 =	rddreg [dreg:$0x10];
	[sflag:s18] =	ssyncadd.s32 $0xFFFFC000  }
0x1b8: {  	[hbm4b:s20+s1] =	stream.linear.scatter [tilespmem:s4], [sflag:$0xC], $0x4000, $0x38;
	[tilespmem:$0x1F280] =	vst v63  }
0x1b9: {  	_ =	swait.ge [sflag:s21], $0x4000  }
0x1ba: {  	[sflag:s21] =	ssyncset.done $0x0  }
0x1bb: {  	s22 =	simm.s32 $0xE;
	[sflag:s21] =	ssyncadd.s32 $0xFFFFC000  }
0x1bc: {  	_ =	swait.ge [sflag:s22], $0x4000  }
0x1bd: {  	[sflag:s22] =	ssyncset.done $0x0  }
0x1be: {  	[sflag:s22] =	ssyncadd.s32 $0xFFFFC000  }
0x1bf: {  	_ =	swait.ge [sflag:s3], $0x4000  }
0x1c0: {  	[sflag:s3] =	ssyncset.done $0x0  }
0x1c1: {  	[sflag:s3] =	ssyncadd.s32 $0xFFFFC000  }
0x1c2: {  	_ =	swait.ge [sflag:s17], $0x4000  }
0x1c3: {  	[sflag:s17] =	ssyncset.done $0x0  }
0x1c4: {  	[sflag:s17] =	ssyncadd.s32 $0xFFFFC000  }
0x1c5: {  	_ =	swait.ge [sflag:s16], $0x4000  }
0x1c6: {  	[sflag:s16] =	ssyncset.done $0x0  }
0x1c7: {  	[sflag:s16] =	ssyncadd.s32 $0xFFFFC000  }
0x1c8: {  	_ =	swait.ge [sflag:s19], $0x4000  }
0x1c9: {  	[sflag:s19] =	ssyncset.done $0x0  }
0x1ca: {  	[sflag:s19] =	ssyncadd.s32 $0xFFFFC000  }
0x1cb: {  	_ =	swait.ge [sflag:s7], $0x4000  }
0x1cc: {  	s11 =	sadd.s32 $0x1, s11;
	s24 =	rddreg [dreg:$0x18]  }
0x1cd: {  	p0 =	sne.s32 s11, s24  }
.Ltmp1:
0x1ce: {  	_ = 	snop;
	(pc) =	sbr.rel @p0 .LBB2_1-.Ltmp1, $3  }
0x1cf: {  	_ =	sdelay $0x1  }
0x1d0: {  	[sflag:s7] =	ssyncset.done $0x0  }
0x1d1: {  	[sflag:s7] =	ssyncadd.s32 $0xFFFFC000  }
0x1d2: {  	_ =	sfence.sel $0x180000  }
0x1d3: {  	[bflag:$0x0] =	sbarrier.arrive $0xFFFF  }
0x1d4: {  	_ =	strace $0x90000047  }
0x1d5: {  	s0 =	stileid.u32;
	[bflag:$0x2] =	sbarrier.arrive $0xFFFF  }
0x1d6: {  	p0 =	sne.s32 s0, $0x0;
	s0 =	rddreg [dreg:$0x3]  }
0x1d7: {  	s0 =	sadd.s32 @!p0 $0x100000, s0  }
0x1d8: {  	[sflag:s0] =	ssyncadd.tile.s32 @!p0 $0x1;
	_ =	shalt  }
.Lfunc_end2:
_tile_overlayer_lowered:
.L_overlay_start_2:
0x1d9: {  	(tag) =	ssettag $0x2  }
0x1da: {  	s0 =	rddreg [dreg:$0x0];
	s2 =	stileid.u32  }
0x1db: {  	s1 =	rddreg [dreg:$0x1];
	p0 =	sne.s32 s2, $0x0  }
0x1dc: {  	s3 =	rddreg [dreg:$0x2];
	[bflag:$0x3] =	sbarrier.arrive $0xFFFF;
	s2 =	simm.s32 @!p0 $0x1C0F  }
0x1dd: {  	[timem:s3], [sflag:s2] =	dma.local @!p0 [hbm:s0], s1  }
0x1de: {  	s0 =	simm.s32 @!p0 $0xF  }
0x1df: {  	_ =	swait.ge @!p0 [sflag:s0], s1  }
0x1e0: {  	s1 =	ssub.s32 @!p0 $0x0, s1;
	[sflag:s0] =	ssyncset.done @!p0 $0x0  }
0x1e1: {  	[sflag:s0] =	ssyncadd.s32 @!p0 s1  }
0x1e2: {  	[bflag:$0x3] =	sbarrier.arrive $0xFFFF  }
0x1e3: {  	_ =	shalt  }

</sc_bundles>
